<compile_context>
chip_gen: v7x
topology: tpu7x:2x2x1
jax: 0.10.2.dev20260603
libtpu: 0.0.44.dev20260713+nightly
codegen_flags: <defaults>
</compile_context>

<pallas_src>
import functools

import jax
import jax.numpy as jnp
from jax import lax
from jax.experimental import pallas as pl
from jax.experimental.pallas import tpu as pltpu
from jax.experimental.pallas import tpu_sc as plsc

_N = 10000
_E = 320000
_H = 128
_G = 64
_NC, _NS = 2, 16
_NW = _NC * _NS
_CH = 125
_CPW = _E // _NW // _CH
_RPT = 624
_ZCH = 104
_TAIL = _N - _NS * _RPT


def _sc_agg_body(h_hbm, src_hbm, dst_hbm, out_hbm, src_v, dst_v, rows_v,
                 acc, sem):
    cid = lax.axis_index("c")
    sid = lax.axis_index("s")
    wid = cid * _NS + sid

    def _zb(r, carry):
        for cc in range(_H // 16):
            rows_v[r, pl.ds(cc * 16, 16)] = jnp.zeros((16,), jnp.float32)
        return carry

    lax.fori_loop(0, _ZCH, _zb, 0)
    for k in range(_RPT // _ZCH):
        pltpu.sync_copy(rows_v.at[pl.ds(0, _ZCH)],
                        acc.at[pl.ds(sid * _RPT + k * _ZCH, _ZCH)])

    @pl.when(sid == _NS - 1)
    def _zero_tail():
        pltpu.sync_copy(rows_v.at[pl.ds(0, _TAIL)],
                        acc.at[pl.ds(_NS * _RPT, _TAIL)])

    pltpu.sync_copy(src_hbm.at[wid], src_v)
    pltpu.sync_copy(dst_hbm.at[wid], dst_v)
    plsc.subcore_barrier()

    def _eb(j, carry):
        pltpu.async_copy(h_hbm.at[src_v.at[j]], rows_v, sem).wait()
        pltpu.sync_copy(rows_v, acc.at[dst_v.at[j]], add=True)
        return carry

    lax.fori_loop(0, _CPW, _eb, 0)
    plsc.subcore_barrier()
    pltpu.sync_copy(acc.at[pl.ds(sid * _RPT, _RPT)],
                    out_hbm.at[cid, pl.ds(sid * _RPT, _RPT)])

    @pl.when(sid == _NS - 1)
    def _write_tail():
        pltpu.sync_copy(acc.at[pl.ds(_NS * _RPT, _TAIL)],
                        out_hbm.at[cid, pl.ds(_NS * _RPT, _TAIL)])


@functools.cache
def _get_sc_agg():
    return pl.kernel(
        _sc_agg_body,
        out_type=jax.ShapeDtypeStruct((_NC, _N, _H), jnp.float32),
        mesh=plsc.VectorSubcoreMesh(core_axis_name="c", subcore_axis_name="s"),
        scratch_types=[
            pltpu.VMEM((_CPW, _CH), jnp.int32),
            pltpu.VMEM((_CPW, _CH), jnp.int32),
            pltpu.VMEM((_CH, _H), jnp.float32),
            pltpu.VMEM_SHARED((_N, _H), jnp.float32),
            pltpu.SemaphoreType.DMA,
        ],
    )


def _bdot(a, b):
    return jnp.dot(a.astype(jnp.bfloat16), b.astype(jnp.bfloat16),
                   preferred_element_type=jnp.float32)


_HALF_VREGS = _N // 16
_VPB = 25


def _sub_tree(acc):
    t = acc[0:4] + acc[4:8]
    t = t[0:2] + t[2:4]
    return t[0:1] + t[1:2]


def _half_reduce(scr_ref, base, elem):
    def body(i, acc):
        blk = scr_ref[pl.ds(base + i * (_VPB * 8), _VPB * 8), :]
        for k in range(_VPB):
            acc = acc + elem(blk[k * 8:(k + 1) * 8])
        return acc

    acc = lax.fori_loop(0, _HALF_VREGS // _VPB, body,
                        jnp.zeros((8, _H), jnp.float32))
    return _sub_tree(acc)


def _colmean(scr_ref):
    def body(i, acc):
        blk = scr_ref[pl.ds(i * (_VPB * 8), _VPB * 8), :]
        for k in range(_VPB):
            acc = acc + blk[k * 8:(k + 1) * 8]
        return acc

    acc = lax.fori_loop(0, _N // (_VPB * 8), body,
                        jnp.zeros((8, _H), jnp.float32))
    return _sub_tree(acc) * (1.0 / _N)


def _colvar(scr_ref, m):
    def elem(v):
        d = v - m
        return d * d
    s = _half_reduce(scr_ref, 0, elem) + _half_reduce(scr_ref, _N // 2, elem)
    return s * (1.0 / _N)


def _bn_block(scr_ref, z, g, b):
    scr_ref[...] = z
    m = _colmean(scr_ref)
    v = _colvar(scr_ref, m)
    z = (scr_ref[...] - m) / jnp.sqrt(v + 1e-5) * g + b
    return jnp.maximum(z, 0.0)


def _dense_z(scr_ref, h, agg0, agg1, eps, w1, b1, g1, bb1, w2, b2, g2, bb2):
    z = (1.0 + eps) * h + (agg0 + agg1)
    z = _bn_block(scr_ref, _bdot(z, w1) + b1, g1, bb1)
    z = _bn_block(scr_ref, _bdot(z, w2) + b2, g2, bb2)
    return z


def _pool(bat, z):
    onehot = (bat == lax.broadcasted_iota(jnp.int32, (_N, _G), 1)).astype(jnp.float32)
    return lax.dot_general(onehot, z, (((0,), (0,)), ((), ())),
                           preferred_element_type=jnp.float32,
                           precision=lax.Precision.HIGHEST)


def _tc_layer_body(h_ref, agg_ref, eps_ref, w1_ref, b1_ref, g1_ref, bb1_ref,
                   w2_ref, b2_ref, g2_ref, bb2_ref, bat_ref, z_ref, pool_ref,
                   scr_ref):
    z = _dense_z(scr_ref, h_ref[...], agg_ref[0], agg_ref[1], eps_ref[0, 0],
                 w1_ref[...], b1_ref[...], g1_ref[...], bb1_ref[...],
                 w2_ref[...], b2_ref[...], g2_ref[...], bb2_ref[...])
    z_ref[...] = z
    pool_ref[...] = _pool(bat_ref[...], z)


_tc_layer = pl.pallas_call(
    _tc_layer_body,
    out_shape=(jax.ShapeDtypeStruct((_N, _H), jnp.float32),
               jax.ShapeDtypeStruct((_G, _H), jnp.float32)),
    scratch_shapes=[pltpu.VMEM((_N, _H), jnp.float32)],
)


def _tc_final_body(h_ref, agg_ref, eps_ref, w1_ref, b1_ref, g1_ref, bb1_ref,
                   w2_ref, b2_ref, g2_ref, bb2_ref, bat_ref, p1_ref, p2_ref,
                   cw1_ref, cb1_ref, cw2_ref, cb2_ref, cw3_ref, cb3_ref,
                   out_ref, scr_ref):
    z = _dense_z(scr_ref, h_ref[...], agg_ref[0], agg_ref[1], eps_ref[0, 0],
                 w1_ref[...], b1_ref[...], g1_ref[...], bb1_ref[...],
                 w2_ref[...], b2_ref[...], g2_ref[...], bb2_ref[...])
    p3 = _pool(bat_ref[...], z)
    g = jnp.concatenate([p1_ref[...], p2_ref[...], p3], axis=-1)
    g = _bdot(g, cw1_ref[...]) + cb1_ref[...]
    g = jnp.maximum(g, 0.0)
    g = _bdot(g, cw2_ref[...]) + cb2_ref[...]
    g = jnp.maximum(g, 0.0)
    g = _bdot(g, cw3_ref[...]) + cb3_ref[...]
    out_ref[...] = g


_tc_final = pl.pallas_call(
    _tc_final_body,
    out_shape=jax.ShapeDtypeStruct((_G, 1), jnp.float32),
    scratch_shapes=[pltpu.VMEM((_N, _H), jnp.float32)],
)


def kernel(x, edge_index, batch, params):
    src3 = edge_index[0].reshape(_NW, _CPW, _CH)
    dst3 = edge_index[1].reshape(_NW, _CPW, _CH)
    bat = batch.reshape(_N, 1)

    def row(a):
        return a.reshape(1, -1)

    h = x
    pooled = []
    for i in range(3):
        c = params["convs"][i]
        bn = params["bns"][i]
        agg = _get_sc_agg()(h, src3, dst3)
        args = (h, agg, c["eps"].reshape(1, 1), c["W1"], row(c["b1"]),
                row(c["bn1_g"]), row(c["bn1_b"]), c["W2"], row(c["b2"]),
                row(bn["g"]), row(bn["b"]), bat)
        if i < 2:
            h, p = _tc_layer(*args)
            pooled.append(p)
        else:
            cl = params["cls"]
            out = _tc_final(*args, pooled[0], pooled[1],
                            cl["W1"], row(cl["b1"]), cl["W2"], row(cl["b2"]),
                            cl["W3"], cl["b3"].reshape(1, 1))
    return jnp.squeeze(out, -1)

# --- scband reference (transcript-rebuilt; emitter-appended) ---
"""Pipeline reference for scband-gin-16870631539207 (READ-ONLY COPY).

The authoritative reference and input builder live on the scoring server;
editing this copy changes nothing except your own understanding.
"""

import jax, jax.numpy as jnp
import numpy as np

N_NODES = 10000
N_EDGES = 320000
D_IN = 128
H = 128
N_LAYERS = 3
N_GRAPHS = 64


def _glorot(k, fi, fo):
    lim = np.sqrt(6.0 / (fi + fo))
    return jax.random.uniform(k, (fi, fo), minval=-lim, maxval=lim, dtype=jnp.float32)


def setup_inputs(seed: int = 0) -> dict:
    key = jax.random.key(seed)
    ks = jax.random.split(key, 32)
    x = jax.random.normal(ks[0], (N_NODES, D_IN), dtype=jnp.float32)
    edge_index = jax.random.randint(ks[1], (2, N_EDGES), 0, N_NODES, dtype=jnp.int32)
    batch = jnp.sort(jax.random.randint(ks[2], (N_NODES,), 0, N_GRAPHS, dtype=jnp.int32))
    convs = []
    bns = []
    for i in range(N_LAYERS):
        in_dim = D_IN if i == 0 else H
        k1, k2 = jax.random.split(jax.random.fold_in(key, 100 + i))
        convs.append({
            "eps": jnp.zeros((), dtype=jnp.float32),
            "W1": _glorot(k1, in_dim, H),
            "b1": jnp.zeros((H,), dtype=jnp.float32),
            "bn1_g": jnp.ones((H,), dtype=jnp.float32),
            "bn1_b": jnp.zeros((H,), dtype=jnp.float32),
            "W2": _glorot(k2, H, H),
            "b2": jnp.zeros((H,), dtype=jnp.float32),
        })
        bns.append({"g": jnp.ones((H,), dtype=jnp.float32), "b": jnp.zeros((H,), dtype=jnp.float32)})
    kc1, kc2, kc3 = jax.random.split(jax.random.fold_in(key, 999), 3)
    cls = {
        "W1": _glorot(kc1, H * N_LAYERS, H), "b1": jnp.zeros((H,), dtype=jnp.float32),
        "W2": _glorot(kc2, H, H // 2), "b2": jnp.zeros((H // 2,), dtype=jnp.float32),
        "W3": _glorot(kc3, H // 2, 1), "b3": jnp.zeros((1,), dtype=jnp.float32),
    }
    params = {"convs": convs, "bns": bns, "cls": cls}
    return {"x": x, "edge_index": edge_index, "batch": batch, "params": params}


def _bn(z, g, b):
    m = jnp.mean(z, axis=0)
    v = jnp.var(z, axis=0)
    return (z - m) / jnp.sqrt(v + 1e-5) * g + b


def _forward(x, params, edge_index, batch):
    src = edge_index[0]
    dst = edge_index[1]
    n = x.shape[0]
    h = x
    outs = []
    for i in range(N_LAYERS):
        c = params["convs"][i]
        agg = jax.ops.segment_sum(h[src], dst, num_segments=n)
        z = (1.0 + c["eps"]) * h + agg
        z = z @ c["W1"] + c["b1"]
        z = _bn(z, c["bn1_g"], c["bn1_b"])
        z = jax.nn.relu(z)
        z = z @ c["W2"] + c["b2"]
        bn = params["bns"][i]
        z = _bn(z, bn["g"], bn["b"])
        z = jax.nn.relu(z)
        outs.append(z)
        h = z
    pooled = [jax.ops.segment_sum(o, batch, num_segments=N_GRAPHS) for o in outs]
    g = jnp.concatenate(pooled, axis=-1)
    cl = params["cls"]
    g = jax.nn.relu(g @ cl["W1"] + cl["b1"])
    g = jax.nn.relu(g @ cl["W2"] + cl["b2"])
    g = g @ cl["W3"] + cl["b3"]
    return jnp.squeeze(g, -1)


def reference(x, edge_index, batch, params):
    return _forward(x, params, edge_index, batch)

if __name__ == "__main__":
    import jax
    _d = setup_inputs()
    print(jax.jit(kernel)(*tuple(_d.values())))

</pallas_src>

<mosaic_0001>
#map = affine_map<(d0, d1) -> (0, 0)>
#map1 = affine_map<(d0, d1) -> (0, 0, 0)>
module attributes {stable_mosaic.version = 14 : i64} {
  func.func @_sc_agg_body(%arg0: i32, %arg1: i32, %arg2: memref<10000x128xf32, #tpu.memory_space<hbm>>, %arg3: memref<32x80x125xi32, #tpu.memory_space<hbm>>, %arg4: memref<32x80x125xi32, #tpu.memory_space<hbm>>, %arg5: memref<2x10000x128xf32, #tpu.memory_space<hbm>>, %arg6: memref<80x125xi32, #tpu.memory_space<vmem>>, %arg7: memref<80x125xi32, #tpu.memory_space<vmem>>, %arg8: memref<125x128xf32, #tpu.memory_space<vmem>>, %arg9: memref<10000x128xf32, #tpu.memory_space<vmem_shared>>, %arg10: memref<!tpu.dma_semaphore, #tpu.memory_space<semaphore_mem>>) attributes {dimension_semantics = [#tpu.dimension_semantics<core_parallel>, #tpu.dimension_semantics<subcore_parallel>], iteration_bounds = array<i64: 2, 16>, scalar_prefetch = 0 : i64, scratch_operands = 5 : i64, tpu.core_type = #tpu.core_type<sc_vector_subcore>, window_params = [{transform_indices = #map}, {transform_indices = #map1}, {transform_indices = #map1}, {transform_indices = #map1}]} {
    %mul3A = arith.constant 16 : i32
    %mul3A_0 = arith.muli %arg0, %mul3A : i32
    %add3A = arith.addi %mul3A_0, %arg1 : i32
    %scan3A = arith.constant 0 : i32
    %scan3A_1 = arith.constant 0 : i32
    %scan3A_2 = arith.constant 104 : i32
    %scan3A_3 = arith.addi %scan3A_1, %scan3A_2 : i32
    %scan3A_4 = arith.constant 1 : i32
    scf.for %scan3A_48 = %scan3A_1 to %scan3A_3 step %scan3A_4  : i32 {
      %broadcast_in_dim3A = arith.constant 0.000000e+00 : f32
      %broadcast_in_dim3A_49 = vector.broadcast %broadcast_in_dim3A : f32 to vector<16xf32>
      %swap3A = arith.index_cast %scan3A_48 : i32 to index
      %swap3A_50 = arith.constant 0 : index
      %swap3A_51 = tpu.vector_load %arg8[%swap3A, %swap3A_50] {strides = array<i32>} : memref<125x128xf32, #tpu.memory_space<vmem>>, vector<1x16xf32>,
      %swap3A_52 = vector.shape_cast %swap3A_51 : vector<1x16xf32> to vector<16xf32>
      %swap3A_53 = vector.shape_cast %broadcast_in_dim3A_49 : vector<16xf32> to vector<1x16xf32>
      tpu.vector_store %arg8[%swap3A, %swap3A_50], %swap3A_53 {strides = array<i32>} : memref<125x128xf32, #tpu.memory_space<vmem>>, vector<1x16xf32>,
      %broadcast_in_dim3A_54 = arith.constant 0.000000e+00 : f32
      %broadcast_in_dim3A_55 = vector.broadcast %broadcast_in_dim3A_54 : f32 to vector<16xf32>
      %swap3A_56 = arith.index_cast %scan3A_48 : i32 to index
      %swap3A_57 = arith.constant 16 : index
      %swap3A_58 = tpu.vector_load %arg8[%swap3A_56, %swap3A_57] {strides = array<i32>} : memref<125x128xf32, #tpu.memory_space<vmem>>, vector<1x16xf32>,
      %swap3A_59 = vector.shape_cast %swap3A_58 : vector<1x16xf32> to vector<16xf32>
      %swap3A_60 = vector.shape_cast %broadcast_in_dim3A_55 : vector<16xf32> to vector<1x16xf32>
      tpu.vector_store %arg8[%swap3A_56, %swap3A_57], %swap3A_60 {strides = array<i32>} : memref<125x128xf32, #tpu.memory_space<vmem>>, vector<1x16xf32>,
      %broadcast_in_dim3A_61 = arith.constant 0.000000e+00 : f32
      %broadcast_in_dim3A_62 = vector.broadcast %broadcast_in_dim3A_61 : f32 to vector<16xf32>
      %swap3A_63 = arith.index_cast %scan3A_48 : i32 to index
      %swap3A_64 = arith.constant 32 : index
      %swap3A_65 = tpu.vector_load %arg8[%swap3A_63, %swap3A_64] {strides = array<i32>} : memref<125x128xf32, #tpu.memory_space<vmem>>, vector<1x16xf32>,
      %swap3A_66 = vector.shape_cast %swap3A_65 : vector<1x16xf32> to vector<16xf32>
      %swap3A_67 = vector.shape_cast %broadcast_in_dim3A_62 : vector<16xf32> to vector<1x16xf32>
      tpu.vector_store %arg8[%swap3A_63, %swap3A_64], %swap3A_67 {strides = array<i32>} : memref<125x128xf32, #tpu.memory_space<vmem>>, vector<1x16xf32>,
      %broadcast_in_dim3A_68 = arith.constant 0.000000e+00 : f32
      %broadcast_in_dim3A_69 = vector.broadcast %broadcast_in_dim3A_68 : f32 to vector<16xf32>
      %swap3A_70 = arith.index_cast %scan3A_48 : i32 to index
      %swap3A_71 = arith.constant 48 : index
      %swap3A_72 = tpu.vector_load %arg8[%swap3A_70, %swap3A_71] {strides = array<i32>} : memref<125x128xf32, #tpu.memory_space<vmem>>, vector<1x16xf32>,
      %swap3A_73 = vector.shape_cast %swap3A_72 : vector<1x16xf32> to vector<16xf32>
      %swap3A_74 = vector.shape_cast %broadcast_in_dim3A_69 : vector<16xf32> to vector<1x16xf32>
      tpu.vector_store %arg8[%swap3A_70, %swap3A_71], %swap3A_74 {strides = array<i32>} : memref<125x128xf32, #tpu.memory_space<vmem>>, vector<1x16xf32>,
      %broadcast_in_dim3A_75 = arith.constant 0.000000e+00 : f32
      %broadcast_in_dim3A_76 = vector.broadcast %broadcast_in_dim3A_75 : f32 to vector<16xf32>
      %swap3A_77 = arith.index_cast %scan3A_48 : i32 to index
      %swap3A_78 = arith.constant 64 : index
      %swap3A_79 = tpu.vector_load %arg8[%swap3A_77, %swap3A_78] {strides = array<i32>} : memref<125x128xf32, #tpu.memory_space<vmem>>, vector<1x16xf32>,
      %swap3A_80 = vector.shape_cast %swap3A_79 : vector<1x16xf32> to vector<16xf32>
      %swap3A_81 = vector.shape_cast %broadcast_in_dim3A_76 : vector<16xf32> to vector<1x16xf32>
      tpu.vector_store %arg8[%swap3A_77, %swap3A_78], %swap3A_81 {strides = array<i32>} : memref<125x128xf32, #tpu.memory_space<vmem>>, vector<1x16xf32>,
      %broadcast_in_dim3A_82 = arith.constant 0.000000e+00 : f32
      %broadcast_in_dim3A_83 = vector.broadcast %broadcast_in_dim3A_82 : f32 to vector<16xf32>
      %swap3A_84 = arith.index_cast %scan3A_48 : i32 to index
      %swap3A_85 = arith.constant 80 : index
      %swap3A_86 = tpu.vector_load %arg8[%swap3A_84, %swap3A_85] {strides = array<i32>} : memref<125x128xf32, #tpu.memory_space<vmem>>, vector<1x16xf32>,
      %swap3A_87 = vector.shape_cast %swap3A_86 : vector<1x16xf32> to vector<16xf32>
      %swap3A_88 = vector.shape_cast %broadcast_in_dim3A_83 : vector<16xf32> to vector<1x16xf32>
      tpu.vector_store %arg8[%swap3A_84, %swap3A_85], %swap3A_88 {strides = array<i32>} : memref<125x128xf32, #tpu.memory_space<vmem>>, vector<1x16xf32>,
      %broadcast_in_dim3A_89 = arith.constant 0.000000e+00 : f32
      %broadcast_in_dim3A_90 = vector.broadcast %broadcast_in_dim3A_89 : f32 to vector<16xf32>
      %swap3A_91 = arith.index_cast %scan3A_48 : i32 to index
      %swap3A_92 = arith.constant 96 : index
      %swap3A_93 = tpu.vector_load %arg8[%swap3A_91, %swap3A_92] {strides = array<i32>} : memref<125x128xf32, #tpu.memory_space<vmem>>, vector<1x16xf32>,
      %swap3A_94 = vector.shape_cast %swap3A_93 : vector<1x16xf32> to vector<16xf32>
      %swap3A_95 = vector.shape_cast %broadcast_in_dim3A_90 : vector<16xf32> to vector<1x16xf32>
      tpu.vector_store %arg8[%swap3A_91, %swap3A_92], %swap3A_95 {strides = array<i32>} : memref<125x128xf32, #tpu.memory_space<vmem>>, vector<1x16xf32>,
      %broadcast_in_dim3A_96 = arith.constant 0.000000e+00 : f32
      %broadcast_in_dim3A_97 = vector.broadcast %broadcast_in_dim3A_96 : f32 to vector<16xf32>
      %swap3A_98 = arith.index_cast %scan3A_48 : i32 to index
      %swap3A_99 = arith.constant 112 : index
      %swap3A_100 = tpu.vector_load %arg8[%swap3A_98, %swap3A_99] {strides = array<i32>} : memref<125x128xf32, #tpu.memory_space<vmem>>, vector<1x16xf32>,
      %swap3A_101 = vector.shape_cast %swap3A_100 : vector<1x16xf32> to vector<16xf32>
      %swap3A_102 = vector.shape_cast %broadcast_in_dim3A_97 : vector<16xf32> to vector<1x16xf32>
      tpu.vector_store %arg8[%swap3A_98, %swap3A_99], %swap3A_102 {strides = array<i32>} : memref<125x128xf32, #tpu.memory_space<vmem>>, vector<1x16xf32>,
    }
    %scan3A_5 = arith.constant 104 : i32
    %mul3A_6 = arith.constant 624 : i32
    %mul3A_7 = arith.muli %arg1, %mul3A_6 : i32
    %add3A_8 = arith.constant 0 : i32
    %add3A_9 = arith.addi %mul3A_7, %add3A_8 : i32
    "tpu.region"() ({
      %run_scoped3A = tpu.sem_alloc : memref<!tpu.dma_semaphore, #tpu.memory_space<semaphore_mem>>
      %dma_start3A = arith.constant 0 : i32
      %dma_start3A_48 = arith.constant 0 : i32
      %dma_start3A_49 = tpu.memref_slice %arg8[%dma_start3A, %dma_start3A_48] : memref<125x128xf32, #tpu.memory_space<vmem>> -> memref<104x128xf32, #tpu.memory_space<vmem>>
      %dma_start3A_50 = arith.constant 0 : i32
      %dma_start3A_51 = tpu.memref_slice %arg9[%add3A_9, %dma_start3A_50] : memref<10000x128xf32, #tpu.memory_space<vmem_shared>> -> memref<104x128xf32, #tpu.memory_space<vmem_shared>>
      %dma_start3A_52 = arith.constant 0 : i32
      %dma_start3A_53 = tpu.memref_slice %arg9[%add3A_9, %dma_start3A_52] : memref<10000x128xf32, #tpu.memory_space<vmem_shared>> -> memref<104x128xf32, #tpu.memory_space<vmem_shared>>
      %dma_start3A_54 = arith.constant 0 : i32
      %dma_start3A_55 = arith.constant 0 : i32
      %dma_start3A_56 = tpu.memref_slice %arg8[%dma_start3A_54, %dma_start3A_55] : memref<125x128xf32, #tpu.memory_space<vmem>> -> memref<104x128xf32, #tpu.memory_space<vmem>>
      tpu.enqueue_dma source(%dma_start3A_56 : memref<104x128xf32, #tpu.memory_space<vmem>>) target(%dma_start3A_53 : memref<104x128xf32, #tpu.memory_space<vmem_shared>>) target_semaphore(%run_scoped3A : memref<!tpu.dma_semaphore, #tpu.memory_space<semaphore_mem>>)
      %dma_wait3A = arith.constant 0 : i32
      %dma_wait3A_57 = arith.constant 0 : i32
      %dma_wait3A_58 = tpu.memref_slice %arg8[%dma_wait3A, %dma_wait3A_57] : memref<125x128xf32, #tpu.memory_space<vmem>> -> memref<104x128xf32, #tpu.memory_space<vmem>>
      %dma_wait3A_59 = arith.constant 0 : i32
      %dma_wait3A_60 = tpu.memref_slice %arg9[%add3A_9, %dma_wait3A_59] : memref<10000x128xf32, #tpu.memory_space<vmem_shared>> -> memref<104x128xf32, #tpu.memory_space<vmem_shared>>
      %dma_wait3A_61 = arith.constant 0 : i32
      %dma_wait3A_62 = tpu.memref_slice %arg9[%add3A_9, %dma_wait3A_61] : memref<10000x128xf32, #tpu.memory_space<vmem_shared>> -> memref<104x128xf32, #tpu.memory_space<vmem_shared>>
      %dma_wait3A_63 = arith.constant 0 : i32
      %dma_wait3A_64 = arith.constant 0 : i32
      %dma_wait3A_65 = tpu.memref_slice %arg8[%dma_wait3A_63, %dma_wait3A_64] : memref<125x128xf32, #tpu.memory_space<vmem>> -> memref<104x128xf32, #tpu.memory_space<vmem>>
      tpu.wait_dma2 semaphore(%run_scoped3A : memref<!tpu.dma_semaphore, #tpu.memory_space<semaphore_mem>>) src(%dma_wait3A_65 : memref<104x128xf32, #tpu.memory_space<vmem>>) dst(%dma_wait3A_62 : memref<104x128xf32, #tpu.memory_space<vmem_shared>>)
      tpu.yield
    }) : () -> ()
    %mul3A_10 = arith.constant 624 : i32
    %mul3A_11 = arith.muli %arg1, %mul3A_10 : i32
    %add3A_12 = arith.constant 104 : i32
    %add3A_13 = arith.addi %mul3A_11, %add3A_12 : i32
    "tpu.region"() ({
      %run_scoped3A = tpu.sem_alloc : memref<!tpu.dma_semaphore, #tpu.memory_space<semaphore_mem>>
      %dma_start3A = arith.constant 0 : i32
      %dma_start3A_48 = arith.constant 0 : i32
      %dma_start3A_49 = tpu.memref_slice %arg8[%dma_start3A, %dma_start3A_48] : memref<125x128xf32, #tpu.memory_space<vmem>> -> memref<104x128xf32, #tpu.memory_space<vmem>>
      %dma_start3A_50 = arith.constant 0 : i32
      %dma_start3A_51 = tpu.memref_slice %arg9[%add3A_13, %dma_start3A_50] : memref<10000x128xf32, #tpu.memory_space<vmem_shared>> -> memref<104x128xf32, #tpu.memory_space<vmem_shared>>
      %dma_start3A_52 = arith.constant 0 : i32
      %dma_start3A_53 = tpu.memref_slice %arg9[%add3A_13, %dma_start3A_52] : memref<10000x128xf32, #tpu.memory_space<vmem_shared>> -> memref<104x128xf32, #tpu.memory_space<vmem_shared>>
      %dma_start3A_54 = arith.constant 0 : i32
      %dma_start3A_55 = arith.constant 0 : i32
      %dma_start3A_56 = tpu.memref_slice %arg8[%dma_start3A_54, %dma_start3A_55] : memref<125x128xf32, #tpu.memory_space<vmem>> -> memref<104x128xf32, #tpu.memory_space<vmem>>
      tpu.enqueue_dma source(%dma_start3A_56 : memref<104x128xf32, #tpu.memory_space<vmem>>) target(%dma_start3A_53 : memref<104x128xf32, #tpu.memory_space<vmem_shared>>) target_semaphore(%run_scoped3A : memref<!tpu.dma_semaphore, #tpu.memory_space<semaphore_mem>>)
      %dma_wait3A = arith.constant 0 : i32
      %dma_wait3A_57 = arith.constant 0 : i32
      %dma_wait3A_58 = tpu.memref_slice %arg8[%dma_wait3A, %dma_wait3A_57] : memref<125x128xf32, #tpu.memory_space<vmem>> -> memref<104x128xf32, #tpu.memory_space<vmem>>
      %dma_wait3A_59 = arith.constant 0 : i32
      %dma_wait3A_60 = tpu.memref_slice %arg9[%add3A_13, %dma_wait3A_59] : memref<10000x128xf32, #tpu.memory_space<vmem_shared>> -> memref<104x128xf32, #tpu.memory_space<vmem_shared>>
      %dma_wait3A_61 = arith.constant 0 : i32
      %dma_wait3A_62 = tpu.memref_slice %arg9[%add3A_13, %dma_wait3A_61] : memref<10000x128xf32, #tpu.memory_space<vmem_shared>> -> memref<104x128xf32, #tpu.memory_space<vmem_shared>>
      %dma_wait3A_63 = arith.constant 0 : i32
      %dma_wait3A_64 = arith.constant 0 : i32
      %dma_wait3A_65 = tpu.memref_slice %arg8[%dma_wait3A_63, %dma_wait3A_64] : memref<125x128xf32, #tpu.memory_space<vmem>> -> memref<104x128xf32, #tpu.memory_space<vmem>>
      tpu.wait_dma2 semaphore(%run_scoped3A : memref<!tpu.dma_semaphore, #tpu.memory_space<semaphore_mem>>) src(%dma_wait3A_65 : memref<104x128xf32, #tpu.memory_space<vmem>>) dst(%dma_wait3A_62 : memref<104x128xf32, #tpu.memory_space<vmem_shared>>)
      tpu.yield
    }) : () -> ()
    %mul3A_14 = arith.constant 624 : i32
    %mul3A_15 = arith.muli %arg1, %mul3A_14 : i32
    %add3A_16 = arith.constant 208 : i32
    %add3A_17 = arith.addi %mul3A_15, %add3A_16 : i32
    "tpu.region"() ({
      %run_scoped3A = tpu.sem_alloc : memref<!tpu.dma_semaphore, #tpu.memory_space<semaphore_mem>>
      %dma_start3A = arith.constant 0 : i32
      %dma_start3A_48 = arith.constant 0 : i32
      %dma_start3A_49 = tpu.memref_slice %arg8[%dma_start3A, %dma_start3A_48] : memref<125x128xf32, #tpu.memory_space<vmem>> -> memref<104x128xf32, #tpu.memory_space<vmem>>
      %dma_start3A_50 = arith.constant 0 : i32
      %dma_start3A_51 = tpu.memref_slice %arg9[%add3A_17, %dma_start3A_50] : memref<10000x128xf32, #tpu.memory_space<vmem_shared>> -> memref<104x128xf32, #tpu.memory_space<vmem_shared>>
      %dma_start3A_52 = arith.constant 0 : i32
      %dma_start3A_53 = tpu.memref_slice %arg9[%add3A_17, %dma_start3A_52] : memref<10000x128xf32, #tpu.memory_space<vmem_shared>> -> memref<104x128xf32, #tpu.memory_space<vmem_shared>>
      %dma_start3A_54 = arith.constant 0 : i32
      %dma_start3A_55 = arith.constant 0 : i32
      %dma_start3A_56 = tpu.memref_slice %arg8[%dma_start3A_54, %dma_start3A_55] : memref<125x128xf32, #tpu.memory_space<vmem>> -> memref<104x128xf32, #tpu.memory_space<vmem>>
      tpu.enqueue_dma source(%dma_start3A_56 : memref<104x128xf32, #tpu.memory_space<vmem>>) target(%dma_start3A_53 : memref<104x128xf32, #tpu.memory_space<vmem_shared>>) target_semaphore(%run_scoped3A : memref<!tpu.dma_semaphore, #tpu.memory_space<semaphore_mem>>)
      %dma_wait3A = arith.constant 0 : i32
      %dma_wait3A_57 = arith.constant 0 : i32
      %dma_wait3A_58 = tpu.memref_slice %arg8[%dma_wait3A, %dma_wait3A_57] : memref<125x128xf32, #tpu.memory_space<vmem>> -> memref<104x128xf32, #tpu.memory_space<vmem>>
      %dma_wait3A_59 = arith.constant 0 : i32
      %dma_wait3A_60 = tpu.memref_slice %arg9[%add3A_17, %dma_wait3A_59] : memref<10000x128xf32, #tpu.memory_space<vmem_shared>> -> memref<104x128xf32, #tpu.memory_space<vmem_shared>>
      %dma_wait3A_61 = arith.constant 0 : i32
      %dma_wait3A_62 = tpu.memref_slice %arg9[%add3A_17, %dma_wait3A_61] : memref<10000x128xf32, #tpu.memory_space<vmem_shared>> -> memref<104x128xf32, #tpu.memory_space<vmem_shared>>
      %dma_wait3A_63 = arith.constant 0 : i32
      %dma_wait3A_64 = arith.constant 0 : i32
      %dma_wait3A_65 = tpu.memref_slice %arg8[%dma_wait3A_63, %dma_wait3A_64] : memref<125x128xf32, #tpu.memory_space<vmem>> -> memref<104x128xf32, #tpu.memory_space<vmem>>
      tpu.wait_dma2 semaphore(%run_scoped3A : memref<!tpu.dma_semaphore, #tpu.memory_space<semaphore_mem>>) src(%dma_wait3A_65 : memref<104x128xf32, #tpu.memory_space<vmem>>) dst(%dma_wait3A_62 : memref<104x128xf32, #tpu.memory_space<vmem_shared>>)
      tpu.yield
    }) : () -> ()
    %mul3A_18 = arith.constant 624 : i32
    %mul3A_19 = arith.muli %arg1, %mul3A_18 : i32
    %add3A_20 = arith.constant 312 : i32
    %add3A_21 = arith.addi %mul3A_19, %add3A_20 : i32
    "tpu.region"() ({
      %run_scoped3A = tpu.sem_alloc : memref<!tpu.dma_semaphore, #tpu.memory_space<semaphore_mem>>
      %dma_start3A = arith.constant 0 : i32
      %dma_start3A_48 = arith.constant 0 : i32
      %dma_start3A_49 = tpu.memref_slice %arg8[%dma_start3A, %dma_start3A_48] : memref<125x128xf32, #tpu.memory_space<vmem>> -> memref<104x128xf32, #tpu.memory_space<vmem>>
      %dma_start3A_50 = arith.constant 0 : i32
      %dma_start3A_51 = tpu.memref_slice %arg9[%add3A_21, %dma_start3A_50] : memref<10000x128xf32, #tpu.memory_space<vmem_shared>> -> memref<104x128xf32, #tpu.memory_space<vmem_shared>>
      %dma_start3A_52 = arith.constant 0 : i32
      %dma_start3A_53 = tpu.memref_slice %arg9[%add3A_21, %dma_start3A_52] : memref<10000x128xf32, #tpu.memory_space<vmem_shared>> -> memref<104x128xf32, #tpu.memory_space<vmem_shared>>
      %dma_start3A_54 = arith.constant 0 : i32
      %dma_start3A_55 = arith.constant 0 : i32
      %dma_start3A_56 = tpu.memref_slice %arg8[%dma_start3A_54, %dma_start3A_55] : memref<125x128xf32, #tpu.memory_space<vmem>> -> memref<104x128xf32, #tpu.memory_space<vmem>>
      tpu.enqueue_dma source(%dma_start3A_56 : memref<104x128xf32, #tpu.memory_space<vmem>>) target(%dma_start3A_53 : memref<104x128xf32, #tpu.memory_space<vmem_shared>>) target_semaphore(%run_scoped3A : memref<!tpu.dma_semaphore, #tpu.memory_space<semaphore_mem>>)
      %dma_wait3A = arith.constant 0 : i32
      %dma_wait3A_57 = arith.constant 0 : i32
      %dma_wait3A_58 = tpu.memref_slice %arg8[%dma_wait3A, %dma_wait3A_57] : memref<125x128xf32, #tpu.memory_space<vmem>> -> memref<104x128xf32, #tpu.memory_space<vmem>>
      %dma_wait3A_59 = arith.constant 0 : i32
      %dma_wait3A_60 = tpu.memref_slice %arg9[%add3A_21, %dma_wait3A_59] : memref<10000x128xf32, #tpu.memory_space<vmem_shared>> -> memref<104x128xf32, #tpu.memory_space<vmem_shared>>
      %dma_wait3A_61 = arith.constant 0 : i32
      %dma_wait3A_62 = tpu.memref_slice %arg9[%add3A_21, %dma_wait3A_61] : memref<10000x128xf32, #tpu.memory_space<vmem_shared>> -> memref<104x128xf32, #tpu.memory_space<vmem_shared>>
      %dma_wait3A_63 = arith.constant 0 : i32
      %dma_wait3A_64 = arith.constant 0 : i32
      %dma_wait3A_65 = tpu.memref_slice %arg8[%dma_wait3A_63, %dma_wait3A_64] : memref<125x128xf32, #tpu.memory_space<vmem>> -> memref<104x128xf32, #tpu.memory_space<vmem>>
      tpu.wait_dma2 semaphore(%run_scoped3A : memref<!tpu.dma_semaphore, #tpu.memory_space<semaphore_mem>>) src(%dma_wait3A_65 : memref<104x128xf32, #tpu.memory_space<vmem>>) dst(%dma_wait3A_62 : memref<104x128xf32, #tpu.memory_space<vmem_shared>>)
      tpu.yield
    }) : () -> ()
    %mul3A_22 = arith.constant 624 : i32
    %mul3A_23 = arith.muli %arg1, %mul3A_22 : i32
    %add3A_24 = arith.constant 416 : i32
    %add3A_25 = arith.addi %mul3A_23, %add3A_24 : i32
    "tpu.region"() ({
      %run_scoped3A = tpu.sem_alloc : memref<!tpu.dma_semaphore, #tpu.memory_space<semaphore_mem>>
      %dma_start3A = arith.constant 0 : i32
      %dma_start3A_48 = arith.constant 0 : i32
      %dma_start3A_49 = tpu.memref_slice %arg8[%dma_start3A, %dma_start3A_48] : memref<125x128xf32, #tpu.memory_space<vmem>> -> memref<104x128xf32, #tpu.memory_space<vmem>>
      %dma_start3A_50 = arith.constant 0 : i32
      %dma_start3A_51 = tpu.memref_slice %arg9[%add3A_25, %dma_start3A_50] : memref<10000x128xf32, #tpu.memory_space<vmem_shared>> -> memref<104x128xf32, #tpu.memory_space<vmem_shared>>
      %dma_start3A_52 = arith.constant 0 : i32
      %dma_start3A_53 = tpu.memref_slice %arg9[%add3A_25, %dma_start3A_52] : memref<10000x128xf32, #tpu.memory_space<vmem_shared>> -> memref<104x128xf32, #tpu.memory_space<vmem_shared>>
      %dma_start3A_54 = arith.constant 0 : i32
      %dma_start3A_55 = arith.constant 0 : i32
      %dma_start3A_56 = tpu.memref_slice %arg8[%dma_start3A_54, %dma_start3A_55] : memref<125x128xf32, #tpu.memory_space<vmem>> -> memref<104x128xf32, #tpu.memory_space<vmem>>
      tpu.enqueue_dma source(%dma_start3A_56 : memref<104x128xf32, #tpu.memory_space<vmem>>) target(%dma_start3A_53 : memref<104x128xf32, #tpu.memory_space<vmem_shared>>) target_semaphore(%run_scoped3A : memref<!tpu.dma_semaphore, #tpu.memory_space<semaphore_mem>>)
      %dma_wait3A = arith.constant 0 : i32
      %dma_wait3A_57 = arith.constant 0 : i32
      %dma_wait3A_58 = tpu.memref_slice %arg8[%dma_wait3A, %dma_wait3A_57] : memref<125x128xf32, #tpu.memory_space<vmem>> -> memref<104x128xf32, #tpu.memory_space<vmem>>
      %dma_wait3A_59 = arith.constant 0 : i32
      %dma_wait3A_60 = tpu.memref_slice %arg9[%add3A_25, %dma_wait3A_59] : memref<10000x128xf32, #tpu.memory_space<vmem_shared>> -> memref<104x128xf32, #tpu.memory_space<vmem_shared>>
      %dma_wait3A_61 = arith.constant 0 : i32
      %dma_wait3A_62 = tpu.memref_slice %arg9[%add3A_25, %dma_wait3A_61] : memref<10000x128xf32, #tpu.memory_space<vmem_shared>> -> memref<104x128xf32, #tpu.memory_space<vmem_shared>>
      %dma_wait3A_63 = arith.constant 0 : i32
      %dma_wait3A_64 = arith.constant 0 : i32
      %dma_wait3A_65 = tpu.memref_slice %arg8[%dma_wait3A_63, %dma_wait3A_64] : memref<125x128xf32, #tpu.memory_space<vmem>> -> memref<104x128xf32, #tpu.memory_space<vmem>>
      tpu.wait_dma2 semaphore(%run_scoped3A : memref<!tpu.dma_semaphore, #tpu.memory_space<semaphore_mem>>) src(%dma_wait3A_65 : memref<104x128xf32, #tpu.memory_space<vmem>>) dst(%dma_wait3A_62 : memref<104x128xf32, #tpu.memory_space<vmem_shared>>)
      tpu.yield
    }) : () -> ()
    %mul3A_26 = arith.constant 624 : i32
    %mul3A_27 = arith.muli %arg1, %mul3A_26 : i32
    %add3A_28 = arith.constant 520 : i32
    %add3A_29 = arith.addi %mul3A_27, %add3A_28 : i32
    "tpu.region"() ({
      %run_scoped3A = tpu.sem_alloc : memref<!tpu.dma_semaphore, #tpu.memory_space<semaphore_mem>>
      %dma_start3A = arith.constant 0 : i32
      %dma_start3A_48 = arith.constant 0 : i32
      %dma_start3A_49 = tpu.memref_slice %arg8[%dma_start3A, %dma_start3A_48] : memref<125x128xf32, #tpu.memory_space<vmem>> -> memref<104x128xf32, #tpu.memory_space<vmem>>
      %dma_start3A_50 = arith.constant 0 : i32
      %dma_start3A_51 = tpu.memref_slice %arg9[%add3A_29, %dma_start3A_50] : memref<10000x128xf32, #tpu.memory_space<vmem_shared>> -> memref<104x128xf32, #tpu.memory_space<vmem_shared>>
      %dma_start3A_52 = arith.constant 0 : i32
      %dma_start3A_53 = tpu.memref_slice %arg9[%add3A_29, %dma_start3A_52] : memref<10000x128xf32, #tpu.memory_space<vmem_shared>> -> memref<104x128xf32, #tpu.memory_space<vmem_shared>>
      %dma_start3A_54 = arith.constant 0 : i32
      %dma_start3A_55 = arith.constant 0 : i32
      %dma_start3A_56 = tpu.memref_slice %arg8[%dma_start3A_54, %dma_start3A_55] : memref<125x128xf32, #tpu.memory_space<vmem>> -> memref<104x128xf32, #tpu.memory_space<vmem>>
      tpu.enqueue_dma source(%dma_start3A_56 : memref<104x128xf32, #tpu.memory_space<vmem>>) target(%dma_start3A_53 : memref<104x128xf32, #tpu.memory_space<vmem_shared>>) target_semaphore(%run_scoped3A : memref<!tpu.dma_semaphore, #tpu.memory_space<semaphore_mem>>)
      %dma_wait3A = arith.constant 0 : i32
      %dma_wait3A_57 = arith.constant 0 : i32
      %dma_wait3A_58 = tpu.memref_slice %arg8[%dma_wait3A, %dma_wait3A_57] : memref<125x128xf32, #tpu.memory_space<vmem>> -> memref<104x128xf32, #tpu.memory_space<vmem>>
      %dma_wait3A_59 = arith.constant 0 : i32
      %dma_wait3A_60 = tpu.memref_slice %arg9[%add3A_29, %dma_wait3A_59] : memref<10000x128xf32, #tpu.memory_space<vmem_shared>> -> memref<104x128xf32, #tpu.memory_space<vmem_shared>>
      %dma_wait3A_61 = arith.constant 0 : i32
      %dma_wait3A_62 = tpu.memref_slice %arg9[%add3A_29, %dma_wait3A_61] : memref<10000x128xf32, #tpu.memory_space<vmem_shared>> -> memref<104x128xf32, #tpu.memory_space<vmem_shared>>
      %dma_wait3A_63 = arith.constant 0 : i32
      %dma_wait3A_64 = arith.constant 0 : i32
      %dma_wait3A_65 = tpu.memref_slice %arg8[%dma_wait3A_63, %dma_wait3A_64] : memref<125x128xf32, #tpu.memory_space<vmem>> -> memref<104x128xf32, #tpu.memory_space<vmem>>
      tpu.wait_dma2 semaphore(%run_scoped3A : memref<!tpu.dma_semaphore, #tpu.memory_space<semaphore_mem>>) src(%dma_wait3A_65 : memref<104x128xf32, #tpu.memory_space<vmem>>) dst(%dma_wait3A_62 : memref<104x128xf32, #tpu.memory_space<vmem_shared>>)
      tpu.yield
    }) : () -> ()
    %eq3A = arith.constant 15 : i32
    %eq3A_30 = arith.cmpi eq, %arg1, %eq3A : i32
    %convert_element_type3A = arith.extui %eq3A_30 : i1 to i32
    %cond3A = arith.constant 0 : i32
    %cond3A_31 = arith.cmpi ne, %convert_element_type3A, %cond3A : i32
    scf.if %cond3A_31 {
      "tpu.region"() ({
        %run_scoped3A = tpu.sem_alloc : memref<!tpu.dma_semaphore, #tpu.memory_space<semaphore_mem>>
        %dma_start3A = arith.constant 0 : i32
        %dma_start3A_48 = arith.constant 0 : i32
        %dma_start3A_49 = tpu.memref_slice %arg8[%dma_start3A, %dma_start3A_48] : memref<125x128xf32, #tpu.memory_space<vmem>> -> memref<16x128xf32, #tpu.memory_space<vmem>>
        %dma_start3A_50 = arith.constant 9984 : i32
        %dma_start3A_51 = arith.constant 0 : i32
        %dma_start3A_52 = tpu.memref_slice %arg9[%dma_start3A_50, %dma_start3A_51] : memref<10000x128xf32, #tpu.memory_space<vmem_shared>> -> memref<16x128xf32, #tpu.memory_space<vmem_shared>>
        %dma_start3A_53 = arith.constant 9984 : i32
        %dma_start3A_54 = arith.constant 0 : i32
        %dma_start3A_55 = tpu.memref_slice %arg9[%dma_start3A_53, %dma_start3A_54] : memref<10000x128xf32, #tpu.memory_space<vmem_shared>> -> memref<16x128xf32, #tpu.memory_space<vmem_shared>>
        %dma_start3A_56 = arith.constant 0 : i32
        %dma_start3A_57 = arith.constant 0 : i32
        %dma_start3A_58 = tpu.memref_slice %arg8[%dma_start3A_56, %dma_start3A_57] : memref<125x128xf32, #tpu.memory_space<vmem>> -> memref<16x128xf32, #tpu.memory_space<vmem>>
        tpu.enqueue_dma source(%dma_start3A_58 : memref<16x128xf32, #tpu.memory_space<vmem>>) target(%dma_start3A_55 : memref<16x128xf32, #tpu.memory_space<vmem_shared>>) target_semaphore(%run_scoped3A : memref<!tpu.dma_semaphore, #tpu.memory_space<semaphore_mem>>)
        %dma_wait3A = arith.constant 0 : i32
        %dma_wait3A_59 = arith.constant 0 : i32
        %dma_wait3A_60 = tpu.memref_slice %arg8[%dma_wait3A, %dma_wait3A_59] : memref<125x128xf32, #tpu.memory_space<vmem>> -> memref<16x128xf32, #tpu.memory_space<vmem>>
        %dma_wait3A_61 = arith.constant 9984 : i32
        %dma_wait3A_62 = arith.constant 0 : i32
        %dma_wait3A_63 = tpu.memref_slice %arg9[%dma_wait3A_61, %dma_wait3A_62] : memref<10000x128xf32, #tpu.memory_space<vmem_shared>> -> memref<16x128xf32, #tpu.memory_space<vmem_shared>>
        %dma_wait3A_64 = arith.constant 9984 : i32
        %dma_wait3A_65 = arith.constant 0 : i32
        %dma_wait3A_66 = tpu.memref_slice %arg9[%dma_wait3A_64, %dma_wait3A_65] : memref<10000x128xf32, #tpu.memory_space<vmem_shared>> -> memref<16x128xf32, #tpu.memory_space<vmem_shared>>
        %dma_wait3A_67 = arith.constant 0 : i32
        %dma_wait3A_68 = arith.constant 0 : i32
        %dma_wait3A_69 = tpu.memref_slice %arg8[%dma_wait3A_67, %dma_wait3A_68] : memref<125x128xf32, #tpu.memory_space<vmem>> -> memref<16x128xf32, #tpu.memory_space<vmem>>
        tpu.wait_dma2 semaphore(%run_scoped3A : memref<!tpu.dma_semaphore, #tpu.memory_space<semaphore_mem>>) src(%dma_wait3A_69 : memref<16x128xf32, #tpu.memory_space<vmem>>) dst(%dma_wait3A_66 : memref<16x128xf32, #tpu.memory_space<vmem_shared>>)
        tpu.yield
      }) : () -> ()
    } else {
    }
    "tpu.region"() ({
      %run_scoped3A = tpu.sem_alloc : memref<!tpu.dma_semaphore, #tpu.memory_space<semaphore_mem>>
      %dma_start3A = arith.constant 0 : i32
      %dma_start3A_48 = arith.constant 0 : i32
      %dma_start3A_49 = tpu.memref_slice %arg3[%add3A, %dma_start3A, %dma_start3A_48] : memref<32x80x125xi32, #tpu.memory_space<hbm>> -> memref<1x80x125xi32, #tpu.memory_space<hbm>>
      %dma_start3A_50 = tpu.memref_squeeze %dma_start3A_49 : memref<1x80x125xi32, #tpu.memory_space<hbm>> -> memref<80x125xi32, #tpu.memory_space<hbm>>
      %dma_start3A_51 = arith.constant 0 : i32
      %dma_start3A_52 = arith.constant 0 : i32
      %dma_start3A_53 = tpu.memref_slice %arg3[%add3A, %dma_start3A_51, %dma_start3A_52] : memref<32x80x125xi32, #tpu.memory_space<hbm>> -> memref<1x80x125xi32, #tpu.memory_space<hbm>>
      %dma_start3A_54 = tpu.memref_squeeze %dma_start3A_53 : memref<1x80x125xi32, #tpu.memory_space<hbm>> -> memref<80x125xi32, #tpu.memory_space<hbm>>
      tpu.enqueue_dma source(%dma_start3A_54 : memref<80x125xi32, #tpu.memory_space<hbm>>) target(%arg6 : memref<80x125xi32, #tpu.memory_space<vmem>>) target_semaphore(%run_scoped3A : memref<!tpu.dma_semaphore, #tpu.memory_space<semaphore_mem>>)
      %dma_wait3A = arith.constant 0 : i32
      %dma_wait3A_55 = arith.constant 0 : i32
      %dma_wait3A_56 = tpu.memref_slice %arg3[%add3A, %dma_wait3A, %dma_wait3A_55] : memref<32x80x125xi32, #tpu.memory_space<hbm>> -> memref<1x80x125xi32, #tpu.memory_space<hbm>>
      %dma_wait3A_57 = tpu.memref_squeeze %dma_wait3A_56 : memref<1x80x125xi32, #tpu.memory_space<hbm>> -> memref<80x125xi32, #tpu.memory_space<hbm>>
      %dma_wait3A_58 = arith.constant 0 : i32
      %dma_wait3A_59 = arith.constant 0 : i32
      %dma_wait3A_60 = tpu.memref_slice %arg3[%add3A, %dma_wait3A_58, %dma_wait3A_59] : memref<32x80x125xi32, #tpu.memory_space<hbm>> -> memref<1x80x125xi32, #tpu.memory_space<hbm>>
      %dma_wait3A_61 = tpu.memref_squeeze %dma_wait3A_60 : memref<1x80x125xi32, #tpu.memory_space<hbm>> -> memref<80x125xi32, #tpu.memory_space<hbm>>
      tpu.wait_dma2 semaphore(%run_scoped3A : memref<!tpu.dma_semaphore, #tpu.memory_space<semaphore_mem>>) src(%dma_wait3A_61 : memref<80x125xi32, #tpu.memory_space<hbm>>) dst(%arg6 : memref<80x125xi32, #tpu.memory_space<vmem>>)
      tpu.yield
    }) : () -> ()
    "tpu.region"() ({
      %run_scoped3A = tpu.sem_alloc : memref<!tpu.dma_semaphore, #tpu.memory_space<semaphore_mem>>
      %dma_start3A = arith.constant 0 : i32
      %dma_start3A_48 = arith.constant 0 : i32
      %dma_start3A_49 = tpu.memref_slice %arg4[%add3A, %dma_start3A, %dma_start3A_48] : memref<32x80x125xi32, #tpu.memory_space<hbm>> -> memref<1x80x125xi32, #tpu.memory_space<hbm>>
      %dma_start3A_50 = tpu.memref_squeeze %dma_start3A_49 : memref<1x80x125xi32, #tpu.memory_space<hbm>> -> memref<80x125xi32, #tpu.memory_space<hbm>>
      %dma_start3A_51 = arith.constant 0 : i32
      %dma_start3A_52 = arith.constant 0 : i32
      %dma_start3A_53 = tpu.memref_slice %arg4[%add3A, %dma_start3A_51, %dma_start3A_52] : memref<32x80x125xi32, #tpu.memory_space<hbm>> -> memref<1x80x125xi32, #tpu.memory_space<hbm>>
      %dma_start3A_54 = tpu.memref_squeeze %dma_start3A_53 : memref<1x80x125xi32, #tpu.memory_space<hbm>> -> memref<80x125xi32, #tpu.memory_space<hbm>>
      tpu.enqueue_dma source(%dma_start3A_54 : memref<80x125xi32, #tpu.memory_space<hbm>>) target(%arg7 : memref<80x125xi32, #tpu.memory_space<vmem>>) target_semaphore(%run_scoped3A : memref<!tpu.dma_semaphore, #tpu.memory_space<semaphore_mem>>)
      %dma_wait3A = arith.constant 0 : i32
      %dma_wait3A_55 = arith.constant 0 : i32
      %dma_wait3A_56 = tpu.memref_slice %arg4[%add3A, %dma_wait3A, %dma_wait3A_55] : memref<32x80x125xi32, #tpu.memory_space<hbm>> -> memref<1x80x125xi32, #tpu.memory_space<hbm>>
      %dma_wait3A_57 = tpu.memref_squeeze %dma_wait3A_56 : memref<1x80x125xi32, #tpu.memory_space<hbm>> -> memref<80x125xi32, #tpu.memory_space<hbm>>
      %dma_wait3A_58 = arith.constant 0 : i32
      %dma_wait3A_59 = arith.constant 0 : i32
      %dma_wait3A_60 = tpu.memref_slice %arg4[%add3A, %dma_wait3A_58, %dma_wait3A_59] : memref<32x80x125xi32, #tpu.memory_space<hbm>> -> memref<1x80x125xi32, #tpu.memory_space<hbm>>
      %dma_wait3A_61 = tpu.memref_squeeze %dma_wait3A_60 : memref<1x80x125xi32, #tpu.memory_space<hbm>> -> memref<80x125xi32, #tpu.memory_space<hbm>>
      tpu.wait_dma2 semaphore(%run_scoped3A : memref<!tpu.dma_semaphore, #tpu.memory_space<semaphore_mem>>) src(%dma_wait3A_61 : memref<80x125xi32, #tpu.memory_space<hbm>>) dst(%arg7 : memref<80x125xi32, #tpu.memory_space<vmem>>)
      tpu.yield
    }) : () -> ()
    %barrier3A = arith.constant 0 : index
    tpu.barrier barrier_id(%barrier3A)
    %scan3A_32 = arith.constant 0 : i32
    %scan3A_33 = arith.constant 0 : i32
    %scan3A_34 = arith.constant 80 : i32
    %scan3A_35 = arith.addi %scan3A_33, %scan3A_34 : i32
    %scan3A_36 = arith.constant 1 : i32
    scf.for %scan3A_48 = %scan3A_33 to %scan3A_35 step %scan3A_36  : i32 {
      %dma_start3A = arith.constant 0 : i32
      %dma_start3A_49 = tpu.memref_slice %arg6[%scan3A_48, %dma_start3A] : memref<80x125xi32, #tpu.memory_space<vmem>> -> memref<1x125xi32, #tpu.memory_space<vmem>>
      %dma_start3A_50 = tpu.memref_squeeze %dma_start3A_49 : memref<1x125xi32, #tpu.memory_space<vmem>> -> memref<125xi32, #tpu.memory_space<vmem>>
      %dma_start3A_51 = arith.constant 0 : i32
      %dma_start3A_52 = arith.constant 0 : i32
      %dma_start3A_53 = tpu.memref_slice %arg2[%dma_start3A_51, %dma_start3A_52] : memref<10000x128xf32, #tpu.memory_space<hbm>> -> memref<10000x128xf32, #tpu.memory_space<hbm>>
      tpu.enqueue_indirect_dma source(%dma_start3A_53 : memref<10000x128xf32, #tpu.memory_space<hbm>>) target(%arg8 : memref<125x128xf32, #tpu.memory_space<vmem>>) offsets(%dma_start3A_50 : memref<125xi32, #tpu.memory_space<vmem>>) semaphore(%arg10 : memref<!tpu.dma_semaphore, #tpu.memory_space<semaphore_mem>>)
      %dma_wait3A = arith.constant 0 : i32
      %dma_wait3A_54 = tpu.memref_slice %arg6[%scan3A_48, %dma_wait3A] : memref<80x125xi32, #tpu.memory_space<vmem>> -> memref<1x125xi32, #tpu.memory_space<vmem>>
      %dma_wait3A_55 = tpu.memref_squeeze %dma_wait3A_54 : memref<1x125xi32, #tpu.memory_space<vmem>> -> memref<125xi32, #tpu.memory_space<vmem>>
      %dma_wait3A_56 = arith.constant 0 : i32
      %dma_wait3A_57 = arith.constant 0 : i32
      %dma_wait3A_58 = tpu.memref_slice %arg2[%dma_wait3A_56, %dma_wait3A_57] : memref<10000x128xf32, #tpu.memory_space<hbm>> -> memref<10000x128xf32, #tpu.memory_space<hbm>>
      tpu.wait_indirect_dma semaphore(%arg10 : memref<!tpu.dma_semaphore, #tpu.memory_space<semaphore_mem>>) src(%dma_wait3A_58 : memref<10000x128xf32, #tpu.memory_space<hbm>>) dst(%arg8 : memref<125x128xf32, #tpu.memory_space<vmem>>)
      "tpu.region"() ({
        %run_scoped3A = tpu.sem_alloc : memref<!tpu.dma_semaphore, #tpu.memory_space<semaphore_mem>>
        %dma_start3A_59 = arith.constant 0 : i32
        %dma_start3A_60 = tpu.memref_slice %arg7[%scan3A_48, %dma_start3A_59] : memref<80x125xi32, #tpu.memory_space<vmem>> -> memref<1x125xi32, #tpu.memory_space<vmem>>
        %dma_start3A_61 = tpu.memref_squeeze %dma_start3A_60 : memref<1x125xi32, #tpu.memory_space<vmem>> -> memref<125xi32, #tpu.memory_space<vmem>>
        %dma_start3A_62 = arith.constant 0 : i32
        %dma_start3A_63 = arith.constant 0 : i32
        %dma_start3A_64 = tpu.memref_slice %arg9[%dma_start3A_62, %dma_start3A_63] : memref<10000x128xf32, #tpu.memory_space<vmem_shared>> -> memref<10000x128xf32, #tpu.memory_space<vmem_shared>>
        tpu.enqueue_indirect_dma source(%arg8 : memref<125x128xf32, #tpu.memory_space<vmem>>) target(%dma_start3A_64 : memref<10000x128xf32, #tpu.memory_space<vmem_shared>>) offsets(%dma_start3A_61 : memref<125xi32, #tpu.memory_space<vmem>>) semaphore(%run_scoped3A : memref<!tpu.dma_semaphore, #tpu.memory_space<semaphore_mem>>) {add = true}
        %dma_wait3A_65 = arith.constant 0 : i32
        %dma_wait3A_66 = tpu.memref_slice %arg7[%scan3A_48, %dma_wait3A_65] : memref<80x125xi32, #tpu.memory_space<vmem>> -> memref<1x125xi32, #tpu.memory_space<vmem>>
        %dma_wait3A_67 = tpu.memref_squeeze %dma_wait3A_66 : memref<1x125xi32, #tpu.memory_space<vmem>> -> memref<125xi32, #tpu.memory_space<vmem>>
        %dma_wait3A_68 = arith.constant 0 : i32
        %dma_wait3A_69 = arith.constant 0 : i32
        %dma_wait3A_70 = tpu.memref_slice %arg9[%dma_wait3A_68, %dma_wait3A_69] : memref<10000x128xf32, #tpu.memory_space<vmem_shared>> -> memref<10000x128xf32, #tpu.memory_space<vmem_shared>>
        tpu.wait_indirect_dma semaphore(%run_scoped3A : memref<!tpu.dma_semaphore, #tpu.memory_space<semaphore_mem>>) src(%arg8 : memref<125x128xf32, #tpu.memory_space<vmem>>) dst(%dma_wait3A_70 : memref<10000x128xf32, #tpu.memory_space<vmem_shared>>)
        tpu.yield
      }) : () -> ()
    }
    %scan3A_37 = arith.constant 80 : i32
    %barrier3A_38 = arith.constant 0 : index
    tpu.barrier barrier_id(%barrier3A_38)
    %mul3A_39 = arith.constant 624 : i32
    %mul3A_40 = arith.muli %arg1, %mul3A_39 : i32
    %mul3A_41 = arith.constant 624 : i32
    %mul3A_42 = arith.muli %arg1, %mul3A_41 : i32
    "tpu.region"() ({
      %run_scoped3A = tpu.sem_alloc : memref<!tpu.dma_semaphore, #tpu.memory_space<semaphore_mem>>
      %dma_start3A = arith.constant 0 : i32
      %dma_start3A_48 = tpu.memref_slice %arg5[%arg0, %mul3A_42, %dma_start3A] : memref<2x10000x128xf32, #tpu.memory_space<hbm>> -> memref<1x624x128xf32, #tpu.memory_space<hbm>>
      %dma_start3A_49 = tpu.memref_squeeze %dma_start3A_48 : memref<1x624x128xf32, #tpu.memory_space<hbm>> -> memref<624x128xf32, #tpu.memory_space<hbm>>
      %dma_start3A_50 = arith.constant 0 : i32
      %dma_start3A_51 = tpu.memref_slice %arg9[%mul3A_40, %dma_start3A_50] : memref<10000x128xf32, #tpu.memory_space<vmem_shared>> -> memref<624x128xf32, #tpu.memory_space<vmem_shared>>
      tpu.enqueue_dma source(%dma_start3A_51 : memref<624x128xf32, #tpu.memory_space<vmem_shared>>) target(%dma_start3A_49 : memref<624x128xf32, #tpu.memory_space<hbm>>) target_semaphore(%run_scoped3A : memref<!tpu.dma_semaphore, #tpu.memory_space<semaphore_mem>>)
      %dma_wait3A = arith.constant 0 : i32
      %dma_wait3A_52 = tpu.memref_slice %arg5[%arg0, %mul3A_42, %dma_wait3A] : memref<2x10000x128xf32, #tpu.memory_space<hbm>> -> memref<1x624x128xf32, #tpu.memory_space<hbm>>
      %dma_wait3A_53 = tpu.memref_squeeze %dma_wait3A_52 : memref<1x624x128xf32, #tpu.memory_space<hbm>> -> memref<624x128xf32, #tpu.memory_space<hbm>>
      %dma_wait3A_54 = arith.constant 0 : i32
      %dma_wait3A_55 = tpu.memref_slice %arg9[%mul3A_40, %dma_wait3A_54] : memref<10000x128xf32, #tpu.memory_space<vmem_shared>> -> memref<624x128xf32, #tpu.memory_space<vmem_shared>>
      tpu.wait_dma2 semaphore(%run_scoped3A : memref<!tpu.dma_semaphore, #tpu.memory_space<semaphore_mem>>) src(%dma_wait3A_55 : memref<624x128xf32, #tpu.memory_space<vmem_shared>>) dst(%dma_wait3A_53 : memref<624x128xf32, #tpu.memory_space<hbm>>)
      tpu.yield
    }) : () -> ()
    %eq3A_43 = arith.constant 15 : i32
    %eq3A_44 = arith.cmpi eq, %arg1, %eq3A_43 : i32
    %convert_element_type3A_45 = arith.extui %eq3A_44 : i1 to i32
    %cond3A_46 = arith.constant 0 : i32
    %cond3A_47 = arith.cmpi ne, %convert_element_type3A_45, %cond3A_46 : i32
    scf.if %cond3A_47 {
      "tpu.region"() ({
        %run_scoped3A = tpu.sem_alloc : memref<!tpu.dma_semaphore, #tpu.memory_space<semaphore_mem>>
        %dma_start3A = arith.constant 9984 : i32
        %dma_start3A_48 = arith.constant 0 : i32
        %dma_start3A_49 = tpu.memref_slice %arg5[%arg0, %dma_start3A, %dma_start3A_48] : memref<2x10000x128xf32, #tpu.memory_space<hbm>> -> memref<1x16x128xf32, #tpu.memory_space<hbm>>
        %dma_start3A_50 = tpu.memref_squeeze %dma_start3A_49 : memref<1x16x128xf32, #tpu.memory_space<hbm>> -> memref<16x128xf32, #tpu.memory_space<hbm>>
        %dma_start3A_51 = arith.constant 9984 : i32
        %dma_start3A_52 = arith.constant 0 : i32
        %dma_start3A_53 = tpu.memref_slice %arg9[%dma_start3A_51, %dma_start3A_52] : memref<10000x128xf32, #tpu.memory_space<vmem_shared>> -> memref<16x128xf32, #tpu.memory_space<vmem_shared>>
        tpu.enqueue_dma source(%dma_start3A_53 : memref<16x128xf32, #tpu.memory_space<vmem_shared>>) target(%dma_start3A_50 : memref<16x128xf32, #tpu.memory_space<hbm>>) target_semaphore(%run_scoped3A : memref<!tpu.dma_semaphore, #tpu.memory_space<semaphore_mem>>)
        %dma_wait3A = arith.constant 9984 : i32
        %dma_wait3A_54 = arith.constant 0 : i32
        %dma_wait3A_55 = tpu.memref_slice %arg5[%arg0, %dma_wait3A, %dma_wait3A_54] : memref<2x10000x128xf32, #tpu.memory_space<hbm>> -> memref<1x16x128xf32, #tpu.memory_space<hbm>>
        %dma_wait3A_56 = tpu.memref_squeeze %dma_wait3A_55 : memref<1x16x128xf32, #tpu.memory_space<hbm>> -> memref<16x128xf32, #tpu.memory_space<hbm>>
        %dma_wait3A_57 = arith.constant 9984 : i32
        %dma_wait3A_58 = arith.constant 0 : i32
        %dma_wait3A_59 = tpu.memref_slice %arg9[%dma_wait3A_57, %dma_wait3A_58] : memref<10000x128xf32, #tpu.memory_space<vmem_shared>> -> memref<16x128xf32, #tpu.memory_space<vmem_shared>>
        tpu.wait_dma2 semaphore(%run_scoped3A : memref<!tpu.dma_semaphore, #tpu.memory_space<semaphore_mem>>) src(%dma_wait3A_59 : memref<16x128xf32, #tpu.memory_space<vmem_shared>>) dst(%dma_wait3A_56 : memref<16x128xf32, #tpu.memory_space<hbm>>)
        tpu.yield
      }) : () -> ()
    } else {
    }
    return
  }
}

#map = affine_map<(d0, d1) -> (0, 0)>
#map1 = affine_map<(d0, d1) -> (0, 0, 0)>
module attributes {stable_mosaic.version = 14 : i64} {
  func.func @_sc_agg_body(%arg0: i32, %arg1: i32, %arg2: memref<10000x128xf32, #tpu.memory_space<hbm>>, %arg3: memref<32x80x125xi32, #tpu.memory_space<hbm>>, %arg4: memref<32x80x125xi32, #tpu.memory_space<hbm>>, %arg5: memref<2x10000x128xf32, #tpu.memory_space<hbm>>, %arg6: memref<80x125xi32, #tpu.memory_space<vmem>>, %arg7: memref<80x125xi32, #tpu.memory_space<vmem>>, %arg8: memref<125x128xf32, #tpu.memory_space<vmem>>, %arg9: memref<10000x128xf32, #tpu.memory_space<vmem_shared>>, %arg10: memref<!tpu.dma_semaphore, #tpu.memory_space<semaphore_mem>>) attributes {dimension_semantics = [#tpu.dimension_semantics<core_parallel>, #tpu.dimension_semantics<subcore_parallel>], iteration_bounds = array<i64: 2, 16>, scalar_prefetch = 0 : i64, scratch_operands = 5 : i64, tpu.core_type = #tpu.core_type<sc_vector_subcore>, window_params = [{transform_indices = #map}, {transform_indices = #map1}, {transform_indices = #map1}, {transform_indices = #map1}]} {
    %mul3A = arith.constant 16 : i32
    %mul3A_0 = arith.muli %arg0, %mul3A : i32
    %add3A = arith.addi %mul3A_0, %arg1 : i32
    %scan3A = arith.constant 0 : i32
    %scan3A_1 = arith.constant 0 : i32
    %scan3A_2 = arith.constant 104 : i32
    %scan3A_3 = arith.addi %scan3A_1, %scan3A_2 : i32
    %scan3A_4 = arith.constant 1 : i32
    scf.for %scan3A_48 = %scan3A_1 to %scan3A_3 step %scan3A_4  : i32 {
      %broadcast_in_dim3A = arith.constant 0.000000e+00 : f32
      %broadcast_in_dim3A_49 = vector.broadcast %broadcast_in_dim3A : f32 to vector<16xf32>
      %swap3A = arith.index_cast %scan3A_48 : i32 to index
      %swap3A_50 = arith.constant 0 : index
      %swap3A_51 = tpu.vector_load %arg8[%swap3A, %swap3A_50] {strides = array<i32>} : memref<125x128xf32, #tpu.memory_space<vmem>>, vector<1x16xf32>,
      %swap3A_52 = vector.shape_cast %swap3A_51 : vector<1x16xf32> to vector<16xf32>
      %swap3A_53 = vector.shape_cast %broadcast_in_dim3A_49 : vector<16xf32> to vector<1x16xf32>
      tpu.vector_store %arg8[%swap3A, %swap3A_50], %swap3A_53 {strides = array<i32>} : memref<125x128xf32, #tpu.memory_space<vmem>>, vector<1x16xf32>,
      %broadcast_in_dim3A_54 = arith.constant 0.000000e+00 : f32
      %broadcast_in_dim3A_55 = vector.broadcast %broadcast_in_dim3A_54 : f32 to vector<16xf32>
      %swap3A_56 = arith.index_cast %scan3A_48 : i32 to index
      %swap3A_57 = arith.constant 16 : index
      %swap3A_58 = tpu.vector_load %arg8[%swap3A_56, %swap3A_57] {strides = array<i32>} : memref<125x128xf32, #tpu.memory_space<vmem>>, vector<1x16xf32>,
      %swap3A_59 = vector.shape_cast %swap3A_58 : vector<1x16xf32> to vector<16xf32>
      %swap3A_60 = vector.shape_cast %broadcast_in_dim3A_55 : vector<16xf32> to vector<1x16xf32>
      tpu.vector_store %arg8[%swap3A_56, %swap3A_57], %swap3A_60 {strides = array<i32>} : memref<125x128xf32, #tpu.memory_space<vmem>>, vector<1x16xf32>,
      %broadcast_in_dim3A_61 = arith.constant 0.000000e+00 : f32
      %broadcast_in_dim3A_62 = vector.broadcast %broadcast_in_dim3A_61 : f32 to vector<16xf32>
      %swap3A_63 = arith.index_cast %scan3A_48 : i32 to index
      %swap3A_64 = arith.constant 32 : index
      %swap3A_65 = tpu.vector_load %arg8[%swap3A_63, %swap3A_64] {strides = array<i32>} : memref<125x128xf32, #tpu.memory_space<vmem>>, vector<1x16xf32>,
      %swap3A_66 = vector.shape_cast %swap3A_65 : vector<1x16xf32> to vector<16xf32>
      %swap3A_67 = vector.shape_cast %broadcast_in_dim3A_62 : vector<16xf32> to vector<1x16xf32>
      tpu.vector_store %arg8[%swap3A_63, %swap3A_64], %swap3A_67 {strides = array<i32>} : memref<125x128xf32, #tpu.memory_space<vmem>>, vector<1x16xf32>,
      %broadcast_in_dim3A_68 = arith.constant 0.000000e+00 : f32
      %broadcast_in_dim3A_69 = vector.broadcast %broadcast_in_dim3A_68 : f32 to vector<16xf32>
      %swap3A_70 = arith.index_cast %scan3A_48 : i32 to index
      %swap3A_71 = arith.constant 48 : index
      %swap3A_72 = tpu.vector_load %arg8[%swap3A_70, %swap3A_71] {strides = array<i32>} : memref<125x128xf32, #tpu.memory_space<vmem>>, vector<1x16xf32>,
      %swap3A_73 = vector.shape_cast %swap3A_72 : vector<1x16xf32> to vector<16xf32>
      %swap3A_74 = vector.shape_cast %broadcast_in_dim3A_69 : vector<16xf32> to vector<1x16xf32>
      tpu.vector_store %arg8[%swap3A_70, %swap3A_71], %swap3A_74 {strides = array<i32>} : memref<125x128xf32, #tpu.memory_space<vmem>>, vector<1x16xf32>,
      %broadcast_in_dim3A_75 = arith.constant 0.000000e+00 : f32
      %broadcast_in_dim3A_76 = vector.broadcast %broadcast_in_dim3A_75 : f32 to vector<16xf32>
      %swap3A_77 = arith.index_cast %scan3A_48 : i32 to index
      %swap3A_78 = arith.constant 64 : index
      %swap3A_79 = tpu.vector_load %arg8[%swap3A_77, %swap3A_78] {strides = array<i32>} : memref<125x128xf32, #tpu.memory_space<vmem>>, vector<1x16xf32>,
      %swap3A_80 = vector.shape_cast %swap3A_79 : vector<1x16xf32> to vector<16xf32>
      %swap3A_81 = vector.shape_cast %broadcast_in_dim3A_76 : vector<16xf32> to vector<1x16xf32>
      tpu.vector_store %arg8[%swap3A_77, %swap3A_78], %swap3A_81 {strides = array<i32>} : memref<125x128xf32, #tpu.memory_space<vmem>>, vector<1x16xf32>,
      %broadcast_in_dim3A_82 = arith.constant 0.000000e+00 : f32
      %broadcast_in_dim3A_83 = vector.broadcast %broadcast_in_dim3A_82 : f32 to vector<16xf32>
      %swap3A_84 = arith.index_cast %scan3A_48 : i32 to index
      %swap3A_85 = arith.constant 80 : index
      %swap3A_86 = tpu.vector_load %arg8[%swap3A_84, %swap3A_85] {strides = array<i32>} : memref<125x128xf32, #tpu.memory_space<vmem>>, vector<1x16xf32>,
      %swap3A_87 = vector.shape_cast %swap3A_86 : vector<1x16xf32> to vector<16xf32>
      %swap3A_88 = vector.shape_cast %broadcast_in_dim3A_83 : vector<16xf32> to vector<1x16xf32>
      tpu.vector_store %arg8[%swap3A_84, %swap3A_85], %swap3A_88 {strides = array<i32>} : memref<125x128xf32, #tpu.memory_space<vmem>>, vector<1x16xf32>,
      %broadcast_in_dim3A_89 = arith.constant 0.000000e+00 : f32
      %broadcast_in_dim3A_90 = vector.broadcast %broadcast_in_dim3A_89 : f32 to vector<16xf32>
      %swap3A_91 = arith.index_cast %scan3A_48 : i32 to index
      %swap3A_92 = arith.constant 96 : index
      %swap3A_93 = tpu.vector_load %arg8[%swap3A_91, %swap3A_92] {strides = array<i32>} : memref<125x128xf32, #tpu.memory_space<vmem>>, vector<1x16xf32>,
      %swap3A_94 = vector.shape_cast %swap3A_93 : vector<1x16xf32> to vector<16xf32>
      %swap3A_95 = vector.shape_cast %broadcast_in_dim3A_90 : vector<16xf32> to vector<1x16xf32>
      tpu.vector_store %arg8[%swap3A_91, %swap3A_92], %swap3A_95 {strides = array<i32>} : memref<125x128xf32, #tpu.memory_space<vmem>>, vector<1x16xf32>,
      %broadcast_in_dim3A_96 = arith.constant 0.000000e+00 : f32
      %broadcast_in_dim3A_97 = vector.broadcast %broadcast_in_dim3A_96 : f32 to vector<16xf32>
      %swap3A_98 = arith.index_cast %scan3A_48 : i32 to index
      %swap3A_99 = arith.constant 112 : index
      %swap3A_100 = tpu.vector_load %arg8[%swap3A_98, %swap3A_99] {strides = array<i32>} : memref<125x128xf32, #tpu.memory_space<vmem>>, vector<1x16xf32>,
      %swap3A_101 = vector.shape_cast %swap3A_100 : vector<1x16xf32> to vector<16xf32>
      %swap3A_102 = vector.shape_cast %broadcast_in_dim3A_97 : vector<16xf32> to vector<1x16xf32>
      tpu.vector_store %arg8[%swap3A_98, %swap3A_99], %swap3A_102 {strides = array<i32>} : memref<125x128xf32, #tpu.memory_space<vmem>>, vector<1x16xf32>,
    }
    %scan3A_5 = arith.constant 104 : i32
    %mul3A_6 = arith.constant 624 : i32
    %mul3A_7 = arith.muli %arg1, %mul3A_6 : i32
    %add3A_8 = arith.constant 0 : i32
    %add3A_9 = arith.addi %mul3A_7, %add3A_8 : i32
    "tpu.region"() ({
      %run_scoped3A = tpu.sem_alloc : memref<!tpu.dma_semaphore, #tpu.memory_space<semaphore_mem>>
      %dma_start3A = arith.constant 0 : i32
      %dma_start3A_48 = arith.constant 0 : i32
      %dma_start3A_49 = tpu.memref_slice %arg8[%dma_start3A, %dma_start3A_48] : memref<125x128xf32, #tpu.memory_space<vmem>> -> memref<104x128xf32, #tpu.memory_space<vmem>>
      %dma_start3A_50 = arith.constant 0 : i32
      %dma_start3A_51 = tpu.memref_slice %arg9[%add3A_9, %dma_start3A_50] : memref<10000x128xf32, #tpu.memory_space<vmem_shared>> -> memref<104x128xf32, #tpu.memory_space<vmem_shared>>
      %dma_start3A_52 = arith.constant 0 : i32
      %dma_start3A_53 = tpu.memref_slice %arg9[%add3A_9, %dma_start3A_52] : memref<10000x128xf32, #tpu.memory_space<vmem_shared>> -> memref<104x128xf32, #tpu.memory_space<vmem_shared>>
      %dma_start3A_54 = arith.constant 0 : i32
      %dma_start3A_55 = arith.constant 0 : i32
      %dma_start3A_56 = tpu.memref_slice %arg8[%dma_start3A_54, %dma_start3A_55] : memref<125x128xf32, #tpu.memory_space<vmem>> -> memref<104x128xf32, #tpu.memory_space<vmem>>
      tpu.enqueue_dma source(%dma_start3A_56 : memref<104x128xf32, #tpu.memory_space<vmem>>) target(%dma_start3A_53 : memref<104x128xf32, #tpu.memory_space<vmem_shared>>) target_semaphore(%run_scoped3A : memref<!tpu.dma_semaphore, #tpu.memory_space<semaphore_mem>>)
      %dma_wait3A = arith.constant 0 : i32
      %dma_wait3A_57 = arith.constant 0 : i32
      %dma_wait3A_58 = tpu.memref_slice %arg8[%dma_wait3A, %dma_wait3A_57] : memref<125x128xf32, #tpu.memory_space<vmem>> -> memref<104x128xf32, #tpu.memory_space<vmem>>
      %dma_wait3A_59 = arith.constant 0 : i32
      %dma_wait3A_60 = tpu.memref_slice %arg9[%add3A_9, %dma_wait3A_59] : memref<10000x128xf32, #tpu.memory_space<vmem_shared>> -> memref<104x128xf32, #tpu.memory_space<vmem_shared>>
      %dma_wait3A_61 = arith.constant 0 : i32
      %dma_wait3A_62 = tpu.memref_slice %arg9[%add3A_9, %dma_wait3A_61] : memref<10000x128xf32, #tpu.memory_space<vmem_shared>> -> memref<104x128xf32, #tpu.memory_space<vmem_shared>>
      %dma_wait3A_63 = arith.constant 0 : i32
      %dma_wait3A_64 = arith.constant 0 : i32
      %dma_wait3A_65 = tpu.memref_slice %arg8[%dma_wait3A_63, %dma_wait3A_64] : memref<125x128xf32, #tpu.memory_space<vmem>> -> memref<104x128xf32, #tpu.memory_space<vmem>>
      tpu.wait_dma2 semaphore(%run_scoped3A : memref<!tpu.dma_semaphore, #tpu.memory_space<semaphore_mem>>) src(%dma_wait3A_65 : memref<104x128xf32, #tpu.memory_space<vmem>>) dst(%dma_wait3A_62 : memref<104x128xf32, #tpu.memory_space<vmem_shared>>)
      tpu.yield
    }) : () -> ()
    %mul3A_10 = arith.constant 624 : i32
    %mul3A_11 = arith.muli %arg1, %mul3A_10 : i32
    %add3A_12 = arith.constant 104 : i32
    %add3A_13 = arith.addi %mul3A_11, %add3A_12 : i32
    "tpu.region"() ({
      %run_scoped3A = tpu.sem_alloc : memref<!tpu.dma_semaphore, #tpu.memory_space<semaphore_mem>>
      %dma_start3A = arith.constant 0 : i32
      %dma_start3A_48 = arith.constant 0 : i32
      %dma_start3A_49 = tpu.memref_slice %arg8[%dma_start3A, %dma_start3A_48] : memref<125x128xf32, #tpu.memory_space<vmem>> -> memref<104x128xf32, #tpu.memory_space<vmem>>
      %dma_start3A_50 = arith.constant 0 : i32
      %dma_start3A_51 = tpu.memref_slice %arg9[%add3A_13, %dma_start3A_50] : memref<10000x128xf32, #tpu.memory_space<vmem_shared>> -> memref<104x128xf32, #tpu.memory_space<vmem_shared>>
      %dma_start3A_52 = arith.constant 0 : i32
      %dma_start3A_53 = tpu.memref_slice %arg9[%add3A_13, %dma_start3A_52] : memref<10000x128xf32, #tpu.memory_space<vmem_shared>> -> memref<104x128xf32, #tpu.memory_space<vmem_shared>>
      %dma_start3A_54 = arith.constant 0 : i32
      %dma_start3A_55 = arith.constant 0 : i32
      %dma_start3A_56 = tpu.memref_slice %arg8[%dma_start3A_54, %dma_start3A_55] : memref<125x128xf32, #tpu.memory_space<vmem>> -> memref<104x128xf32, #tpu.memory_space<vmem>>
      tpu.enqueue_dma source(%dma_start3A_56 : memref<104x128xf32, #tpu.memory_space<vmem>>) target(%dma_start3A_53 : memref<104x128xf32, #tpu.memory_space<vmem_shared>>) target_semaphore(%run_scoped3A : memref<!tpu.dma_semaphore, #tpu.memory_space<semaphore_mem>>)
      %dma_wait3A = arith.constant 0 : i32
      %dma_wait3A_57 = arith.constant 0 : i32
      %dma_wait3A_58 = tpu.memref_slice %arg8[%dma_wait3A, %dma_wait3A_57] : memref<125x128xf32, #tpu.memory_space<vmem>> -> memref<104x128xf32, #tpu.memory_space<vmem>>
      %dma_wait3A_59 = arith.constant 0 : i32
      %dma_wait3A_60 = tpu.memref_slice %arg9[%add3A_13, %dma_wait3A_59] : memref<10000x128xf32, #tpu.memory_space<vmem_shared>> -> memref<104x128xf32, #tpu.memory_space<vmem_shared>>
      %dma_wait3A_61 = arith.constant 0 : i32
      %dma_wait3A_62 = tpu.memref_slice %arg9[%add3A_13, %dma_wait3A_61] : memref<10000x128xf32, #tpu.memory_space<vmem_shared>> -> memref<104x128xf32, #tpu.memory_space<vmem_shared>>
      %dma_wait3A_63 = arith.constant 0 : i32
      %dma_wait3A_64 = arith.constant 0 : i32
      %dma_wait3A_65 = tpu.memref_slice %arg8[%dma_wait3A_63, %dma_wait3A_64] : memref<125x128xf32, #tpu.memory_space<vmem>> -> memref<104x128xf32, #tpu.memory_space<vmem>>
      tpu.wait_dma2 semaphore(%run_scoped3A : memref<!tpu.dma_semaphore, #tpu.memory_space<semaphore_mem>>) src(%dma_wait3A_65 : memref<104x128xf32, #tpu.memory_space<vmem>>) dst(%dma_wait3A_62 : memref<104x128xf32, #tpu.memory_space<vmem_shared>>)
      tpu.yield
    }) : () -> ()
    %mul3A_14 = arith.constant 624 : i32
    %mul3A_15 = arith.muli %arg1, %mul3A_14 : i32
    %add3A_16 = arith.constant 208 : i32
    %add3A_17 = arith.addi %mul3A_15, %add3A_16 : i32
    "tpu.region"() ({
      %run_scoped3A = tpu.sem_alloc : memref<!tpu.dma_semaphore, #tpu.memory_space<semaphore_mem>>
      %dma_start3A = arith.constant 0 : i32
      %dma_start3A_48 = arith.constant 0 : i32
      %dma_start3A_49 = tpu.memref_slice %arg8[%dma_start3A, %dma_start3A_48] : memref<125x128xf32, #tpu.memory_space<vmem>> -> memref<104x128xf32, #tpu.memory_space<vmem>>
      %dma_start3A_50 = arith.constant 0 : i32
      %dma_start3A_51 = tpu.memref_slice %arg9[%add3A_17, %dma_start3A_50] : memref<10000x128xf32, #tpu.memory_space<vmem_shared>> -> memref<104x128xf32, #tpu.memory_space<vmem_shared>>
      %dma_start3A_52 = arith.constant 0 : i32
      %dma_start3A_53 = tpu.memref_slice %arg9[%add3A_17, %dma_start3A_52] : memref<10000x128xf32, #tpu.memory_space<vmem_shared>> -> memref<104x128xf32, #tpu.memory_space<vmem_shared>>
      %dma_start3A_54 = arith.constant 0 : i32
      %dma_start3A_55 = arith.constant 0 : i32
      %dma_start3A_56 = tpu.memref_slice %arg8[%dma_start3A_54, %dma_start3A_55] : memref<125x128xf32, #tpu.memory_space<vmem>> -> memref<104x128xf32, #tpu.memory_space<vmem>>
      tpu.enqueue_dma source(%dma_start3A_56 : memref<104x128xf32, #tpu.memory_space<vmem>>) target(%dma_start3A_53 : memref<104x128xf32, #tpu.memory_space<vmem_shared>>) target_semaphore(%run_scoped3A : memref<!tpu.dma_semaphore, #tpu.memory_space<semaphore_mem>>)
      %dma_wait3A = arith.constant 0 : i32
      %dma_wait3A_57 = arith.constant 0 : i32
      %dma_wait3A_58 = tpu.memref_slice %arg8[%dma_wait3A, %dma_wait3A_57] : memref<125x128xf32, #tpu.memory_space<vmem>> -> memref<104x128xf32, #tpu.memory_space<vmem>>
      %dma_wait3A_59 = arith.constant 0 : i32
      %dma_wait3A_60 = tpu.memref_slice %arg9[%add3A_17, %dma_wait3A_59] : memref<10000x128xf32, #tpu.memory_space<vmem_shared>> -> memref<104x128xf32, #tpu.memory_space<vmem_shared>>
      %dma_wait3A_61 = arith.constant 0 : i32
      %dma_wait3A_62 = tpu.memref_slice %arg9[%add3A_17, %dma_wait3A_61] : memref<10000x128xf32, #tpu.memory_space<vmem_shared>> -> memref<104x128xf32, #tpu.memory_space<vmem_shared>>
      %dma_wait3A_63 = arith.constant 0 : i32
      %dma_wait3A_64 = arith.constant 0 : i32
      %dma_wait3A_65 = tpu.memref_slice %arg8[%dma_wait3A_63, %dma_wait3A_64] : memref<125x128xf32, #tpu.memory_space<vmem>> -> memref<104x128xf32, #tpu.memory_space<vmem>>
      tpu.wait_dma2 semaphore(%run_scoped3A : memref<!tpu.dma_semaphore, #tpu.memory_space<semaphore_mem>>) src(%dma_wait3A_65 : memref<104x128xf32, #tpu.memory_space<vmem>>) dst(%dma_wait3A_62 : memref<104x128xf32, #tpu.memory_space<vmem_shared>>)
      tpu.yield
    }) : () -> ()
    %mul3A_18 = arith.constant 624 : i32
    %mul3A_19 = arith.muli %arg1, %mul3A_18 : i32
    %add3A_20 = arith.constant 312 : i32
    %add3A_21 = arith.addi %mul3A_19, %add3A_20 : i32
    "tpu.region"() ({
      %run_scoped3A = tpu.sem_alloc : memref<!tpu.dma_semaphore, #tpu.memory_space<semaphore_mem>>
      %dma_start3A = arith.constant 0 : i32
      %dma_start3A_48 = arith.constant 0 : i32
      %dma_start3A_49 = tpu.memref_slice %arg8[%dma_start3A, %dma_start3A_48] : memref<125x128xf32, #tpu.memory_space<vmem>> -> memref<104x128xf32, #tpu.memory_space<vmem>>
      %dma_start3A_50 = arith.constant 0 : i32
      %dma_start3A_51 = tpu.memref_slice %arg9[%add3A_21, %dma_start3A_50] : memref<10000x128xf32, #tpu.memory_space<vmem_shared>> -> memref<104x128xf32, #tpu.memory_space<vmem_shared>>
      %dma_start3A_52 = arith.constant 0 : i32
      %dma_start3A_53 = tpu.memref_slice %arg9[%add3A_21, %dma_start3A_52] : memref<10000x128xf32, #tpu.memory_space<vmem_shared>> -> memref<104x128xf32, #tpu.memory_space<vmem_shared>>
      %dma_start3A_54 = arith.constant 0 : i32
      %dma_start3A_55 = arith.constant 0 : i32
      %dma_start3A_56 = tpu.memref_slice %arg8[%dma_start3A_54, %dma_start3A_55] : memref<125x128xf32, #tpu.memory_space<vmem>> -> memref<104x128xf32, #tpu.memory_space<vmem>>
      tpu.enqueue_dma source(%dma_start3A_56 : memref<104x128xf32, #tpu.memory_space<vmem>>) target(%dma_start3A_53 : memref<104x128xf32, #tpu.memory_space<vmem_shared>>) target_semaphore(%run_scoped3A : memref<!tpu.dma_semaphore, #tpu.memory_space<semaphore_mem>>)
      %dma_wait3A = arith.constant 0 : i32
      %dma_wait3A_57 = arith.constant 0 : i32
      %dma_wait3A_58 = tpu.memref_slice %arg8[%dma_wait3A, %dma_wait3A_57] : memref<125x128xf32, #tpu.memory_space<vmem>> -> memref<104x128xf32, #tpu.memory_space<vmem>>
      %dma_wait3A_59 = arith.constant 0 : i32
      %dma_wait3A_60 = tpu.memref_slice %arg9[%add3A_21, %dma_wait3A_59] : memref<10000x128xf32, #tpu.memory_space<vmem_shared>> -> memref<104x128xf32, #tpu.memory_space<vmem_shared>>
      %dma_wait3A_61 = arith.constant 0 : i32
      %dma_wait3A_62 = tpu.memref_slice %arg9[%add3A_21, %dma_wait3A_61] : memref<10000x128xf32, #tpu.memory_space<vmem_shared>> -> memref<104x128xf32, #tpu.memory_space<vmem_shared>>
      %dma_wait3A_63 = arith.constant 0 : i32
      %dma_wait3A_64 = arith.constant 0 : i32
      %dma_wait3A_65 = tpu.memref_slice %arg8[%dma_wait3A_63, %dma_wait3A_64] : memref<125x128xf32, #tpu.memory_space<vmem>> -> memref<104x128xf32, #tpu.memory_space<vmem>>
      tpu.wait_dma2 semaphore(%run_scoped3A : memref<!tpu.dma_semaphore, #tpu.memory_space<semaphore_mem>>) src(%dma_wait3A_65 : memref<104x128xf32, #tpu.memory_space<vmem>>) dst(%dma_wait3A_62 : memref<104x128xf32, #tpu.memory_space<vmem_shared>>)
      tpu.yield
    }) : () -> ()
    %mul3A_22 = arith.constant 624 : i32
    %mul3A_23 = arith.muli %arg1, %mul3A_22 : i32
    %add3A_24 = arith.constant 416 : i32
    %add3A_25 = arith.addi %mul3A_23, %add3A_24 : i32
    "tpu.region"() ({
      %run_scoped3A = tpu.sem_alloc : memref<!tpu.dma_semaphore, #tpu.memory_space<semaphore_mem>>
      %dma_start3A = arith.constant 0 : i32
      %dma_start3A_48 = arith.constant 0 : i32
      %dma_start3A_49 = tpu.memref_slice %arg8[%dma_start3A, %dma_start3A_48] : memref<125x128xf32, #tpu.memory_space<vmem>> -> memref<104x128xf32, #tpu.memory_space<vmem>>
      %dma_start3A_50 = arith.constant 0 : i32
      %dma_start3A_51 = tpu.memref_slice %arg9[%add3A_25, %dma_start3A_50] : memref<10000x128xf32, #tpu.memory_space<vmem_shared>> -> memref<104x128xf32, #tpu.memory_space<vmem_shared>>
      %dma_start3A_52 = arith.constant 0 : i32
      %dma_start3A_53 = tpu.memref_slice %arg9[%add3A_25, %dma_start3A_52] : memref<10000x128xf32, #tpu.memory_space<vmem_shared>> -> memref<104x128xf32, #tpu.memory_space<vmem_shared>>
      %dma_start3A_54 = arith.constant 0 : i32
      %dma_start3A_55 = arith.constant 0 : i32
      %dma_start3A_56 = tpu.memref_slice %arg8[%dma_start3A_54, %dma_start3A_55] : memref<125x128xf32, #tpu.memory_space<vmem>> -> memref<104x128xf32, #tpu.memory_space<vmem>>
      tpu.enqueue_dma source(%dma_start3A_56 : memref<104x128xf32, #tpu.memory_space<vmem>>) target(%dma_start3A_53 : memref<104x128xf32, #tpu.memory_space<vmem_shared>>) target_semaphore(%run_scoped3A : memref<!tpu.dma_semaphore, #tpu.memory_space<semaphore_mem>>)
      %dma_wait3A = arith.constant 0 : i32
      %dma_wait3A_57 = arith.constant 0 : i32
      %dma_wait3A_58 = tpu.memref_slice %arg8[%dma_wait3A, %dma_wait3A_57] : memref<125x128xf32, #tpu.memory_space<vmem>> -> memref<104x128xf32, #tpu.memory_space<vmem>>
      %dma_wait3A_59 = arith.constant 0 : i32
      %dma_wait3A_60 = tpu.memref_slice %arg9[%add3A_25, %dma_wait3A_59] : memref<10000x128xf32, #tpu.memory_space<vmem_shared>> -> memref<104x128xf32, #tpu.memory_space<vmem_shared>>
      %dma_wait3A_61 = arith.constant 0 : i32
      %dma_wait3A_62 = tpu.memref_slice %arg9[%add3A_25, %dma_wait3A_61] : memref<10000x128xf32, #tpu.memory_space<vmem_shared>> -> memref<104x128xf32, #tpu.memory_space<vmem_shared>>
      %dma_wait3A_63 = arith.constant 0 : i32
      %dma_wait3A_64 = arith.constant 0 : i32
      %dma_wait3A_65 = tpu.memref_slice %arg8[%dma_wait3A_63, %dma_wait3A_64] : memref<125x128xf32, #tpu.memory_space<vmem>> -> memref<104x128xf32, #tpu.memory_space<vmem>>
      tpu.wait_dma2 semaphore(%run_scoped3A : memref<!tpu.dma_semaphore, #tpu.memory_space<semaphore_mem>>) src(%dma_wait3A_65 : memref<104x128xf32, #tpu.memory_space<vmem>>) dst(%dma_wait3A_62 : memref<104x128xf32, #tpu.memory_space<vmem_shared>>)
      tpu.yield
    }) : () -> ()
    %mul3A_26 = arith.constant 624 : i32
    %mul3A_27 = arith.muli %arg1, %mul3A_26 : i32
    %add3A_28 = arith.constant 520 : i32
    %add3A_29 = arith.addi %mul3A_27, %add3A_28 : i32
    "tpu.region"() ({
      %run_scoped3A = tpu.sem_alloc : memref<!tpu.dma_semaphore, #tpu.memory_space<semaphore_mem>>
      %dma_start3A = arith.constant 0 : i32
      %dma_start3A_48 = arith.constant 0 : i32
      %dma_start3A_49 = tpu.memref_slice %arg8[%dma_start3A, %dma_start3A_48] : memref<125x128xf32, #tpu.memory_space<vmem>> -> memref<104x128xf32, #tpu.memory_space<vmem>>
      %dma_start3A_50 = arith.constant 0 : i32
      %dma_start3A_51 = tpu.memref_slice %arg9[%add3A_29, %dma_start3A_50] : memref<10000x128xf32, #tpu.memory_space<vmem_shared>> -> memref<104x128xf32, #tpu.memory_space<vmem_shared>>
      %dma_start3A_52 = arith.constant 0 : i32
      %dma_start3A_53 = tpu.memref_slice %arg9[%add3A_29, %dma_start3A_52] : memref<10000x128xf32, #tpu.memory_space<vmem_shared>> -> memref<104x128xf32, #tpu.memory_space<vmem_shared>>
      %dma_start3A_54 = arith.constant 0 : i32
      %dma_start3A_55 = arith.constant 0 : i32
      %dma_start3A_56 = tpu.memref_slice %arg8[%dma_start3A_54, %dma_start3A_55] : memref<125x128xf32, #tpu.memory_space<vmem>> -> memref<104x128xf32, #tpu.memory_space<vmem>>
      tpu.enqueue_dma source(%dma_start3A_56 : memref<104x128xf32, #tpu.memory_space<vmem>>) target(%dma_start3A_53 : memref<104x128xf32, #tpu.memory_space<vmem_shared>>) target_semaphore(%run_scoped3A : memref<!tpu.dma_semaphore, #tpu.memory_space<semaphore_mem>>)
      %dma_wait3A = arith.constant 0 : i32
      %dma_wait3A_57 = arith.constant 0 : i32
      %dma_wait3A_58 = tpu.memref_slice %arg8[%dma_wait3A, %dma_wait3A_57] : memref<125x128xf32, #tpu.memory_space<vmem>> -> memref<104x128xf32, #tpu.memory_space<vmem>>
      %dma_wait3A_59 = arith.constant 0 : i32
      %dma_wait3A_60 = tpu.memref_slice %arg9[%add3A_29, %dma_wait3A_59] : memref<10000x128xf32, #tpu.memory_space<vmem_shared>> -> memref<104x128xf32, #tpu.memory_space<vmem_shared>>
      %dma_wait3A_61 = arith.constant 0 : i32
      %dma_wait3A_62 = tpu.memref_slice %arg9[%add3A_29, %dma_wait3A_61] : memref<10000x128xf32, #tpu.memory_space<vmem_shared>> -> memref<104x128xf32, #tpu.memory_space<vmem_shared>>
      %dma_wait3A_63 = arith.constant 0 : i32
      %dma_wait3A_64 = arith.constant 0 : i32
      %dma_wait3A_65 = tpu.memref_slice %arg8[%dma_wait3A_63, %dma_wait3A_64] : memref<125x128xf32, #tpu.memory_space<vmem>> -> memref<104x128xf32, #tpu.memory_space<vmem>>
      tpu.wait_dma2 semaphore(%run_scoped3A : memref<!tpu.dma_semaphore, #tpu.memory_space<semaphore_mem>>) src(%dma_wait3A_65 : memref<104x128xf32, #tpu.memory_space<vmem>>) dst(%dma_wait3A_62 : memref<104x128xf32, #tpu.memory_space<vmem_shared>>)
      tpu.yield
    }) : () -> ()
    %eq3A = arith.constant 15 : i32
    %eq3A_30 = arith.cmpi eq, %arg1, %eq3A : i32
    %convert_element_type3A = arith.extui %eq3A_30 : i1 to i32
    %cond3A = arith.constant 0 : i32
    %cond3A_31 = arith.cmpi ne, %convert_element_type3A, %cond3A : i32
    scf.if %cond3A_31 {
      "tpu.region"() ({
        %run_scoped3A = tpu.sem_alloc : memref<!tpu.dma_semaphore, #tpu.memory_space<semaphore_mem>>
        %dma_start3A = arith.constant 0 : i32
        %dma_start3A_48 = arith.constant 0 : i32
        %dma_start3A_49 = tpu.memref_slice %arg8[%dma_start3A, %dma_start3A_48] : memref<125x128xf32, #tpu.memory_space<vmem>> -> memref<16x128xf32, #tpu.memory_space<vmem>>
        %dma_start3A_50 = arith.constant 9984 : i32
        %dma_start3A_51 = arith.constant 0 : i32
        %dma_start3A_52 = tpu.memref_slice %arg9[%dma_start3A_50, %dma_start3A_51] : memref<10000x128xf32, #tpu.memory_space<vmem_shared>> -> memref<16x128xf32, #tpu.memory_space<vmem_shared>>
        %dma_start3A_53 = arith.constant 9984 : i32
        %dma_start3A_54 = arith.constant 0 : i32
        %dma_start3A_55 = tpu.memref_slice %arg9[%dma_start3A_53, %dma_start3A_54] : memref<10000x128xf32, #tpu.memory_space<vmem_shared>> -> memref<16x128xf32, #tpu.memory_space<vmem_shared>>
        %dma_start3A_56 = arith.constant 0 : i32
        %dma_start3A_57 = arith.constant 0 : i32
        %dma_start3A_58 = tpu.memref_slice %arg8[%dma_start3A_56, %dma_start3A_57] : memref<125x128xf32, #tpu.memory_space<vmem>> -> memref<16x128xf32, #tpu.memory_space<vmem>>
        tpu.enqueue_dma source(%dma_start3A_58 : memref<16x128xf32, #tpu.memory_space<vmem>>) target(%dma_start3A_55 : memref<16x128xf32, #tpu.memory_space<vmem_shared>>) target_semaphore(%run_scoped3A : memref<!tpu.dma_semaphore, #tpu.memory_space<semaphore_mem>>)
        %dma_wait3A = arith.constant 0 : i32
        %dma_wait3A_59 = arith.constant 0 : i32
        %dma_wait3A_60 = tpu.memref_slice %arg8[%dma_wait3A, %dma_wait3A_59] : memref<125x128xf32, #tpu.memory_space<vmem>> -> memref<16x128xf32, #tpu.memory_space<vmem>>
        %dma_wait3A_61 = arith.constant 9984 : i32
        %dma_wait3A_62 = arith.constant 0 : i32
        %dma_wait3A_63 = tpu.memref_slice %arg9[%dma_wait3A_61, %dma_wait3A_62] : memref<10000x128xf32, #tpu.memory_space<vmem_shared>> -> memref<16x128xf32, #tpu.memory_space<vmem_shared>>
        %dma_wait3A_64 = arith.constant 9984 : i32
        %dma_wait3A_65 = arith.constant 0 : i32
        %dma_wait3A_66 = tpu.memref_slice %arg9[%dma_wait3A_64, %dma_wait3A_65] : memref<10000x128xf32, #tpu.memory_space<vmem_shared>> -> memref<16x128xf32, #tpu.memory_space<vmem_shared>>
        %dma_wait3A_67 = arith.constant 0 : i32
        %dma_wait3A_68 = arith.constant 0 : i32
        %dma_wait3A_69 = tpu.memref_slice %arg8[%dma_wait3A_67, %dma_wait3A_68] : memref<125x128xf32, #tpu.memory_space<vmem>> -> memref<16x128xf32, #tpu.memory_space<vmem>>
        tpu.wait_dma2 semaphore(%run_scoped3A : memref<!tpu.dma_semaphore, #tpu.memory_space<semaphore_mem>>) src(%dma_wait3A_69 : memref<16x128xf32, #tpu.memory_space<vmem>>) dst(%dma_wait3A_66 : memref<16x128xf32, #tpu.memory_space<vmem_shared>>)
        tpu.yield
      }) : () -> ()
    } else {
    }
    "tpu.region"() ({
      %run_scoped3A = tpu.sem_alloc : memref<!tpu.dma_semaphore, #tpu.memory_space<semaphore_mem>>
      %dma_start3A = arith.constant 0 : i32
      %dma_start3A_48 = arith.constant 0 : i32
      %dma_start3A_49 = tpu.memref_slice %arg3[%add3A, %dma_start3A, %dma_start3A_48] : memref<32x80x125xi32, #tpu.memory_space<hbm>> -> memref<1x80x125xi32, #tpu.memory_space<hbm>>
      %dma_start3A_50 = tpu.memref_squeeze %dma_start3A_49 : memref<1x80x125xi32, #tpu.memory_space<hbm>> -> memref<80x125xi32, #tpu.memory_space<hbm>>
      %dma_start3A_51 = arith.constant 0 : i32
      %dma_start3A_52 = arith.constant 0 : i32
      %dma_start3A_53 = tpu.memref_slice %arg3[%add3A, %dma_start3A_51, %dma_start3A_52] : memref<32x80x125xi32, #tpu.memory_space<hbm>> -> memref<1x80x125xi32, #tpu.memory_space<hbm>>
      %dma_start3A_54 = tpu.memref_squeeze %dma_start3A_53 : memref<1x80x125xi32, #tpu.memory_space<hbm>> -> memref<80x125xi32, #tpu.memory_space<hbm>>
      tpu.enqueue_dma source(%dma_start3A_54 : memref<80x125xi32, #tpu.memory_space<hbm>>) target(%arg6 : memref<80x125xi32, #tpu.memory_space<vmem>>) target_semaphore(%run_scoped3A : memref<!tpu.dma_semaphore, #tpu.memory_space<semaphore_mem>>)
      %dma_wait3A = arith.constant 0 : i32
      %dma_wait3A_55 = arith.constant 0 : i32
      %dma_wait3A_56 = tpu.memref_slice %arg3[%add3A, %dma_wait3A, %dma_wait3A_55] : memref<32x80x125xi32, #tpu.memory_space<hbm>> -> memref<1x80x125xi32, #tpu.memory_space<hbm>>
      %dma_wait3A_57 = tpu.memref_squeeze %dma_wait3A_56 : memref<1x80x125xi32, #tpu.memory_space<hbm>> -> memref<80x125xi32, #tpu.memory_space<hbm>>
      %dma_wait3A_58 = arith.constant 0 : i32
      %dma_wait3A_59 = arith.constant 0 : i32
      %dma_wait3A_60 = tpu.memref_slice %arg3[%add3A, %dma_wait3A_58, %dma_wait3A_59] : memref<32x80x125xi32, #tpu.memory_space<hbm>> -> memref<1x80x125xi32, #tpu.memory_space<hbm>>
      %dma_wait3A_61 = tpu.memref_squeeze %dma_wait3A_60 : memref<1x80x125xi32, #tpu.memory_space<hbm>> -> memref<80x125xi32, #tpu.memory_space<hbm>>
      tpu.wait_dma2 semaphore(%run_scoped3A : memref<!tpu.dma_semaphore, #tpu.memory_space<semaphore_mem>>) src(%dma_wait3A_61 : memref<80x125xi32, #tpu.memory_space<hbm>>) dst(%arg6 : memref<80x125xi32, #tpu.memory_space<vmem>>)
      tpu.yield
    }) : () -> ()
    "tpu.region"() ({
      %run_scoped3A = tpu.sem_alloc : memref<!tpu.dma_semaphore, #tpu.memory_space<semaphore_mem>>
      %dma_start3A = arith.constant 0 : i32
      %dma_start3A_48 = arith.constant 0 : i32
      %dma_start3A_49 = tpu.memref_slice %arg4[%add3A, %dma_start3A, %dma_start3A_48] : memref<32x80x125xi32, #tpu.memory_space<hbm>> -> memref<1x80x125xi32, #tpu.memory_space<hbm>>
      %dma_start3A_50 = tpu.memref_squeeze %dma_start3A_49 : memref<1x80x125xi32, #tpu.memory_space<hbm>> -> memref<80x125xi32, #tpu.memory_space<hbm>>
      %dma_start3A_51 = arith.constant 0 : i32
      %dma_start3A_52 = arith.constant 0 : i32
      %dma_start3A_53 = tpu.memref_slice %arg4[%add3A, %dma_start3A_51, %dma_start3A_52] : memref<32x80x125xi32, #tpu.memory_space<hbm>> -> memref<1x80x125xi32, #tpu.memory_space<hbm>>
      %dma_start3A_54 = tpu.memref_squeeze %dma_start3A_53 : memref<1x80x125xi32, #tpu.memory_space<hbm>> -> memref<80x125xi32, #tpu.memory_space<hbm>>
      tpu.enqueue_dma source(%dma_start3A_54 : memref<80x125xi32, #tpu.memory_space<hbm>>) target(%arg7 : memref<80x125xi32, #tpu.memory_space<vmem>>) target_semaphore(%run_scoped3A : memref<!tpu.dma_semaphore, #tpu.memory_space<semaphore_mem>>)
      %dma_wait3A = arith.constant 0 : i32
      %dma_wait3A_55 = arith.constant 0 : i32
      %dma_wait3A_56 = tpu.memref_slice %arg4[%add3A, %dma_wait3A, %dma_wait3A_55] : memref<32x80x125xi32, #tpu.memory_space<hbm>> -> memref<1x80x125xi32, #tpu.memory_space<hbm>>
      %dma_wait3A_57 = tpu.memref_squeeze %dma_wait3A_56 : memref<1x80x125xi32, #tpu.memory_space<hbm>> -> memref<80x125xi32, #tpu.memory_space<hbm>>
      %dma_wait3A_58 = arith.constant 0 : i32
      %dma_wait3A_59 = arith.constant 0 : i32
      %dma_wait3A_60 = tpu.memref_slice %arg4[%add3A, %dma_wait3A_58, %dma_wait3A_59] : memref<32x80x125xi32, #tpu.memory_space<hbm>> -> memref<1x80x125xi32, #tpu.memory_space<hbm>>
      %dma_wait3A_61 = tpu.memref_squeeze %dma_wait3A_60 : memref<1x80x125xi32, #tpu.memory_space<hbm>> -> memref<80x125xi32, #tpu.memory_space<hbm>>
      tpu.wait_dma2 semaphore(%run_scoped3A : memref<!tpu.dma_semaphore, #tpu.memory_space<semaphore_mem>>) src(%dma_wait3A_61 : memref<80x125xi32, #tpu.memory_space<hbm>>) dst(%arg7 : memref<80x125xi32, #tpu.memory_space<vmem>>)
      tpu.yield
    }) : () -> ()
    %barrier3A = arith.constant 0 : index
    tpu.barrier barrier_id(%barrier3A)
    %scan3A_32 = arith.constant 0 : i32
    %scan3A_33 = arith.constant 0 : i32
    %scan3A_34 = arith.constant 80 : i32
    %scan3A_35 = arith.addi %scan3A_33, %scan3A_34 : i32
    %scan3A_36 = arith.constant 1 : i32
    scf.for %scan3A_48 = %scan3A_33 to %scan3A_35 step %scan3A_36  : i32 {
      %dma_start3A = arith.constant 0 : i32
      %dma_start3A_49 = tpu.memref_slice %arg6[%scan3A_48, %dma_start3A] : memref<80x125xi32, #tpu.memory_space<vmem>> -> memref<1x125xi32, #tpu.memory_space<vmem>>
      %dma_start3A_50 = tpu.memref_squeeze %dma_start3A_49 : memref<1x125xi32, #tpu.memory_space<vmem>> -> memref<125xi32, #tpu.memory_space<vmem>>
      %dma_start3A_51 = arith.constant 0 : i32
      %dma_start3A_52 = arith.constant 0 : i32
      %dma_start3A_53 = tpu.memref_slice %arg2[%dma_start3A_51, %dma_start3A_52] : memref<10000x128xf32, #tpu.memory_space<hbm>> -> memref<10000x128xf32, #tpu.memory_space<hbm>>
      tpu.enqueue_indirect_dma source(%dma_start3A_53 : memref<10000x128xf32, #tpu.memory_space<hbm>>) target(%arg8 : memref<125x128xf32, #tpu.memory_space<vmem>>) offsets(%dma_start3A_50 : memref<125xi32, #tpu.memory_space<vmem>>) semaphore(%arg10 : memref<!tpu.dma_semaphore, #tpu.memory_space<semaphore_mem>>)
      %dma_wait3A = arith.constant 0 : i32
      %dma_wait3A_54 = tpu.memref_slice %arg6[%scan3A_48, %dma_wait3A] : memref<80x125xi32, #tpu.memory_space<vmem>> -> memref<1x125xi32, #tpu.memory_space<vmem>>
      %dma_wait3A_55 = tpu.memref_squeeze %dma_wait3A_54 : memref<1x125xi32, #tpu.memory_space<vmem>> -> memref<125xi32, #tpu.memory_space<vmem>>
      %dma_wait3A_56 = arith.constant 0 : i32
      %dma_wait3A_57 = arith.constant 0 : i32
      %dma_wait3A_58 = tpu.memref_slice %arg2[%dma_wait3A_56, %dma_wait3A_57] : memref<10000x128xf32, #tpu.memory_space<hbm>> -> memref<10000x128xf32, #tpu.memory_space<hbm>>
      tpu.wait_indirect_dma semaphore(%arg10 : memref<!tpu.dma_semaphore, #tpu.memory_space<semaphore_mem>>) src(%dma_wait3A_58 : memref<10000x128xf32, #tpu.memory_space<hbm>>) dst(%arg8 : memref<125x128xf32, #tpu.memory_space<vmem>>)
      "tpu.region"() ({
        %run_scoped3A = tpu.sem_alloc : memref<!tpu.dma_semaphore, #tpu.memory_space<semaphore_mem>>
        %dma_start3A_59 = arith.constant 0 : i32
        %dma_start3A_60 = tpu.memref_slice %arg7[%scan3A_48, %dma_start3A_59] : memref<80x125xi32, #tpu.memory_space<vmem>> -> memref<1x125xi32, #tpu.memory_space<vmem>>
        %dma_start3A_61 = tpu.memref_squeeze %dma_start3A_60 : memref<1x125xi32, #tpu.memory_space<vmem>> -> memref<125xi32, #tpu.memory_space<vmem>>
        %dma_start3A_62 = arith.constant 0 : i32
        %dma_start3A_63 = arith.constant 0 : i32
        %dma_start3A_64 = tpu.memref_slice %arg9[%dma_start3A_62, %dma_start3A_63] : memref<10000x128xf32, #tpu.memory_space<vmem_shared>> -> memref<10000x128xf32, #tpu.memory_space<vmem_shared>>
        tpu.enqueue_indirect_dma source(%arg8 : memref<125x128xf32, #tpu.memory_space<vmem>>) target(%dma_start3A_64 : memref<10000x128xf32, #tpu.memory_space<vmem_shared>>) offsets(%dma_start3A_61 : memref<125xi32, #tpu.memory_space<vmem>>) semaphore(%run_scoped3A : memref<!tpu.dma_semaphore, #tpu.memory_space<semaphore_mem>>) {add = true}
        %dma_wait3A_65 = arith.constant 0 : i32
        %dma_wait3A_66 = tpu.memref_slice %arg7[%scan3A_48, %dma_wait3A_65] : memref<80x125xi32, #tpu.memory_space<vmem>> -> memref<1x125xi32, #tpu.memory_space<vmem>>
        %dma_wait3A_67 = tpu.memref_squeeze %dma_wait3A_66 : memref<1x125xi32, #tpu.memory_space<vmem>> -> memref<125xi32, #tpu.memory_space<vmem>>
        %dma_wait3A_68 = arith.constant 0 : i32
        %dma_wait3A_69 = arith.constant 0 : i32
        %dma_wait3A_70 = tpu.memref_slice %arg9[%dma_wait3A_68, %dma_wait3A_69] : memref<10000x128xf32, #tpu.memory_space<vmem_shared>> -> memref<10000x128xf32, #tpu.memory_space<vmem_shared>>
        tpu.wait_indirect_dma semaphore(%run_scoped3A : memref<!tpu.dma_semaphore, #tpu.memory_space<semaphore_mem>>) src(%arg8 : memref<125x128xf32, #tpu.memory_space<vmem>>) dst(%dma_wait3A_70 : memref<10000x128xf32, #tpu.memory_space<vmem_shared>>)
        tpu.yield
      }) : () -> ()
    }
    %scan3A_37 = arith.constant 80 : i32
    %barrier3A_38 = arith.constant 0 : index
    tpu.barrier barrier_id(%barrier3A_38)
    %mul3A_39 = arith.constant 624 : i32
    %mul3A_40 = arith.muli %arg1, %mul3A_39 : i32
    %mul3A_41 = arith.constant 624 : i32
    %mul3A_42 = arith.muli %arg1, %mul3A_41 : i32
    "tpu.region"() ({
      %run_scoped3A = tpu.sem_alloc : memref<!tpu.dma_semaphore, #tpu.memory_space<semaphore_mem>>
      %dma_start3A = arith.constant 0 : i32
      %dma_start3A_48 = tpu.memref_slice %arg5[%arg0, %mul3A_42, %dma_start3A] : memref<2x10000x128xf32, #tpu.memory_space<hbm>> -> memref<1x624x128xf32, #tpu.memory_space<hbm>>
      %dma_start3A_49 = tpu.memref_squeeze %dma_start3A_48 : memref<1x624x128xf32, #tpu.memory_space<hbm>> -> memref<624x128xf32, #tpu.memory_space<hbm>>
      %dma_start3A_50 = arith.constant 0 : i32
      %dma_start3A_51 = tpu.memref_slice %arg9[%mul3A_40, %dma_start3A_50] : memref<10000x128xf32, #tpu.memory_space<vmem_shared>> -> memref<624x128xf32, #tpu.memory_space<vmem_shared>>
      tpu.enqueue_dma source(%dma_start3A_51 : memref<624x128xf32, #tpu.memory_space<vmem_shared>>) target(%dma_start3A_49 : memref<624x128xf32, #tpu.memory_space<hbm>>) target_semaphore(%run_scoped3A : memref<!tpu.dma_semaphore, #tpu.memory_space<semaphore_mem>>)
      %dma_wait3A = arith.constant 0 : i32
      %dma_wait3A_52 = tpu.memref_slice %arg5[%arg0, %mul3A_42, %dma_wait3A] : memref<2x10000x128xf32, #tpu.memory_space<hbm>> -> memref<1x624x128xf32, #tpu.memory_space<hbm>>
      %dma_wait3A_53 = tpu.memref_squeeze %dma_wait3A_52 : memref<1x624x128xf32, #tpu.memory_space<hbm>> -> memref<624x128xf32, #tpu.memory_space<hbm>>
      %dma_wait3A_54 = arith.constant 0 : i32
      %dma_wait3A_55 = tpu.memref_slice %arg9[%mul3A_40, %dma_wait3A_54] : memref<10000x128xf32, #tpu.memory_space<vmem_shared>> -> memref<624x128xf32, #tpu.memory_space<vmem_shared>>
      tpu.wait_dma2 semaphore(%run_scoped3A : memref<!tpu.dma_semaphore, #tpu.memory_space<semaphore_mem>>) src(%dma_wait3A_55 : memref<624x128xf32, #tpu.memory_space<vmem_shared>>) dst(%dma_wait3A_53 : memref<624x128xf32, #tpu.memory_space<hbm>>)
      tpu.yield
    }) : () -> ()
    %eq3A_43 = arith.constant 15 : i32
    %eq3A_44 = arith.cmpi eq, %arg1, %eq3A_43 : i32
    %convert_element_type3A_45 = arith.extui %eq3A_44 : i1 to i32
    %cond3A_46 = arith.constant 0 : i32
    %cond3A_47 = arith.cmpi ne, %convert_element_type3A_45, %cond3A_46 : i32
    scf.if %cond3A_47 {
      "tpu.region"() ({
        %run_scoped3A = tpu.sem_alloc : memref<!tpu.dma_semaphore, #tpu.memory_space<semaphore_mem>>
        %dma_start3A = arith.constant 9984 : i32
        %dma_start3A_48 = arith.constant 0 : i32
        %dma_start3A_49 = tpu.memref_slice %arg5[%arg0, %dma_start3A, %dma_start3A_48] : memref<2x10000x128xf32, #tpu.memory_space<hbm>> -> memref<1x16x128xf32, #tpu.memory_space<hbm>>
        %dma_start3A_50 = tpu.memref_squeeze %dma_start3A_49 : memref<1x16x128xf32, #tpu.memory_space<hbm>> -> memref<16x128xf32, #tpu.memory_space<hbm>>
        %dma_start3A_51 = arith.constant 9984 : i32
        %dma_start3A_52 = arith.constant 0 : i32
        %dma_start3A_53 = tpu.memref_slice %arg9[%dma_start3A_51, %dma_start3A_52] : memref<10000x128xf32, #tpu.memory_space<vmem_shared>> -> memref<16x128xf32, #tpu.memory_space<vmem_shared>>
        tpu.enqueue_dma source(%dma_start3A_53 : memref<16x128xf32, #tpu.memory_space<vmem_shared>>) target(%dma_start3A_50 : memref<16x128xf32, #tpu.memory_space<hbm>>) target_semaphore(%run_scoped3A : memref<!tpu.dma_semaphore, #tpu.memory_space<semaphore_mem>>)
        %dma_wait3A = arith.constant 9984 : i32
        %dma_wait3A_54 = arith.constant 0 : i32
        %dma_wait3A_55 = tpu.memref_slice %arg5[%arg0, %dma_wait3A, %dma_wait3A_54] : memref<2x10000x128xf32, #tpu.memory_space<hbm>> -> memref<1x16x128xf32, #tpu.memory_space<hbm>>
        %dma_wait3A_56 = tpu.memref_squeeze %dma_wait3A_55 : memref<1x16x128xf32, #tpu.memory_space<hbm>> -> memref<16x128xf32, #tpu.memory_space<hbm>>
        %dma_wait3A_57 = arith.constant 9984 : i32
        %dma_wait3A_58 = arith.constant 0 : i32
        %dma_wait3A_59 = tpu.memref_slice %arg9[%dma_wait3A_57, %dma_wait3A_58] : memref<10000x128xf32, #tpu.memory_space<vmem_shared>> -> memref<16x128xf32, #tpu.memory_space<vmem_shared>>
        tpu.wait_dma2 semaphore(%run_scoped3A : memref<!tpu.dma_semaphore, #tpu.memory_space<semaphore_mem>>) src(%dma_wait3A_59 : memref<16x128xf32, #tpu.memory_space<vmem_shared>>) dst(%dma_wait3A_56 : memref<16x128xf32, #tpu.memory_space<hbm>>)
        tpu.yield
      }) : () -> ()
    } else {
    }
    return
  }
}

#map = affine_map<(d0, d1) -> (0, 0)>
#map1 = affine_map<(d0, d1) -> (0, 0, 0)>
module attributes {stable_mosaic.version = 14 : i64} {
  func.func @_sc_agg_body(%arg0: i32, %arg1: i32, %arg2: memref<10000x128xf32, #tpu.memory_space<hbm>>, %arg3: memref<32x80x125xi32, #tpu.memory_space<hbm>>, %arg4: memref<32x80x125xi32, #tpu.memory_space<hbm>>, %arg5: memref<2x10000x128xf32, #tpu.memory_space<hbm>>, %arg6: memref<80x125xi32, #tpu.memory_space<vmem>>, %arg7: memref<80x125xi32, #tpu.memory_space<vmem>>, %arg8: memref<125x128xf32, #tpu.memory_space<vmem>>, %arg9: memref<10000x128xf32, #tpu.memory_space<vmem_shared>>, %arg10: memref<!tpu.dma_semaphore, #tpu.memory_space<semaphore_mem>>) attributes {dimension_semantics = [#tpu.dimension_semantics<core_parallel>, #tpu.dimension_semantics<subcore_parallel>], iteration_bounds = array<i64: 2, 16>, scalar_prefetch = 0 : i64, scratch_operands = 5 : i64, tpu.core_type = #tpu.core_type<sc_vector_subcore>, window_params = [{transform_indices = #map}, {transform_indices = #map1}, {transform_indices = #map1}, {transform_indices = #map1}]} {
    %mul3A = arith.constant 16 : i32
    %mul3A_0 = arith.muli %arg0, %mul3A : i32
    %add3A = arith.addi %mul3A_0, %arg1 : i32
    %scan3A = arith.constant 0 : i32
    %scan3A_1 = arith.constant 0 : i32
    %scan3A_2 = arith.constant 104 : i32
    %scan3A_3 = arith.addi %scan3A_1, %scan3A_2 : i32
    %scan3A_4 = arith.constant 1 : i32
    scf.for %scan3A_48 = %scan3A_1 to %scan3A_3 step %scan3A_4  : i32 {
      %broadcast_in_dim3A = arith.constant 0.000000e+00 : f32
      %broadcast_in_dim3A_49 = vector.broadcast %broadcast_in_dim3A : f32 to vector<16xf32>
      %swap3A = arith.index_cast %scan3A_48 : i32 to index
      %swap3A_50 = arith.constant 0 : index
      %swap3A_51 = tpu.vector_load %arg8[%swap3A, %swap3A_50] {strides = array<i32>} : memref<125x128xf32, #tpu.memory_space<vmem>>, vector<1x16xf32>,
      %swap3A_52 = vector.shape_cast %swap3A_51 : vector<1x16xf32> to vector<16xf32>
      %swap3A_53 = vector.shape_cast %broadcast_in_dim3A_49 : vector<16xf32> to vector<1x16xf32>
      tpu.vector_store %arg8[%swap3A, %swap3A_50], %swap3A_53 {strides = array<i32>} : memref<125x128xf32, #tpu.memory_space<vmem>>, vector<1x16xf32>,
      %broadcast_in_dim3A_54 = arith.constant 0.000000e+00 : f32
      %broadcast_in_dim3A_55 = vector.broadcast %broadcast_in_dim3A_54 : f32 to vector<16xf32>
      %swap3A_56 = arith.index_cast %scan3A_48 : i32 to index
      %swap3A_57 = arith.constant 16 : index
      %swap3A_58 = tpu.vector_load %arg8[%swap3A_56, %swap3A_57] {strides = array<i32>} : memref<125x128xf32, #tpu.memory_space<vmem>>, vector<1x16xf32>,
      %swap3A_59 = vector.shape_cast %swap3A_58 : vector<1x16xf32> to vector<16xf32>
      %swap3A_60 = vector.shape_cast %broadcast_in_dim3A_55 : vector<16xf32> to vector<1x16xf32>
      tpu.vector_store %arg8[%swap3A_56, %swap3A_57], %swap3A_60 {strides = array<i32>} : memref<125x128xf32, #tpu.memory_space<vmem>>, vector<1x16xf32>,
      %broadcast_in_dim3A_61 = arith.constant 0.000000e+00 : f32
      %broadcast_in_dim3A_62 = vector.broadcast %broadcast_in_dim3A_61 : f32 to vector<16xf32>
      %swap3A_63 = arith.index_cast %scan3A_48 : i32 to index
      %swap3A_64 = arith.constant 32 : index
      %swap3A_65 = tpu.vector_load %arg8[%swap3A_63, %swap3A_64] {strides = array<i32>} : memref<125x128xf32, #tpu.memory_space<vmem>>, vector<1x16xf32>,
      %swap3A_66 = vector.shape_cast %swap3A_65 : vector<1x16xf32> to vector<16xf32>
      %swap3A_67 = vector.shape_cast %broadcast_in_dim3A_62 : vector<16xf32> to vector<1x16xf32>
      tpu.vector_store %arg8[%swap3A_63, %swap3A_64], %swap3A_67 {strides = array<i32>} : memref<125x128xf32, #tpu.memory_space<vmem>>, vector<1x16xf32>,
      %broadcast_in_dim3A_68 = arith.constant 0.000000e+00 : f32
      %broadcast_in_dim3A_69 = vector.broadcast %broadcast_in_dim3A_68 : f32 to vector<16xf32>
      %swap3A_70 = arith.index_cast %scan3A_48 : i32 to index
      %swap3A_71 = arith.constant 48 : index
      %swap3A_72 = tpu.vector_load %arg8[%swap3A_70, %swap3A_71] {strides = array<i32>} : memref<125x128xf32, #tpu.memory_space<vmem>>, vector<1x16xf32>,
      %swap3A_73 = vector.shape_cast %swap3A_72 : vector<1x16xf32> to vector<16xf32>
      %swap3A_74 = vector.shape_cast %broadcast_in_dim3A_69 : vector<16xf32> to vector<1x16xf32>
      tpu.vector_store %arg8[%swap3A_70, %swap3A_71], %swap3A_74 {strides = array<i32>} : memref<125x128xf32, #tpu.memory_space<vmem>>, vector<1x16xf32>,
      %broadcast_in_dim3A_75 = arith.constant 0.000000e+00 : f32
      %broadcast_in_dim3A_76 = vector.broadcast %broadcast_in_dim3A_75 : f32 to vector<16xf32>
      %swap3A_77 = arith.index_cast %scan3A_48 : i32 to index
      %swap3A_78 = arith.constant 64 : index
      %swap3A_79 = tpu.vector_load %arg8[%swap3A_77, %swap3A_78] {strides = array<i32>} : memref<125x128xf32, #tpu.memory_space<vmem>>, vector<1x16xf32>,
      %swap3A_80 = vector.shape_cast %swap3A_79 : vector<1x16xf32> to vector<16xf32>
      %swap3A_81 = vector.shape_cast %broadcast_in_dim3A_76 : vector<16xf32> to vector<1x16xf32>
      tpu.vector_store %arg8[%swap3A_77, %swap3A_78], %swap3A_81 {strides = array<i32>} : memref<125x128xf32, #tpu.memory_space<vmem>>, vector<1x16xf32>,
      %broadcast_in_dim3A_82 = arith.constant 0.000000e+00 : f32
      %broadcast_in_dim3A_83 = vector.broadcast %broadcast_in_dim3A_82 : f32 to vector<16xf32>
      %swap3A_84 = arith.index_cast %scan3A_48 : i32 to index
      %swap3A_85 = arith.constant 80 : index
      %swap3A_86 = tpu.vector_load %arg8[%swap3A_84, %swap3A_85] {strides = array<i32>} : memref<125x128xf32, #tpu.memory_space<vmem>>, vector<1x16xf32>,
      %swap3A_87 = vector.shape_cast %swap3A_86 : vector<1x16xf32> to vector<16xf32>
      %swap3A_88 = vector.shape_cast %broadcast_in_dim3A_83 : vector<16xf32> to vector<1x16xf32>
      tpu.vector_store %arg8[%swap3A_84, %swap3A_85], %swap3A_88 {strides = array<i32>} : memref<125x128xf32, #tpu.memory_space<vmem>>, vector<1x16xf32>,
      %broadcast_in_dim3A_89 = arith.constant 0.000000e+00 : f32
      %broadcast_in_dim3A_90 = vector.broadcast %broadcast_in_dim3A_89 : f32 to vector<16xf32>
      %swap3A_91 = arith.index_cast %scan3A_48 : i32 to index
      %swap3A_92 = arith.constant 96 : index
      %swap3A_93 = tpu.vector_load %arg8[%swap3A_91, %swap3A_92] {strides = array<i32>} : memref<125x128xf32, #tpu.memory_space<vmem>>, vector<1x16xf32>,
      %swap3A_94 = vector.shape_cast %swap3A_93 : vector<1x16xf32> to vector<16xf32>
      %swap3A_95 = vector.shape_cast %broadcast_in_dim3A_90 : vector<16xf32> to vector<1x16xf32>
      tpu.vector_store %arg8[%swap3A_91, %swap3A_92], %swap3A_95 {strides = array<i32>} : memref<125x128xf32, #tpu.memory_space<vmem>>, vector<1x16xf32>,
      %broadcast_in_dim3A_96 = arith.constant 0.000000e+00 : f32
      %broadcast_in_dim3A_97 = vector.broadcast %broadcast_in_dim3A_96 : f32 to vector<16xf32>
      %swap3A_98 = arith.index_cast %scan3A_48 : i32 to index
      %swap3A_99 = arith.constant 112 : index
      %swap3A_100 = tpu.vector_load %arg8[%swap3A_98, %swap3A_99] {strides = array<i32>} : memref<125x128xf32, #tpu.memory_space<vmem>>, vector<1x16xf32>,
      %swap3A_101 = vector.shape_cast %swap3A_100 : vector<1x16xf32> to vector<16xf32>
      %swap3A_102 = vector.shape_cast %broadcast_in_dim3A_97 : vector<16xf32> to vector<1x16xf32>
      tpu.vector_store %arg8[%swap3A_98, %swap3A_99], %swap3A_102 {strides = array<i32>} : memref<125x128xf32, #tpu.memory_space<vmem>>, vector<1x16xf32>,
    }
    %scan3A_5 = arith.constant 104 : i32
    %mul3A_6 = arith.constant 624 : i32
    %mul3A_7 = arith.muli %arg1, %mul3A_6 : i32
    %add3A_8 = arith.constant 0 : i32
    %add3A_9 = arith.addi %mul3A_7, %add3A_8 : i32
    "tpu.region"() ({
      %run_scoped3A = tpu.sem_alloc : memref<!tpu.dma_semaphore, #tpu.memory_space<semaphore_mem>>
      %dma_start3A = arith.constant 0 : i32
      %dma_start3A_48 = arith.constant 0 : i32
      %dma_start3A_49 = tpu.memref_slice %arg8[%dma_start3A, %dma_start3A_48] : memref<125x128xf32, #tpu.memory_space<vmem>> -> memref<104x128xf32, #tpu.memory_space<vmem>>
      %dma_start3A_50 = arith.constant 0 : i32
      %dma_start3A_51 = tpu.memref_slice %arg9[%add3A_9, %dma_start3A_50] : memref<10000x128xf32, #tpu.memory_space<vmem_shared>> -> memref<104x128xf32, #tpu.memory_space<vmem_shared>>
      %dma_start3A_52 = arith.constant 0 : i32
      %dma_start3A_53 = tpu.memref_slice %arg9[%add3A_9, %dma_start3A_52] : memref<10000x128xf32, #tpu.memory_space<vmem_shared>> -> memref<104x128xf32, #tpu.memory_space<vmem_shared>>
      %dma_start3A_54 = arith.constant 0 : i32
      %dma_start3A_55 = arith.constant 0 : i32
      %dma_start3A_56 = tpu.memref_slice %arg8[%dma_start3A_54, %dma_start3A_55] : memref<125x128xf32, #tpu.memory_space<vmem>> -> memref<104x128xf32, #tpu.memory_space<vmem>>
      tpu.enqueue_dma source(%dma_start3A_56 : memref<104x128xf32, #tpu.memory_space<vmem>>) target(%dma_start3A_53 : memref<104x128xf32, #tpu.memory_space<vmem_shared>>) target_semaphore(%run_scoped3A : memref<!tpu.dma_semaphore, #tpu.memory_space<semaphore_mem>>)
      %dma_wait3A = arith.constant 0 : i32
      %dma_wait3A_57 = arith.constant 0 : i32
      %dma_wait3A_58 = tpu.memref_slice %arg8[%dma_wait3A, %dma_wait3A_57] : memref<125x128xf32, #tpu.memory_space<vmem>> -> memref<104x128xf32, #tpu.memory_space<vmem>>
      %dma_wait3A_59 = arith.constant 0 : i32
      %dma_wait3A_60 = tpu.memref_slice %arg9[%add3A_9, %dma_wait3A_59] : memref<10000x128xf32, #tpu.memory_space<vmem_shared>> -> memref<104x128xf32, #tpu.memory_space<vmem_shared>>
      %dma_wait3A_61 = arith.constant 0 : i32
      %dma_wait3A_62 = tpu.memref_slice %arg9[%add3A_9, %dma_wait3A_61] : memref<10000x128xf32, #tpu.memory_space<vmem_shared>> -> memref<104x128xf32, #tpu.memory_space<vmem_shared>>
      %dma_wait3A_63 = arith.constant 0 : i32
      %dma_wait3A_64 = arith.constant 0 : i32
      %dma_wait3A_65 = tpu.memref_slice %arg8[%dma_wait3A_63, %dma_wait3A_64] : memref<125x128xf32, #tpu.memory_space<vmem>> -> memref<104x128xf32, #tpu.memory_space<vmem>>
      tpu.wait_dma2 semaphore(%run_scoped3A : memref<!tpu.dma_semaphore, #tpu.memory_space<semaphore_mem>>) src(%dma_wait3A_65 : memref<104x128xf32, #tpu.memory_space<vmem>>) dst(%dma_wait3A_62 : memref<104x128xf32, #tpu.memory_space<vmem_shared>>)
      tpu.yield
    }) : () -> ()
    %mul3A_10 = arith.constant 624 : i32
    %mul3A_11 = arith.muli %arg1, %mul3A_10 : i32
    %add3A_12 = arith.constant 104 : i32
    %add3A_13 = arith.addi %mul3A_11, %add3A_12 : i32
    "tpu.region"() ({
      %run_scoped3A = tpu.sem_alloc : memref<!tpu.dma_semaphore, #tpu.memory_space<semaphore_mem>>
      %dma_start3A = arith.constant 0 : i32
      %dma_start3A_48 = arith.constant 0 : i32
      %dma_start3A_49 = tpu.memref_slice %arg8[%dma_start3A, %dma_start3A_48] : memref<125x128xf32, #tpu.memory_space<vmem>> -> memref<104x128xf32, #tpu.memory_space<vmem>>
      %dma_start3A_50 = arith.constant 0 : i32
      %dma_start3A_51 = tpu.memref_slice %arg9[%add3A_13, %dma_start3A_50] : memref<10000x128xf32, #tpu.memory_space<vmem_shared>> -> memref<104x128xf32, #tpu.memory_space<vmem_shared>>
      %dma_start3A_52 = arith.constant 0 : i32
      %dma_start3A_53 = tpu.memref_slice %arg9[%add3A_13, %dma_start3A_52] : memref<10000x128xf32, #tpu.memory_space<vmem_shared>> -> memref<104x128xf32, #tpu.memory_space<vmem_shared>>
      %dma_start3A_54 = arith.constant 0 : i32
      %dma_start3A_55 = arith.constant 0 : i32
      %dma_start3A_56 = tpu.memref_slice %arg8[%dma_start3A_54, %dma_start3A_55] : memref<125x128xf32, #tpu.memory_space<vmem>> -> memref<104x128xf32, #tpu.memory_space<vmem>>
      tpu.enqueue_dma source(%dma_start3A_56 : memref<104x128xf32, #tpu.memory_space<vmem>>) target(%dma_start3A_53 : memref<104x128xf32, #tpu.memory_space<vmem_shared>>) target_semaphore(%run_scoped3A : memref<!tpu.dma_semaphore, #tpu.memory_space<semaphore_mem>>)
      %dma_wait3A = arith.constant 0 : i32
      %dma_wait3A_57 = arith.constant 0 : i32
      %dma_wait3A_58 = tpu.memref_slice %arg8[%dma_wait3A, %dma_wait3A_57] : memref<125x128xf32, #tpu.memory_space<vmem>> -> memref<104x128xf32, #tpu.memory_space<vmem>>
      %dma_wait3A_59 = arith.constant 0 : i32
      %dma_wait3A_60 = tpu.memref_slice %arg9[%add3A_13, %dma_wait3A_59] : memref<10000x128xf32, #tpu.memory_space<vmem_shared>> -> memref<104x128xf32, #tpu.memory_space<vmem_shared>>
      %dma_wait3A_61 = arith.constant 0 : i32
      %dma_wait3A_62 = tpu.memref_slice %arg9[%add3A_13, %dma_wait3A_61] : memref<10000x128xf32, #tpu.memory_space<vmem_shared>> -> memref<104x128xf32, #tpu.memory_space<vmem_shared>>
      %dma_wait3A_63 = arith.constant 0 : i32
      %dma_wait3A_64 = arith.constant 0 : i32
      %dma_wait3A_65 = tpu.memref_slice %arg8[%dma_wait3A_63, %dma_wait3A_64] : memref<125x128xf32, #tpu.memory_space<vmem>> -> memref<104x128xf32, #tpu.memory_space<vmem>>
      tpu.wait_dma2 semaphore(%run_scoped3A : memref<!tpu.dma_semaphore, #tpu.memory_space<semaphore_mem>>) src(%dma_wait3A_65 : memref<104x128xf32, #tpu.memory_space<vmem>>) dst(%dma_wait3A_62 : memref<104x128xf32, #tpu.memory_space<vmem_shared>>)
      tpu.yield
    }) : () -> ()
    %mul3A_14 = arith.constant 624 : i32
    %mul3A_15 = arith.muli %arg1, %mul3A_14 : i32
    %add3A_16 = arith.constant 208 : i32
    %add3A_17 = arith.addi %mul3A_15, %add3A_16 : i32
    "tpu.region"() ({
      %run_scoped3A = tpu.sem_alloc : memref<!tpu.dma_semaphore, #tpu.memory_space<semaphore_mem>>
      %dma_start3A = arith.constant 0 : i32
      %dma_start3A_48 = arith.constant 0 : i32
      %dma_start3A_49 = tpu.memref_slice %arg8[%dma_start3A, %dma_start3A_48] : memref<125x128xf32, #tpu.memory_space<vmem>> -> memref<104x128xf32, #tpu.memory_space<vmem>>
      %dma_start3A_50 = arith.constant 0 : i32
      %dma_start3A_51 = tpu.memref_slice %arg9[%add3A_17, %dma_start3A_50] : memref<10000x128xf32, #tpu.memory_space<vmem_shared>> -> memref<104x128xf32, #tpu.memory_space<vmem_shared>>
      %dma_start3A_52 = arith.constant 0 : i32
      %dma_start3A_53 = tpu.memref_slice %arg9[%add3A_17, %dma_start3A_52] : memref<10000x128xf32, #tpu.memory_space<vmem_shared>> -> memref<104x128xf32, #tpu.memory_space<vmem_shared>>
      %dma_start3A_54 = arith.constant 0 : i32
      %dma_start3A_55 = arith.constant 0 : i32
      %dma_start3A_56 = tpu.memref_slice %arg8[%dma_start3A_54, %dma_start3A_55] : memref<125x128xf32, #tpu.memory_space<vmem>> -> memref<104x128xf32, #tpu.memory_space<vmem>>
      tpu.enqueue_dma source(%dma_start3A_56 : memref<104x128xf32, #tpu.memory_space<vmem>>) target(%dma_start3A_53 : memref<104x128xf32, #tpu.memory_space<vmem_shared>>) target_semaphore(%run_scoped3A : memref<!tpu.dma_semaphore, #tpu.memory_space<semaphore_mem>>)
      %dma_wait3A = arith.constant 0 : i32
      %dma_wait3A_57 = arith.constant 0 : i32
      %dma_wait3A_58 = tpu.memref_slice %arg8[%dma_wait3A, %dma_wait3A_57] : memref<125x128xf32, #tpu.memory_space<vmem>> -> memref<104x128xf32, #tpu.memory_space<vmem>>
      %dma_wait3A_59 = arith.constant 0 : i32
      %dma_wait3A_60 = tpu.memref_slice %arg9[%add3A_17, %dma_wait3A_59] : memref<10000x128xf32, #tpu.memory_space<vmem_shared>> -> memref<104x128xf32, #tpu.memory_space<vmem_shared>>
      %dma_wait3A_61 = arith.constant 0 : i32
      %dma_wait3A_62 = tpu.memref_slice %arg9[%add3A_17, %dma_wait3A_61] : memref<10000x128xf32, #tpu.memory_space<vmem_shared>> -> memref<104x128xf32, #tpu.memory_space<vmem_shared>>
      %dma_wait3A_63 = arith.constant 0 : i32
      %dma_wait3A_64 = arith.constant 0 : i32
      %dma_wait3A_65 = tpu.memref_slice %arg8[%dma_wait3A_63, %dma_wait3A_64] : memref<125x128xf32, #tpu.memory_space<vmem>> -> memref<104x128xf32, #tpu.memory_space<vmem>>
      tpu.wait_dma2 semaphore(%run_scoped3A : memref<!tpu.dma_semaphore, #tpu.memory_space<semaphore_mem>>) src(%dma_wait3A_65 : memref<104x128xf32, #tpu.memory_space<vmem>>) dst(%dma_wait3A_62 : memref<104x128xf32, #tpu.memory_space<vmem_shared>>)
      tpu.yield
    }) : () -> ()
    %mul3A_18 = arith.constant 624 : i32
    %mul3A_19 = arith.muli %arg1, %mul3A_18 : i32
    %add3A_20 = arith.constant 312 : i32
    %add3A_21 = arith.addi %mul3A_19, %add3A_20 : i32
    "tpu.region"() ({
      %run_scoped3A = tpu.sem_alloc : memref<!tpu.dma_semaphore, #tpu.memory_space<semaphore_mem>>
      %dma_start3A = arith.constant 0 : i32
      %dma_start3A_48 = arith.constant 0 : i32
      %dma_start3A_49 = tpu.memref_slice %arg8[%dma_start3A, %dma_start3A_48] : memref<125x128xf32, #tpu.memory_space<vmem>> -> memref<104x128xf32, #tpu.memory_space<vmem>>
      %dma_start3A_50 = arith.constant 0 : i32
      %dma_start3A_51 = tpu.memref_slice %arg9[%add3A_21, %dma_start3A_50] : memref<10000x128xf32, #tpu.memory_space<vmem_shared>> -> memref<104x128xf32, #tpu.memory_space<vmem_shared>>
      %dma_start3A_52 = arith.constant 0 : i32
      %dma_start3A_53 = tpu.memref_slice %arg9[%add3A_21, %dma_start3A_52] : memref<10000x128xf32, #tpu.memory_space<vmem_shared>> -> memref<104x128xf32, #tpu.memory_space<vmem_shared>>
      %dma_start3A_54 = arith.constant 0 : i32
      %dma_start3A_55 = arith.constant 0 : i32
      %dma_start3A_56 = tpu.memref_slice %arg8[%dma_start3A_54, %dma_start3A_55] : memref<125x128xf32, #tpu.memory_space<vmem>> -> memref<104x128xf32, #tpu.memory_space<vmem>>
      tpu.enqueue_dma source(%dma_start3A_56 : memref<104x128xf32, #tpu.memory_space<vmem>>) target(%dma_start3A_53 : memref<104x128xf32, #tpu.memory_space<vmem_shared>>) target_semaphore(%run_scoped3A : memref<!tpu.dma_semaphore, #tpu.memory_space<semaphore_mem>>)
      %dma_wait3A = arith.constant 0 : i32
      %dma_wait3A_57 = arith.constant 0 : i32
      %dma_wait3A_58 = tpu.memref_slice %arg8[%dma_wait3A, %dma_wait3A_57] : memref<125x128xf32, #tpu.memory_space<vmem>> -> memref<104x128xf32, #tpu.memory_space<vmem>>
      %dma_wait3A_59 = arith.constant 0 : i32
      %dma_wait3A_60 = tpu.memref_slice %arg9[%add3A_21, %dma_wait3A_59] : memref<10000x128xf32, #tpu.memory_space<vmem_shared>> -> memref<104x128xf32, #tpu.memory_space<vmem_shared>>
      %dma_wait3A_61 = arith.constant 0 : i32
      %dma_wait3A_62 = tpu.memref_slice %arg9[%add3A_21, %dma_wait3A_61] : memref<10000x128xf32, #tpu.memory_space<vmem_shared>> -> memref<104x128xf32, #tpu.memory_space<vmem_shared>>
      %dma_wait3A_63 = arith.constant 0 : i32
      %dma_wait3A_64 = arith.constant 0 : i32
      %dma_wait3A_65 = tpu.memref_slice %arg8[%dma_wait3A_63, %dma_wait3A_64] : memref<125x128xf32, #tpu.memory_space<vmem>> -> memref<104x128xf32, #tpu.memory_space<vmem>>
      tpu.wait_dma2 semaphore(%run_scoped3A : memref<!tpu.dma_semaphore, #tpu.memory_space<semaphore_mem>>) src(%dma_wait3A_65 : memref<104x128xf32, #tpu.memory_space<vmem>>) dst(%dma_wait3A_62 : memref<104x128xf32, #tpu.memory_space<vmem_shared>>)
      tpu.yield
    }) : () -> ()
    %mul3A_22 = arith.constant 624 : i32
    %mul3A_23 = arith.muli %arg1, %mul3A_22 : i32
    %add3A_24 = arith.constant 416 : i32
    %add3A_25 = arith.addi %mul3A_23, %add3A_24 : i32
    "tpu.region"() ({
      %run_scoped3A = tpu.sem_alloc : memref<!tpu.dma_semaphore, #tpu.memory_space<semaphore_mem>>
      %dma_start3A = arith.constant 0 : i32
      %dma_start3A_48 = arith.constant 0 : i32
      %dma_start3A_49 = tpu.memref_slice %arg8[%dma_start3A, %dma_start3A_48] : memref<125x128xf32, #tpu.memory_space<vmem>> -> memref<104x128xf32, #tpu.memory_space<vmem>>
      %dma_start3A_50 = arith.constant 0 : i32
      %dma_start3A_51 = tpu.memref_slice %arg9[%add3A_25, %dma_start3A_50] : memref<10000x128xf32, #tpu.memory_space<vmem_shared>> -> memref<104x128xf32, #tpu.memory_space<vmem_shared>>
      %dma_start3A_52 = arith.constant 0 : i32
      %dma_start3A_53 = tpu.memref_slice %arg9[%add3A_25, %dma_start3A_52] : memref<10000x128xf32, #tpu.memory_space<vmem_shared>> -> memref<104x128xf32, #tpu.memory_space<vmem_shared>>
      %dma_start3A_54 = arith.constant 0 : i32
      %dma_start3A_55 = arith.constant 0 : i32
      %dma_start3A_56 = tpu.memref_slice %arg8[%dma_start3A_54, %dma_start3A_55] : memref<125x128xf32, #tpu.memory_space<vmem>> -> memref<104x128xf32, #tpu.memory_space<vmem>>
      tpu.enqueue_dma source(%dma_start3A_56 : memref<104x128xf32, #tpu.memory_space<vmem>>) target(%dma_start3A_53 : memref<104x128xf32, #tpu.memory_space<vmem_shared>>) target_semaphore(%run_scoped3A : memref<!tpu.dma_semaphore, #tpu.memory_space<semaphore_mem>>)
      %dma_wait3A = arith.constant 0 : i32
      %dma_wait3A_57 = arith.constant 0 : i32
      %dma_wait3A_58 = tpu.memref_slice %arg8[%dma_wait3A, %dma_wait3A_57] : memref<125x128xf32, #tpu.memory_space<vmem>> -> memref<104x128xf32, #tpu.memory_space<vmem>>
      %dma_wait3A_59 = arith.constant 0 : i32
      %dma_wait3A_60 = tpu.memref_slice %arg9[%add3A_25, %dma_wait3A_59] : memref<10000x128xf32, #tpu.memory_space<vmem_shared>> -> memref<104x128xf32, #tpu.memory_space<vmem_shared>>
      %dma_wait3A_61 = arith.constant 0 : i32
      %dma_wait3A_62 = tpu.memref_slice %arg9[%add3A_25, %dma_wait3A_61] : memref<10000x128xf32, #tpu.memory_space<vmem_shared>> -> memref<104x128xf32, #tpu.memory_space<vmem_shared>>
      %dma_wait3A_63 = arith.constant 0 : i32
      %dma_wait3A_64 = arith.constant 0 : i32
      %dma_wait3A_65 = tpu.memref_slice %arg8[%dma_wait3A_63, %dma_wait3A_64] : memref<125x128xf32, #tpu.memory_space<vmem>> -> memref<104x128xf32, #tpu.memory_space<vmem>>
      tpu.wait_dma2 semaphore(%run_scoped3A : memref<!tpu.dma_semaphore, #tpu.memory_space<semaphore_mem>>) src(%dma_wait3A_65 : memref<104x128xf32, #tpu.memory_space<vmem>>) dst(%dma_wait3A_62 : memref<104x128xf32, #tpu.memory_space<vmem_shared>>)
      tpu.yield
    }) : () -> ()
    %mul3A_26 = arith.constant 624 : i32
    %mul3A_27 = arith.muli %arg1, %mul3A_26 : i32
    %add3A_28 = arith.constant 520 : i32
    %add3A_29 = arith.addi %mul3A_27, %add3A_28 : i32
    "tpu.region"() ({
      %run_scoped3A = tpu.sem_alloc : memref<!tpu.dma_semaphore, #tpu.memory_space<semaphore_mem>>
      %dma_start3A = arith.constant 0 : i32
      %dma_start3A_48 = arith.constant 0 : i32
      %dma_start3A_49 = tpu.memref_slice %arg8[%dma_start3A, %dma_start3A_48] : memref<125x128xf32, #tpu.memory_space<vmem>> -> memref<104x128xf32, #tpu.memory_space<vmem>>
      %dma_start3A_50 = arith.constant 0 : i32
      %dma_start3A_51 = tpu.memref_slice %arg9[%add3A_29, %dma_start3A_50] : memref<10000x128xf32, #tpu.memory_space<vmem_shared>> -> memref<104x128xf32, #tpu.memory_space<vmem_shared>>
      %dma_start3A_52 = arith.constant 0 : i32
      %dma_start3A_53 = tpu.memref_slice %arg9[%add3A_29, %dma_start3A_52] : memref<10000x128xf32, #tpu.memory_space<vmem_shared>> -> memref<104x128xf32, #tpu.memory_space<vmem_shared>>
      %dma_start3A_54 = arith.constant 0 : i32
      %dma_start3A_55 = arith.constant 0 : i32
      %dma_start3A_56 = tpu.memref_slice %arg8[%dma_start3A_54, %dma_start3A_55] : memref<125x128xf32, #tpu.memory_space<vmem>> -> memref<104x128xf32, #tpu.memory_space<vmem>>
      tpu.enqueue_dma source(%dma_start3A_56 : memref<104x128xf32, #tpu.memory_space<vmem>>) target(%dma_start3A_53 : memref<104x128xf32, #tpu.memory_space<vmem_shared>>) target_semaphore(%run_scoped3A : memref<!tpu.dma_semaphore, #tpu.memory_space<semaphore_mem>>)
      %dma_wait3A = arith.constant 0 : i32
      %dma_wait3A_57 = arith.constant 0 : i32
      %dma_wait3A_58 = tpu.memref_slice %arg8[%dma_wait3A, %dma_wait3A_57] : memref<125x128xf32, #tpu.memory_space<vmem>> -> memref<104x128xf32, #tpu.memory_space<vmem>>
      %dma_wait3A_59 = arith.constant 0 : i32
      %dma_wait3A_60 = tpu.memref_slice %arg9[%add3A_29, %dma_wait3A_59] : memref<10000x128xf32, #tpu.memory_space<vmem_shared>> -> memref<104x128xf32, #tpu.memory_space<vmem_shared>>
      %dma_wait3A_61 = arith.constant 0 : i32
      %dma_wait3A_62 = tpu.memref_slice %arg9[%add3A_29, %dma_wait3A_61] : memref<10000x128xf32, #tpu.memory_space<vmem_shared>> -> memref<104x128xf32, #tpu.memory_space<vmem_shared>>
      %dma_wait3A_63 = arith.constant 0 : i32
      %dma_wait3A_64 = arith.constant 0 : i32
      %dma_wait3A_65 = tpu.memref_slice %arg8[%dma_wait3A_63, %dma_wait3A_64] : memref<125x128xf32, #tpu.memory_space<vmem>> -> memref<104x128xf32, #tpu.memory_space<vmem>>
      tpu.wait_dma2 semaphore(%run_scoped3A : memref<!tpu.dma_semaphore, #tpu.memory_space<semaphore_mem>>) src(%dma_wait3A_65 : memref<104x128xf32, #tpu.memory_space<vmem>>) dst(%dma_wait3A_62 : memref<104x128xf32, #tpu.memory_space<vmem_shared>>)
      tpu.yield
    }) : () -> ()
    %eq3A = arith.constant 15 : i32
    %eq3A_30 = arith.cmpi eq, %arg1, %eq3A : i32
    %convert_element_type3A = arith.extui %eq3A_30 : i1 to i32
    %cond3A = arith.constant 0 : i32
    %cond3A_31 = arith.cmpi ne, %convert_element_type3A, %cond3A : i32
    scf.if %cond3A_31 {
      "tpu.region"() ({
        %run_scoped3A = tpu.sem_alloc : memref<!tpu.dma_semaphore, #tpu.memory_space<semaphore_mem>>
        %dma_start3A = arith.constant 0 : i32
        %dma_start3A_48 = arith.constant 0 : i32
        %dma_start3A_49 = tpu.memref_slice %arg8[%dma_start3A, %dma_start3A_48] : memref<125x128xf32, #tpu.memory_space<vmem>> -> memref<16x128xf32, #tpu.memory_space<vmem>>
        %dma_start3A_50 = arith.constant 9984 : i32
        %dma_start3A_51 = arith.constant 0 : i32
        %dma_start3A_52 = tpu.memref_slice %arg9[%dma_start3A_50, %dma_start3A_51] : memref<10000x128xf32, #tpu.memory_space<vmem_shared>> -> memref<16x128xf32, #tpu.memory_space<vmem_shared>>
        %dma_start3A_53 = arith.constant 9984 : i32
        %dma_start3A_54 = arith.constant 0 : i32
        %dma_start3A_55 = tpu.memref_slice %arg9[%dma_start3A_53, %dma_start3A_54] : memref<10000x128xf32, #tpu.memory_space<vmem_shared>> -> memref<16x128xf32, #tpu.memory_space<vmem_shared>>
        %dma_start3A_56 = arith.constant 0 : i32
        %dma_start3A_57 = arith.constant 0 : i32
        %dma_start3A_58 = tpu.memref_slice %arg8[%dma_start3A_56, %dma_start3A_57] : memref<125x128xf32, #tpu.memory_space<vmem>> -> memref<16x128xf32, #tpu.memory_space<vmem>>
        tpu.enqueue_dma source(%dma_start3A_58 : memref<16x128xf32, #tpu.memory_space<vmem>>) target(%dma_start3A_55 : memref<16x128xf32, #tpu.memory_space<vmem_shared>>) target_semaphore(%run_scoped3A : memref<!tpu.dma_semaphore, #tpu.memory_space<semaphore_mem>>)
        %dma_wait3A = arith.constant 0 : i32
        %dma_wait3A_59 = arith.constant 0 : i32
        %dma_wait3A_60 = tpu.memref_slice %arg8[%dma_wait3A, %dma_wait3A_59] : memref<125x128xf32, #tpu.memory_space<vmem>> -> memref<16x128xf32, #tpu.memory_space<vmem>>
        %dma_wait3A_61 = arith.constant 9984 : i32
        %dma_wait3A_62 = arith.constant 0 : i32
        %dma_wait3A_63 = tpu.memref_slice %arg9[%dma_wait3A_61, %dma_wait3A_62] : memref<10000x128xf32, #tpu.memory_space<vmem_shared>> -> memref<16x128xf32, #tpu.memory_space<vmem_shared>>
        %dma_wait3A_64 = arith.constant 9984 : i32
        %dma_wait3A_65 = arith.constant 0 : i32
        %dma_wait3A_66 = tpu.memref_slice %arg9[%dma_wait3A_64, %dma_wait3A_65] : memref<10000x128xf32, #tpu.memory_space<vmem_shared>> -> memref<16x128xf32, #tpu.memory_space<vmem_shared>>
        %dma_wait3A_67 = arith.constant 0 : i32
        %dma_wait3A_68 = arith.constant 0 : i32
        %dma_wait3A_69 = tpu.memref_slice %arg8[%dma_wait3A_67, %dma_wait3A_68] : memref<125x128xf32, #tpu.memory_space<vmem>> -> memref<16x128xf32, #tpu.memory_space<vmem>>
        tpu.wait_dma2 semaphore(%run_scoped3A : memref<!tpu.dma_semaphore, #tpu.memory_space<semaphore_mem>>) src(%dma_wait3A_69 : memref<16x128xf32, #tpu.memory_space<vmem>>) dst(%dma_wait3A_66 : memref<16x128xf32, #tpu.memory_space<vmem_shared>>)
        tpu.yield
      }) : () -> ()
    } else {
    }
    "tpu.region"() ({
      %run_scoped3A = tpu.sem_alloc : memref<!tpu.dma_semaphore, #tpu.memory_space<semaphore_mem>>
      %dma_start3A = arith.constant 0 : i32
      %dma_start3A_48 = arith.constant 0 : i32
      %dma_start3A_49 = tpu.memref_slice %arg3[%add3A, %dma_start3A, %dma_start3A_48] : memref<32x80x125xi32, #tpu.memory_space<hbm>> -> memref<1x80x125xi32, #tpu.memory_space<hbm>>
      %dma_start3A_50 = tpu.memref_squeeze %dma_start3A_49 : memref<1x80x125xi32, #tpu.memory_space<hbm>> -> memref<80x125xi32, #tpu.memory_space<hbm>>
      %dma_start3A_51 = arith.constant 0 : i32
      %dma_start3A_52 = arith.constant 0 : i32
      %dma_start3A_53 = tpu.memref_slice %arg3[%add3A, %dma_start3A_51, %dma_start3A_52] : memref<32x80x125xi32, #tpu.memory_space<hbm>> -> memref<1x80x125xi32, #tpu.memory_space<hbm>>
      %dma_start3A_54 = tpu.memref_squeeze %dma_start3A_53 : memref<1x80x125xi32, #tpu.memory_space<hbm>> -> memref<80x125xi32, #tpu.memory_space<hbm>>
      tpu.enqueue_dma source(%dma_start3A_54 : memref<80x125xi32, #tpu.memory_space<hbm>>) target(%arg6 : memref<80x125xi32, #tpu.memory_space<vmem>>) target_semaphore(%run_scoped3A : memref<!tpu.dma_semaphore, #tpu.memory_space<semaphore_mem>>)
      %dma_wait3A = arith.constant 0 : i32
      %dma_wait3A_55 = arith.constant 0 : i32
      %dma_wait3A_56 = tpu.memref_slice %arg3[%add3A, %dma_wait3A, %dma_wait3A_55] : memref<32x80x125xi32, #tpu.memory_space<hbm>> -> memref<1x80x125xi32, #tpu.memory_space<hbm>>
      %dma_wait3A_57 = tpu.memref_squeeze %dma_wait3A_56 : memref<1x80x125xi32, #tpu.memory_space<hbm>> -> memref<80x125xi32, #tpu.memory_space<hbm>>
      %dma_wait3A_58 = arith.constant 0 : i32
      %dma_wait3A_59 = arith.constant 0 : i32
      %dma_wait3A_60 = tpu.memref_slice %arg3[%add3A, %dma_wait3A_58, %dma_wait3A_59] : memref<32x80x125xi32, #tpu.memory_space<hbm>> -> memref<1x80x125xi32, #tpu.memory_space<hbm>>
      %dma_wait3A_61 = tpu.memref_squeeze %dma_wait3A_60 : memref<1x80x125xi32, #tpu.memory_space<hbm>> -> memref<80x125xi32, #tpu.memory_space<hbm>>
      tpu.wait_dma2 semaphore(%run_scoped3A : memref<!tpu.dma_semaphore, #tpu.memory_space<semaphore_mem>>) src(%dma_wait3A_61 : memref<80x125xi32, #tpu.memory_space<hbm>>) dst(%arg6 : memref<80x125xi32, #tpu.memory_space<vmem>>)
      tpu.yield
    }) : () -> ()
    "tpu.region"() ({
      %run_scoped3A = tpu.sem_alloc : memref<!tpu.dma_semaphore, #tpu.memory_space<semaphore_mem>>
      %dma_start3A = arith.constant 0 : i32
      %dma_start3A_48 = arith.constant 0 : i32
      %dma_start3A_49 = tpu.memref_slice %arg4[%add3A, %dma_start3A, %dma_start3A_48] : memref<32x80x125xi32, #tpu.memory_space<hbm>> -> memref<1x80x125xi32, #tpu.memory_space<hbm>>
      %dma_start3A_50 = tpu.memref_squeeze %dma_start3A_49 : memref<1x80x125xi32, #tpu.memory_space<hbm>> -> memref<80x125xi32, #tpu.memory_space<hbm>>
      %dma_start3A_51 = arith.constant 0 : i32
      %dma_start3A_52 = arith.constant 0 : i32
      %dma_start3A_53 = tpu.memref_slice %arg4[%add3A, %dma_start3A_51, %dma_start3A_52] : memref<32x80x125xi32, #tpu.memory_space<hbm>> -> memref<1x80x125xi32, #tpu.memory_space<hbm>>
      %dma_start3A_54 = tpu.memref_squeeze %dma_start3A_53 : memref<1x80x125xi32, #tpu.memory_space<hbm>> -> memref<80x125xi32, #tpu.memory_space<hbm>>
      tpu.enqueue_dma source(%dma_start3A_54 : memref<80x125xi32, #tpu.memory_space<hbm>>) target(%arg7 : memref<80x125xi32, #tpu.memory_space<vmem>>) target_semaphore(%run_scoped3A : memref<!tpu.dma_semaphore, #tpu.memory_space<semaphore_mem>>)
      %dma_wait3A = arith.constant 0 : i32
      %dma_wait3A_55 = arith.constant 0 : i32
      %dma_wait3A_56 = tpu.memref_slice %arg4[%add3A, %dma_wait3A, %dma_wait3A_55] : memref<32x80x125xi32, #tpu.memory_space<hbm>> -> memref<1x80x125xi32, #tpu.memory_space<hbm>>
      %dma_wait3A_57 = tpu.memref_squeeze %dma_wait3A_56 : memref<1x80x125xi32, #tpu.memory_space<hbm>> -> memref<80x125xi32, #tpu.memory_space<hbm>>
      %dma_wait3A_58 = arith.constant 0 : i32
      %dma_wait3A_59 = arith.constant 0 : i32
      %dma_wait3A_60 = tpu.memref_slice %arg4[%add3A, %dma_wait3A_58, %dma_wait3A_59] : memref<32x80x125xi32, #tpu.memory_space<hbm>> -> memref<1x80x125xi32, #tpu.memory_space<hbm>>
      %dma_wait3A_61 = tpu.memref_squeeze %dma_wait3A_60 : memref<1x80x125xi32, #tpu.memory_space<hbm>> -> memref<80x125xi32, #tpu.memory_space<hbm>>
      tpu.wait_dma2 semaphore(%run_scoped3A : memref<!tpu.dma_semaphore, #tpu.memory_space<semaphore_mem>>) src(%dma_wait3A_61 : memref<80x125xi32, #tpu.memory_space<hbm>>) dst(%arg7 : memref<80x125xi32, #tpu.memory_space<vmem>>)
      tpu.yield
    }) : () -> ()
    %barrier3A = arith.constant 0 : index
    tpu.barrier barrier_id(%barrier3A)
    %scan3A_32 = arith.constant 0 : i32
    %scan3A_33 = arith.constant 0 : i32
    %scan3A_34 = arith.constant 80 : i32
    %scan3A_35 = arith.addi %scan3A_33, %scan3A_34 : i32
    %scan3A_36 = arith.constant 1 : i32
    scf.for %scan3A_48 = %scan3A_33 to %scan3A_35 step %scan3A_36  : i32 {
      %dma_start3A = arith.constant 0 : i32
      %dma_start3A_49 = tpu.memref_slice %arg6[%scan3A_48, %dma_start3A] : memref<80x125xi32, #tpu.memory_space<vmem>> -> memref<1x125xi32, #tpu.memory_space<vmem>>
      %dma_start3A_50 = tpu.memref_squeeze %dma_start3A_49 : memref<1x125xi32, #tpu.memory_space<vmem>> -> memref<125xi32, #tpu.memory_space<vmem>>
      %dma_start3A_51 = arith.constant 0 : i32
      %dma_start3A_52 = arith.constant 0 : i32
      %dma_start3A_53 = tpu.memref_slice %arg2[%dma_start3A_51, %dma_start3A_52] : memref<10000x128xf32, #tpu.memory_space<hbm>> -> memref<10000x128xf32, #tpu.memory_space<hbm>>
      tpu.enqueue_indirect_dma source(%dma_start3A_53 : memref<10000x128xf32, #tpu.memory_space<hbm>>) target(%arg8 : memref<125x128xf32, #tpu.memory_space<vmem>>) offsets(%dma_start3A_50 : memref<125xi32, #tpu.memory_space<vmem>>) semaphore(%arg10 : memref<!tpu.dma_semaphore, #tpu.memory_space<semaphore_mem>>)
      %dma_wait3A = arith.constant 0 : i32
      %dma_wait3A_54 = tpu.memref_slice %arg6[%scan3A_48, %dma_wait3A] : memref<80x125xi32, #tpu.memory_space<vmem>> -> memref<1x125xi32, #tpu.memory_space<vmem>>
      %dma_wait3A_55 = tpu.memref_squeeze %dma_wait3A_54 : memref<1x125xi32, #tpu.memory_space<vmem>> -> memref<125xi32, #tpu.memory_space<vmem>>
      %dma_wait3A_56 = arith.constant 0 : i32
      %dma_wait3A_57 = arith.constant 0 : i32
      %dma_wait3A_58 = tpu.memref_slice %arg2[%dma_wait3A_56, %dma_wait3A_57] : memref<10000x128xf32, #tpu.memory_space<hbm>> -> memref<10000x128xf32, #tpu.memory_space<hbm>>
      tpu.wait_indirect_dma semaphore(%arg10 : memref<!tpu.dma_semaphore, #tpu.memory_space<semaphore_mem>>) src(%dma_wait3A_58 : memref<10000x128xf32, #tpu.memory_space<hbm>>) dst(%arg8 : memref<125x128xf32, #tpu.memory_space<vmem>>)
      "tpu.region"() ({
        %run_scoped3A = tpu.sem_alloc : memref<!tpu.dma_semaphore, #tpu.memory_space<semaphore_mem>>
        %dma_start3A_59 = arith.constant 0 : i32
        %dma_start3A_60 = tpu.memref_slice %arg7[%scan3A_48, %dma_start3A_59] : memref<80x125xi32, #tpu.memory_space<vmem>> -> memref<1x125xi32, #tpu.memory_space<vmem>>
        %dma_start3A_61 = tpu.memref_squeeze %dma_start3A_60 : memref<1x125xi32, #tpu.memory_space<vmem>> -> memref<125xi32, #tpu.memory_space<vmem>>
        %dma_start3A_62 = arith.constant 0 : i32
        %dma_start3A_63 = arith.constant 0 : i32
        %dma_start3A_64 = tpu.memref_slice %arg9[%dma_start3A_62, %dma_start3A_63] : memref<10000x128xf32, #tpu.memory_space<vmem_shared>> -> memref<10000x128xf32, #tpu.memory_space<vmem_shared>>
        tpu.enqueue_indirect_dma source(%arg8 : memref<125x128xf32, #tpu.memory_space<vmem>>) target(%dma_start3A_64 : memref<10000x128xf32, #tpu.memory_space<vmem_shared>>) offsets(%dma_start3A_61 : memref<125xi32, #tpu.memory_space<vmem>>) semaphore(%run_scoped3A : memref<!tpu.dma_semaphore, #tpu.memory_space<semaphore_mem>>) {add = true}
        %dma_wait3A_65 = arith.constant 0 : i32
        %dma_wait3A_66 = tpu.memref_slice %arg7[%scan3A_48, %dma_wait3A_65] : memref<80x125xi32, #tpu.memory_space<vmem>> -> memref<1x125xi32, #tpu.memory_space<vmem>>
        %dma_wait3A_67 = tpu.memref_squeeze %dma_wait3A_66 : memref<1x125xi32, #tpu.memory_space<vmem>> -> memref<125xi32, #tpu.memory_space<vmem>>
        %dma_wait3A_68 = arith.constant 0 : i32
        %dma_wait3A_69 = arith.constant 0 : i32
        %dma_wait3A_70 = tpu.memref_slice %arg9[%dma_wait3A_68, %dma_wait3A_69] : memref<10000x128xf32, #tpu.memory_space<vmem_shared>> -> memref<10000x128xf32, #tpu.memory_space<vmem_shared>>
        tpu.wait_indirect_dma semaphore(%run_scoped3A : memref<!tpu.dma_semaphore, #tpu.memory_space<semaphore_mem>>) src(%arg8 : memref<125x128xf32, #tpu.memory_space<vmem>>) dst(%dma_wait3A_70 : memref<10000x128xf32, #tpu.memory_space<vmem_shared>>)
        tpu.yield
      }) : () -> ()
    }
    %scan3A_37 = arith.constant 80 : i32
    %barrier3A_38 = arith.constant 0 : index
    tpu.barrier barrier_id(%barrier3A_38)
    %mul3A_39 = arith.constant 624 : i32
    %mul3A_40 = arith.muli %arg1, %mul3A_39 : i32
    %mul3A_41 = arith.constant 624 : i32
    %mul3A_42 = arith.muli %arg1, %mul3A_41 : i32
    "tpu.region"() ({
      %run_scoped3A = tpu.sem_alloc : memref<!tpu.dma_semaphore, #tpu.memory_space<semaphore_mem>>
      %dma_start3A = arith.constant 0 : i32
      %dma_start3A_48 = tpu.memref_slice %arg5[%arg0, %mul3A_42, %dma_start3A] : memref<2x10000x128xf32, #tpu.memory_space<hbm>> -> memref<1x624x128xf32, #tpu.memory_space<hbm>>
      %dma_start3A_49 = tpu.memref_squeeze %dma_start3A_48 : memref<1x624x128xf32, #tpu.memory_space<hbm>> -> memref<624x128xf32, #tpu.memory_space<hbm>>
      %dma_start3A_50 = arith.constant 0 : i32
      %dma_start3A_51 = tpu.memref_slice %arg9[%mul3A_40, %dma_start3A_50] : memref<10000x128xf32, #tpu.memory_space<vmem_shared>> -> memref<624x128xf32, #tpu.memory_space<vmem_shared>>
      tpu.enqueue_dma source(%dma_start3A_51 : memref<624x128xf32, #tpu.memory_space<vmem_shared>>) target(%dma_start3A_49 : memref<624x128xf32, #tpu.memory_space<hbm>>) target_semaphore(%run_scoped3A : memref<!tpu.dma_semaphore, #tpu.memory_space<semaphore_mem>>)
      %dma_wait3A = arith.constant 0 : i32
      %dma_wait3A_52 = tpu.memref_slice %arg5[%arg0, %mul3A_42, %dma_wait3A] : memref<2x10000x128xf32, #tpu.memory_space<hbm>> -> memref<1x624x128xf32, #tpu.memory_space<hbm>>
      %dma_wait3A_53 = tpu.memref_squeeze %dma_wait3A_52 : memref<1x624x128xf32, #tpu.memory_space<hbm>> -> memref<624x128xf32, #tpu.memory_space<hbm>>
      %dma_wait3A_54 = arith.constant 0 : i32
      %dma_wait3A_55 = tpu.memref_slice %arg9[%mul3A_40, %dma_wait3A_54] : memref<10000x128xf32, #tpu.memory_space<vmem_shared>> -> memref<624x128xf32, #tpu.memory_space<vmem_shared>>
      tpu.wait_dma2 semaphore(%run_scoped3A : memref<!tpu.dma_semaphore, #tpu.memory_space<semaphore_mem>>) src(%dma_wait3A_55 : memref<624x128xf32, #tpu.memory_space<vmem_shared>>) dst(%dma_wait3A_53 : memref<624x128xf32, #tpu.memory_space<hbm>>)
      tpu.yield
    }) : () -> ()
    %eq3A_43 = arith.constant 15 : i32
    %eq3A_44 = arith.cmpi eq, %arg1, %eq3A_43 : i32
    %convert_element_type3A_45 = arith.extui %eq3A_44 : i1 to i32
    %cond3A_46 = arith.constant 0 : i32
    %cond3A_47 = arith.cmpi ne, %convert_element_type3A_45, %cond3A_46 : i32
    scf.if %cond3A_47 {
      "tpu.region"() ({
        %run_scoped3A = tpu.sem_alloc : memref<!tpu.dma_semaphore, #tpu.memory_space<semaphore_mem>>
        %dma_start3A = arith.constant 9984 : i32
        %dma_start3A_48 = arith.constant 0 : i32
        %dma_start3A_49 = tpu.memref_slice %arg5[%arg0, %dma_start3A, %dma_start3A_48] : memref<2x10000x128xf32, #tpu.memory_space<hbm>> -> memref<1x16x128xf32, #tpu.memory_space<hbm>>
        %dma_start3A_50 = tpu.memref_squeeze %dma_start3A_49 : memref<1x16x128xf32, #tpu.memory_space<hbm>> -> memref<16x128xf32, #tpu.memory_space<hbm>>
        %dma_start3A_51 = arith.constant 9984 : i32
        %dma_start3A_52 = arith.constant 0 : i32
        %dma_start3A_53 = tpu.memref_slice %arg9[%dma_start3A_51, %dma_start3A_52] : memref<10000x128xf32, #tpu.memory_space<vmem_shared>> -> memref<16x128xf32, #tpu.memory_space<vmem_shared>>
        tpu.enqueue_dma source(%dma_start3A_53 : memref<16x128xf32, #tpu.memory_space<vmem_shared>>) target(%dma_start3A_50 : memref<16x128xf32, #tpu.memory_space<hbm>>) target_semaphore(%run_scoped3A : memref<!tpu.dma_semaphore, #tpu.memory_space<semaphore_mem>>)
        %dma_wait3A = arith.constant 9984 : i32
        %dma_wait3A_54 = arith.constant 0 : i32
        %dma_wait3A_55 = tpu.memref_slice %arg5[%arg0, %dma_wait3A, %dma_wait3A_54] : memref<2x10000x128xf32, #tpu.memory_space<hbm>> -> memref<1x16x128xf32, #tpu.memory_space<hbm>>
        %dma_wait3A_56 = tpu.memref_squeeze %dma_wait3A_55 : memref<1x16x128xf32, #tpu.memory_space<hbm>> -> memref<16x128xf32, #tpu.memory_space<hbm>>
        %dma_wait3A_57 = arith.constant 9984 : i32
        %dma_wait3A_58 = arith.constant 0 : i32
        %dma_wait3A_59 = tpu.memref_slice %arg9[%dma_wait3A_57, %dma_wait3A_58] : memref<10000x128xf32, #tpu.memory_space<vmem_shared>> -> memref<16x128xf32, #tpu.memory_space<vmem_shared>>
        tpu.wait_dma2 semaphore(%run_scoped3A : memref<!tpu.dma_semaphore, #tpu.memory_space<semaphore_mem>>) src(%dma_wait3A_59 : memref<16x128xf32, #tpu.memory_space<vmem_shared>>) dst(%dma_wait3A_56 : memref<16x128xf32, #tpu.memory_space<hbm>>)
        tpu.yield
      }) : () -> ()
    } else {
    }
    return
  }
}

module attributes {stable_mosaic.version = 14 : i64} {
  func.func @_tc_layer_body(%arg0: memref<10000x128xf32, #tpu.memory_space<vmem>>, %arg1: memref<2x10000x128xf32, #tpu.memory_space<vmem>>, %arg2: memref<1x1xf32, #tpu.memory_space<vmem>>, %arg3: memref<128x128xf32, #tpu.memory_space<vmem>>, %arg4: memref<1x128xf32, #tpu.memory_space<vmem>>, %arg5: memref<1x128xf32, #tpu.memory_space<vmem>>, %arg6: memref<1x128xf32, #tpu.memory_space<vmem>>, %arg7: memref<128x128xf32, #tpu.memory_space<vmem>>, %arg8: memref<1x128xf32, #tpu.memory_space<vmem>>, %arg9: memref<1x128xf32, #tpu.memory_space<vmem>>, %arg10: memref<1x128xf32, #tpu.memory_space<vmem>>, %arg11: memref<10000x1xi32, #tpu.memory_space<vmem>>, %arg12: memref<10000x128xf32, #tpu.memory_space<vmem>>, %arg13: memref<64x128xf32, #tpu.memory_space<vmem>>, %arg14: memref<10000x128xf32, #tpu.memory_space<vmem>>) attributes {dimension_semantics = [], scalar_prefetch = 0 : i64, scratch_operands = 1 : i64, tpu.core_type = #tpu.core_type<tc>} {
    %get3A = arith.constant 0 : index
    %get3A_0 = arith.constant 0 : index
    %get3A_1 = vector.load %arg0[%get3A, %get3A_0] : memref<10000x128xf32, #tpu.memory_space<vmem>>, vector<10000x128xf32>
    %get3A_2 = arith.constant 0 : index
    %get3A_3 = arith.constant 0 : index
    %get3A_4 = arith.constant 0 : index
    %get3A_5 = vector.load %arg1[%get3A_2, %get3A_3, %get3A_4] : memref<2x10000x128xf32, #tpu.memory_space<vmem>>, vector<1x10000x128xf32>
    %get3A_6 = vector.shape_cast %get3A_5 : vector<1x10000x128xf32> to vector<10000x128xf32>
    %get3A_7 = arith.constant 1 : index
    %get3A_8 = arith.constant 0 : index
    %get3A_9 = arith.constant 0 : index
    %get3A_10 = vector.load %arg1[%get3A_7, %get3A_8, %get3A_9] : memref<2x10000x128xf32, #tpu.memory_space<vmem>>, vector<1x10000x128xf32>
    %get3A_11 = vector.shape_cast %get3A_10 : vector<1x10000x128xf32> to vector<10000x128xf32>
    %get3A_12 = arith.constant 0 : index
    %get3A_13 = arith.constant 0 : index
    %get3A_14 = vector.load %arg2[%get3A_12, %get3A_13] : memref<1x1xf32, #tpu.memory_space<vmem>>, vector<1x1xf32>
    %get3A_15 = vector.extract %get3A_14[0, 0] : f32 from vector<1x1xf32>
    %get3A_16 = arith.constant 0 : index
    %get3A_17 = arith.constant 0 : index
    %get3A_18 = vector.load %arg3[%get3A_16, %get3A_17] : memref<128x128xf32, #tpu.memory_space<vmem>>, vector<128x128xf32>
    %get3A_19 = arith.constant 0 : index
    %get3A_20 = arith.constant 0 : index
    %get3A_21 = vector.load %arg4[%get3A_19, %get3A_20] : memref<1x128xf32, #tpu.memory_space<vmem>>, vector<1x128xf32>
    %get3A_22 = arith.constant 0 : index
    %get3A_23 = arith.constant 0 : index
    %get3A_24 = vector.load %arg5[%get3A_22, %get3A_23] : memref<1x128xf32, #tpu.memory_space<vmem>>, vector<1x128xf32>
    %get3A_25 = arith.constant 0 : index
    %get3A_26 = arith.constant 0 : index
    %get3A_27 = vector.load %arg6[%get3A_25, %get3A_26] : memref<1x128xf32, #tpu.memory_space<vmem>>, vector<1x128xf32>
    %get3A_28 = arith.constant 0 : index
    %get3A_29 = arith.constant 0 : index
    %get3A_30 = vector.load %arg7[%get3A_28, %get3A_29] : memref<128x128xf32, #tpu.memory_space<vmem>>, vector<128x128xf32>
    %get3A_31 = arith.constant 0 : index
    %get3A_32 = arith.constant 0 : index
    %get3A_33 = vector.load %arg8[%get3A_31, %get3A_32] : memref<1x128xf32, #tpu.memory_space<vmem>>, vector<1x128xf32>
    %get3A_34 = arith.constant 0 : index
    %get3A_35 = arith.constant 0 : index
    %get3A_36 = vector.load %arg9[%get3A_34, %get3A_35] : memref<1x128xf32, #tpu.memory_space<vmem>>, vector<1x128xf32>
    %get3A_37 = arith.constant 0 : index
    %get3A_38 = arith.constant 0 : index
    %get3A_39 = vector.load %arg10[%get3A_37, %get3A_38] : memref<1x128xf32, #tpu.memory_space<vmem>>, vector<1x128xf32>
    %add3A = arith.constant 1.000000e+00 : f32
    %add3A_40 = arith.addf %add3A, %get3A_15 : f32
    %mul3A = vector.broadcast %add3A_40 : f32 to vector<10000x128xf32>
    %mul3A_41 = arith.mulf %mul3A, %get3A_1 : vector<10000x128xf32>
    %add3A_42 = arith.addf %get3A_6, %get3A_11 : vector<10000x128xf32>
    %add3A_43 = arith.addf %mul3A_41, %add3A_42 : vector<10000x128xf32>
    %convert_element_type3A = arith.truncf %add3A_43 : vector<10000x128xf32> to vector<10000x128xbf16>
    %convert_element_type3A_44 = arith.truncf %get3A_18 : vector<128x128xf32> to vector<128x128xbf16>
    %dot_general3A = arith.constant dense<0.000000e+00> : vector<10000x128xf32>
    %dot_general3A_45 = tpu.matmul %convert_element_type3A, %convert_element_type3A_44, %dot_general3A {dimension_numbers = #tpu.dot_dimension_numbers<[1], [0], [0], [1], [0, 0, 1, 1], [], []>, transpose_lhs_hint = false} : vector<10000x128xbf16>, vector<128x128xbf16>, vector<10000x128xf32> -> vector<10000x128xf32>
    %add3A_46 = vector.broadcast %get3A_21 : vector<1x128xf32> to vector<10000x128xf32>
    %add3A_47 = arith.addf %dot_general3A_45, %add3A_46 : vector<10000x128xf32>
    %swap3A = arith.constant 0 : index
    %swap3A_48 = arith.constant 0 : index
    %swap3A_49 = vector.load %arg14[%swap3A, %swap3A_48] : memref<10000x128xf32, #tpu.memory_space<vmem>>, vector<10000x128xf32>
    tpu.vector_store %arg14[%swap3A, %swap3A_48], %add3A_47 {strides = array<i32>} : memref<10000x128xf32, #tpu.memory_space<vmem>>, vector<10000x128xf32>,
    %broadcast_in_dim3A = arith.constant 0.000000e+00 : f32
    %broadcast_in_dim3A_50 = vector.broadcast %broadcast_in_dim3A : f32 to vector<8x128xf32>
    %scan3A = arith.constant 0 : i32
    %scan3A_51 = arith.constant 50 : i32
    %scan3A_52 = arith.addi %scan3A, %scan3A_51 : i32
    %scan3A_53 = arith.constant 1 : i32
    %scan3A_54 = scf.for %scan3A_218 = %scan3A to %scan3A_52 step %scan3A_53 iter_args(%scan3A_219 = %broadcast_in_dim3A_50) -> (vector<8x128xf32>)  : i32 {
      %mul3A_220 = arith.constant 200 : i32
      %mul3A_221 = arith.muli %scan3A_218, %mul3A_220 : i32
      %get3A_222 = arith.index_cast %mul3A_221 : i32 to index
      %get3A_223 = arith.constant 0 : index
      %get3A_224 = vector.load %arg14[%get3A_222, %get3A_223] : memref<10000x128xf32, #tpu.memory_space<vmem>>, vector<200x128xf32>
      %slice3A_225 = vector.extract_strided_slice %get3A_224 {offsets = [0, 0], sizes = [8, 128], strides = [1, 1]} : vector<200x128xf32> to vector<8x128xf32>
      %add3A_226 = arith.addf %scan3A_219, %slice3A_225 : vector<8x128xf32>
      %slice3A_227 = vector.extract_strided_slice %get3A_224 {offsets = [8, 0], sizes = [8, 128], strides = [1, 1]} : vector<200x128xf32> to vector<8x128xf32>
      %add3A_228 = arith.addf %add3A_226, %slice3A_227 : vector<8x128xf32>
      %slice3A_229 = vector.extract_strided_slice %get3A_224 {offsets = [16, 0], sizes = [8, 128], strides = [1, 1]} : vector<200x128xf32> to vector<8x128xf32>
      %add3A_230 = arith.addf %add3A_228, %slice3A_229 : vector<8x128xf32>
      %slice3A_231 = vector.extract_strided_slice %get3A_224 {offsets = [24, 0], sizes = [8, 128], strides = [1, 1]} : vector<200x128xf32> to vector<8x128xf32>
      %add3A_232 = arith.addf %add3A_230, %slice3A_231 : vector<8x128xf32>
      %slice3A_233 = vector.extract_strided_slice %get3A_224 {offsets = [32, 0], sizes = [8, 128], strides = [1, 1]} : vector<200x128xf32> to vector<8x128xf32>
      %add3A_234 = arith.addf %add3A_232, %slice3A_233 : vector<8x128xf32>
      %slice3A_235 = vector.extract_strided_slice %get3A_224 {offsets = [40, 0], sizes = [8, 128], strides = [1, 1]} : vector<200x128xf32> to vector<8x128xf32>
      %add3A_236 = arith.addf %add3A_234, %slice3A_235 : vector<8x128xf32>
      %slice3A_237 = vector.extract_strided_slice %get3A_224 {offsets = [48, 0], sizes = [8, 128], strides = [1, 1]} : vector<200x128xf32> to vector<8x128xf32>
      %add3A_238 = arith.addf %add3A_236, %slice3A_237 : vector<8x128xf32>
      %slice3A_239 = vector.extract_strided_slice %get3A_224 {offsets = [56, 0], sizes = [8, 128], strides = [1, 1]} : vector<200x128xf32> to vector<8x128xf32>
      %add3A_240 = arith.addf %add3A_238, %slice3A_239 : vector<8x128xf32>
      %slice3A_241 = vector.extract_strided_slice %get3A_224 {offsets = [64, 0], sizes = [8, 128], strides = [1, 1]} : vector<200x128xf32> to vector<8x128xf32>
      %add3A_242 = arith.addf %add3A_240, %slice3A_241 : vector<8x128xf32>
      %slice3A_243 = vector.extract_strided_slice %get3A_224 {offsets = [72, 0], sizes = [8, 128], strides = [1, 1]} : vector<200x128xf32> to vector<8x128xf32>
      %add3A_244 = arith.addf %add3A_242, %slice3A_243 : vector<8x128xf32>
      %slice3A_245 = vector.extract_strided_slice %get3A_224 {offsets = [80, 0], sizes = [8, 128], strides = [1, 1]} : vector<200x128xf32> to vector<8x128xf32>
      %add3A_246 = arith.addf %add3A_244, %slice3A_245 : vector<8x128xf32>
      %slice3A_247 = vector.extract_strided_slice %get3A_224 {offsets = [88, 0], sizes = [8, 128], strides = [1, 1]} : vector<200x128xf32> to vector<8x128xf32>
      %add3A_248 = arith.addf %add3A_246, %slice3A_247 : vector<8x128xf32>
      %slice3A_249 = vector.extract_strided_slice %get3A_224 {offsets = [96, 0], sizes = [8, 128], strides = [1, 1]} : vector<200x128xf32> to vector<8x128xf32>
      %add3A_250 = arith.addf %add3A_248, %slice3A_249 : vector<8x128xf32>
      %slice3A_251 = vector.extract_strided_slice %get3A_224 {offsets = [104, 0], sizes = [8, 128], strides = [1, 1]} : vector<200x128xf32> to vector<8x128xf32>
      %add3A_252 = arith.addf %add3A_250, %slice3A_251 : vector<8x128xf32>
      %slice3A_253 = vector.extract_strided_slice %get3A_224 {offsets = [112, 0], sizes = [8, 128], strides = [1, 1]} : vector<200x128xf32> to vector<8x128xf32>
      %add3A_254 = arith.addf %add3A_252, %slice3A_253 : vector<8x128xf32>
      %slice3A_255 = vector.extract_strided_slice %get3A_224 {offsets = [120, 0], sizes = [8, 128], strides = [1, 1]} : vector<200x128xf32> to vector<8x128xf32>
      %add3A_256 = arith.addf %add3A_254, %slice3A_255 : vector<8x128xf32>
      %slice3A_257 = vector.extract_strided_slice %get3A_224 {offsets = [128, 0], sizes = [8, 128], strides = [1, 1]} : vector<200x128xf32> to vector<8x128xf32>
      %add3A_258 = arith.addf %add3A_256, %slice3A_257 : vector<8x128xf32>
      %slice3A_259 = vector.extract_strided_slice %get3A_224 {offsets = [136, 0], sizes = [8, 128], strides = [1, 1]} : vector<200x128xf32> to vector<8x128xf32>
      %add3A_260 = arith.addf %add3A_258, %slice3A_259 : vector<8x128xf32>
      %slice3A_261 = vector.extract_strided_slice %get3A_224 {offsets = [144, 0], sizes = [8, 128], strides = [1, 1]} : vector<200x128xf32> to vector<8x128xf32>
      %add3A_262 = arith.addf %add3A_260, %slice3A_261 : vector<8x128xf32>
      %slice3A_263 = vector.extract_strided_slice %get3A_224 {offsets = [152, 0], sizes = [8, 128], strides = [1, 1]} : vector<200x128xf32> to vector<8x128xf32>
      %add3A_264 = arith.addf %add3A_262, %slice3A_263 : vector<8x128xf32>
      %slice3A_265 = vector.extract_strided_slice %get3A_224 {offsets = [160, 0], sizes = [8, 128], strides = [1, 1]} : vector<200x128xf32> to vector<8x128xf32>
      %add3A_266 = arith.addf %add3A_264, %slice3A_265 : vector<8x128xf32>
      %slice3A_267 = vector.extract_strided_slice %get3A_224 {offsets = [168, 0], sizes = [8, 128], strides = [1, 1]} : vector<200x128xf32> to vector<8x128xf32>
      %add3A_268 = arith.addf %add3A_266, %slice3A_267 : vector<8x128xf32>
      %slice3A_269 = vector.extract_strided_slice %get3A_224 {offsets = [176, 0], sizes = [8, 128], strides = [1, 1]} : vector<200x128xf32> to vector<8x128xf32>
      %add3A_270 = arith.addf %add3A_268, %slice3A_269 : vector<8x128xf32>
      %slice3A_271 = vector.extract_strided_slice %get3A_224 {offsets = [184, 0], sizes = [8, 128], strides = [1, 1]} : vector<200x128xf32> to vector<8x128xf32>
      %add3A_272 = arith.addf %add3A_270, %slice3A_271 : vector<8x128xf32>
      %slice3A_273 = vector.extract_strided_slice %get3A_224 {offsets = [192, 0], sizes = [8, 128], strides = [1, 1]} : vector<200x128xf32> to vector<8x128xf32>
      %add3A_274 = arith.addf %add3A_272, %slice3A_273 : vector<8x128xf32>
      scf.yield %add3A_274 : vector<8x128xf32>
    }
    %scan3A_55 = arith.constant 50 : i32
    %slice3A = vector.extract_strided_slice %scan3A_54 {offsets = [0, 0], sizes = [4, 128], strides = [1, 1]} : vector<8x128xf32> to vector<4x128xf32>
    %slice3A_56 = vector.extract_strided_slice %scan3A_54 {offsets = [4, 0], sizes = [4, 128], strides = [1, 1]} : vector<8x128xf32> to vector<4x128xf32>
    %add3A_57 = arith.addf %slice3A, %slice3A_56 : vector<4x128xf32>
    %slice3A_58 = vector.extract_strided_slice %add3A_57 {offsets = [0, 0], sizes = [2, 128], strides = [1, 1]} : vector<4x128xf32> to vector<2x128xf32>
    %slice3A_59 = vector.extract_strided_slice %add3A_57 {offsets = [2, 0], sizes = [2, 128], strides = [1, 1]} : vector<4x128xf32> to vector<2x128xf32>
    %add3A_60 = arith.addf %slice3A_58, %slice3A_59 : vector<2x128xf32>
    %slice3A_61 = vector.extract_strided_slice %add3A_60 {offsets = [0, 0], sizes = [1, 128], strides = [1, 1]} : vector<2x128xf32> to vector<1x128xf32>
    %slice3A_62 = vector.extract_strided_slice %add3A_60 {offsets = [1, 0], sizes = [1, 128], strides = [1, 1]} : vector<2x128xf32> to vector<1x128xf32>
    %add3A_63 = arith.addf %slice3A_61, %slice3A_62 : vector<1x128xf32>
    %mul3A_64 = arith.constant 9.99999974E-5 : f32
    %mul3A_65 = vector.broadcast %mul3A_64 : f32 to vector<1x128xf32>
    %mul3A_66 = arith.mulf %add3A_63, %mul3A_65 : vector<1x128xf32>
    %broadcast_in_dim3A_67 = arith.constant 0.000000e+00 : f32
    %broadcast_in_dim3A_68 = vector.broadcast %broadcast_in_dim3A_67 : f32 to vector<8x128xf32>
    %scan3A_69 = arith.constant 0 : i32
    %scan3A_70 = arith.constant 25 : i32
    %scan3A_71 = arith.addi %scan3A_69, %scan3A_70 : i32
    %scan3A_72 = arith.constant 1 : i32
    %scan3A_73 = scf.for %scan3A_218 = %scan3A_69 to %scan3A_71 step %scan3A_72 iter_args(%scan3A_219 = %broadcast_in_dim3A_68) -> (vector<8x128xf32>)  : i32 {
      %mul3A_220 = arith.constant 200 : i32
      %mul3A_221 = arith.muli %scan3A_218, %mul3A_220 : i32
      %add3A_222 = arith.constant 0 : i32
      %add3A_223 = arith.addi %add3A_222, %mul3A_221 : i32
      %get3A_224 = arith.index_cast %add3A_223 : i32 to index
      %get3A_225 = arith.constant 0 : index
      %get3A_226 = vector.load %arg14[%get3A_224, %get3A_225] : memref<10000x128xf32, #tpu.memory_space<vmem>>, vector<200x128xf32>
      %slice3A_227 = vector.extract_strided_slice %get3A_226 {offsets = [0, 0], sizes = [8, 128], strides = [1, 1]} : vector<200x128xf32> to vector<8x128xf32>
      %sub3A_228 = vector.broadcast %mul3A_66 : vector<1x128xf32> to vector<8x128xf32>
      %sub3A_229 = arith.subf %slice3A_227, %sub3A_228 : vector<8x128xf32>
      %mul3A_230 = arith.mulf %sub3A_229, %sub3A_229 : vector<8x128xf32>
      %add3A_231 = arith.addf %scan3A_219, %mul3A_230 : vector<8x128xf32>
      %slice3A_232 = vector.extract_strided_slice %get3A_226 {offsets = [8, 0], sizes = [8, 128], strides = [1, 1]} : vector<200x128xf32> to vector<8x128xf32>
      %sub3A_233 = vector.broadcast %mul3A_66 : vector<1x128xf32> to vector<8x128xf32>
      %sub3A_234 = arith.subf %slice3A_232, %sub3A_233 : vector<8x128xf32>
      %mul3A_235 = arith.mulf %sub3A_234, %sub3A_234 : vector<8x128xf32>
      %add3A_236 = arith.addf %add3A_231, %mul3A_235 : vector<8x128xf32>
      %slice3A_237 = vector.extract_strided_slice %get3A_226 {offsets = [16, 0], sizes = [8, 128], strides = [1, 1]} : vector<200x128xf32> to vector<8x128xf32>
      %sub3A_238 = vector.broadcast %mul3A_66 : vector<1x128xf32> to vector<8x128xf32>
      %sub3A_239 = arith.subf %slice3A_237, %sub3A_238 : vector<8x128xf32>
      %mul3A_240 = arith.mulf %sub3A_239, %sub3A_239 : vector<8x128xf32>
      %add3A_241 = arith.addf %add3A_236, %mul3A_240 : vector<8x128xf32>
      %slice3A_242 = vector.extract_strided_slice %get3A_226 {offsets = [24, 0], sizes = [8, 128], strides = [1, 1]} : vector<200x128xf32> to vector<8x128xf32>
      %sub3A_243 = vector.broadcast %mul3A_66 : vector<1x128xf32> to vector<8x128xf32>
      %sub3A_244 = arith.subf %slice3A_242, %sub3A_243 : vector<8x128xf32>
      %mul3A_245 = arith.mulf %sub3A_244, %sub3A_244 : vector<8x128xf32>
      %add3A_246 = arith.addf %add3A_241, %mul3A_245 : vector<8x128xf32>
      %slice3A_247 = vector.extract_strided_slice %get3A_226 {offsets = [32, 0], sizes = [8, 128], strides = [1, 1]} : vector<200x128xf32> to vector<8x128xf32>
      %sub3A_248 = vector.broadcast %mul3A_66 : vector<1x128xf32> to vector<8x128xf32>
      %sub3A_249 = arith.subf %slice3A_247, %sub3A_248 : vector<8x128xf32>
      %mul3A_250 = arith.mulf %sub3A_249, %sub3A_249 : vector<8x128xf32>
      %add3A_251 = arith.addf %add3A_246, %mul3A_250 : vector<8x128xf32>
      %slice3A_252 = vector.extract_strided_slice %get3A_226 {offsets = [40, 0], sizes = [8, 128], strides = [1, 1]} : vector<200x128xf32> to vector<8x128xf32>
      %sub3A_253 = vector.broadcast %mul3A_66 : vector<1x128xf32> to vector<8x128xf32>
      %sub3A_254 = arith.subf %slice3A_252, %sub3A_253 : vector<8x128xf32>
      %mul3A_255 = arith.mulf %sub3A_254, %sub3A_254 : vector<8x128xf32>
      %add3A_256 = arith.addf %add3A_251, %mul3A_255 : vector<8x128xf32>
      %slice3A_257 = vector.extract_strided_slice %get3A_226 {offsets = [48, 0], sizes = [8, 128], strides = [1, 1]} : vector<200x128xf32> to vector<8x128xf32>
      %sub3A_258 = vector.broadcast %mul3A_66 : vector<1x128xf32> to vector<8x128xf32>
      %sub3A_259 = arith.subf %slice3A_257, %sub3A_258 : vector<8x128xf32>
      %mul3A_260 = arith.mulf %sub3A_259, %sub3A_259 : vector<8x128xf32>
      %add3A_261 = arith.addf %add3A_256, %mul3A_260 : vector<8x128xf32>
      %slice3A_262 = vector.extract_strided_slice %get3A_226 {offsets = [56, 0], sizes = [8, 128], strides = [1, 1]} : vector<200x128xf32> to vector<8x128xf32>
      %sub3A_263 = vector.broadcast %mul3A_66 : vector<1x128xf32> to vector<8x128xf32>
      %sub3A_264 = arith.subf %slice3A_262, %sub3A_263 : vector<8x128xf32>
      %mul3A_265 = arith.mulf %sub3A_264, %sub3A_264 : vector<8x128xf32>
      %add3A_266 = arith.addf %add3A_261, %mul3A_265 : vector<8x128xf32>
      %slice3A_267 = vector.extract_strided_slice %get3A_226 {offsets = [64, 0], sizes = [8, 128], strides = [1, 1]} : vector<200x128xf32> to vector<8x128xf32>
      %sub3A_268 = vector.broadcast %mul3A_66 : vector<1x128xf32> to vector<8x128xf32>
      %sub3A_269 = arith.subf %slice3A_267, %sub3A_268 : vector<8x128xf32>
      %mul3A_270 = arith.mulf %sub3A_269, %sub3A_269 : vector<8x128xf32>
      %add3A_271 = arith.addf %add3A_266, %mul3A_270 : vector<8x128xf32>
      %slice3A_272 = vector.extract_strided_slice %get3A_226 {offsets = [72, 0], sizes = [8, 128], strides = [1, 1]} : vector<200x128xf32> to vector<8x128xf32>
      %sub3A_273 = vector.broadcast %mul3A_66 : vector<1x128xf32> to vector<8x128xf32>
      %sub3A_274 = arith.subf %slice3A_272, %sub3A_273 : vector<8x128xf32>
      %mul3A_275 = arith.mulf %sub3A_274, %sub3A_274 : vector<8x128xf32>
      %add3A_276 = arith.addf %add3A_271, %mul3A_275 : vector<8x128xf32>
      %slice3A_277 = vector.extract_strided_slice %get3A_226 {offsets = [80, 0], sizes = [8, 128], strides = [1, 1]} : vector<200x128xf32> to vector<8x128xf32>
      %sub3A_278 = vector.broadcast %mul3A_66 : vector<1x128xf32> to vector<8x128xf32>
      %sub3A_279 = arith.subf %slice3A_277, %sub3A_278 : vector<8x128xf32>
      %mul3A_280 = arith.mulf %sub3A_279, %sub3A_279 : vector<8x128xf32>
      %add3A_281 = arith.addf %add3A_276, %mul3A_280 : vector<8x128xf32>
      %slice3A_282 = vector.extract_strided_slice %get3A_226 {offsets = [88, 0], sizes = [8, 128], strides = [1, 1]} : vector<200x128xf32> to vector<8x128xf32>
      %sub3A_283 = vector.broadcast %mul3A_66 : vector<1x128xf32> to vector<8x128xf32>
      %sub3A_284 = arith.subf %slice3A_282, %sub3A_283 : vector<8x128xf32>
      %mul3A_285 = arith.mulf %sub3A_284, %sub3A_284 : vector<8x128xf32>
      %add3A_286 = arith.addf %add3A_281, %mul3A_285 : vector<8x128xf32>
      %slice3A_287 = vector.extract_strided_slice %get3A_226 {offsets = [96, 0], sizes = [8, 128], strides = [1, 1]} : vector<200x128xf32> to vector<8x128xf32>
      %sub3A_288 = vector.broadcast %mul3A_66 : vector<1x128xf32> to vector<8x128xf32>
      %sub3A_289 = arith.subf %slice3A_287, %sub3A_288 : vector<8x128xf32>
      %mul3A_290 = arith.mulf %sub3A_289, %sub3A_289 : vector<8x128xf32>
      %add3A_291 = arith.addf %add3A_286, %mul3A_290 : vector<8x128xf32>
      %slice3A_292 = vector.extract_strided_slice %get3A_226 {offsets = [104, 0], sizes = [8, 128], strides = [1, 1]} : vector<200x128xf32> to vector<8x128xf32>
      %sub3A_293 = vector.broadcast %mul3A_66 : vector<1x128xf32> to vector<8x128xf32>
      %sub3A_294 = arith.subf %slice3A_292, %sub3A_293 : vector<8x128xf32>
      %mul3A_295 = arith.mulf %sub3A_294, %sub3A_294 : vector<8x128xf32>
      %add3A_296 = arith.addf %add3A_291, %mul3A_295 : vector<8x128xf32>
      %slice3A_297 = vector.extract_strided_slice %get3A_226 {offsets = [112, 0], sizes = [8, 128], strides = [1, 1]} : vector<200x128xf32> to vector<8x128xf32>
      %sub3A_298 = vector.broadcast %mul3A_66 : vector<1x128xf32> to vector<8x128xf32>
      %sub3A_299 = arith.subf %slice3A_297, %sub3A_298 : vector<8x128xf32>
      %mul3A_300 = arith.mulf %sub3A_299, %sub3A_299 : vector<8x128xf32>
      %add3A_301 = arith.addf %add3A_296, %mul3A_300 : vector<8x128xf32>
      %slice3A_302 = vector.extract_strided_slice %get3A_226 {offsets = [120, 0], sizes = [8, 128], strides = [1, 1]} : vector<200x128xf32> to vector<8x128xf32>
      %sub3A_303 = vector.broadcast %mul3A_66 : vector<1x128xf32> to vector<8x128xf32>
      %sub3A_304 = arith.subf %slice3A_302, %sub3A_303 : vector<8x128xf32>
      %mul3A_305 = arith.mulf %sub3A_304, %sub3A_304 : vector<8x128xf32>
      %add3A_306 = arith.addf %add3A_301, %mul3A_305 : vector<8x128xf32>
      %slice3A_307 = vector.extract_strided_slice %get3A_226 {offsets = [128, 0], sizes = [8, 128], strides = [1, 1]} : vector<200x128xf32> to vector<8x128xf32>
      %sub3A_308 = vector.broadcast %mul3A_66 : vector<1x128xf32> to vector<8x128xf32>
      %sub3A_309 = arith.subf %slice3A_307, %sub3A_308 : vector<8x128xf32>
      %mul3A_310 = arith.mulf %sub3A_309, %sub3A_309 : vector<8x128xf32>
      %add3A_311 = arith.addf %add3A_306, %mul3A_310 : vector<8x128xf32>
      %slice3A_312 = vector.extract_strided_slice %get3A_226 {offsets = [136, 0], sizes = [8, 128], strides = [1, 1]} : vector<200x128xf32> to vector<8x128xf32>
      %sub3A_313 = vector.broadcast %mul3A_66 : vector<1x128xf32> to vector<8x128xf32>
      %sub3A_314 = arith.subf %slice3A_312, %sub3A_313 : vector<8x128xf32>
      %mul3A_315 = arith.mulf %sub3A_314, %sub3A_314 : vector<8x128xf32>
      %add3A_316 = arith.addf %add3A_311, %mul3A_315 : vector<8x128xf32>
      %slice3A_317 = vector.extract_strided_slice %get3A_226 {offsets = [144, 0], sizes = [8, 128], strides = [1, 1]} : vector<200x128xf32> to vector<8x128xf32>
      %sub3A_318 = vector.broadcast %mul3A_66 : vector<1x128xf32> to vector<8x128xf32>
      %sub3A_319 = arith.subf %slice3A_317, %sub3A_318 : vector<8x128xf32>
      %mul3A_320 = arith.mulf %sub3A_319, %sub3A_319 : vector<8x128xf32>
      %add3A_321 = arith.addf %add3A_316, %mul3A_320 : vector<8x128xf32>
      %slice3A_322 = vector.extract_strided_slice %get3A_226 {offsets = [152, 0], sizes = [8, 128], strides = [1, 1]} : vector<200x128xf32> to vector<8x128xf32>
      %sub3A_323 = vector.broadcast %mul3A_66 : vector<1x128xf32> to vector<8x128xf32>
      %sub3A_324 = arith.subf %slice3A_322, %sub3A_323 : vector<8x128xf32>
      %mul3A_325 = arith.mulf %sub3A_324, %sub3A_324 : vector<8x128xf32>
      %add3A_326 = arith.addf %add3A_321, %mul3A_325 : vector<8x128xf32>
      %slice3A_327 = vector.extract_strided_slice %get3A_226 {offsets = [160, 0], sizes = [8, 128], strides = [1, 1]} : vector<200x128xf32> to vector<8x128xf32>
      %sub3A_328 = vector.broadcast %mul3A_66 : vector<1x128xf32> to vector<8x128xf32>
      %sub3A_329 = arith.subf %slice3A_327, %sub3A_328 : vector<8x128xf32>
      %mul3A_330 = arith.mulf %sub3A_329, %sub3A_329 : vector<8x128xf32>
      %add3A_331 = arith.addf %add3A_326, %mul3A_330 : vector<8x128xf32>
      %slice3A_332 = vector.extract_strided_slice %get3A_226 {offsets = [168, 0], sizes = [8, 128], strides = [1, 1]} : vector<200x128xf32> to vector<8x128xf32>
      %sub3A_333 = vector.broadcast %mul3A_66 : vector<1x128xf32> to vector<8x128xf32>
      %sub3A_334 = arith.subf %slice3A_332, %sub3A_333 : vector<8x128xf32>
      %mul3A_335 = arith.mulf %sub3A_334, %sub3A_334 : vector<8x128xf32>
      %add3A_336 = arith.addf %add3A_331, %mul3A_335 : vector<8x128xf32>
      %slice3A_337 = vector.extract_strided_slice %get3A_226 {offsets = [176, 0], sizes = [8, 128], strides = [1, 1]} : vector<200x128xf32> to vector<8x128xf32>
      %sub3A_338 = vector.broadcast %mul3A_66 : vector<1x128xf32> to vector<8x128xf32>
      %sub3A_339 = arith.subf %slice3A_337, %sub3A_338 : vector<8x128xf32>
      %mul3A_340 = arith.mulf %sub3A_339, %sub3A_339 : vector<8x128xf32>
      %add3A_341 = arith.addf %add3A_336, %mul3A_340 : vector<8x128xf32>
      %slice3A_342 = vector.extract_strided_slice %get3A_226 {offsets = [184, 0], sizes = [8, 128], strides = [1, 1]} : vector<200x128xf32> to vector<8x128xf32>
      %sub3A_343 = vector.broadcast %mul3A_66 : vector<1x128xf32> to vector<8x128xf32>
      %sub3A_344 = arith.subf %slice3A_342, %sub3A_343 : vector<8x128xf32>
      %mul3A_345 = arith.mulf %sub3A_344, %sub3A_344 : vector<8x128xf32>
      %add3A_346 = arith.addf %add3A_341, %mul3A_345 : vector<8x128xf32>
      %slice3A_347 = vector.extract_strided_slice %get3A_226 {offsets = [192, 0], sizes = [8, 128], strides = [1, 1]} : vector<200x128xf32> to vector<8x128xf32>
      %sub3A_348 = vector.broadcast %mul3A_66 : vector<1x128xf32> to vector<8x128xf32>
      %sub3A_349 = arith.subf %slice3A_347, %sub3A_348 : vector<8x128xf32>
      %mul3A_350 = arith.mulf %sub3A_349, %sub3A_349 : vector<8x128xf32>
      %add3A_351 = arith.addf %add3A_346, %mul3A_350 : vector<8x128xf32>
      scf.yield %add3A_351 : vector<8x128xf32>
    }
    %scan3A_74 = arith.constant 25 : i32
    %slice3A_75 = vector.extract_strided_slice %scan3A_73 {offsets = [0, 0], sizes = [4, 128], strides = [1, 1]} : vector<8x128xf32> to vector<4x128xf32>
    %slice3A_76 = vector.extract_strided_slice %scan3A_73 {offsets = [4, 0], sizes = [4, 128], strides = [1, 1]} : vector<8x128xf32> to vector<4x128xf32>
    %add3A_77 = arith.addf %slice3A_75, %slice3A_76 : vector<4x128xf32>
    %slice3A_78 = vector.extract_strided_slice %add3A_77 {offsets = [0, 0], sizes = [2, 128], strides = [1, 1]} : vector<4x128xf32> to vector<2x128xf32>
    %slice3A_79 = vector.extract_strided_slice %add3A_77 {offsets = [2, 0], sizes = [2, 128], strides = [1, 1]} : vector<4x128xf32> to vector<2x128xf32>
    %add3A_80 = arith.addf %slice3A_78, %slice3A_79 : vector<2x128xf32>
    %slice3A_81 = vector.extract_strided_slice %add3A_80 {offsets = [0, 0], sizes = [1, 128], strides = [1, 1]} : vector<2x128xf32> to vector<1x128xf32>
    %slice3A_82 = vector.extract_strided_slice %add3A_80 {offsets = [1, 0], sizes = [1, 128], strides = [1, 1]} : vector<2x128xf32> to vector<1x128xf32>
    %add3A_83 = arith.addf %slice3A_81, %slice3A_82 : vector<1x128xf32>
    %broadcast_in_dim3A_84 = arith.constant 0.000000e+00 : f32
    %broadcast_in_dim3A_85 = vector.broadcast %broadcast_in_dim3A_84 : f32 to vector<8x128xf32>
    %scan3A_86 = arith.constant 0 : i32
    %scan3A_87 = arith.constant 25 : i32
    %scan3A_88 = arith.addi %scan3A_86, %scan3A_87 : i32
    %scan3A_89 = arith.constant 1 : i32
    %scan3A_90 = scf.for %scan3A_218 = %scan3A_86 to %scan3A_88 step %scan3A_89 iter_args(%scan3A_219 = %broadcast_in_dim3A_85) -> (vector<8x128xf32>)  : i32 {
      %mul3A_220 = arith.constant 200 : i32
      %mul3A_221 = arith.muli %scan3A_218, %mul3A_220 : i32
      %add3A_222 = arith.constant 5000 : i32
      %add3A_223 = arith.addi %add3A_222, %mul3A_221 : i32
      %get3A_224 = arith.index_cast %add3A_223 : i32 to index
      %get3A_225 = arith.constant 0 : index
      %get3A_226 = vector.load %arg14[%get3A_224, %get3A_225] : memref<10000x128xf32, #tpu.memory_space<vmem>>, vector<200x128xf32>
      %slice3A_227 = vector.extract_strided_slice %get3A_226 {offsets = [0, 0], sizes = [8, 128], strides = [1, 1]} : vector<200x128xf32> to vector<8x128xf32>
      %sub3A_228 = vector.broadcast %mul3A_66 : vector<1x128xf32> to vector<8x128xf32>
      %sub3A_229 = arith.subf %slice3A_227, %sub3A_228 : vector<8x128xf32>
      %mul3A_230 = arith.mulf %sub3A_229, %sub3A_229 : vector<8x128xf32>
      %add3A_231 = arith.addf %scan3A_219, %mul3A_230 : vector<8x128xf32>
      %slice3A_232 = vector.extract_strided_slice %get3A_226 {offsets = [8, 0], sizes = [8, 128], strides = [1, 1]} : vector<200x128xf32> to vector<8x128xf32>
      %sub3A_233 = vector.broadcast %mul3A_66 : vector<1x128xf32> to vector<8x128xf32>
      %sub3A_234 = arith.subf %slice3A_232, %sub3A_233 : vector<8x128xf32>
      %mul3A_235 = arith.mulf %sub3A_234, %sub3A_234 : vector<8x128xf32>
      %add3A_236 = arith.addf %add3A_231, %mul3A_235 : vector<8x128xf32>
      %slice3A_237 = vector.extract_strided_slice %get3A_226 {offsets = [16, 0], sizes = [8, 128], strides = [1, 1]} : vector<200x128xf32> to vector<8x128xf32>
      %sub3A_238 = vector.broadcast %mul3A_66 : vector<1x128xf32> to vector<8x128xf32>
      %sub3A_239 = arith.subf %slice3A_237, %sub3A_238 : vector<8x128xf32>
      %mul3A_240 = arith.mulf %sub3A_239, %sub3A_239 : vector<8x128xf32>
      %add3A_241 = arith.addf %add3A_236, %mul3A_240 : vector<8x128xf32>
      %slice3A_242 = vector.extract_strided_slice %get3A_226 {offsets = [24, 0], sizes = [8, 128], strides = [1, 1]} : vector<200x128xf32> to vector<8x128xf32>
      %sub3A_243 = vector.broadcast %mul3A_66 : vector<1x128xf32> to vector<8x128xf32>
      %sub3A_244 = arith.subf %slice3A_242, %sub3A_243 : vector<8x128xf32>
      %mul3A_245 = arith.mulf %sub3A_244, %sub3A_244 : vector<8x128xf32>
      %add3A_246 = arith.addf %add3A_241, %mul3A_245 : vector<8x128xf32>
      %slice3A_247 = vector.extract_strided_slice %get3A_226 {offsets = [32, 0], sizes = [8, 128], strides = [1, 1]} : vector<200x128xf32> to vector<8x128xf32>
      %sub3A_248 = vector.broadcast %mul3A_66 : vector<1x128xf32> to vector<8x128xf32>
      %sub3A_249 = arith.subf %slice3A_247, %sub3A_248 : vector<8x128xf32>
      %mul3A_250 = arith.mulf %sub3A_249, %sub3A_249 : vector<8x128xf32>
      %add3A_251 = arith.addf %add3A_246, %mul3A_250 : vector<8x128xf32>
      %slice3A_252 = vector.extract_strided_slice %get3A_226 {offsets = [40, 0], sizes = [8, 128], strides = [1, 1]} : vector<200x128xf32> to vector<8x128xf32>
      %sub3A_253 = vector.broadcast %mul3A_66 : vector<1x128xf32> to vector<8x128xf32>
      %sub3A_254 = arith.subf %slice3A_252, %sub3A_253 : vector<8x128xf32>
      %mul3A_255 = arith.mulf %sub3A_254, %sub3A_254 : vector<8x128xf32>
      %add3A_256 = arith.addf %add3A_251, %mul3A_255 : vector<8x128xf32>
      %slice3A_257 = vector.extract_strided_slice %get3A_226 {offsets = [48, 0], sizes = [8, 128], strides = [1, 1]} : vector<200x128xf32> to vector<8x128xf32>
      %sub3A_258 = vector.broadcast %mul3A_66 : vector<1x128xf32> to vector<8x128xf32>
      %sub3A_259 = arith.subf %slice3A_257, %sub3A_258 : vector<8x128xf32>
      %mul3A_260 = arith.mulf %sub3A_259, %sub3A_259 : vector<8x128xf32>
      %add3A_261 = arith.addf %add3A_256, %mul3A_260 : vector<8x128xf32>
      %slice3A_262 = vector.extract_strided_slice %get3A_226 {offsets = [56, 0], sizes = [8, 128], strides = [1, 1]} : vector<200x128xf32> to vector<8x128xf32>
      %sub3A_263 = vector.broadcast %mul3A_66 : vector<1x128xf32> to vector<8x128xf32>
      %sub3A_264 = arith.subf %slice3A_262, %sub3A_263 : vector<8x128xf32>
      %mul3A_265 = arith.mulf %sub3A_264, %sub3A_264 : vector<8x128xf32>
      %add3A_266 = arith.addf %add3A_261, %mul3A_265 : vector<8x128xf32>
      %slice3A_267 = vector.extract_strided_slice %get3A_226 {offsets = [64, 0], sizes = [8, 128], strides = [1, 1]} : vector<200x128xf32> to vector<8x128xf32>
      %sub3A_268 = vector.broadcast %mul3A_66 : vector<1x128xf32> to vector<8x128xf32>
      %sub3A_269 = arith.subf %slice3A_267, %sub3A_268 : vector<8x128xf32>
      %mul3A_270 = arith.mulf %sub3A_269, %sub3A_269 : vector<8x128xf32>
      %add3A_271 = arith.addf %add3A_266, %mul3A_270 : vector<8x128xf32>
      %slice3A_272 = vector.extract_strided_slice %get3A_226 {offsets = [72, 0], sizes = [8, 128], strides = [1, 1]} : vector<200x128xf32> to vector<8x128xf32>
      %sub3A_273 = vector.broadcast %mul3A_66 : vector<1x128xf32> to vector<8x128xf32>
      %sub3A_274 = arith.subf %slice3A_272, %sub3A_273 : vector<8x128xf32>
      %mul3A_275 = arith.mulf %sub3A_274, %sub3A_274 : vector<8x128xf32>
      %add3A_276 = arith.addf %add3A_271, %mul3A_275 : vector<8x128xf32>
      %slice3A_277 = vector.extract_strided_slice %get3A_226 {offsets = [80, 0], sizes = [8, 128], strides = [1, 1]} : vector<200x128xf32> to vector<8x128xf32>
      %sub3A_278 = vector.broadcast %mul3A_66 : vector<1x128xf32> to vector<8x128xf32>
      %sub3A_279 = arith.subf %slice3A_277, %sub3A_278 : vector<8x128xf32>
      %mul3A_280 = arith.mulf %sub3A_279, %sub3A_279 : vector<8x128xf32>
      %add3A_281 = arith.addf %add3A_276, %mul3A_280 : vector<8x128xf32>
      %slice3A_282 = vector.extract_strided_slice %get3A_226 {offsets = [88, 0], sizes = [8, 128], strides = [1, 1]} : vector<200x128xf32> to vector<8x128xf32>
      %sub3A_283 = vector.broadcast %mul3A_66 : vector<1x128xf32> to vector<8x128xf32>
      %sub3A_284 = arith.subf %slice3A_282, %sub3A_283 : vector<8x128xf32>
      %mul3A_285 = arith.mulf %sub3A_284, %sub3A_284 : vector<8x128xf32>
      %add3A_286 = arith.addf %add3A_281, %mul3A_285 : vector<8x128xf32>
      %slice3A_287 = vector.extract_strided_slice %get3A_226 {offsets = [96, 0], sizes = [8, 128], strides = [1, 1]} : vector<200x128xf32> to vector<8x128xf32>
      %sub3A_288 = vector.broadcast %mul3A_66 : vector<1x128xf32> to vector<8x128xf32>
      %sub3A_289 = arith.subf %slice3A_287, %sub3A_288 : vector<8x128xf32>
      %mul3A_290 = arith.mulf %sub3A_289, %sub3A_289 : vector<8x128xf32>
      %add3A_291 = arith.addf %add3A_286, %mul3A_290 : vector<8x128xf32>
      %slice3A_292 = vector.extract_strided_slice %get3A_226 {offsets = [104, 0], sizes = [8, 128], strides = [1, 1]} : vector<200x128xf32> to vector<8x128xf32>
      %sub3A_293 = vector.broadcast %mul3A_66 : vector<1x128xf32> to vector<8x128xf32>
      %sub3A_294 = arith.subf %slice3A_292, %sub3A_293 : vector<8x128xf32>
      %mul3A_295 = arith.mulf %sub3A_294, %sub3A_294 : vector<8x128xf32>
      %add3A_296 = arith.addf %add3A_291, %mul3A_295 : vector<8x128xf32>
      %slice3A_297 = vector.extract_strided_slice %get3A_226 {offsets = [112, 0], sizes = [8, 128], strides = [1, 1]} : vector<200x128xf32> to vector<8x128xf32>
      %sub3A_298 = vector.broadcast %mul3A_66 : vector<1x128xf32> to vector<8x128xf32>
      %sub3A_299 = arith.subf %slice3A_297, %sub3A_298 : vector<8x128xf32>
      %mul3A_300 = arith.mulf %sub3A_299, %sub3A_299 : vector<8x128xf32>
      %add3A_301 = arith.addf %add3A_296, %mul3A_300 : vector<8x128xf32>
      %slice3A_302 = vector.extract_strided_slice %get3A_226 {offsets = [120, 0], sizes = [8, 128], strides = [1, 1]} : vector<200x128xf32> to vector<8x128xf32>
      %sub3A_303 = vector.broadcast %mul3A_66 : vector<1x128xf32> to vector<8x128xf32>
      %sub3A_304 = arith.subf %slice3A_302, %sub3A_303 : vector<8x128xf32>
      %mul3A_305 = arith.mulf %sub3A_304, %sub3A_304 : vector<8x128xf32>
      %add3A_306 = arith.addf %add3A_301, %mul3A_305 : vector<8x128xf32>
      %slice3A_307 = vector.extract_strided_slice %get3A_226 {offsets = [128, 0], sizes = [8, 128], strides = [1, 1]} : vector<200x128xf32> to vector<8x128xf32>
      %sub3A_308 = vector.broadcast %mul3A_66 : vector<1x128xf32> to vector<8x128xf32>
      %sub3A_309 = arith.subf %slice3A_307, %sub3A_308 : vector<8x128xf32>
      %mul3A_310 = arith.mulf %sub3A_309, %sub3A_309 : vector<8x128xf32>
      %add3A_311 = arith.addf %add3A_306, %mul3A_310 : vector<8x128xf32>
      %slice3A_312 = vector.extract_strided_slice %get3A_226 {offsets = [136, 0], sizes = [8, 128], strides = [1, 1]} : vector<200x128xf32> to vector<8x128xf32>
      %sub3A_313 = vector.broadcast %mul3A_66 : vector<1x128xf32> to vector<8x128xf32>
      %sub3A_314 = arith.subf %slice3A_312, %sub3A_313 : vector<8x128xf32>
      %mul3A_315 = arith.mulf %sub3A_314, %sub3A_314 : vector<8x128xf32>
      %add3A_316 = arith.addf %add3A_311, %mul3A_315 : vector<8x128xf32>
      %slice3A_317 = vector.extract_strided_slice %get3A_226 {offsets = [144, 0], sizes = [8, 128], strides = [1, 1]} : vector<200x128xf32> to vector<8x128xf32>
      %sub3A_318 = vector.broadcast %mul3A_66 : vector<1x128xf32> to vector<8x128xf32>
      %sub3A_319 = arith.subf %slice3A_317, %sub3A_318 : vector<8x128xf32>
      %mul3A_320 = arith.mulf %sub3A_319, %sub3A_319 : vector<8x128xf32>
      %add3A_321 = arith.addf %add3A_316, %mul3A_320 : vector<8x128xf32>
      %slice3A_322 = vector.extract_strided_slice %get3A_226 {offsets = [152, 0], sizes = [8, 128], strides = [1, 1]} : vector<200x128xf32> to vector<8x128xf32>
      %sub3A_323 = vector.broadcast %mul3A_66 : vector<1x128xf32> to vector<8x128xf32>
      %sub3A_324 = arith.subf %slice3A_322, %sub3A_323 : vector<8x128xf32>
      %mul3A_325 = arith.mulf %sub3A_324, %sub3A_324 : vector<8x128xf32>
      %add3A_326 = arith.addf %add3A_321, %mul3A_325 : vector<8x128xf32>
      %slice3A_327 = vector.extract_strided_slice %get3A_226 {offsets = [160, 0], sizes = [8, 128], strides = [1, 1]} : vector<200x128xf32> to vector<8x128xf32>
      %sub3A_328 = vector.broadcast %mul3A_66 : vector<1x128xf32> to vector<8x128xf32>
      %sub3A_329 = arith.subf %slice3A_327, %sub3A_328 : vector<8x128xf32>
      %mul3A_330 = arith.mulf %sub3A_329, %sub3A_329 : vector<8x128xf32>
      %add3A_331 = arith.addf %add3A_326, %mul3A_330 : vector<8x128xf32>
      %slice3A_332 = vector.extract_strided_slice %get3A_226 {offsets = [168, 0], sizes = [8, 128], strides = [1, 1]} : vector<200x128xf32> to vector<8x128xf32>
      %sub3A_333 = vector.broadcast %mul3A_66 : vector<1x128xf32> to vector<8x128xf32>
      %sub3A_334 = arith.subf %slice3A_332, %sub3A_333 : vector<8x128xf32>
      %mul3A_335 = arith.mulf %sub3A_334, %sub3A_334 : vector<8x128xf32>
      %add3A_336 = arith.addf %add3A_331, %mul3A_335 : vector<8x128xf32>
      %slice3A_337 = vector.extract_strided_slice %get3A_226 {offsets = [176, 0], sizes = [8, 128], strides = [1, 1]} : vector<200x128xf32> to vector<8x128xf32>
      %sub3A_338 = vector.broadcast %mul3A_66 : vector<1x128xf32> to vector<8x128xf32>
      %sub3A_339 = arith.subf %slice3A_337, %sub3A_338 : vector<8x128xf32>
      %mul3A_340 = arith.mulf %sub3A_339, %sub3A_339 : vector<8x128xf32>
      %add3A_341 = arith.addf %add3A_336, %mul3A_340 : vector<8x128xf32>
      %slice3A_342 = vector.extract_strided_slice %get3A_226 {offsets = [184, 0], sizes = [8, 128], strides = [1, 1]} : vector<200x128xf32> to vector<8x128xf32>
      %sub3A_343 = vector.broadcast %mul3A_66 : vector<1x128xf32> to vector<8x128xf32>
      %sub3A_344 = arith.subf %slice3A_342, %sub3A_343 : vector<8x128xf32>
      %mul3A_345 = arith.mulf %sub3A_344, %sub3A_344 : vector<8x128xf32>
      %add3A_346 = arith.addf %add3A_341, %mul3A_345 : vector<8x128xf32>
      %slice3A_347 = vector.extract_strided_slice %get3A_226 {offsets = [192, 0], sizes = [8, 128], strides = [1, 1]} : vector<200x128xf32> to vector<8x128xf32>
      %sub3A_348 = vector.broadcast %mul3A_66 : vector<1x128xf32> to vector<8x128xf32>
      %sub3A_349 = arith.subf %slice3A_347, %sub3A_348 : vector<8x128xf32>
      %mul3A_350 = arith.mulf %sub3A_349, %sub3A_349 : vector<8x128xf32>
      %add3A_351 = arith.addf %add3A_346, %mul3A_350 : vector<8x128xf32>
      scf.yield %add3A_351 : vector<8x128xf32>
    }
    %scan3A_91 = arith.constant 25 : i32
    %slice3A_92 = vector.extract_strided_slice %scan3A_90 {offsets = [0, 0], sizes = [4, 128], strides = [1, 1]} : vector<8x128xf32> to vector<4x128xf32>
    %slice3A_93 = vector.extract_strided_slice %scan3A_90 {offsets = [4, 0], sizes = [4, 128], strides = [1, 1]} : vector<8x128xf32> to vector<4x128xf32>
    %add3A_94 = arith.addf %slice3A_92, %slice3A_93 : vector<4x128xf32>
    %slice3A_95 = vector.extract_strided_slice %add3A_94 {offsets = [0, 0], sizes = [2, 128], strides = [1, 1]} : vector<4x128xf32> to vector<2x128xf32>
    %slice3A_96 = vector.extract_strided_slice %add3A_94 {offsets = [2, 0], sizes = [2, 128], strides = [1, 1]} : vector<4x128xf32> to vector<2x128xf32>
    %add3A_97 = arith.addf %slice3A_95, %slice3A_96 : vector<2x128xf32>
    %slice3A_98 = vector.extract_strided_slice %add3A_97 {offsets = [0, 0], sizes = [1, 128], strides = [1, 1]} : vector<2x128xf32> to vector<1x128xf32>
    %slice3A_99 = vector.extract_strided_slice %add3A_97 {offsets = [1, 0], sizes = [1, 128], strides = [1, 1]} : vector<2x128xf32> to vector<1x128xf32>
    %add3A_100 = arith.addf %slice3A_98, %slice3A_99 : vector<1x128xf32>
    %add3A_101 = arith.addf %add3A_83, %add3A_100 : vector<1x128xf32>
    %mul3A_102 = arith.constant 9.99999974E-5 : f32
    %mul3A_103 = vector.broadcast %mul3A_102 : f32 to vector<1x128xf32>
    %mul3A_104 = arith.mulf %add3A_101, %mul3A_103 : vector<1x128xf32>
    %get3A_105 = arith.constant 0 : index
    %get3A_106 = arith.constant 0 : index
    %get3A_107 = vector.load %arg14[%get3A_105, %get3A_106] : memref<10000x128xf32, #tpu.memory_space<vmem>>, vector<10000x128xf32>
    %sub3A = vector.broadcast %mul3A_66 : vector<1x128xf32> to vector<10000x128xf32>
    %sub3A_108 = arith.subf %get3A_107, %sub3A : vector<10000x128xf32>
    %add3A_109 = arith.constant 9.99999974E-6 : f32
    %add3A_110 = vector.broadcast %add3A_109 : f32 to vector<1x128xf32>
    %add3A_111 = arith.addf %mul3A_104, %add3A_110 : vector<1x128xf32>
    %sqrt3A = math.sqrt %add3A_111 : vector<1x128xf32>
    %div3A = vector.broadcast %sqrt3A : vector<1x128xf32> to vector<10000x128xf32>
    %div3A_112 = arith.divf %sub3A_108, %div3A : vector<10000x128xf32>
    %mul3A_113 = vector.broadcast %get3A_24 : vector<1x128xf32> to vector<10000x128xf32>
    %mul3A_114 = arith.mulf %div3A_112, %mul3A_113 : vector<10000x128xf32>
    %add3A_115 = vector.broadcast %get3A_27 : vector<1x128xf32> to vector<10000x128xf32>
    %add3A_116 = arith.addf %mul3A_114, %add3A_115 : vector<10000x128xf32>
    %max3A = arith.constant 0.000000e+00 : f32
    %max3A_117 = vector.broadcast %max3A : f32 to vector<10000x128xf32>
    %max3A_118 = arith.maximumf %add3A_116, %max3A_117 : vector<10000x128xf32>
    %convert_element_type3A_119 = arith.truncf %max3A_118 : vector<10000x128xf32> to vector<10000x128xbf16>
    %convert_element_type3A_120 = arith.truncf %get3A_30 : vector<128x128xf32> to vector<128x128xbf16>
    %dot_general3A_121 = arith.constant dense<0.000000e+00> : vector<10000x128xf32>
    %dot_general3A_122 = tpu.matmul %convert_element_type3A_119, %convert_element_type3A_120, %dot_general3A_121 {dimension_numbers = #tpu.dot_dimension_numbers<[1], [0], [0], [1], [0, 0, 1, 1], [], []>, transpose_lhs_hint = false} : vector<10000x128xbf16>, vector<128x128xbf16>, vector<10000x128xf32> -> vector<10000x128xf32>
    %add3A_123 = vector.broadcast %get3A_33 : vector<1x128xf32> to vector<10000x128xf32>
    %add3A_124 = arith.addf %dot_general3A_122, %add3A_123 : vector<10000x128xf32>
    %swap3A_125 = arith.constant 0 : index
    %swap3A_126 = arith.constant 0 : index
    %swap3A_127 = vector.load %arg14[%swap3A_125, %swap3A_126] : memref<10000x128xf32, #tpu.memory_space<vmem>>, vector<10000x128xf32>
    tpu.vector_store %arg14[%swap3A_125, %swap3A_126], %add3A_124 {strides = array<i32>} : memref<10000x128xf32, #tpu.memory_space<vmem>>, vector<10000x128xf32>,
    %broadcast_in_dim3A_128 = arith.constant 0.000000e+00 : f32
    %broadcast_in_dim3A_129 = vector.broadcast %broadcast_in_dim3A_128 : f32 to vector<8x128xf32>
    %scan3A_130 = arith.constant 0 : i32
    %scan3A_131 = arith.constant 50 : i32
    %scan3A_132 = arith.addi %scan3A_130, %scan3A_131 : i32
    %scan3A_133 = arith.constant 1 : i32
    %scan3A_134 = scf.for %scan3A_218 = %scan3A_130 to %scan3A_132 step %scan3A_133 iter_args(%scan3A_219 = %broadcast_in_dim3A_129) -> (vector<8x128xf32>)  : i32 {
      %mul3A_220 = arith.constant 200 : i32
      %mul3A_221 = arith.muli %scan3A_218, %mul3A_220 : i32
      %get3A_222 = arith.index_cast %mul3A_221 : i32 to index
      %get3A_223 = arith.constant 0 : index
      %get3A_224 = vector.load %arg14[%get3A_222, %get3A_223] : memref<10000x128xf32, #tpu.memory_space<vmem>>, vector<200x128xf32>
      %slice3A_225 = vector.extract_strided_slice %get3A_224 {offsets = [0, 0], sizes = [8, 128], strides = [1, 1]} : vector<200x128xf32> to vector<8x128xf32>
      %add3A_226 = arith.addf %scan3A_219, %slice3A_225 : vector<8x128xf32>
      %slice3A_227 = vector.extract_strided_slice %get3A_224 {offsets = [8, 0], sizes = [8, 128], strides = [1, 1]} : vector<200x128xf32> to vector<8x128xf32>
      %add3A_228 = arith.addf %add3A_226, %slice3A_227 : vector<8x128xf32>
      %slice3A_229 = vector.extract_strided_slice %get3A_224 {offsets = [16, 0], sizes = [8, 128], strides = [1, 1]} : vector<200x128xf32> to vector<8x128xf32>
      %add3A_230 = arith.addf %add3A_228, %slice3A_229 : vector<8x128xf32>
      %slice3A_231 = vector.extract_strided_slice %get3A_224 {offsets = [24, 0], sizes = [8, 128], strides = [1, 1]} : vector<200x128xf32> to vector<8x128xf32>
      %add3A_232 = arith.addf %add3A_230, %slice3A_231 : vector<8x128xf32>
      %slice3A_233 = vector.extract_strided_slice %get3A_224 {offsets = [32, 0], sizes = [8, 128], strides = [1, 1]} : vector<200x128xf32> to vector<8x128xf32>
      %add3A_234 = arith.addf %add3A_232, %slice3A_233 : vector<8x128xf32>
      %slice3A_235 = vector.extract_strided_slice %get3A_224 {offsets = [40, 0], sizes = [8, 128], strides = [1, 1]} : vector<200x128xf32> to vector<8x128xf32>
      %add3A_236 = arith.addf %add3A_234, %slice3A_235 : vector<8x128xf32>
      %slice3A_237 = vector.extract_strided_slice %get3A_224 {offsets = [48, 0], sizes = [8, 128], strides = [1, 1]} : vector<200x128xf32> to vector<8x128xf32>
      %add3A_238 = arith.addf %add3A_236, %slice3A_237 : vector<8x128xf32>
      %slice3A_239 = vector.extract_strided_slice %get3A_224 {offsets = [56, 0], sizes = [8, 128], strides = [1, 1]} : vector<200x128xf32> to vector<8x128xf32>
      %add3A_240 = arith.addf %add3A_238, %slice3A_239 : vector<8x128xf32>
      %slice3A_241 = vector.extract_strided_slice %get3A_224 {offsets = [64, 0], sizes = [8, 128], strides = [1, 1]} : vector<200x128xf32> to vector<8x128xf32>
      %add3A_242 = arith.addf %add3A_240, %slice3A_241 : vector<8x128xf32>
      %slice3A_243 = vector.extract_strided_slice %get3A_224 {offsets = [72, 0], sizes = [8, 128], strides = [1, 1]} : vector<200x128xf32> to vector<8x128xf32>
      %add3A_244 = arith.addf %add3A_242, %slice3A_243 : vector<8x128xf32>
      %slice3A_245 = vector.extract_strided_slice %get3A_224 {offsets = [80, 0], sizes = [8, 128], strides = [1, 1]} : vector<200x128xf32> to vector<8x128xf32>
      %add3A_246 = arith.addf %add3A_244, %slice3A_245 : vector<8x128xf32>
      %slice3A_247 = vector.extract_strided_slice %get3A_224 {offsets = [88, 0], sizes = [8, 128], strides = [1, 1]} : vector<200x128xf32> to vector<8x128xf32>
      %add3A_248 = arith.addf %add3A_246, %slice3A_247 : vector<8x128xf32>
      %slice3A_249 = vector.extract_strided_slice %get3A_224 {offsets = [96, 0], sizes = [8, 128], strides = [1, 1]} : vector<200x128xf32> to vector<8x128xf32>
      %add3A_250 = arith.addf %add3A_248, %slice3A_249 : vector<8x128xf32>
      %slice3A_251 = vector.extract_strided_slice %get3A_224 {offsets = [104, 0], sizes = [8, 128], strides = [1, 1]} : vector<200x128xf32> to vector<8x128xf32>
      %add3A_252 = arith.addf %add3A_250, %slice3A_251 : vector<8x128xf32>
      %slice3A_253 = vector.extract_strided_slice %get3A_224 {offsets = [112, 0], sizes = [8, 128], strides = [1, 1]} : vector<200x128xf32> to vector<8x128xf32>
      %add3A_254 = arith.addf %add3A_252, %slice3A_253 : vector<8x128xf32>
      %slice3A_255 = vector.extract_strided_slice %get3A_224 {offsets = [120, 0], sizes = [8, 128], strides = [1, 1]} : vector<200x128xf32> to vector<8x128xf32>
      %add3A_256 = arith.addf %add3A_254, %slice3A_255 : vector<8x128xf32>
      %slice3A_257 = vector.extract_strided_slice %get3A_224 {offsets = [128, 0], sizes = [8, 128], strides = [1, 1]} : vector<200x128xf32> to vector<8x128xf32>
      %add3A_258 = arith.addf %add3A_256, %slice3A_257 : vector<8x128xf32>
      %slice3A_259 = vector.extract_strided_slice %get3A_224 {offsets = [136, 0], sizes = [8, 128], strides = [1, 1]} : vector<200x128xf32> to vector<8x128xf32>
      %add3A_260 = arith.addf %add3A_258, %slice3A_259 : vector<8x128xf32>
      %slice3A_261 = vector.extract_strided_slice %get3A_224 {offsets = [144, 0], sizes = [8, 128], strides = [1, 1]} : vector<200x128xf32> to vector<8x128xf32>
      %add3A_262 = arith.addf %add3A_260, %slice3A_261 : vector<8x128xf32>
      %slice3A_263 = vector.extract_strided_slice %get3A_224 {offsets = [152, 0], sizes = [8, 128], strides = [1, 1]} : vector<200x128xf32> to vector<8x128xf32>
      %add3A_264 = arith.addf %add3A_262, %slice3A_263 : vector<8x128xf32>
      %slice3A_265 = vector.extract_strided_slice %get3A_224 {offsets = [160, 0], sizes = [8, 128], strides = [1, 1]} : vector<200x128xf32> to vector<8x128xf32>
      %add3A_266 = arith.addf %add3A_264, %slice3A_265 : vector<8x128xf32>
      %slice3A_267 = vector.extract_strided_slice %get3A_224 {offsets = [168, 0], sizes = [8, 128], strides = [1, 1]} : vector<200x128xf32> to vector<8x128xf32>
      %add3A_268 = arith.addf %add3A_266, %slice3A_267 : vector<8x128xf32>
      %slice3A_269 = vector.extract_strided_slice %get3A_224 {offsets = [176, 0], sizes = [8, 128], strides = [1, 1]} : vector<200x128xf32> to vector<8x128xf32>
      %add3A_270 = arith.addf %add3A_268, %slice3A_269 : vector<8x128xf32>
      %slice3A_271 = vector.extract_strided_slice %get3A_224 {offsets = [184, 0], sizes = [8, 128], strides = [1, 1]} : vector<200x128xf32> to vector<8x128xf32>
      %add3A_272 = arith.addf %add3A_270, %slice3A_271 : vector<8x128xf32>
      %slice3A_273 = vector.extract_strided_slice %get3A_224 {offsets = [192, 0], sizes = [8, 128], strides = [1, 1]} : vector<200x128xf32> to vector<8x128xf32>
      %add3A_274 = arith.addf %add3A_272, %slice3A_273 : vector<8x128xf32>
      scf.yield %add3A_274 : vector<8x128xf32>
    }
    %scan3A_135 = arith.constant 50 : i32
    %slice3A_136 = vector.extract_strided_slice %scan3A_134 {offsets = [0, 0], sizes = [4, 128], strides = [1, 1]} : vector<8x128xf32> to vector<4x128xf32>
    %slice3A_137 = vector.extract_strided_slice %scan3A_134 {offsets = [4, 0], sizes = [4, 128], strides = [1, 1]} : vector<8x128xf32> to vector<4x128xf32>
    %add3A_138 = arith.addf %slice3A_136, %slice3A_137 : vector<4x128xf32>
    %slice3A_139 = vector.extract_strided_slice %add3A_138 {offsets = [0, 0], sizes = [2, 128], strides = [1, 1]} : vector<4x128xf32> to vector<2x128xf32>
    %slice3A_140 = vector.extract_strided_slice %add3A_138 {offsets = [2, 0], sizes = [2, 128], strides = [1, 1]} : vector<4x128xf32> to vector<2x128xf32>
    %add3A_141 = arith.addf %slice3A_139, %slice3A_140 : vector<2x128xf32>
    %slice3A_142 = vector.extract_strided_slice %add3A_141 {offsets = [0, 0], sizes = [1, 128], strides = [1, 1]} : vector<2x128xf32> to vector<1x128xf32>
    %slice3A_143 = vector.extract_strided_slice %add3A_141 {offsets = [1, 0], sizes = [1, 128], strides = [1, 1]} : vector<2x128xf32> to vector<1x128xf32>
    %add3A_144 = arith.addf %slice3A_142, %slice3A_143 : vector<1x128xf32>
    %mul3A_145 = arith.constant 9.99999974E-5 : f32
    %mul3A_146 = vector.broadcast %mul3A_145 : f32 to vector<1x128xf32>
    %mul3A_147 = arith.mulf %add3A_144, %mul3A_146 : vector<1x128xf32>
    %broadcast_in_dim3A_148 = arith.constant 0.000000e+00 : f32
    %broadcast_in_dim3A_149 = vector.broadcast %broadcast_in_dim3A_148 : f32 to vector<8x128xf32>
    %scan3A_150 = arith.constant 0 : i32
    %scan3A_151 = arith.constant 25 : i32
    %scan3A_152 = arith.addi %scan3A_150, %scan3A_151 : i32
    %scan3A_153 = arith.constant 1 : i32
    %scan3A_154 = scf.for %scan3A_218 = %scan3A_150 to %scan3A_152 step %scan3A_153 iter_args(%scan3A_219 = %broadcast_in_dim3A_149) -> (vector<8x128xf32>)  : i32 {
      %mul3A_220 = arith.constant 200 : i32
      %mul3A_221 = arith.muli %scan3A_218, %mul3A_220 : i32
      %add3A_222 = arith.constant 0 : i32
      %add3A_223 = arith.addi %add3A_222, %mul3A_221 : i32
      %get3A_224 = arith.index_cast %add3A_223 : i32 to index
      %get3A_225 = arith.constant 0 : index
      %get3A_226 = vector.load %arg14[%get3A_224, %get3A_225] : memref<10000x128xf32, #tpu.memory_space<vmem>>, vector<200x128xf32>
      %slice3A_227 = vector.extract_strided_slice %get3A_226 {offsets = [0, 0], sizes = [8, 128], strides = [1, 1]} : vector<200x128xf32> to vector<8x128xf32>
      %sub3A_228 = vector.broadcast %mul3A_147 : vector<1x128xf32> to vector<8x128xf32>
      %sub3A_229 = arith.subf %slice3A_227, %sub3A_228 : vector<8x128xf32>
      %mul3A_230 = arith.mulf %sub3A_229, %sub3A_229 : vector<8x128xf32>
      %add3A_231 = arith.addf %scan3A_219, %mul3A_230 : vector<8x128xf32>
      %slice3A_232 = vector.extract_strided_slice %get3A_226 {offsets = [8, 0], sizes = [8, 128], strides = [1, 1]} : vector<200x128xf32> to vector<8x128xf32>
      %sub3A_233 = vector.broadcast %mul3A_147 : vector<1x128xf32> to vector<8x128xf32>
      %sub3A_234 = arith.subf %slice3A_232, %sub3A_233 : vector<8x128xf32>
      %mul3A_235 = arith.mulf %sub3A_234, %sub3A_234 : vector<8x128xf32>
      %add3A_236 = arith.addf %add3A_231, %mul3A_235 : vector<8x128xf32>
      %slice3A_237 = vector.extract_strided_slice %get3A_226 {offsets = [16, 0], sizes = [8, 128], strides = [1, 1]} : vector<200x128xf32> to vector<8x128xf32>
      %sub3A_238 = vector.broadcast %mul3A_147 : vector<1x128xf32> to vector<8x128xf32>
      %sub3A_239 = arith.subf %slice3A_237, %sub3A_238 : vector<8x128xf32>
      %mul3A_240 = arith.mulf %sub3A_239, %sub3A_239 : vector<8x128xf32>
      %add3A_241 = arith.addf %add3A_236, %mul3A_240 : vector<8x128xf32>
      %slice3A_242 = vector.extract_strided_slice %get3A_226 {offsets = [24, 0], sizes = [8, 128], strides = [1, 1]} : vector<200x128xf32> to vector<8x128xf32>
      %sub3A_243 = vector.broadcast %mul3A_147 : vector<1x128xf32> to vector<8x128xf32>
      %sub3A_244 = arith.subf %slice3A_242, %sub3A_243 : vector<8x128xf32>
      %mul3A_245 = arith.mulf %sub3A_244, %sub3A_244 : vector<8x128xf32>
      %add3A_246 = arith.addf %add3A_241, %mul3A_245 : vector<8x128xf32>
      %slice3A_247 = vector.extract_strided_slice %get3A_226 {offsets = [32, 0], sizes = [8, 128], strides = [1, 1]} : vector<200x128xf32> to vector<8x128xf32>
      %sub3A_248 = vector.broadcast %mul3A_147 : vector<1x128xf32> to vector<8x128xf32>
      %sub3A_249 = arith.subf %slice3A_247, %sub3A_248 : vector<8x128xf32>
      %mul3A_250 = arith.mulf %sub3A_249, %sub3A_249 : vector<8x128xf32>
      %add3A_251 = arith.addf %add3A_246, %mul3A_250 : vector<8x128xf32>
      %slice3A_252 = vector.extract_strided_slice %get3A_226 {offsets = [40, 0], sizes = [8, 128], strides = [1, 1]} : vector<200x128xf32> to vector<8x128xf32>
      %sub3A_253 = vector.broadcast %mul3A_147 : vector<1x128xf32> to vector<8x128xf32>
      %sub3A_254 = arith.subf %slice3A_252, %sub3A_253 : vector<8x128xf32>
      %mul3A_255 = arith.mulf %sub3A_254, %sub3A_254 : vector<8x128xf32>
      %add3A_256 = arith.addf %add3A_251, %mul3A_255 : vector<8x128xf32>
      %slice3A_257 = vector.extract_strided_slice %get3A_226 {offsets = [48, 0], sizes = [8, 128], strides = [1, 1]} : vector<200x128xf32> to vector<8x128xf32>
      %sub3A_258 = vector.broadcast %mul3A_147 : vector<1x128xf32> to vector<8x128xf32>
      %sub3A_259 = arith.subf %slice3A_257, %sub3A_258 : vector<8x128xf32>
      %mul3A_260 = arith.mulf %sub3A_259, %sub3A_259 : vector<8x128xf32>
      %add3A_261 = arith.addf %add3A_256, %mul3A_260 : vector<8x128xf32>
      %slice3A_262 = vector.extract_strided_slice %get3A_226 {offsets = [56, 0], sizes = [8, 128], strides = [1, 1]} : vector<200x128xf32> to vector<8x128xf32>
      %sub3A_263 = vector.broadcast %mul3A_147 : vector<1x128xf32> to vector<8x128xf32>
      %sub3A_264 = arith.subf %slice3A_262, %sub3A_263 : vector<8x128xf32>
      %mul3A_265 = arith.mulf %sub3A_264, %sub3A_264 : vector<8x128xf32>
      %add3A_266 = arith.addf %add3A_261, %mul3A_265 : vector<8x128xf32>
      %slice3A_267 = vector.extract_strided_slice %get3A_226 {offsets = [64, 0], sizes = [8, 128], strides = [1, 1]} : vector<200x128xf32> to vector<8x128xf32>
      %sub3A_268 = vector.broadcast %mul3A_147 : vector<1x128xf32> to vector<8x128xf32>
      %sub3A_269 = arith.subf %slice3A_267, %sub3A_268 : vector<8x128xf32>
      %mul3A_270 = arith.mulf %sub3A_269, %sub3A_269 : vector<8x128xf32>
      %add3A_271 = arith.addf %add3A_266, %mul3A_270 : vector<8x128xf32>
      %slice3A_272 = vector.extract_strided_slice %get3A_226 {offsets = [72, 0], sizes = [8, 128], strides = [1, 1]} : vector<200x128xf32> to vector<8x128xf32>
      %sub3A_273 = vector.broadcast %mul3A_147 : vector<1x128xf32> to vector<8x128xf32>
      %sub3A_274 = arith.subf %slice3A_272, %sub3A_273 : vector<8x128xf32>
      %mul3A_275 = arith.mulf %sub3A_274, %sub3A_274 : vector<8x128xf32>
      %add3A_276 = arith.addf %add3A_271, %mul3A_275 : vector<8x128xf32>
      %slice3A_277 = vector.extract_strided_slice %get3A_226 {offsets = [80, 0], sizes = [8, 128], strides = [1, 1]} : vector<200x128xf32> to vector<8x128xf32>
      %sub3A_278 = vector.broadcast %mul3A_147 : vector<1x128xf32> to vector<8x128xf32>
      %sub3A_279 = arith.subf %slice3A_277, %sub3A_278 : vector<8x128xf32>
      %mul3A_280 = arith.mulf %sub3A_279, %sub3A_279 : vector<8x128xf32>
      %add3A_281 = arith.addf %add3A_276, %mul3A_280 : vector<8x128xf32>
      %slice3A_282 = vector.extract_strided_slice %get3A_226 {offsets = [88, 0], sizes = [8, 128], strides = [1, 1]} : vector<200x128xf32> to vector<8x128xf32>
      %sub3A_283 = vector.broadcast %mul3A_147 : vector<1x128xf32> to vector<8x128xf32>
      %sub3A_284 = arith.subf %slice3A_282, %sub3A_283 : vector<8x128xf32>
      %mul3A_285 = arith.mulf %sub3A_284, %sub3A_284 : vector<8x128xf32>
      %add3A_286 = arith.addf %add3A_281, %mul3A_285 : vector<8x128xf32>
      %slice3A_287 = vector.extract_strided_slice %get3A_226 {offsets = [96, 0], sizes = [8, 128], strides = [1, 1]} : vector<200x128xf32> to vector<8x128xf32>
      %sub3A_288 = vector.broadcast %mul3A_147 : vector<1x128xf32> to vector<8x128xf32>
      %sub3A_289 = arith.subf %slice3A_287, %sub3A_288 : vector<8x128xf32>
      %mul3A_290 = arith.mulf %sub3A_289, %sub3A_289 : vector<8x128xf32>
      %add3A_291 = arith.addf %add3A_286, %mul3A_290 : vector<8x128xf32>
      %slice3A_292 = vector.extract_strided_slice %get3A_226 {offsets = [104, 0], sizes = [8, 128], strides = [1, 1]} : vector<200x128xf32> to vector<8x128xf32>
      %sub3A_293 = vector.broadcast %mul3A_147 : vector<1x128xf32> to vector<8x128xf32>
      %sub3A_294 = arith.subf %slice3A_292, %sub3A_293 : vector<8x128xf32>
      %mul3A_295 = arith.mulf %sub3A_294, %sub3A_294 : vector<8x128xf32>
      %add3A_296 = arith.addf %add3A_291, %mul3A_295 : vector<8x128xf32>
      %slice3A_297 = vector.extract_strided_slice %get3A_226 {offsets = [112, 0], sizes = [8, 128], strides = [1, 1]} : vector<200x128xf32> to vector<8x128xf32>
      %sub3A_298 = vector.broadcast %mul3A_147 : vector<1x128xf32> to vector<8x128xf32>
      %sub3A_299 = arith.subf %slice3A_297, %sub3A_298 : vector<8x128xf32>
      %mul3A_300 = arith.mulf %sub3A_299, %sub3A_299 : vector<8x128xf32>
      %add3A_301 = arith.addf %add3A_296, %mul3A_300 : vector<8x128xf32>
      %slice3A_302 = vector.extract_strided_slice %get3A_226 {offsets = [120, 0], sizes = [8, 128], strides = [1, 1]} : vector<200x128xf32> to vector<8x128xf32>
      %sub3A_303 = vector.broadcast %mul3A_147 : vector<1x128xf32> to vector<8x128xf32>
      %sub3A_304 = arith.subf %slice3A_302, %sub3A_303 : vector<8x128xf32>
      %mul3A_305 = arith.mulf %sub3A_304, %sub3A_304 : vector<8x128xf32>
      %add3A_306 = arith.addf %add3A_301, %mul3A_305 : vector<8x128xf32>
      %slice3A_307 = vector.extract_strided_slice %get3A_226 {offsets = [128, 0], sizes = [8, 128], strides = [1, 1]} : vector<200x128xf32> to vector<8x128xf32>
      %sub3A_308 = vector.broadcast %mul3A_147 : vector<1x128xf32> to vector<8x128xf32>
      %sub3A_309 = arith.subf %slice3A_307, %sub3A_308 : vector<8x128xf32>
      %mul3A_310 = arith.mulf %sub3A_309, %sub3A_309 : vector<8x128xf32>
      %add3A_311 = arith.addf %add3A_306, %mul3A_310 : vector<8x128xf32>
      %slice3A_312 = vector.extract_strided_slice %get3A_226 {offsets = [136, 0], sizes = [8, 128], strides = [1, 1]} : vector<200x128xf32> to vector<8x128xf32>
      %sub3A_313 = vector.broadcast %mul3A_147 : vector<1x128xf32> to vector<8x128xf32>
      %sub3A_314 = arith.subf %slice3A_312, %sub3A_313 : vector<8x128xf32>
      %mul3A_315 = arith.mulf %sub3A_314, %sub3A_314 : vector<8x128xf32>
      %add3A_316 = arith.addf %add3A_311, %mul3A_315 : vector<8x128xf32>
      %slice3A_317 = vector.extract_strided_slice %get3A_226 {offsets = [144, 0], sizes = [8, 128], strides = [1, 1]} : vector<200x128xf32> to vector<8x128xf32>
      %sub3A_318 = vector.broadcast %mul3A_147 : vector<1x128xf32> to vector<8x128xf32>
      %sub3A_319 = arith.subf %slice3A_317, %sub3A_318 : vector<8x128xf32>
      %mul3A_320 = arith.mulf %sub3A_319, %sub3A_319 : vector<8x128xf32>
      %add3A_321 = arith.addf %add3A_316, %mul3A_320 : vector<8x128xf32>
      %slice3A_322 = vector.extract_strided_slice %get3A_226 {offsets = [152, 0], sizes = [8, 128], strides = [1, 1]} : vector<200x128xf32> to vector<8x128xf32>
      %sub3A_323 = vector.broadcast %mul3A_147 : vector<1x128xf32> to vector<8x128xf32>
      %sub3A_324 = arith.subf %slice3A_322, %sub3A_323 : vector<8x128xf32>
      %mul3A_325 = arith.mulf %sub3A_324, %sub3A_324 : vector<8x128xf32>
      %add3A_326 = arith.addf %add3A_321, %mul3A_325 : vector<8x128xf32>
      %slice3A_327 = vector.extract_strided_slice %get3A_226 {offsets = [160, 0], sizes = [8, 128], strides = [1, 1]} : vector<200x128xf32> to vector<8x128xf32>
      %sub3A_328 = vector.broadcast %mul3A_147 : vector<1x128xf32> to vector<8x128xf32>
      %sub3A_329 = arith.subf %slice3A_327, %sub3A_328 : vector<8x128xf32>
      %mul3A_330 = arith.mulf %sub3A_329, %sub3A_329 : vector<8x128xf32>
      %add3A_331 = arith.addf %add3A_326, %mul3A_330 : vector<8x128xf32>
      %slice3A_332 = vector.extract_strided_slice %get3A_226 {offsets = [168, 0], sizes = [8, 128], strides = [1, 1]} : vector<200x128xf32> to vector<8x128xf32>
      %sub3A_333 = vector.broadcast %mul3A_147 : vector<1x128xf32> to vector<8x128xf32>
      %sub3A_334 = arith.subf %slice3A_332, %sub3A_333 : vector<8x128xf32>
      %mul3A_335 = arith.mulf %sub3A_334, %sub3A_334 : vector<8x128xf32>
      %add3A_336 = arith.addf %add3A_331, %mul3A_335 : vector<8x128xf32>
      %slice3A_337 = vector.extract_strided_slice %get3A_226 {offsets = [176, 0], sizes = [8, 128], strides = [1, 1]} : vector<200x128xf32> to vector<8x128xf32>
      %sub3A_338 = vector.broadcast %mul3A_147 : vector<1x128xf32> to vector<8x128xf32>
      %sub3A_339 = arith.subf %slice3A_337, %sub3A_338 : vector<8x128xf32>
      %mul3A_340 = arith.mulf %sub3A_339, %sub3A_339 : vector<8x128xf32>
      %add3A_341 = arith.addf %add3A_336, %mul3A_340 : vector<8x128xf32>
      %slice3A_342 = vector.extract_strided_slice %get3A_226 {offsets = [184, 0], sizes = [8, 128], strides = [1, 1]} : vector<200x128xf32> to vector<8x128xf32>
      %sub3A_343 = vector.broadcast %mul3A_147 : vector<1x128xf32> to vector<8x128xf32>
      %sub3A_344 = arith.subf %slice3A_342, %sub3A_343 : vector<8x128xf32>
      %mul3A_345 = arith.mulf %sub3A_344, %sub3A_344 : vector<8x128xf32>
      %add3A_346 = arith.addf %add3A_341, %mul3A_345 : vector<8x128xf32>
      %slice3A_347 = vector.extract_strided_slice %get3A_226 {offsets = [192, 0], sizes = [8, 128], strides = [1, 1]} : vector<200x128xf32> to vector<8x128xf32>
      %sub3A_348 = vector.broadcast %mul3A_147 : vector<1x128xf32> to vector<8x128xf32>
      %sub3A_349 = arith.subf %slice3A_347, %sub3A_348 : vector<8x128xf32>
      %mul3A_350 = arith.mulf %sub3A_349, %sub3A_349 : vector<8x128xf32>
      %add3A_351 = arith.addf %add3A_346, %mul3A_350 : vector<8x128xf32>
      scf.yield %add3A_351 : vector<8x128xf32>
    }
    %scan3A_155 = arith.constant 25 : i32
    %slice3A_156 = vector.extract_strided_slice %scan3A_154 {offsets = [0, 0], sizes = [4, 128], strides = [1, 1]} : vector<8x128xf32> to vector<4x128xf32>
    %slice3A_157 = vector.extract_strided_slice %scan3A_154 {offsets = [4, 0], sizes = [4, 128], strides = [1, 1]} : vector<8x128xf32> to vector<4x128xf32>
    %add3A_158 = arith.addf %slice3A_156, %slice3A_157 : vector<4x128xf32>
    %slice3A_159 = vector.extract_strided_slice %add3A_158 {offsets = [0, 0], sizes = [2, 128], strides = [1, 1]} : vector<4x128xf32> to vector<2x128xf32>
    %slice3A_160 = vector.extract_strided_slice %add3A_158 {offsets = [2, 0], sizes = [2, 128], strides = [1, 1]} : vector<4x128xf32> to vector<2x128xf32>
    %add3A_161 = arith.addf %slice3A_159, %slice3A_160 : vector<2x128xf32>
    %slice3A_162 = vector.extract_strided_slice %add3A_161 {offsets = [0, 0], sizes = [1, 128], strides = [1, 1]} : vector<2x128xf32> to vector<1x128xf32>
    %slice3A_163 = vector.extract_strided_slice %add3A_161 {offsets = [1, 0], sizes = [1, 128], strides = [1, 1]} : vector<2x128xf32> to vector<1x128xf32>
    %add3A_164 = arith.addf %slice3A_162, %slice3A_163 : vector<1x128xf32>
    %broadcast_in_dim3A_165 = arith.constant 0.000000e+00 : f32
    %broadcast_in_dim3A_166 = vector.broadcast %broadcast_in_dim3A_165 : f32 to vector<8x128xf32>
    %scan3A_167 = arith.constant 0 : i32
    %scan3A_168 = arith.constant 25 : i32
    %scan3A_169 = arith.addi %scan3A_167, %scan3A_168 : i32
    %scan3A_170 = arith.constant 1 : i32
    %scan3A_171 = scf.for %scan3A_218 = %scan3A_167 to %scan3A_169 step %scan3A_170 iter_args(%scan3A_219 = %broadcast_in_dim3A_166) -> (vector<8x128xf32>)  : i32 {
      %mul3A_220 = arith.constant 200 : i32
      %mul3A_221 = arith.muli %scan3A_218, %mul3A_220 : i32
      %add3A_222 = arith.constant 5000 : i32
      %add3A_223 = arith.addi %add3A_222, %mul3A_221 : i32
      %get3A_224 = arith.index_cast %add3A_223 : i32 to index
      %get3A_225 = arith.constant 0 : index
      %get3A_226 = vector.load %arg14[%get3A_224, %get3A_225] : memref<10000x128xf32, #tpu.memory_space<vmem>>, vector<200x128xf32>
      %slice3A_227 = vector.extract_strided_slice %get3A_226 {offsets = [0, 0], sizes = [8, 128], strides = [1, 1]} : vector<200x128xf32> to vector<8x128xf32>
      %sub3A_228 = vector.broadcast %mul3A_147 : vector<1x128xf32> to vector<8x128xf32>
      %sub3A_229 = arith.subf %slice3A_227, %sub3A_228 : vector<8x128xf32>
      %mul3A_230 = arith.mulf %sub3A_229, %sub3A_229 : vector<8x128xf32>
      %add3A_231 = arith.addf %scan3A_219, %mul3A_230 : vector<8x128xf32>
      %slice3A_232 = vector.extract_strided_slice %get3A_226 {offsets = [8, 0], sizes = [8, 128], strides = [1, 1]} : vector<200x128xf32> to vector<8x128xf32>
      %sub3A_233 = vector.broadcast %mul3A_147 : vector<1x128xf32> to vector<8x128xf32>
      %sub3A_234 = arith.subf %slice3A_232, %sub3A_233 : vector<8x128xf32>
      %mul3A_235 = arith.mulf %sub3A_234, %sub3A_234 : vector<8x128xf32>
      %add3A_236 = arith.addf %add3A_231, %mul3A_235 : vector<8x128xf32>
      %slice3A_237 = vector.extract_strided_slice %get3A_226 {offsets = [16, 0], sizes = [8, 128], strides = [1, 1]} : vector<200x128xf32> to vector<8x128xf32>
      %sub3A_238 = vector.broadcast %mul3A_147 : vector<1x128xf32> to vector<8x128xf32>
      %sub3A_239 = arith.subf %slice3A_237, %sub3A_238 : vector<8x128xf32>
      %mul3A_240 = arith.mulf %sub3A_239, %sub3A_239 : vector<8x128xf32>
      %add3A_241 = arith.addf %add3A_236, %mul3A_240 : vector<8x128xf32>
      %slice3A_242 = vector.extract_strided_slice %get3A_226 {offsets = [24, 0], sizes = [8, 128], strides = [1, 1]} : vector<200x128xf32> to vector<8x128xf32>
      %sub3A_243 = vector.broadcast %mul3A_147 : vector<1x128xf32> to vector<8x128xf32>
      %sub3A_244 = arith.subf %slice3A_242, %sub3A_243 : vector<8x128xf32>
      %mul3A_245 = arith.mulf %sub3A_244, %sub3A_244 : vector<8x128xf32>
      %add3A_246 = arith.addf %add3A_241, %mul3A_245 : vector<8x128xf32>
      %slice3A_247 = vector.extract_strided_slice %get3A_226 {offsets = [32, 0], sizes = [8, 128], strides = [1, 1]} : vector<200x128xf32> to vector<8x128xf32>
      %sub3A_248 = vector.broadcast %mul3A_147 : vector<1x128xf32> to vector<8x128xf32>
      %sub3A_249 = arith.subf %slice3A_247, %sub3A_248 : vector<8x128xf32>
      %mul3A_250 = arith.mulf %sub3A_249, %sub3A_249 : vector<8x128xf32>
      %add3A_251 = arith.addf %add3A_246, %mul3A_250 : vector<8x128xf32>
      %slice3A_252 = vector.extract_strided_slice %get3A_226 {offsets = [40, 0], sizes = [8, 128], strides = [1, 1]} : vector<200x128xf32> to vector<8x128xf32>
      %sub3A_253 = vector.broadcast %mul3A_147 : vector<1x128xf32> to vector<8x128xf32>
      %sub3A_254 = arith.subf %slice3A_252, %sub3A_253 : vector<8x128xf32>
      %mul3A_255 = arith.mulf %sub3A_254, %sub3A_254 : vector<8x128xf32>
      %add3A_256 = arith.addf %add3A_251, %mul3A_255 : vector<8x128xf32>
      %slice3A_257 = vector.extract_strided_slice %get3A_226 {offsets = [48, 0], sizes = [8, 128], strides = [1, 1]} : vector<200x128xf32> to vector<8x128xf32>
      %sub3A_258 = vector.broadcast %mul3A_147 : vector<1x128xf32> to vector<8x128xf32>
      %sub3A_259 = arith.subf %slice3A_257, %sub3A_258 : vector<8x128xf32>
      %mul3A_260 = arith.mulf %sub3A_259, %sub3A_259 : vector<8x128xf32>
      %add3A_261 = arith.addf %add3A_256, %mul3A_260 : vector<8x128xf32>
      %slice3A_262 = vector.extract_strided_slice %get3A_226 {offsets = [56, 0], sizes = [8, 128], strides = [1, 1]} : vector<200x128xf32> to vector<8x128xf32>
      %sub3A_263 = vector.broadcast %mul3A_147 : vector<1x128xf32> to vector<8x128xf32>
      %sub3A_264 = arith.subf %slice3A_262, %sub3A_263 : vector<8x128xf32>
      %mul3A_265 = arith.mulf %sub3A_264, %sub3A_264 : vector<8x128xf32>
      %add3A_266 = arith.addf %add3A_261, %mul3A_265 : vector<8x128xf32>
      %slice3A_267 = vector.extract_strided_slice %get3A_226 {offsets = [64, 0], sizes = [8, 128], strides = [1, 1]} : vector<200x128xf32> to vector<8x128xf32>
      %sub3A_268 = vector.broadcast %mul3A_147 : vector<1x128xf32> to vector<8x128xf32>
      %sub3A_269 = arith.subf %slice3A_267, %sub3A_268 : vector<8x128xf32>
      %mul3A_270 = arith.mulf %sub3A_269, %sub3A_269 : vector<8x128xf32>
      %add3A_271 = arith.addf %add3A_266, %mul3A_270 : vector<8x128xf32>
      %slice3A_272 = vector.extract_strided_slice %get3A_226 {offsets = [72, 0], sizes = [8, 128], strides = [1, 1]} : vector<200x128xf32> to vector<8x128xf32>
      %sub3A_273 = vector.broadcast %mul3A_147 : vector<1x128xf32> to vector<8x128xf32>
      %sub3A_274 = arith.subf %slice3A_272, %sub3A_273 : vector<8x128xf32>
      %mul3A_275 = arith.mulf %sub3A_274, %sub3A_274 : vector<8x128xf32>
      %add3A_276 = arith.addf %add3A_271, %mul3A_275 : vector<8x128xf32>
      %slice3A_277 = vector.extract_strided_slice %get3A_226 {offsets = [80, 0], sizes = [8, 128], strides = [1, 1]} : vector<200x128xf32> to vector<8x128xf32>
      %sub3A_278 = vector.broadcast %mul3A_147 : vector<1x128xf32> to vector<8x128xf32>
      %sub3A_279 = arith.subf %slice3A_277, %sub3A_278 : vector<8x128xf32>
      %mul3A_280 = arith.mulf %sub3A_279, %sub3A_279 : vector<8x128xf32>
      %add3A_281 = arith.addf %add3A_276, %mul3A_280 : vector<8x128xf32>
      %slice3A_282 = vector.extract_strided_slice %get3A_226 {offsets = [88, 0], sizes = [8, 128], strides = [1, 1]} : vector<200x128xf32> to vector<8x128xf32>
      %sub3A_283 = vector.broadcast %mul3A_147 : vector<1x128xf32> to vector<8x128xf32>
      %sub3A_284 = arith.subf %slice3A_282, %sub3A_283 : vector<8x128xf32>
      %mul3A_285 = arith.mulf %sub3A_284, %sub3A_284 : vector<8x128xf32>
      %add3A_286 = arith.addf %add3A_281, %mul3A_285 : vector<8x128xf32>
      %slice3A_287 = vector.extract_strided_slice %get3A_226 {offsets = [96, 0], sizes = [8, 128], strides = [1, 1]} : vector<200x128xf32> to vector<8x128xf32>
      %sub3A_288 = vector.broadcast %mul3A_147 : vector<1x128xf32> to vector<8x128xf32>
      %sub3A_289 = arith.subf %slice3A_287, %sub3A_288 : vector<8x128xf32>
      %mul3A_290 = arith.mulf %sub3A_289, %sub3A_289 : vector<8x128xf32>
      %add3A_291 = arith.addf %add3A_286, %mul3A_290 : vector<8x128xf32>
      %slice3A_292 = vector.extract_strided_slice %get3A_226 {offsets = [104, 0], sizes = [8, 128], strides = [1, 1]} : vector<200x128xf32> to vector<8x128xf32>
      %sub3A_293 = vector.broadcast %mul3A_147 : vector<1x128xf32> to vector<8x128xf32>
      %sub3A_294 = arith.subf %slice3A_292, %sub3A_293 : vector<8x128xf32>
      %mul3A_295 = arith.mulf %sub3A_294, %sub3A_294 : vector<8x128xf32>
      %add3A_296 = arith.addf %add3A_291, %mul3A_295 : vector<8x128xf32>
      %slice3A_297 = vector.extract_strided_slice %get3A_226 {offsets = [112, 0], sizes = [8, 128], strides = [1, 1]} : vector<200x128xf32> to vector<8x128xf32>
      %sub3A_298 = vector.broadcast %mul3A_147 : vector<1x128xf32> to vector<8x128xf32>
      %sub3A_299 = arith.subf %slice3A_297, %sub3A_298 : vector<8x128xf32>
      %mul3A_300 = arith.mulf %sub3A_299, %sub3A_299 : vector<8x128xf32>
      %add3A_301 = arith.addf %add3A_296, %mul3A_300 : vector<8x128xf32>
      %slice3A_302 = vector.extract_strided_slice %get3A_226 {offsets = [120, 0], sizes = [8, 128], strides = [1, 1]} : vector<200x128xf32> to vector<8x128xf32>
      %sub3A_303 = vector.broadcast %mul3A_147 : vector<1x128xf32> to vector<8x128xf32>
      %sub3A_304 = arith.subf %slice3A_302, %sub3A_303 : vector<8x128xf32>
      %mul3A_305 = arith.mulf %sub3A_304, %sub3A_304 : vector<8x128xf32>
      %add3A_306 = arith.addf %add3A_301, %mul3A_305 : vector<8x128xf32>
      %slice3A_307 = vector.extract_strided_slice %get3A_226 {offsets = [128, 0], sizes = [8, 128], strides = [1, 1]} : vector<200x128xf32> to vector<8x128xf32>
      %sub3A_308 = vector.broadcast %mul3A_147 : vector<1x128xf32> to vector<8x128xf32>
      %sub3A_309 = arith.subf %slice3A_307, %sub3A_308 : vector<8x128xf32>
      %mul3A_310 = arith.mulf %sub3A_309, %sub3A_309 : vector<8x128xf32>
      %add3A_311 = arith.addf %add3A_306, %mul3A_310 : vector<8x128xf32>
      %slice3A_312 = vector.extract_strided_slice %get3A_226 {offsets = [136, 0], sizes = [8, 128], strides = [1, 1]} : vector<200x128xf32> to vector<8x128xf32>
      %sub3A_313 = vector.broadcast %mul3A_147 : vector<1x128xf32> to vector<8x128xf32>
      %sub3A_314 = arith.subf %slice3A_312, %sub3A_313 : vector<8x128xf32>
      %mul3A_315 = arith.mulf %sub3A_314, %sub3A_314 : vector<8x128xf32>
      %add3A_316 = arith.addf %add3A_311, %mul3A_315 : vector<8x128xf32>
      %slice3A_317 = vector.extract_strided_slice %get3A_226 {offsets = [144, 0], sizes = [8, 128], strides = [1, 1]} : vector<200x128xf32> to vector<8x128xf32>
      %sub3A_318 = vector.broadcast %mul3A_147 : vector<1x128xf32> to vector<8x128xf32>
      %sub3A_319 = arith.subf %slice3A_317, %sub3A_318 : vector<8x128xf32>
      %mul3A_320 = arith.mulf %sub3A_319, %sub3A_319 : vector<8x128xf32>
      %add3A_321 = arith.addf %add3A_316, %mul3A_320 : vector<8x128xf32>
      %slice3A_322 = vector.extract_strided_slice %get3A_226 {offsets = [152, 0], sizes = [8, 128], strides = [1, 1]} : vector<200x128xf32> to vector<8x128xf32>
      %sub3A_323 = vector.broadcast %mul3A_147 : vector<1x128xf32> to vector<8x128xf32>
      %sub3A_324 = arith.subf %slice3A_322, %sub3A_323 : vector<8x128xf32>
      %mul3A_325 = arith.mulf %sub3A_324, %sub3A_324 : vector<8x128xf32>
      %add3A_326 = arith.addf %add3A_321, %mul3A_325 : vector<8x128xf32>
      %slice3A_327 = vector.extract_strided_slice %get3A_226 {offsets = [160, 0], sizes = [8, 128], strides = [1, 1]} : vector<200x128xf32> to vector<8x128xf32>
      %sub3A_328 = vector.broadcast %mul3A_147 : vector<1x128xf32> to vector<8x128xf32>
      %sub3A_329 = arith.subf %slice3A_327, %sub3A_328 : vector<8x128xf32>
      %mul3A_330 = arith.mulf %sub3A_329, %sub3A_329 : vector<8x128xf32>
      %add3A_331 = arith.addf %add3A_326, %mul3A_330 : vector<8x128xf32>
      %slice3A_332 = vector.extract_strided_slice %get3A_226 {offsets = [168, 0], sizes = [8, 128], strides = [1, 1]} : vector<200x128xf32> to vector<8x128xf32>
      %sub3A_333 = vector.broadcast %mul3A_147 : vector<1x128xf32> to vector<8x128xf32>
      %sub3A_334 = arith.subf %slice3A_332, %sub3A_333 : vector<8x128xf32>
      %mul3A_335 = arith.mulf %sub3A_334, %sub3A_334 : vector<8x128xf32>
      %add3A_336 = arith.addf %add3A_331, %mul3A_335 : vector<8x128xf32>
      %slice3A_337 = vector.extract_strided_slice %get3A_226 {offsets = [176, 0], sizes = [8, 128], strides = [1, 1]} : vector<200x128xf32> to vector<8x128xf32>
      %sub3A_338 = vector.broadcast %mul3A_147 : vector<1x128xf32> to vector<8x128xf32>
      %sub3A_339 = arith.subf %slice3A_337, %sub3A_338 : vector<8x128xf32>
      %mul3A_340 = arith.mulf %sub3A_339, %sub3A_339 : vector<8x128xf32>
      %add3A_341 = arith.addf %add3A_336, %mul3A_340 : vector<8x128xf32>
      %slice3A_342 = vector.extract_strided_slice %get3A_226 {offsets = [184, 0], sizes = [8, 128], strides = [1, 1]} : vector<200x128xf32> to vector<8x128xf32>
      %sub3A_343 = vector.broadcast %mul3A_147 : vector<1x128xf32> to vector<8x128xf32>
      %sub3A_344 = arith.subf %slice3A_342, %sub3A_343 : vector<8x128xf32>
      %mul3A_345 = arith.mulf %sub3A_344, %sub3A_344 : vector<8x128xf32>
      %add3A_346 = arith.addf %add3A_341, %mul3A_345 : vector<8x128xf32>
      %slice3A_347 = vector.extract_strided_slice %get3A_226 {offsets = [192, 0], sizes = [8, 128], strides = [1, 1]} : vector<200x128xf32> to vector<8x128xf32>
      %sub3A_348 = vector.broadcast %mul3A_147 : vector<1x128xf32> to vector<8x128xf32>
      %sub3A_349 = arith.subf %slice3A_347, %sub3A_348 : vector<8x128xf32>
      %mul3A_350 = arith.mulf %sub3A_349, %sub3A_349 : vector<8x128xf32>
      %add3A_351 = arith.addf %add3A_346, %mul3A_350 : vector<8x128xf32>
      scf.yield %add3A_351 : vector<8x128xf32>
    }
    %scan3A_172 = arith.constant 25 : i32
    %slice3A_173 = vector.extract_strided_slice %scan3A_171 {offsets = [0, 0], sizes = [4, 128], strides = [1, 1]} : vector<8x128xf32> to vector<4x128xf32>
    %slice3A_174 = vector.extract_strided_slice %scan3A_171 {offsets = [4, 0], sizes = [4, 128], strides = [1, 1]} : vector<8x128xf32> to vector<4x128xf32>
    %add3A_175 = arith.addf %slice3A_173, %slice3A_174 : vector<4x128xf32>
    %slice3A_176 = vector.extract_strided_slice %add3A_175 {offsets = [0, 0], sizes = [2, 128], strides = [1, 1]} : vector<4x128xf32> to vector<2x128xf32>
    %slice3A_177 = vector.extract_strided_slice %add3A_175 {offsets = [2, 0], sizes = [2, 128], strides = [1, 1]} : vector<4x128xf32> to vector<2x128xf32>
    %add3A_178 = arith.addf %slice3A_176, %slice3A_177 : vector<2x128xf32>
    %slice3A_179 = vector.extract_strided_slice %add3A_178 {offsets = [0, 0], sizes = [1, 128], strides = [1, 1]} : vector<2x128xf32> to vector<1x128xf32>
    %slice3A_180 = vector.extract_strided_slice %add3A_178 {offsets = [1, 0], sizes = [1, 128], strides = [1, 1]} : vector<2x128xf32> to vector<1x128xf32>
    %add3A_181 = arith.addf %slice3A_179, %slice3A_180 : vector<1x128xf32>
    %add3A_182 = arith.addf %add3A_164, %add3A_181 : vector<1x128xf32>
    %mul3A_183 = arith.constant 9.99999974E-5 : f32
    %mul3A_184 = vector.broadcast %mul3A_183 : f32 to vector<1x128xf32>
    %mul3A_185 = arith.mulf %add3A_182, %mul3A_184 : vector<1x128xf32>
    %get3A_186 = arith.constant 0 : index
    %get3A_187 = arith.constant 0 : index
    %get3A_188 = vector.load %arg14[%get3A_186, %get3A_187] : memref<10000x128xf32, #tpu.memory_space<vmem>>, vector<10000x128xf32>
    %sub3A_189 = vector.broadcast %mul3A_147 : vector<1x128xf32> to vector<10000x128xf32>
    %sub3A_190 = arith.subf %get3A_188, %sub3A_189 : vector<10000x128xf32>
    %add3A_191 = arith.constant 9.99999974E-6 : f32
    %add3A_192 = vector.broadcast %add3A_191 : f32 to vector<1x128xf32>
    %add3A_193 = arith.addf %mul3A_185, %add3A_192 : vector<1x128xf32>
    %sqrt3A_194 = math.sqrt %add3A_193 : vector<1x128xf32>
    %div3A_195 = vector.broadcast %sqrt3A_194 : vector<1x128xf32> to vector<10000x128xf32>
    %div3A_196 = arith.divf %sub3A_190, %div3A_195 : vector<10000x128xf32>
    %mul3A_197 = vector.broadcast %get3A_36 : vector<1x128xf32> to vector<10000x128xf32>
    %mul3A_198 = arith.mulf %div3A_196, %mul3A_197 : vector<10000x128xf32>
    %add3A_199 = vector.broadcast %get3A_39 : vector<1x128xf32> to vector<10000x128xf32>
    %add3A_200 = arith.addf %mul3A_198, %add3A_199 : vector<10000x128xf32>
    %max3A_201 = arith.constant 0.000000e+00 : f32
    %max3A_202 = vector.broadcast %max3A_201 : f32 to vector<10000x128xf32>
    %max3A_203 = arith.maximumf %add3A_200, %max3A_202 : vector<10000x128xf32>
    %swap3A_204 = arith.constant 0 : index
    %swap3A_205 = arith.constant 0 : index
    %swap3A_206 = vector.load %arg12[%swap3A_204, %swap3A_205] : memref<10000x128xf32, #tpu.memory_space<vmem>>, vector<10000x128xf32>
    tpu.vector_store %arg12[%swap3A_204, %swap3A_205], %max3A_203 {strides = array<i32>} : memref<10000x128xf32, #tpu.memory_space<vmem>>, vector<10000x128xf32>,
    %get3A_207 = arith.constant 0 : index
    %get3A_208 = arith.constant 0 : index
    %get3A_209 = vector.load %arg11[%get3A_207, %get3A_208] : memref<10000x1xi32, #tpu.memory_space<vmem>>, vector<10000x1xi32>
    %iota3A = tpu.iota {dimensions = array<i32: 1>} : vector<10000x64xi32>
    %eq3A = vector.broadcast %get3A_209 : vector<10000x1xi32> to vector<10000x64xi32>
    %eq3A_210 = arith.cmpi eq, %eq3A, %iota3A : vector<10000x64xi32>
    %convert_element_type3A_211 = arith.extui %eq3A_210 : vector<10000x64xi1> to vector<10000x64xi32>
    %convert_element_type3A_212 = arith.sitofp %convert_element_type3A_211 : vector<10000x64xi32> to vector<10000x64xf32>
    %dot_general3A_213 = arith.constant dense<0.000000e+00> : vector<64x128xf32>
    %dot_general3A_214 = tpu.matmul %convert_element_type3A_212, %max3A_203, %dot_general3A_213 {dimension_numbers = #tpu.dot_dimension_numbers<[0], [0], [1], [1], [0, 1, 1, 1], [], []>, precision = #tpu.contract_precision<fp32>, transpose_lhs_hint = false} : vector<10000x64xf32>, vector<10000x128xf32>, vector<64x128xf32> -> vector<64x128xf32>
    %swap3A_215 = arith.constant 0 : index
    %swap3A_216 = arith.constant 0 : index
    %swap3A_217 = vector.load %arg13[%swap3A_215, %swap3A_216] : memref<64x128xf32, #tpu.memory_space<vmem>>, vector<64x128xf32>
    tpu.vector_store %arg13[%swap3A_215, %swap3A_216], %dot_general3A_214 {strides = array<i32>} : memref<64x128xf32, #tpu.memory_space<vmem>>, vector<64x128xf32>,
    return
  }
}

module attributes {stable_mosaic.version = 14 : i64} {
  func.func @_tc_final_body(%arg0: memref<10000x128xf32, #tpu.memory_space<vmem>>, %arg1: memref<2x10000x128xf32, #tpu.memory_space<vmem>>, %arg2: memref<1x1xf32, #tpu.memory_space<vmem>>, %arg3: memref<128x128xf32, #tpu.memory_space<vmem>>, %arg4: memref<1x128xf32, #tpu.memory_space<vmem>>, %arg5: memref<1x128xf32, #tpu.memory_space<vmem>>, %arg6: memref<1x128xf32, #tpu.memory_space<vmem>>, %arg7: memref<128x128xf32, #tpu.memory_space<vmem>>, %arg8: memref<1x128xf32, #tpu.memory_space<vmem>>, %arg9: memref<1x128xf32, #tpu.memory_space<vmem>>, %arg10: memref<1x128xf32, #tpu.memory_space<vmem>>, %arg11: memref<10000x1xi32, #tpu.memory_space<vmem>>, %arg12: memref<64x128xf32, #tpu.memory_space<vmem>>, %arg13: memref<64x128xf32, #tpu.memory_space<vmem>>, %arg14: memref<384x128xf32, #tpu.memory_space<vmem>>, %arg15: memref<1x128xf32, #tpu.memory_space<vmem>>, %arg16: memref<128x64xf32, #tpu.memory_space<vmem>>, %arg17: memref<1x64xf32, #tpu.memory_space<vmem>>, %arg18: memref<64x1xf32, #tpu.memory_space<vmem>>, %arg19: memref<1x1xf32, #tpu.memory_space<vmem>>, %arg20: memref<64x1xf32, #tpu.memory_space<vmem>>, %arg21: memref<10000x128xf32, #tpu.memory_space<vmem>>) attributes {dimension_semantics = [], scalar_prefetch = 0 : i64, scratch_operands = 1 : i64, tpu.core_type = #tpu.core_type<tc>} {
    %get3A = arith.constant 0 : index
    %get3A_0 = arith.constant 0 : index
    %get3A_1 = vector.load %arg0[%get3A, %get3A_0] : memref<10000x128xf32, #tpu.memory_space<vmem>>, vector<10000x128xf32>
    %get3A_2 = arith.constant 0 : index
    %get3A_3 = arith.constant 0 : index
    %get3A_4 = arith.constant 0 : index
    %get3A_5 = vector.load %arg1[%get3A_2, %get3A_3, %get3A_4] : memref<2x10000x128xf32, #tpu.memory_space<vmem>>, vector<1x10000x128xf32>
    %get3A_6 = vector.shape_cast %get3A_5 : vector<1x10000x128xf32> to vector<10000x128xf32>
    %get3A_7 = arith.constant 1 : index
    %get3A_8 = arith.constant 0 : index
    %get3A_9 = arith.constant 0 : index
    %get3A_10 = vector.load %arg1[%get3A_7, %get3A_8, %get3A_9] : memref<2x10000x128xf32, #tpu.memory_space<vmem>>, vector<1x10000x128xf32>
    %get3A_11 = vector.shape_cast %get3A_10 : vector<1x10000x128xf32> to vector<10000x128xf32>
    %get3A_12 = arith.constant 0 : index
    %get3A_13 = arith.constant 0 : index
    %get3A_14 = vector.load %arg2[%get3A_12, %get3A_13] : memref<1x1xf32, #tpu.memory_space<vmem>>, vector<1x1xf32>
    %get3A_15 = vector.extract %get3A_14[0, 0] : f32 from vector<1x1xf32>
    %get3A_16 = arith.constant 0 : index
    %get3A_17 = arith.constant 0 : index
    %get3A_18 = vector.load %arg3[%get3A_16, %get3A_17] : memref<128x128xf32, #tpu.memory_space<vmem>>, vector<128x128xf32>
    %get3A_19 = arith.constant 0 : index
    %get3A_20 = arith.constant 0 : index
    %get3A_21 = vector.load %arg4[%get3A_19, %get3A_20] : memref<1x128xf32, #tpu.memory_space<vmem>>, vector<1x128xf32>
    %get3A_22 = arith.constant 0 : index
    %get3A_23 = arith.constant 0 : index
    %get3A_24 = vector.load %arg5[%get3A_22, %get3A_23] : memref<1x128xf32, #tpu.memory_space<vmem>>, vector<1x128xf32>
    %get3A_25 = arith.constant 0 : index
    %get3A_26 = arith.constant 0 : index
    %get3A_27 = vector.load %arg6[%get3A_25, %get3A_26] : memref<1x128xf32, #tpu.memory_space<vmem>>, vector<1x128xf32>
    %get3A_28 = arith.constant 0 : index
    %get3A_29 = arith.constant 0 : index
    %get3A_30 = vector.load %arg7[%get3A_28, %get3A_29] : memref<128x128xf32, #tpu.memory_space<vmem>>, vector<128x128xf32>
    %get3A_31 = arith.constant 0 : index
    %get3A_32 = arith.constant 0 : index
    %get3A_33 = vector.load %arg8[%get3A_31, %get3A_32] : memref<1x128xf32, #tpu.memory_space<vmem>>, vector<1x128xf32>
    %get3A_34 = arith.constant 0 : index
    %get3A_35 = arith.constant 0 : index
    %get3A_36 = vector.load %arg9[%get3A_34, %get3A_35] : memref<1x128xf32, #tpu.memory_space<vmem>>, vector<1x128xf32>
    %get3A_37 = arith.constant 0 : index
    %get3A_38 = arith.constant 0 : index
    %get3A_39 = vector.load %arg10[%get3A_37, %get3A_38] : memref<1x128xf32, #tpu.memory_space<vmem>>, vector<1x128xf32>
    %add3A = arith.constant 1.000000e+00 : f32
    %add3A_40 = arith.addf %add3A, %get3A_15 : f32
    %mul3A = vector.broadcast %add3A_40 : f32 to vector<10000x128xf32>
    %mul3A_41 = arith.mulf %mul3A, %get3A_1 : vector<10000x128xf32>
    %add3A_42 = arith.addf %get3A_6, %get3A_11 : vector<10000x128xf32>
    %add3A_43 = arith.addf %mul3A_41, %add3A_42 : vector<10000x128xf32>
    %convert_element_type3A = arith.truncf %add3A_43 : vector<10000x128xf32> to vector<10000x128xbf16>
    %convert_element_type3A_44 = arith.truncf %get3A_18 : vector<128x128xf32> to vector<128x128xbf16>
    %dot_general3A = arith.constant dense<0.000000e+00> : vector<10000x128xf32>
    %dot_general3A_45 = tpu.matmul %convert_element_type3A, %convert_element_type3A_44, %dot_general3A {dimension_numbers = #tpu.dot_dimension_numbers<[1], [0], [0], [1], [0, 0, 1, 1], [], []>, transpose_lhs_hint = false} : vector<10000x128xbf16>, vector<128x128xbf16>, vector<10000x128xf32> -> vector<10000x128xf32>
    %add3A_46 = vector.broadcast %get3A_21 : vector<1x128xf32> to vector<10000x128xf32>
    %add3A_47 = arith.addf %dot_general3A_45, %add3A_46 : vector<10000x128xf32>
    %swap3A = arith.constant 0 : index
    %swap3A_48 = arith.constant 0 : index
    %swap3A_49 = vector.load %arg21[%swap3A, %swap3A_48] : memref<10000x128xf32, #tpu.memory_space<vmem>>, vector<10000x128xf32>
    tpu.vector_store %arg21[%swap3A, %swap3A_48], %add3A_47 {strides = array<i32>} : memref<10000x128xf32, #tpu.memory_space<vmem>>, vector<10000x128xf32>,
    %broadcast_in_dim3A = arith.constant 0.000000e+00 : f32
    %broadcast_in_dim3A_50 = vector.broadcast %broadcast_in_dim3A : f32 to vector<8x128xf32>
    %scan3A = arith.constant 0 : i32
    %scan3A_51 = arith.constant 50 : i32
    %scan3A_52 = arith.addi %scan3A, %scan3A_51 : i32
    %scan3A_53 = arith.constant 1 : i32
    %scan3A_54 = scf.for %scan3A_263 = %scan3A to %scan3A_52 step %scan3A_53 iter_args(%scan3A_264 = %broadcast_in_dim3A_50) -> (vector<8x128xf32>)  : i32 {
      %mul3A_265 = arith.constant 200 : i32
      %mul3A_266 = arith.muli %scan3A_263, %mul3A_265 : i32
      %get3A_267 = arith.index_cast %mul3A_266 : i32 to index
      %get3A_268 = arith.constant 0 : index
      %get3A_269 = vector.load %arg21[%get3A_267, %get3A_268] : memref<10000x128xf32, #tpu.memory_space<vmem>>, vector<200x128xf32>
      %slice3A_270 = vector.extract_strided_slice %get3A_269 {offsets = [0, 0], sizes = [8, 128], strides = [1, 1]} : vector<200x128xf32> to vector<8x128xf32>
      %add3A_271 = arith.addf %scan3A_264, %slice3A_270 : vector<8x128xf32>
      %slice3A_272 = vector.extract_strided_slice %get3A_269 {offsets = [8, 0], sizes = [8, 128], strides = [1, 1]} : vector<200x128xf32> to vector<8x128xf32>
      %add3A_273 = arith.addf %add3A_271, %slice3A_272 : vector<8x128xf32>
      %slice3A_274 = vector.extract_strided_slice %get3A_269 {offsets = [16, 0], sizes = [8, 128], strides = [1, 1]} : vector<200x128xf32> to vector<8x128xf32>
      %add3A_275 = arith.addf %add3A_273, %slice3A_274 : vector<8x128xf32>
      %slice3A_276 = vector.extract_strided_slice %get3A_269 {offsets = [24, 0], sizes = [8, 128], strides = [1, 1]} : vector<200x128xf32> to vector<8x128xf32>
      %add3A_277 = arith.addf %add3A_275, %slice3A_276 : vector<8x128xf32>
      %slice3A_278 = vector.extract_strided_slice %get3A_269 {offsets = [32, 0], sizes = [8, 128], strides = [1, 1]} : vector<200x128xf32> to vector<8x128xf32>
      %add3A_279 = arith.addf %add3A_277, %slice3A_278 : vector<8x128xf32>
      %slice3A_280 = vector.extract_strided_slice %get3A_269 {offsets = [40, 0], sizes = [8, 128], strides = [1, 1]} : vector<200x128xf32> to vector<8x128xf32>
      %add3A_281 = arith.addf %add3A_279, %slice3A_280 : vector<8x128xf32>
      %slice3A_282 = vector.extract_strided_slice %get3A_269 {offsets = [48, 0], sizes = [8, 128], strides = [1, 1]} : vector<200x128xf32> to vector<8x128xf32>
      %add3A_283 = arith.addf %add3A_281, %slice3A_282 : vector<8x128xf32>
      %slice3A_284 = vector.extract_strided_slice %get3A_269 {offsets = [56, 0], sizes = [8, 128], strides = [1, 1]} : vector<200x128xf32> to vector<8x128xf32>
      %add3A_285 = arith.addf %add3A_283, %slice3A_284 : vector<8x128xf32>
      %slice3A_286 = vector.extract_strided_slice %get3A_269 {offsets = [64, 0], sizes = [8, 128], strides = [1, 1]} : vector<200x128xf32> to vector<8x128xf32>
      %add3A_287 = arith.addf %add3A_285, %slice3A_286 : vector<8x128xf32>
      %slice3A_288 = vector.extract_strided_slice %get3A_269 {offsets = [72, 0], sizes = [8, 128], strides = [1, 1]} : vector<200x128xf32> to vector<8x128xf32>
      %add3A_289 = arith.addf %add3A_287, %slice3A_288 : vector<8x128xf32>
      %slice3A_290 = vector.extract_strided_slice %get3A_269 {offsets = [80, 0], sizes = [8, 128], strides = [1, 1]} : vector<200x128xf32> to vector<8x128xf32>
      %add3A_291 = arith.addf %add3A_289, %slice3A_290 : vector<8x128xf32>
      %slice3A_292 = vector.extract_strided_slice %get3A_269 {offsets = [88, 0], sizes = [8, 128], strides = [1, 1]} : vector<200x128xf32> to vector<8x128xf32>
      %add3A_293 = arith.addf %add3A_291, %slice3A_292 : vector<8x128xf32>
      %slice3A_294 = vector.extract_strided_slice %get3A_269 {offsets = [96, 0], sizes = [8, 128], strides = [1, 1]} : vector<200x128xf32> to vector<8x128xf32>
      %add3A_295 = arith.addf %add3A_293, %slice3A_294 : vector<8x128xf32>
      %slice3A_296 = vector.extract_strided_slice %get3A_269 {offsets = [104, 0], sizes = [8, 128], strides = [1, 1]} : vector<200x128xf32> to vector<8x128xf32>
      %add3A_297 = arith.addf %add3A_295, %slice3A_296 : vector<8x128xf32>
      %slice3A_298 = vector.extract_strided_slice %get3A_269 {offsets = [112, 0], sizes = [8, 128], strides = [1, 1]} : vector<200x128xf32> to vector<8x128xf32>
      %add3A_299 = arith.addf %add3A_297, %slice3A_298 : vector<8x128xf32>
      %slice3A_300 = vector.extract_strided_slice %get3A_269 {offsets = [120, 0], sizes = [8, 128], strides = [1, 1]} : vector<200x128xf32> to vector<8x128xf32>
      %add3A_301 = arith.addf %add3A_299, %slice3A_300 : vector<8x128xf32>
      %slice3A_302 = vector.extract_strided_slice %get3A_269 {offsets = [128, 0], sizes = [8, 128], strides = [1, 1]} : vector<200x128xf32> to vector<8x128xf32>
      %add3A_303 = arith.addf %add3A_301, %slice3A_302 : vector<8x128xf32>
      %slice3A_304 = vector.extract_strided_slice %get3A_269 {offsets = [136, 0], sizes = [8, 128], strides = [1, 1]} : vector<200x128xf32> to vector<8x128xf32>
      %add3A_305 = arith.addf %add3A_303, %slice3A_304 : vector<8x128xf32>
      %slice3A_306 = vector.extract_strided_slice %get3A_269 {offsets = [144, 0], sizes = [8, 128], strides = [1, 1]} : vector<200x128xf32> to vector<8x128xf32>
      %add3A_307 = arith.addf %add3A_305, %slice3A_306 : vector<8x128xf32>
      %slice3A_308 = vector.extract_strided_slice %get3A_269 {offsets = [152, 0], sizes = [8, 128], strides = [1, 1]} : vector<200x128xf32> to vector<8x128xf32>
      %add3A_309 = arith.addf %add3A_307, %slice3A_308 : vector<8x128xf32>
      %slice3A_310 = vector.extract_strided_slice %get3A_269 {offsets = [160, 0], sizes = [8, 128], strides = [1, 1]} : vector<200x128xf32> to vector<8x128xf32>
      %add3A_311 = arith.addf %add3A_309, %slice3A_310 : vector<8x128xf32>
      %slice3A_312 = vector.extract_strided_slice %get3A_269 {offsets = [168, 0], sizes = [8, 128], strides = [1, 1]} : vector<200x128xf32> to vector<8x128xf32>
      %add3A_313 = arith.addf %add3A_311, %slice3A_312 : vector<8x128xf32>
      %slice3A_314 = vector.extract_strided_slice %get3A_269 {offsets = [176, 0], sizes = [8, 128], strides = [1, 1]} : vector<200x128xf32> to vector<8x128xf32>
      %add3A_315 = arith.addf %add3A_313, %slice3A_314 : vector<8x128xf32>
      %slice3A_316 = vector.extract_strided_slice %get3A_269 {offsets = [184, 0], sizes = [8, 128], strides = [1, 1]} : vector<200x128xf32> to vector<8x128xf32>
      %add3A_317 = arith.addf %add3A_315, %slice3A_316 : vector<8x128xf32>
      %slice3A_318 = vector.extract_strided_slice %get3A_269 {offsets = [192, 0], sizes = [8, 128], strides = [1, 1]} : vector<200x128xf32> to vector<8x128xf32>
      %add3A_319 = arith.addf %add3A_317, %slice3A_318 : vector<8x128xf32>
      scf.yield %add3A_319 : vector<8x128xf32>
    }
    %scan3A_55 = arith.constant 50 : i32
    %slice3A = vector.extract_strided_slice %scan3A_54 {offsets = [0, 0], sizes = [4, 128], strides = [1, 1]} : vector<8x128xf32> to vector<4x128xf32>
    %slice3A_56 = vector.extract_strided_slice %scan3A_54 {offsets = [4, 0], sizes = [4, 128], strides = [1, 1]} : vector<8x128xf32> to vector<4x128xf32>
    %add3A_57 = arith.addf %slice3A, %slice3A_56 : vector<4x128xf32>
    %slice3A_58 = vector.extract_strided_slice %add3A_57 {offsets = [0, 0], sizes = [2, 128], strides = [1, 1]} : vector<4x128xf32> to vector<2x128xf32>
    %slice3A_59 = vector.extract_strided_slice %add3A_57 {offsets = [2, 0], sizes = [2, 128], strides = [1, 1]} : vector<4x128xf32> to vector<2x128xf32>
    %add3A_60 = arith.addf %slice3A_58, %slice3A_59 : vector<2x128xf32>
    %slice3A_61 = vector.extract_strided_slice %add3A_60 {offsets = [0, 0], sizes = [1, 128], strides = [1, 1]} : vector<2x128xf32> to vector<1x128xf32>
    %slice3A_62 = vector.extract_strided_slice %add3A_60 {offsets = [1, 0], sizes = [1, 128], strides = [1, 1]} : vector<2x128xf32> to vector<1x128xf32>
    %add3A_63 = arith.addf %slice3A_61, %slice3A_62 : vector<1x128xf32>
    %mul3A_64 = arith.constant 9.99999974E-5 : f32
    %mul3A_65 = vector.broadcast %mul3A_64 : f32 to vector<1x128xf32>
    %mul3A_66 = arith.mulf %add3A_63, %mul3A_65 : vector<1x128xf32>
    %broadcast_in_dim3A_67 = arith.constant 0.000000e+00 : f32
    %broadcast_in_dim3A_68 = vector.broadcast %broadcast_in_dim3A_67 : f32 to vector<8x128xf32>
    %scan3A_69 = arith.constant 0 : i32
    %scan3A_70 = arith.constant 25 : i32
    %scan3A_71 = arith.addi %scan3A_69, %scan3A_70 : i32
    %scan3A_72 = arith.constant 1 : i32
    %scan3A_73 = scf.for %scan3A_263 = %scan3A_69 to %scan3A_71 step %scan3A_72 iter_args(%scan3A_264 = %broadcast_in_dim3A_68) -> (vector<8x128xf32>)  : i32 {
      %mul3A_265 = arith.constant 200 : i32
      %mul3A_266 = arith.muli %scan3A_263, %mul3A_265 : i32
      %add3A_267 = arith.constant 0 : i32
      %add3A_268 = arith.addi %add3A_267, %mul3A_266 : i32
      %get3A_269 = arith.index_cast %add3A_268 : i32 to index
      %get3A_270 = arith.constant 0 : index
      %get3A_271 = vector.load %arg21[%get3A_269, %get3A_270] : memref<10000x128xf32, #tpu.memory_space<vmem>>, vector<200x128xf32>
      %slice3A_272 = vector.extract_strided_slice %get3A_271 {offsets = [0, 0], sizes = [8, 128], strides = [1, 1]} : vector<200x128xf32> to vector<8x128xf32>
      %sub3A_273 = vector.broadcast %mul3A_66 : vector<1x128xf32> to vector<8x128xf32>
      %sub3A_274 = arith.subf %slice3A_272, %sub3A_273 : vector<8x128xf32>
      %mul3A_275 = arith.mulf %sub3A_274, %sub3A_274 : vector<8x128xf32>
      %add3A_276 = arith.addf %scan3A_264, %mul3A_275 : vector<8x128xf32>
      %slice3A_277 = vector.extract_strided_slice %get3A_271 {offsets = [8, 0], sizes = [8, 128], strides = [1, 1]} : vector<200x128xf32> to vector<8x128xf32>
      %sub3A_278 = vector.broadcast %mul3A_66 : vector<1x128xf32> to vector<8x128xf32>
      %sub3A_279 = arith.subf %slice3A_277, %sub3A_278 : vector<8x128xf32>
      %mul3A_280 = arith.mulf %sub3A_279, %sub3A_279 : vector<8x128xf32>
      %add3A_281 = arith.addf %add3A_276, %mul3A_280 : vector<8x128xf32>
      %slice3A_282 = vector.extract_strided_slice %get3A_271 {offsets = [16, 0], sizes = [8, 128], strides = [1, 1]} : vector<200x128xf32> to vector<8x128xf32>
      %sub3A_283 = vector.broadcast %mul3A_66 : vector<1x128xf32> to vector<8x128xf32>
      %sub3A_284 = arith.subf %slice3A_282, %sub3A_283 : vector<8x128xf32>
      %mul3A_285 = arith.mulf %sub3A_284, %sub3A_284 : vector<8x128xf32>
      %add3A_286 = arith.addf %add3A_281, %mul3A_285 : vector<8x128xf32>
      %slice3A_287 = vector.extract_strided_slice %get3A_271 {offsets = [24, 0], sizes = [8, 128], strides = [1, 1]} : vector<200x128xf32> to vector<8x128xf32>
      %sub3A_288 = vector.broadcast %mul3A_66 : vector<1x128xf32> to vector<8x128xf32>
      %sub3A_289 = arith.subf %slice3A_287, %sub3A_288 : vector<8x128xf32>
      %mul3A_290 = arith.mulf %sub3A_289, %sub3A_289 : vector<8x128xf32>
      %add3A_291 = arith.addf %add3A_286, %mul3A_290 : vector<8x128xf32>
      %slice3A_292 = vector.extract_strided_slice %get3A_271 {offsets = [32, 0], sizes = [8, 128], strides = [1, 1]} : vector<200x128xf32> to vector<8x128xf32>
      %sub3A_293 = vector.broadcast %mul3A_66 : vector<1x128xf32> to vector<8x128xf32>
      %sub3A_294 = arith.subf %slice3A_292, %sub3A_293 : vector<8x128xf32>
      %mul3A_295 = arith.mulf %sub3A_294, %sub3A_294 : vector<8x128xf32>
      %add3A_296 = arith.addf %add3A_291, %mul3A_295 : vector<8x128xf32>
      %slice3A_297 = vector.extract_strided_slice %get3A_271 {offsets = [40, 0], sizes = [8, 128], strides = [1, 1]} : vector<200x128xf32> to vector<8x128xf32>
      %sub3A_298 = vector.broadcast %mul3A_66 : vector<1x128xf32> to vector<8x128xf32>
      %sub3A_299 = arith.subf %slice3A_297, %sub3A_298 : vector<8x128xf32>
      %mul3A_300 = arith.mulf %sub3A_299, %sub3A_299 : vector<8x128xf32>
      %add3A_301 = arith.addf %add3A_296, %mul3A_300 : vector<8x128xf32>
      %slice3A_302 = vector.extract_strided_slice %get3A_271 {offsets = [48, 0], sizes = [8, 128], strides = [1, 1]} : vector<200x128xf32> to vector<8x128xf32>
      %sub3A_303 = vector.broadcast %mul3A_66 : vector<1x128xf32> to vector<8x128xf32>
      %sub3A_304 = arith.subf %slice3A_302, %sub3A_303 : vector<8x128xf32>
      %mul3A_305 = arith.mulf %sub3A_304, %sub3A_304 : vector<8x128xf32>
      %add3A_306 = arith.addf %add3A_301, %mul3A_305 : vector<8x128xf32>
      %slice3A_307 = vector.extract_strided_slice %get3A_271 {offsets = [56, 0], sizes = [8, 128], strides = [1, 1]} : vector<200x128xf32> to vector<8x128xf32>
      %sub3A_308 = vector.broadcast %mul3A_66 : vector<1x128xf32> to vector<8x128xf32>
      %sub3A_309 = arith.subf %slice3A_307, %sub3A_308 : vector<8x128xf32>
      %mul3A_310 = arith.mulf %sub3A_309, %sub3A_309 : vector<8x128xf32>
      %add3A_311 = arith.addf %add3A_306, %mul3A_310 : vector<8x128xf32>
      %slice3A_312 = vector.extract_strided_slice %get3A_271 {offsets = [64, 0], sizes = [8, 128], strides = [1, 1]} : vector<200x128xf32> to vector<8x128xf32>
      %sub3A_313 = vector.broadcast %mul3A_66 : vector<1x128xf32> to vector<8x128xf32>
      %sub3A_314 = arith.subf %slice3A_312, %sub3A_313 : vector<8x128xf32>
      %mul3A_315 = arith.mulf %sub3A_314, %sub3A_314 : vector<8x128xf32>
      %add3A_316 = arith.addf %add3A_311, %mul3A_315 : vector<8x128xf32>
      %slice3A_317 = vector.extract_strided_slice %get3A_271 {offsets = [72, 0], sizes = [8, 128], strides = [1, 1]} : vector<200x128xf32> to vector<8x128xf32>
      %sub3A_318 = vector.broadcast %mul3A_66 : vector<1x128xf32> to vector<8x128xf32>
      %sub3A_319 = arith.subf %slice3A_317, %sub3A_318 : vector<8x128xf32>
      %mul3A_320 = arith.mulf %sub3A_319, %sub3A_319 : vector<8x128xf32>
      %add3A_321 = arith.addf %add3A_316, %mul3A_320 : vector<8x128xf32>
      %slice3A_322 = vector.extract_strided_slice %get3A_271 {offsets = [80, 0], sizes = [8, 128], strides = [1, 1]} : vector<200x128xf32> to vector<8x128xf32>
      %sub3A_323 = vector.broadcast %mul3A_66 : vector<1x128xf32> to vector<8x128xf32>
      %sub3A_324 = arith.subf %slice3A_322, %sub3A_323 : vector<8x128xf32>
      %mul3A_325 = arith.mulf %sub3A_324, %sub3A_324 : vector<8x128xf32>
      %add3A_326 = arith.addf %add3A_321, %mul3A_325 : vector<8x128xf32>
      %slice3A_327 = vector.extract_strided_slice %get3A_271 {offsets = [88, 0], sizes = [8, 128], strides = [1, 1]} : vector<200x128xf32> to vector<8x128xf32>
      %sub3A_328 = vector.broadcast %mul3A_66 : vector<1x128xf32> to vector<8x128xf32>
      %sub3A_329 = arith.subf %slice3A_327, %sub3A_328 : vector<8x128xf32>
      %mul3A_330 = arith.mulf %sub3A_329, %sub3A_329 : vector<8x128xf32>
      %add3A_331 = arith.addf %add3A_326, %mul3A_330 : vector<8x128xf32>
      %slice3A_332 = vector.extract_strided_slice %get3A_271 {offsets = [96, 0], sizes = [8, 128], strides = [1, 1]} : vector<200x128xf32> to vector<8x128xf32>
      %sub3A_333 = vector.broadcast %mul3A_66 : vector<1x128xf32> to vector<8x128xf32>
      %sub3A_334 = arith.subf %slice3A_332, %sub3A_333 : vector<8x128xf32>
      %mul3A_335 = arith.mulf %sub3A_334, %sub3A_334 : vector<8x128xf32>
      %add3A_336 = arith.addf %add3A_331, %mul3A_335 : vector<8x128xf32>
      %slice3A_337 = vector.extract_strided_slice %get3A_271 {offsets = [104, 0], sizes = [8, 128], strides = [1, 1]} : vector<200x128xf32> to vector<8x128xf32>
      %sub3A_338 = vector.broadcast %mul3A_66 : vector<1x128xf32> to vector<8x128xf32>
      %sub3A_339 = arith.subf %slice3A_337, %sub3A_338 : vector<8x128xf32>
      %mul3A_340 = arith.mulf %sub3A_339, %sub3A_339 : vector<8x128xf32>
      %add3A_341 = arith.addf %add3A_336, %mul3A_340 : vector<8x128xf32>
      %slice3A_342 = vector.extract_strided_slice %get3A_271 {offsets = [112, 0], sizes = [8, 128], strides = [1, 1]} : vector<200x128xf32> to vector<8x128xf32>
      %sub3A_343 = vector.broadcast %mul3A_66 : vector<1x128xf32> to vector<8x128xf32>
      %sub3A_344 = arith.subf %slice3A_342, %sub3A_343 : vector<8x128xf32>
      %mul3A_345 = arith.mulf %sub3A_344, %sub3A_344 : vector<8x128xf32>
      %add3A_346 = arith.addf %add3A_341, %mul3A_345 : vector<8x128xf32>
      %slice3A_347 = vector.extract_strided_slice %get3A_271 {offsets = [120, 0], sizes = [8, 128], strides = [1, 1]} : vector<200x128xf32> to vector<8x128xf32>
      %sub3A_348 = vector.broadcast %mul3A_66 : vector<1x128xf32> to vector<8x128xf32>
      %sub3A_349 = arith.subf %slice3A_347, %sub3A_348 : vector<8x128xf32>
      %mul3A_350 = arith.mulf %sub3A_349, %sub3A_349 : vector<8x128xf32>
      %add3A_351 = arith.addf %add3A_346, %mul3A_350 : vector<8x128xf32>
      %slice3A_352 = vector.extract_strided_slice %get3A_271 {offsets = [128, 0], sizes = [8, 128], strides = [1, 1]} : vector<200x128xf32> to vector<8x128xf32>
      %sub3A_353 = vector.broadcast %mul3A_66 : vector<1x128xf32> to vector<8x128xf32>
      %sub3A_354 = arith.subf %slice3A_352, %sub3A_353 : vector<8x128xf32>
      %mul3A_355 = arith.mulf %sub3A_354, %sub3A_354 : vector<8x128xf32>
      %add3A_356 = arith.addf %add3A_351, %mul3A_355 : vector<8x128xf32>
      %slice3A_357 = vector.extract_strided_slice %get3A_271 {offsets = [136, 0], sizes = [8, 128], strides = [1, 1]} : vector<200x128xf32> to vector<8x128xf32>
      %sub3A_358 = vector.broadcast %mul3A_66 : vector<1x128xf32> to vector<8x128xf32>
      %sub3A_359 = arith.subf %slice3A_357, %sub3A_358 : vector<8x128xf32>
      %mul3A_360 = arith.mulf %sub3A_359, %sub3A_359 : vector<8x128xf32>
      %add3A_361 = arith.addf %add3A_356, %mul3A_360 : vector<8x128xf32>
      %slice3A_362 = vector.extract_strided_slice %get3A_271 {offsets = [144, 0], sizes = [8, 128], strides = [1, 1]} : vector<200x128xf32> to vector<8x128xf32>
      %sub3A_363 = vector.broadcast %mul3A_66 : vector<1x128xf32> to vector<8x128xf32>
      %sub3A_364 = arith.subf %slice3A_362, %sub3A_363 : vector<8x128xf32>
      %mul3A_365 = arith.mulf %sub3A_364, %sub3A_364 : vector<8x128xf32>
      %add3A_366 = arith.addf %add3A_361, %mul3A_365 : vector<8x128xf32>
      %slice3A_367 = vector.extract_strided_slice %get3A_271 {offsets = [152, 0], sizes = [8, 128], strides = [1, 1]} : vector<200x128xf32> to vector<8x128xf32>
      %sub3A_368 = vector.broadcast %mul3A_66 : vector<1x128xf32> to vector<8x128xf32>
      %sub3A_369 = arith.subf %slice3A_367, %sub3A_368 : vector<8x128xf32>
      %mul3A_370 = arith.mulf %sub3A_369, %sub3A_369 : vector<8x128xf32>
      %add3A_371 = arith.addf %add3A_366, %mul3A_370 : vector<8x128xf32>
      %slice3A_372 = vector.extract_strided_slice %get3A_271 {offsets = [160, 0], sizes = [8, 128], strides = [1, 1]} : vector<200x128xf32> to vector<8x128xf32>
      %sub3A_373 = vector.broadcast %mul3A_66 : vector<1x128xf32> to vector<8x128xf32>
      %sub3A_374 = arith.subf %slice3A_372, %sub3A_373 : vector<8x128xf32>
      %mul3A_375 = arith.mulf %sub3A_374, %sub3A_374 : vector<8x128xf32>
      %add3A_376 = arith.addf %add3A_371, %mul3A_375 : vector<8x128xf32>
      %slice3A_377 = vector.extract_strided_slice %get3A_271 {offsets = [168, 0], sizes = [8, 128], strides = [1, 1]} : vector<200x128xf32> to vector<8x128xf32>
      %sub3A_378 = vector.broadcast %mul3A_66 : vector<1x128xf32> to vector<8x128xf32>
      %sub3A_379 = arith.subf %slice3A_377, %sub3A_378 : vector<8x128xf32>
      %mul3A_380 = arith.mulf %sub3A_379, %sub3A_379 : vector<8x128xf32>
      %add3A_381 = arith.addf %add3A_376, %mul3A_380 : vector<8x128xf32>
      %slice3A_382 = vector.extract_strided_slice %get3A_271 {offsets = [176, 0], sizes = [8, 128], strides = [1, 1]} : vector<200x128xf32> to vector<8x128xf32>
      %sub3A_383 = vector.broadcast %mul3A_66 : vector<1x128xf32> to vector<8x128xf32>
      %sub3A_384 = arith.subf %slice3A_382, %sub3A_383 : vector<8x128xf32>
      %mul3A_385 = arith.mulf %sub3A_384, %sub3A_384 : vector<8x128xf32>
      %add3A_386 = arith.addf %add3A_381, %mul3A_385 : vector<8x128xf32>
      %slice3A_387 = vector.extract_strided_slice %get3A_271 {offsets = [184, 0], sizes = [8, 128], strides = [1, 1]} : vector<200x128xf32> to vector<8x128xf32>
      %sub3A_388 = vector.broadcast %mul3A_66 : vector<1x128xf32> to vector<8x128xf32>
      %sub3A_389 = arith.subf %slice3A_387, %sub3A_388 : vector<8x128xf32>
      %mul3A_390 = arith.mulf %sub3A_389, %sub3A_389 : vector<8x128xf32>
      %add3A_391 = arith.addf %add3A_386, %mul3A_390 : vector<8x128xf32>
      %slice3A_392 = vector.extract_strided_slice %get3A_271 {offsets = [192, 0], sizes = [8, 128], strides = [1, 1]} : vector<200x128xf32> to vector<8x128xf32>
      %sub3A_393 = vector.broadcast %mul3A_66 : vector<1x128xf32> to vector<8x128xf32>
      %sub3A_394 = arith.subf %slice3A_392, %sub3A_393 : vector<8x128xf32>
      %mul3A_395 = arith.mulf %sub3A_394, %sub3A_394 : vector<8x128xf32>
      %add3A_396 = arith.addf %add3A_391, %mul3A_395 : vector<8x128xf32>
      scf.yield %add3A_396 : vector<8x128xf32>
    }
    %scan3A_74 = arith.constant 25 : i32
    %slice3A_75 = vector.extract_strided_slice %scan3A_73 {offsets = [0, 0], sizes = [4, 128], strides = [1, 1]} : vector<8x128xf32> to vector<4x128xf32>
    %slice3A_76 = vector.extract_strided_slice %scan3A_73 {offsets = [4, 0], sizes = [4, 128], strides = [1, 1]} : vector<8x128xf32> to vector<4x128xf32>
    %add3A_77 = arith.addf %slice3A_75, %slice3A_76 : vector<4x128xf32>
    %slice3A_78 = vector.extract_strided_slice %add3A_77 {offsets = [0, 0], sizes = [2, 128], strides = [1, 1]} : vector<4x128xf32> to vector<2x128xf32>
    %slice3A_79 = vector.extract_strided_slice %add3A_77 {offsets = [2, 0], sizes = [2, 128], strides = [1, 1]} : vector<4x128xf32> to vector<2x128xf32>
    %add3A_80 = arith.addf %slice3A_78, %slice3A_79 : vector<2x128xf32>
    %slice3A_81 = vector.extract_strided_slice %add3A_80 {offsets = [0, 0], sizes = [1, 128], strides = [1, 1]} : vector<2x128xf32> to vector<1x128xf32>
    %slice3A_82 = vector.extract_strided_slice %add3A_80 {offsets = [1, 0], sizes = [1, 128], strides = [1, 1]} : vector<2x128xf32> to vector<1x128xf32>
    %add3A_83 = arith.addf %slice3A_81, %slice3A_82 : vector<1x128xf32>
    %broadcast_in_dim3A_84 = arith.constant 0.000000e+00 : f32
    %broadcast_in_dim3A_85 = vector.broadcast %broadcast_in_dim3A_84 : f32 to vector<8x128xf32>
    %scan3A_86 = arith.constant 0 : i32
    %scan3A_87 = arith.constant 25 : i32
    %scan3A_88 = arith.addi %scan3A_86, %scan3A_87 : i32
    %scan3A_89 = arith.constant 1 : i32
    %scan3A_90 = scf.for %scan3A_263 = %scan3A_86 to %scan3A_88 step %scan3A_89 iter_args(%scan3A_264 = %broadcast_in_dim3A_85) -> (vector<8x128xf32>)  : i32 {
      %mul3A_265 = arith.constant 200 : i32
      %mul3A_266 = arith.muli %scan3A_263, %mul3A_265 : i32
      %add3A_267 = arith.constant 5000 : i32
      %add3A_268 = arith.addi %add3A_267, %mul3A_266 : i32
      %get3A_269 = arith.index_cast %add3A_268 : i32 to index
      %get3A_270 = arith.constant 0 : index
      %get3A_271 = vector.load %arg21[%get3A_269, %get3A_270] : memref<10000x128xf32, #tpu.memory_space<vmem>>, vector<200x128xf32>
      %slice3A_272 = vector.extract_strided_slice %get3A_271 {offsets = [0, 0], sizes = [8, 128], strides = [1, 1]} : vector<200x128xf32> to vector<8x128xf32>
      %sub3A_273 = vector.broadcast %mul3A_66 : vector<1x128xf32> to vector<8x128xf32>
      %sub3A_274 = arith.subf %slice3A_272, %sub3A_273 : vector<8x128xf32>
      %mul3A_275 = arith.mulf %sub3A_274, %sub3A_274 : vector<8x128xf32>
      %add3A_276 = arith.addf %scan3A_264, %mul3A_275 : vector<8x128xf32>
      %slice3A_277 = vector.extract_strided_slice %get3A_271 {offsets = [8, 0], sizes = [8, 128], strides = [1, 1]} : vector<200x128xf32> to vector<8x128xf32>
      %sub3A_278 = vector.broadcast %mul3A_66 : vector<1x128xf32> to vector<8x128xf32>
      %sub3A_279 = arith.subf %slice3A_277, %sub3A_278 : vector<8x128xf32>
      %mul3A_280 = arith.mulf %sub3A_279, %sub3A_279 : vector<8x128xf32>
      %add3A_281 = arith.addf %add3A_276, %mul3A_280 : vector<8x128xf32>
      %slice3A_282 = vector.extract_strided_slice %get3A_271 {offsets = [16, 0], sizes = [8, 128], strides = [1, 1]} : vector<200x128xf32> to vector<8x128xf32>
      %sub3A_283 = vector.broadcast %mul3A_66 : vector<1x128xf32> to vector<8x128xf32>
      %sub3A_284 = arith.subf %slice3A_282, %sub3A_283 : vector<8x128xf32>
      %mul3A_285 = arith.mulf %sub3A_284, %sub3A_284 : vector<8x128xf32>
      %add3A_286 = arith.addf %add3A_281, %mul3A_285 : vector<8x128xf32>
      %slice3A_287 = vector.extract_strided_slice %get3A_271 {offsets = [24, 0], sizes = [8, 128], strides = [1, 1]} : vector<200x128xf32> to vector<8x128xf32>
      %sub3A_288 = vector.broadcast %mul3A_66 : vector<1x128xf32> to vector<8x128xf32>
      %sub3A_289 = arith.subf %slice3A_287, %sub3A_288 : vector<8x128xf32>
      %mul3A_290 = arith.mulf %sub3A_289, %sub3A_289 : vector<8x128xf32>
      %add3A_291 = arith.addf %add3A_286, %mul3A_290 : vector<8x128xf32>
      %slice3A_292 = vector.extract_strided_slice %get3A_271 {offsets = [32, 0], sizes = [8, 128], strides = [1, 1]} : vector<200x128xf32> to vector<8x128xf32>
      %sub3A_293 = vector.broadcast %mul3A_66 : vector<1x128xf32> to vector<8x128xf32>
      %sub3A_294 = arith.subf %slice3A_292, %sub3A_293 : vector<8x128xf32>
      %mul3A_295 = arith.mulf %sub3A_294, %sub3A_294 : vector<8x128xf32>
      %add3A_296 = arith.addf %add3A_291, %mul3A_295 : vector<8x128xf32>
      %slice3A_297 = vector.extract_strided_slice %get3A_271 {offsets = [40, 0], sizes = [8, 128], strides = [1, 1]} : vector<200x128xf32> to vector<8x128xf32>
      %sub3A_298 = vector.broadcast %mul3A_66 : vector<1x128xf32> to vector<8x128xf32>
      %sub3A_299 = arith.subf %slice3A_297, %sub3A_298 : vector<8x128xf32>
      %mul3A_300 = arith.mulf %sub3A_299, %sub3A_299 : vector<8x128xf32>
      %add3A_301 = arith.addf %add3A_296, %mul3A_300 : vector<8x128xf32>
      %slice3A_302 = vector.extract_strided_slice %get3A_271 {offsets = [48, 0], sizes = [8, 128], strides = [1, 1]} : vector<200x128xf32> to vector<8x128xf32>
      %sub3A_303 = vector.broadcast %mul3A_66 : vector<1x128xf32> to vector<8x128xf32>
      %sub3A_304 = arith.subf %slice3A_302, %sub3A_303 : vector<8x128xf32>
      %mul3A_305 = arith.mulf %sub3A_304, %sub3A_304 : vector<8x128xf32>
      %add3A_306 = arith.addf %add3A_301, %mul3A_305 : vector<8x128xf32>
      %slice3A_307 = vector.extract_strided_slice %get3A_271 {offsets = [56, 0], sizes = [8, 128], strides = [1, 1]} : vector<200x128xf32> to vector<8x128xf32>
      %sub3A_308 = vector.broadcast %mul3A_66 : vector<1x128xf32> to vector<8x128xf32>
      %sub3A_309 = arith.subf %slice3A_307, %sub3A_308 : vector<8x128xf32>
      %mul3A_310 = arith.mulf %sub3A_309, %sub3A_309 : vector<8x128xf32>
      %add3A_311 = arith.addf %add3A_306, %mul3A_310 : vector<8x128xf32>
      %slice3A_312 = vector.extract_strided_slice %get3A_271 {offsets = [64, 0], sizes = [8, 128], strides = [1, 1]} : vector<200x128xf32> to vector<8x128xf32>
      %sub3A_313 = vector.broadcast %mul3A_66 : vector<1x128xf32> to vector<8x128xf32>
      %sub3A_314 = arith.subf %slice3A_312, %sub3A_313 : vector<8x128xf32>
      %mul3A_315 = arith.mulf %sub3A_314, %sub3A_314 : vector<8x128xf32>
      %add3A_316 = arith.addf %add3A_311, %mul3A_315 : vector<8x128xf32>
      %slice3A_317 = vector.extract_strided_slice %get3A_271 {offsets = [72, 0], sizes = [8, 128], strides = [1, 1]} : vector<200x128xf32> to vector<8x128xf32>
      %sub3A_318 = vector.broadcast %mul3A_66 : vector<1x128xf32> to vector<8x128xf32>
      %sub3A_319 = arith.subf %slice3A_317, %sub3A_318 : vector<8x128xf32>
      %mul3A_320 = arith.mulf %sub3A_319, %sub3A_319 : vector<8x128xf32>
      %add3A_321 = arith.addf %add3A_316, %mul3A_320 : vector<8x128xf32>
      %slice3A_322 = vector.extract_strided_slice %get3A_271 {offsets = [80, 0], sizes = [8, 128], strides = [1, 1]} : vector<200x128xf32> to vector<8x128xf32>
      %sub3A_323 = vector.broadcast %mul3A_66 : vector<1x128xf32> to vector<8x128xf32>
      %sub3A_324 = arith.subf %slice3A_322, %sub3A_323 : vector<8x128xf32>
      %mul3A_325 = arith.mulf %sub3A_324, %sub3A_324 : vector<8x128xf32>
      %add3A_326 = arith.addf %add3A_321, %mul3A_325 : vector<8x128xf32>
      %slice3A_327 = vector.extract_strided_slice %get3A_271 {offsets = [88, 0], sizes = [8, 128], strides = [1, 1]} : vector<200x128xf32> to vector<8x128xf32>
      %sub3A_328 = vector.broadcast %mul3A_66 : vector<1x128xf32> to vector<8x128xf32>
      %sub3A_329 = arith.subf %slice3A_327, %sub3A_328 : vector<8x128xf32>
      %mul3A_330 = arith.mulf %sub3A_329, %sub3A_329 : vector<8x128xf32>
      %add3A_331 = arith.addf %add3A_326, %mul3A_330 : vector<8x128xf32>
      %slice3A_332 = vector.extract_strided_slice %get3A_271 {offsets = [96, 0], sizes = [8, 128], strides = [1, 1]} : vector<200x128xf32> to vector<8x128xf32>
      %sub3A_333 = vector.broadcast %mul3A_66 : vector<1x128xf32> to vector<8x128xf32>
      %sub3A_334 = arith.subf %slice3A_332, %sub3A_333 : vector<8x128xf32>
      %mul3A_335 = arith.mulf %sub3A_334, %sub3A_334 : vector<8x128xf32>
      %add3A_336 = arith.addf %add3A_331, %mul3A_335 : vector<8x128xf32>
      %slice3A_337 = vector.extract_strided_slice %get3A_271 {offsets = [104, 0], sizes = [8, 128], strides = [1, 1]} : vector<200x128xf32> to vector<8x128xf32>
      %sub3A_338 = vector.broadcast %mul3A_66 : vector<1x128xf32> to vector<8x128xf32>
      %sub3A_339 = arith.subf %slice3A_337, %sub3A_338 : vector<8x128xf32>
      %mul3A_340 = arith.mulf %sub3A_339, %sub3A_339 : vector<8x128xf32>
      %add3A_341 = arith.addf %add3A_336, %mul3A_340 : vector<8x128xf32>
      %slice3A_342 = vector.extract_strided_slice %get3A_271 {offsets = [112, 0], sizes = [8, 128], strides = [1, 1]} : vector<200x128xf32> to vector<8x128xf32>
      %sub3A_343 = vector.broadcast %mul3A_66 : vector<1x128xf32> to vector<8x128xf32>
      %sub3A_344 = arith.subf %slice3A_342, %sub3A_343 : vector<8x128xf32>
      %mul3A_345 = arith.mulf %sub3A_344, %sub3A_344 : vector<8x128xf32>
      %add3A_346 = arith.addf %add3A_341, %mul3A_345 : vector<8x128xf32>
      %slice3A_347 = vector.extract_strided_slice %get3A_271 {offsets = [120, 0], sizes = [8, 128], strides = [1, 1]} : vector<200x128xf32> to vector<8x128xf32>
      %sub3A_348 = vector.broadcast %mul3A_66 : vector<1x128xf32> to vector<8x128xf32>
      %sub3A_349 = arith.subf %slice3A_347, %sub3A_348 : vector<8x128xf32>
      %mul3A_350 = arith.mulf %sub3A_349, %sub3A_349 : vector<8x128xf32>
      %add3A_351 = arith.addf %add3A_346, %mul3A_350 : vector<8x128xf32>
      %slice3A_352 = vector.extract_strided_slice %get3A_271 {offsets = [128, 0], sizes = [8, 128], strides = [1, 1]} : vector<200x128xf32> to vector<8x128xf32>
      %sub3A_353 = vector.broadcast %mul3A_66 : vector<1x128xf32> to vector<8x128xf32>
      %sub3A_354 = arith.subf %slice3A_352, %sub3A_353 : vector<8x128xf32>
      %mul3A_355 = arith.mulf %sub3A_354, %sub3A_354 : vector<8x128xf32>
      %add3A_356 = arith.addf %add3A_351, %mul3A_355 : vector<8x128xf32>
      %slice3A_357 = vector.extract_strided_slice %get3A_271 {offsets = [136, 0], sizes = [8, 128], strides = [1, 1]} : vector<200x128xf32> to vector<8x128xf32>
      %sub3A_358 = vector.broadcast %mul3A_66 : vector<1x128xf32> to vector<8x128xf32>
      %sub3A_359 = arith.subf %slice3A_357, %sub3A_358 : vector<8x128xf32>
      %mul3A_360 = arith.mulf %sub3A_359, %sub3A_359 : vector<8x128xf32>
      %add3A_361 = arith.addf %add3A_356, %mul3A_360 : vector<8x128xf32>
      %slice3A_362 = vector.extract_strided_slice %get3A_271 {offsets = [144, 0], sizes = [8, 128], strides = [1, 1]} : vector<200x128xf32> to vector<8x128xf32>
      %sub3A_363 = vector.broadcast %mul3A_66 : vector<1x128xf32> to vector<8x128xf32>
      %sub3A_364 = arith.subf %slice3A_362, %sub3A_363 : vector<8x128xf32>
      %mul3A_365 = arith.mulf %sub3A_364, %sub3A_364 : vector<8x128xf32>
      %add3A_366 = arith.addf %add3A_361, %mul3A_365 : vector<8x128xf32>
      %slice3A_367 = vector.extract_strided_slice %get3A_271 {offsets = [152, 0], sizes = [8, 128], strides = [1, 1]} : vector<200x128xf32> to vector<8x128xf32>
      %sub3A_368 = vector.broadcast %mul3A_66 : vector<1x128xf32> to vector<8x128xf32>
      %sub3A_369 = arith.subf %slice3A_367, %sub3A_368 : vector<8x128xf32>
      %mul3A_370 = arith.mulf %sub3A_369, %sub3A_369 : vector<8x128xf32>
      %add3A_371 = arith.addf %add3A_366, %mul3A_370 : vector<8x128xf32>
      %slice3A_372 = vector.extract_strided_slice %get3A_271 {offsets = [160, 0], sizes = [8, 128], strides = [1, 1]} : vector<200x128xf32> to vector<8x128xf32>
      %sub3A_373 = vector.broadcast %mul3A_66 : vector<1x128xf32> to vector<8x128xf32>
      %sub3A_374 = arith.subf %slice3A_372, %sub3A_373 : vector<8x128xf32>
      %mul3A_375 = arith.mulf %sub3A_374, %sub3A_374 : vector<8x128xf32>
      %add3A_376 = arith.addf %add3A_371, %mul3A_375 : vector<8x128xf32>
      %slice3A_377 = vector.extract_strided_slice %get3A_271 {offsets = [168, 0], sizes = [8, 128], strides = [1, 1]} : vector<200x128xf32> to vector<8x128xf32>
      %sub3A_378 = vector.broadcast %mul3A_66 : vector<1x128xf32> to vector<8x128xf32>
      %sub3A_379 = arith.subf %slice3A_377, %sub3A_378 : vector<8x128xf32>
      %mul3A_380 = arith.mulf %sub3A_379, %sub3A_379 : vector<8x128xf32>
      %add3A_381 = arith.addf %add3A_376, %mul3A_380 : vector<8x128xf32>
      %slice3A_382 = vector.extract_strided_slice %get3A_271 {offsets = [176, 0], sizes = [8, 128], strides = [1, 1]} : vector<200x128xf32> to vector<8x128xf32>
      %sub3A_383 = vector.broadcast %mul3A_66 : vector<1x128xf32> to vector<8x128xf32>
      %sub3A_384 = arith.subf %slice3A_382, %sub3A_383 : vector<8x128xf32>
      %mul3A_385 = arith.mulf %sub3A_384, %sub3A_384 : vector<8x128xf32>
      %add3A_386 = arith.addf %add3A_381, %mul3A_385 : vector<8x128xf32>
      %slice3A_387 = vector.extract_strided_slice %get3A_271 {offsets = [184, 0], sizes = [8, 128], strides = [1, 1]} : vector<200x128xf32> to vector<8x128xf32>
      %sub3A_388 = vector.broadcast %mul3A_66 : vector<1x128xf32> to vector<8x128xf32>
      %sub3A_389 = arith.subf %slice3A_387, %sub3A_388 : vector<8x128xf32>
      %mul3A_390 = arith.mulf %sub3A_389, %sub3A_389 : vector<8x128xf32>
      %add3A_391 = arith.addf %add3A_386, %mul3A_390 : vector<8x128xf32>
      %slice3A_392 = vector.extract_strided_slice %get3A_271 {offsets = [192, 0], sizes = [8, 128], strides = [1, 1]} : vector<200x128xf32> to vector<8x128xf32>
      %sub3A_393 = vector.broadcast %mul3A_66 : vector<1x128xf32> to vector<8x128xf32>
      %sub3A_394 = arith.subf %slice3A_392, %sub3A_393 : vector<8x128xf32>
      %mul3A_395 = arith.mulf %sub3A_394, %sub3A_394 : vector<8x128xf32>
      %add3A_396 = arith.addf %add3A_391, %mul3A_395 : vector<8x128xf32>
      scf.yield %add3A_396 : vector<8x128xf32>
    }
    %scan3A_91 = arith.constant 25 : i32
    %slice3A_92 = vector.extract_strided_slice %scan3A_90 {offsets = [0, 0], sizes = [4, 128], strides = [1, 1]} : vector<8x128xf32> to vector<4x128xf32>
    %slice3A_93 = vector.extract_strided_slice %scan3A_90 {offsets = [4, 0], sizes = [4, 128], strides = [1, 1]} : vector<8x128xf32> to vector<4x128xf32>
    %add3A_94 = arith.addf %slice3A_92, %slice3A_93 : vector<4x128xf32>
    %slice3A_95 = vector.extract_strided_slice %add3A_94 {offsets = [0, 0], sizes = [2, 128], strides = [1, 1]} : vector<4x128xf32> to vector<2x128xf32>
    %slice3A_96 = vector.extract_strided_slice %add3A_94 {offsets = [2, 0], sizes = [2, 128], strides = [1, 1]} : vector<4x128xf32> to vector<2x128xf32>
    %add3A_97 = arith.addf %slice3A_95, %slice3A_96 : vector<2x128xf32>
    %slice3A_98 = vector.extract_strided_slice %add3A_97 {offsets = [0, 0], sizes = [1, 128], strides = [1, 1]} : vector<2x128xf32> to vector<1x128xf32>
    %slice3A_99 = vector.extract_strided_slice %add3A_97 {offsets = [1, 0], sizes = [1, 128], strides = [1, 1]} : vector<2x128xf32> to vector<1x128xf32>
    %add3A_100 = arith.addf %slice3A_98, %slice3A_99 : vector<1x128xf32>
    %add3A_101 = arith.addf %add3A_83, %add3A_100 : vector<1x128xf32>
    %mul3A_102 = arith.constant 9.99999974E-5 : f32
    %mul3A_103 = vector.broadcast %mul3A_102 : f32 to vector<1x128xf32>
    %mul3A_104 = arith.mulf %add3A_101, %mul3A_103 : vector<1x128xf32>
    %get3A_105 = arith.constant 0 : index
    %get3A_106 = arith.constant 0 : index
    %get3A_107 = vector.load %arg21[%get3A_105, %get3A_106] : memref<10000x128xf32, #tpu.memory_space<vmem>>, vector<10000x128xf32>
    %sub3A = vector.broadcast %mul3A_66 : vector<1x128xf32> to vector<10000x128xf32>
    %sub3A_108 = arith.subf %get3A_107, %sub3A : vector<10000x128xf32>
    %add3A_109 = arith.constant 9.99999974E-6 : f32
    %add3A_110 = vector.broadcast %add3A_109 : f32 to vector<1x128xf32>
    %add3A_111 = arith.addf %mul3A_104, %add3A_110 : vector<1x128xf32>
    %sqrt3A = math.sqrt %add3A_111 : vector<1x128xf32>
    %div3A = vector.broadcast %sqrt3A : vector<1x128xf32> to vector<10000x128xf32>
    %div3A_112 = arith.divf %sub3A_108, %div3A : vector<10000x128xf32>
    %mul3A_113 = vector.broadcast %get3A_24 : vector<1x128xf32> to vector<10000x128xf32>
    %mul3A_114 = arith.mulf %div3A_112, %mul3A_113 : vector<10000x128xf32>
    %add3A_115 = vector.broadcast %get3A_27 : vector<1x128xf32> to vector<10000x128xf32>
    %add3A_116 = arith.addf %mul3A_114, %add3A_115 : vector<10000x128xf32>
    %max3A = arith.constant 0.000000e+00 : f32
    %max3A_117 = vector.broadcast %max3A : f32 to vector<10000x128xf32>
    %max3A_118 = arith.maximumf %add3A_116, %max3A_117 : vector<10000x128xf32>
    %convert_element_type3A_119 = arith.truncf %max3A_118 : vector<10000x128xf32> to vector<10000x128xbf16>
    %convert_element_type3A_120 = arith.truncf %get3A_30 : vector<128x128xf32> to vector<128x128xbf16>
    %dot_general3A_121 = arith.constant dense<0.000000e+00> : vector<10000x128xf32>
    %dot_general3A_122 = tpu.matmul %convert_element_type3A_119, %convert_element_type3A_120, %dot_general3A_121 {dimension_numbers = #tpu.dot_dimension_numbers<[1], [0], [0], [1], [0, 0, 1, 1], [], []>, transpose_lhs_hint = false} : vector<10000x128xbf16>, vector<128x128xbf16>, vector<10000x128xf32> -> vector<10000x128xf32>
    %add3A_123 = vector.broadcast %get3A_33 : vector<1x128xf32> to vector<10000x128xf32>
    %add3A_124 = arith.addf %dot_general3A_122, %add3A_123 : vector<10000x128xf32>
    %swap3A_125 = arith.constant 0 : index
    %swap3A_126 = arith.constant 0 : index
    %swap3A_127 = vector.load %arg21[%swap3A_125, %swap3A_126] : memref<10000x128xf32, #tpu.memory_space<vmem>>, vector<10000x128xf32>
    tpu.vector_store %arg21[%swap3A_125, %swap3A_126], %add3A_124 {strides = array<i32>} : memref<10000x128xf32, #tpu.memory_space<vmem>>, vector<10000x128xf32>,
    %broadcast_in_dim3A_128 = arith.constant 0.000000e+00 : f32
    %broadcast_in_dim3A_129 = vector.broadcast %broadcast_in_dim3A_128 : f32 to vector<8x128xf32>
    %scan3A_130 = arith.constant 0 : i32
    %scan3A_131 = arith.constant 50 : i32
    %scan3A_132 = arith.addi %scan3A_130, %scan3A_131 : i32
    %scan3A_133 = arith.constant 1 : i32
    %scan3A_134 = scf.for %scan3A_263 = %scan3A_130 to %scan3A_132 step %scan3A_133 iter_args(%scan3A_264 = %broadcast_in_dim3A_129) -> (vector<8x128xf32>)  : i32 {
      %mul3A_265 = arith.constant 200 : i32
      %mul3A_266 = arith.muli %scan3A_263, %mul3A_265 : i32
      %get3A_267 = arith.index_cast %mul3A_266 : i32 to index
      %get3A_268 = arith.constant 0 : index
      %get3A_269 = vector.load %arg21[%get3A_267, %get3A_268] : memref<10000x128xf32, #tpu.memory_space<vmem>>, vector<200x128xf32>
      %slice3A_270 = vector.extract_strided_slice %get3A_269 {offsets = [0, 0], sizes = [8, 128], strides = [1, 1]} : vector<200x128xf32> to vector<8x128xf32>
      %add3A_271 = arith.addf %scan3A_264, %slice3A_270 : vector<8x128xf32>
      %slice3A_272 = vector.extract_strided_slice %get3A_269 {offsets = [8, 0], sizes = [8, 128], strides = [1, 1]} : vector<200x128xf32> to vector<8x128xf32>
      %add3A_273 = arith.addf %add3A_271, %slice3A_272 : vector<8x128xf32>
      %slice3A_274 = vector.extract_strided_slice %get3A_269 {offsets = [16, 0], sizes = [8, 128], strides = [1, 1]} : vector<200x128xf32> to vector<8x128xf32>
      %add3A_275 = arith.addf %add3A_273, %slice3A_274 : vector<8x128xf32>
      %slice3A_276 = vector.extract_strided_slice %get3A_269 {offsets = [24, 0], sizes = [8, 128], strides = [1, 1]} : vector<200x128xf32> to vector<8x128xf32>
      %add3A_277 = arith.addf %add3A_275, %slice3A_276 : vector<8x128xf32>
      %slice3A_278 = vector.extract_strided_slice %get3A_269 {offsets = [32, 0], sizes = [8, 128], strides = [1, 1]} : vector<200x128xf32> to vector<8x128xf32>
      %add3A_279 = arith.addf %add3A_277, %slice3A_278 : vector<8x128xf32>
      %slice3A_280 = vector.extract_strided_slice %get3A_269 {offsets = [40, 0], sizes = [8, 128], strides = [1, 1]} : vector<200x128xf32> to vector<8x128xf32>
      %add3A_281 = arith.addf %add3A_279, %slice3A_280 : vector<8x128xf32>
      %slice3A_282 = vector.extract_strided_slice %get3A_269 {offsets = [48, 0], sizes = [8, 128], strides = [1, 1]} : vector<200x128xf32> to vector<8x128xf32>
      %add3A_283 = arith.addf %add3A_281, %slice3A_282 : vector<8x128xf32>
      %slice3A_284 = vector.extract_strided_slice %get3A_269 {offsets = [56, 0], sizes = [8, 128], strides = [1, 1]} : vector<200x128xf32> to vector<8x128xf32>
      %add3A_285 = arith.addf %add3A_283, %slice3A_284 : vector<8x128xf32>
      %slice3A_286 = vector.extract_strided_slice %get3A_269 {offsets = [64, 0], sizes = [8, 128], strides = [1, 1]} : vector<200x128xf32> to vector<8x128xf32>
      %add3A_287 = arith.addf %add3A_285, %slice3A_286 : vector<8x128xf32>
      %slice3A_288 = vector.extract_strided_slice %get3A_269 {offsets = [72, 0], sizes = [8, 128], strides = [1, 1]} : vector<200x128xf32> to vector<8x128xf32>
      %add3A_289 = arith.addf %add3A_287, %slice3A_288 : vector<8x128xf32>
      %slice3A_290 = vector.extract_strided_slice %get3A_269 {offsets = [80, 0], sizes = [8, 128], strides = [1, 1]} : vector<200x128xf32> to vector<8x128xf32>
      %add3A_291 = arith.addf %add3A_289, %slice3A_290 : vector<8x128xf32>
      %slice3A_292 = vector.extract_strided_slice %get3A_269 {offsets = [88, 0], sizes = [8, 128], strides = [1, 1]} : vector<200x128xf32> to vector<8x128xf32>
      %add3A_293 = arith.addf %add3A_291, %slice3A_292 : vector<8x128xf32>
      %slice3A_294 = vector.extract_strided_slice %get3A_269 {offsets = [96, 0], sizes = [8, 128], strides = [1, 1]} : vector<200x128xf32> to vector<8x128xf32>
      %add3A_295 = arith.addf %add3A_293, %slice3A_294 : vector<8x128xf32>
      %slice3A_296 = vector.extract_strided_slice %get3A_269 {offsets = [104, 0], sizes = [8, 128], strides = [1, 1]} : vector<200x128xf32> to vector<8x128xf32>
      %add3A_297 = arith.addf %add3A_295, %slice3A_296 : vector<8x128xf32>
      %slice3A_298 = vector.extract_strided_slice %get3A_269 {offsets = [112, 0], sizes = [8, 128], strides = [1, 1]} : vector<200x128xf32> to vector<8x128xf32>
      %add3A_299 = arith.addf %add3A_297, %slice3A_298 : vector<8x128xf32>
      %slice3A_300 = vector.extract_strided_slice %get3A_269 {offsets = [120, 0], sizes = [8, 128], strides = [1, 1]} : vector<200x128xf32> to vector<8x128xf32>
      %add3A_301 = arith.addf %add3A_299, %slice3A_300 : vector<8x128xf32>
      %slice3A_302 = vector.extract_strided_slice %get3A_269 {offsets = [128, 0], sizes = [8, 128], strides = [1, 1]} : vector<200x128xf32> to vector<8x128xf32>
      %add3A_303 = arith.addf %add3A_301, %slice3A_302 : vector<8x128xf32>
      %slice3A_304 = vector.extract_strided_slice %get3A_269 {offsets = [136, 0], sizes = [8, 128], strides = [1, 1]} : vector<200x128xf32> to vector<8x128xf32>
      %add3A_305 = arith.addf %add3A_303, %slice3A_304 : vector<8x128xf32>
      %slice3A_306 = vector.extract_strided_slice %get3A_269 {offsets = [144, 0], sizes = [8, 128], strides = [1, 1]} : vector<200x128xf32> to vector<8x128xf32>
      %add3A_307 = arith.addf %add3A_305, %slice3A_306 : vector<8x128xf32>
      %slice3A_308 = vector.extract_strided_slice %get3A_269 {offsets = [152, 0], sizes = [8, 128], strides = [1, 1]} : vector<200x128xf32> to vector<8x128xf32>
      %add3A_309 = arith.addf %add3A_307, %slice3A_308 : vector<8x128xf32>
      %slice3A_310 = vector.extract_strided_slice %get3A_269 {offsets = [160, 0], sizes = [8, 128], strides = [1, 1]} : vector<200x128xf32> to vector<8x128xf32>
      %add3A_311 = arith.addf %add3A_309, %slice3A_310 : vector<8x128xf32>
      %slice3A_312 = vector.extract_strided_slice %get3A_269 {offsets = [168, 0], sizes = [8, 128], strides = [1, 1]} : vector<200x128xf32> to vector<8x128xf32>
      %add3A_313 = arith.addf %add3A_311, %slice3A_312 : vector<8x128xf32>
      %slice3A_314 = vector.extract_strided_slice %get3A_269 {offsets = [176, 0], sizes = [8, 128], strides = [1, 1]} : vector<200x128xf32> to vector<8x128xf32>
      %add3A_315 = arith.addf %add3A_313, %slice3A_314 : vector<8x128xf32>
      %slice3A_316 = vector.extract_strided_slice %get3A_269 {offsets = [184, 0], sizes = [8, 128], strides = [1, 1]} : vector<200x128xf32> to vector<8x128xf32>
      %add3A_317 = arith.addf %add3A_315, %slice3A_316 : vector<8x128xf32>
      %slice3A_318 = vector.extract_strided_slice %get3A_269 {offsets = [192, 0], sizes = [8, 128], strides = [1, 1]} : vector<200x128xf32> to vector<8x128xf32>
      %add3A_319 = arith.addf %add3A_317, %slice3A_318 : vector<8x128xf32>
      scf.yield %add3A_319 : vector<8x128xf32>
    }
    %scan3A_135 = arith.constant 50 : i32
    %slice3A_136 = vector.extract_strided_slice %scan3A_134 {offsets = [0, 0], sizes = [4, 128], strides = [1, 1]} : vector<8x128xf32> to vector<4x128xf32>
    %slice3A_137 = vector.extract_strided_slice %scan3A_134 {offsets = [4, 0], sizes = [4, 128], strides = [1, 1]} : vector<8x128xf32> to vector<4x128xf32>
    %add3A_138 = arith.addf %slice3A_136, %slice3A_137 : vector<4x128xf32>
    %slice3A_139 = vector.extract_strided_slice %add3A_138 {offsets = [0, 0], sizes = [2, 128], strides = [1, 1]} : vector<4x128xf32> to vector<2x128xf32>
    %slice3A_140 = vector.extract_strided_slice %add3A_138 {offsets = [2, 0], sizes = [2, 128], strides = [1, 1]} : vector<4x128xf32> to vector<2x128xf32>
    %add3A_141 = arith.addf %slice3A_139, %slice3A_140 : vector<2x128xf32>
    %slice3A_142 = vector.extract_strided_slice %add3A_141 {offsets = [0, 0], sizes = [1, 128], strides = [1, 1]} : vector<2x128xf32> to vector<1x128xf32>
    %slice3A_143 = vector.extract_strided_slice %add3A_141 {offsets = [1, 0], sizes = [1, 128], strides = [1, 1]} : vector<2x128xf32> to vector<1x128xf32>
    %add3A_144 = arith.addf %slice3A_142, %slice3A_143 : vector<1x128xf32>
    %mul3A_145 = arith.constant 9.99999974E-5 : f32
    %mul3A_146 = vector.broadcast %mul3A_145 : f32 to vector<1x128xf32>
    %mul3A_147 = arith.mulf %add3A_144, %mul3A_146 : vector<1x128xf32>
    %broadcast_in_dim3A_148 = arith.constant 0.000000e+00 : f32
    %broadcast_in_dim3A_149 = vector.broadcast %broadcast_in_dim3A_148 : f32 to vector<8x128xf32>
    %scan3A_150 = arith.constant 0 : i32
    %scan3A_151 = arith.constant 25 : i32
    %scan3A_152 = arith.addi %scan3A_150, %scan3A_151 : i32
    %scan3A_153 = arith.constant 1 : i32
    %scan3A_154 = scf.for %scan3A_263 = %scan3A_150 to %scan3A_152 step %scan3A_153 iter_args(%scan3A_264 = %broadcast_in_dim3A_149) -> (vector<8x128xf32>)  : i32 {
      %mul3A_265 = arith.constant 200 : i32
      %mul3A_266 = arith.muli %scan3A_263, %mul3A_265 : i32
      %add3A_267 = arith.constant 0 : i32
      %add3A_268 = arith.addi %add3A_267, %mul3A_266 : i32
      %get3A_269 = arith.index_cast %add3A_268 : i32 to index
      %get3A_270 = arith.constant 0 : index
      %get3A_271 = vector.load %arg21[%get3A_269, %get3A_270] : memref<10000x128xf32, #tpu.memory_space<vmem>>, vector<200x128xf32>
      %slice3A_272 = vector.extract_strided_slice %get3A_271 {offsets = [0, 0], sizes = [8, 128], strides = [1, 1]} : vector<200x128xf32> to vector<8x128xf32>
      %sub3A_273 = vector.broadcast %mul3A_147 : vector<1x128xf32> to vector<8x128xf32>
      %sub3A_274 = arith.subf %slice3A_272, %sub3A_273 : vector<8x128xf32>
      %mul3A_275 = arith.mulf %sub3A_274, %sub3A_274 : vector<8x128xf32>
      %add3A_276 = arith.addf %scan3A_264, %mul3A_275 : vector<8x128xf32>
      %slice3A_277 = vector.extract_strided_slice %get3A_271 {offsets = [8, 0], sizes = [8, 128], strides = [1, 1]} : vector<200x128xf32> to vector<8x128xf32>
      %sub3A_278 = vector.broadcast %mul3A_147 : vector<1x128xf32> to vector<8x128xf32>
      %sub3A_279 = arith.subf %slice3A_277, %sub3A_278 : vector<8x128xf32>
      %mul3A_280 = arith.mulf %sub3A_279, %sub3A_279 : vector<8x128xf32>
      %add3A_281 = arith.addf %add3A_276, %mul3A_280 : vector<8x128xf32>
      %slice3A_282 = vector.extract_strided_slice %get3A_271 {offsets = [16, 0], sizes = [8, 128], strides = [1, 1]} : vector<200x128xf32> to vector<8x128xf32>
      %sub3A_283 = vector.broadcast %mul3A_147 : vector<1x128xf32> to vector<8x128xf32>
      %sub3A_284 = arith.subf %slice3A_282, %sub3A_283 : vector<8x128xf32>
      %mul3A_285 = arith.mulf %sub3A_284, %sub3A_284 : vector<8x128xf32>
      %add3A_286 = arith.addf %add3A_281, %mul3A_285 : vector<8x128xf32>
      %slice3A_287 = vector.extract_strided_slice %get3A_271 {offsets = [24, 0], sizes = [8, 128], strides = [1, 1]} : vector<200x128xf32> to vector<8x128xf32>
      %sub3A_288 = vector.broadcast %mul3A_147 : vector<1x128xf32> to vector<8x128xf32>
      %sub3A_289 = arith.subf %slice3A_287, %sub3A_288 : vector<8x128xf32>
      %mul3A_290 = arith.mulf %sub3A_289, %sub3A_289 : vector<8x128xf32>
      %add3A_291 = arith.addf %add3A_286, %mul3A_290 : vector<8x128xf32>
      %slice3A_292 = vector.extract_strided_slice %get3A_271 {offsets = [32, 0], sizes = [8, 128], strides = [1, 1]} : vector<200x128xf32> to vector<8x128xf32>
      %sub3A_293 = vector.broadcast %mul3A_147 : vector<1x128xf32> to vector<8x128xf32>
      %sub3A_294 = arith.subf %slice3A_292, %sub3A_293 : vector<8x128xf32>
      %mul3A_295 = arith.mulf %sub3A_294, %sub3A_294 : vector<8x128xf32>
      %add3A_296 = arith.addf %add3A_291, %mul3A_295 : vector<8x128xf32>
      %slice3A_297 = vector.extract_strided_slice %get3A_271 {offsets = [40, 0], sizes = [8, 128], strides = [1, 1]} : vector<200x128xf32> to vector<8x128xf32>
      %sub3A_298 = vector.broadcast %mul3A_147 : vector<1x128xf32> to vector<8x128xf32>
      %sub3A_299 = arith.subf %slice3A_297, %sub3A_298 : vector<8x128xf32>
      %mul3A_300 = arith.mulf %sub3A_299, %sub3A_299 : vector<8x128xf32>
      %add3A_301 = arith.addf %add3A_296, %mul3A_300 : vector<8x128xf32>
      %slice3A_302 = vector.extract_strided_slice %get3A_271 {offsets = [48, 0], sizes = [8, 128], strides = [1, 1]} : vector<200x128xf32> to vector<8x128xf32>
      %sub3A_303 = vector.broadcast %mul3A_147 : vector<1x128xf32> to vector<8x128xf32>
      %sub3A_304 = arith.subf %slice3A_302, %sub3A_303 : vector<8x128xf32>
      %mul3A_305 = arith.mulf %sub3A_304, %sub3A_304 : vector<8x128xf32>
      %add3A_306 = arith.addf %add3A_301, %mul3A_305 : vector<8x128xf32>
      %slice3A_307 = vector.extract_strided_slice %get3A_271 {offsets = [56, 0], sizes = [8, 128], strides = [1, 1]} : vector<200x128xf32> to vector<8x128xf32>
      %sub3A_308 = vector.broadcast %mul3A_147 : vector<1x128xf32> to vector<8x128xf32>
      %sub3A_309 = arith.subf %slice3A_307, %sub3A_308 : vector<8x128xf32>
      %mul3A_310 = arith.mulf %sub3A_309, %sub3A_309 : vector<8x128xf32>
      %add3A_311 = arith.addf %add3A_306, %mul3A_310 : vector<8x128xf32>
      %slice3A_312 = vector.extract_strided_slice %get3A_271 {offsets = [64, 0], sizes = [8, 128], strides = [1, 1]} : vector<200x128xf32> to vector<8x128xf32>
      %sub3A_313 = vector.broadcast %mul3A_147 : vector<1x128xf32> to vector<8x128xf32>
      %sub3A_314 = arith.subf %slice3A_312, %sub3A_313 : vector<8x128xf32>
      %mul3A_315 = arith.mulf %sub3A_314, %sub3A_314 : vector<8x128xf32>
      %add3A_316 = arith.addf %add3A_311, %mul3A_315 : vector<8x128xf32>
      %slice3A_317 = vector.extract_strided_slice %get3A_271 {offsets = [72, 0], sizes = [8, 128], strides = [1, 1]} : vector<200x128xf32> to vector<8x128xf32>
      %sub3A_318 = vector.broadcast %mul3A_147 : vector<1x128xf32> to vector<8x128xf32>
      %sub3A_319 = arith.subf %slice3A_317, %sub3A_318 : vector<8x128xf32>
      %mul3A_320 = arith.mulf %sub3A_319, %sub3A_319 : vector<8x128xf32>
      %add3A_321 = arith.addf %add3A_316, %mul3A_320 : vector<8x128xf32>
      %slice3A_322 = vector.extract_strided_slice %get3A_271 {offsets = [80, 0], sizes = [8, 128], strides = [1, 1]} : vector<200x128xf32> to vector<8x128xf32>
      %sub3A_323 = vector.broadcast %mul3A_147 : vector<1x128xf32> to vector<8x128xf32>
      %sub3A_324 = arith.subf %slice3A_322, %sub3A_323 : vector<8x128xf32>
      %mul3A_325 = arith.mulf %sub3A_324, %sub3A_324 : vector<8x128xf32>
      %add3A_326 = arith.addf %add3A_321, %mul3A_325 : vector<8x128xf32>
      %slice3A_327 = vector.extract_strided_slice %get3A_271 {offsets = [88, 0], sizes = [8, 128], strides = [1, 1]} : vector<200x128xf32> to vector<8x128xf32>
      %sub3A_328 = vector.broadcast %mul3A_147 : vector<1x128xf32> to vector<8x128xf32>
      %sub3A_329 = arith.subf %slice3A_327, %sub3A_328 : vector<8x128xf32>
      %mul3A_330 = arith.mulf %sub3A_329, %sub3A_329 : vector<8x128xf32>
      %add3A_331 = arith.addf %add3A_326, %mul3A_330 : vector<8x128xf32>
      %slice3A_332 = vector.extract_strided_slice %get3A_271 {offsets = [96, 0], sizes = [8, 128], strides = [1, 1]} : vector<200x128xf32> to vector<8x128xf32>
      %sub3A_333 = vector.broadcast %mul3A_147 : vector<1x128xf32> to vector<8x128xf32>
      %sub3A_334 = arith.subf %slice3A_332, %sub3A_333 : vector<8x128xf32>
      %mul3A_335 = arith.mulf %sub3A_334, %sub3A_334 : vector<8x128xf32>
      %add3A_336 = arith.addf %add3A_331, %mul3A_335 : vector<8x128xf32>
      %slice3A_337 = vector.extract_strided_slice %get3A_271 {offsets = [104, 0], sizes = [8, 128], strides = [1, 1]} : vector<200x128xf32> to vector<8x128xf32>
      %sub3A_338 = vector.broadcast %mul3A_147 : vector<1x128xf32> to vector<8x128xf32>
      %sub3A_339 = arith.subf %slice3A_337, %sub3A_338 : vector<8x128xf32>
      %mul3A_340 = arith.mulf %sub3A_339, %sub3A_339 : vector<8x128xf32>
      %add3A_341 = arith.addf %add3A_336, %mul3A_340 : vector<8x128xf32>
      %slice3A_342 = vector.extract_strided_slice %get3A_271 {offsets = [112, 0], sizes = [8, 128], strides = [1, 1]} : vector<200x128xf32> to vector<8x128xf32>
      %sub3A_343 = vector.broadcast %mul3A_147 : vector<1x128xf32> to vector<8x128xf32>
      %sub3A_344 = arith.subf %slice3A_342, %sub3A_343 : vector<8x128xf32>
      %mul3A_345 = arith.mulf %sub3A_344, %sub3A_344 : vector<8x128xf32>
      %add3A_346 = arith.addf %add3A_341, %mul3A_345 : vector<8x128xf32>
      %slice3A_347 = vector.extract_strided_slice %get3A_271 {offsets = [120, 0], sizes = [8, 128], strides = [1, 1]} : vector<200x128xf32> to vector<8x128xf32>
      %sub3A_348 = vector.broadcast %mul3A_147 : vector<1x128xf32> to vector<8x128xf32>
      %sub3A_349 = arith.subf %slice3A_347, %sub3A_348 : vector<8x128xf32>
      %mul3A_350 = arith.mulf %sub3A_349, %sub3A_349 : vector<8x128xf32>
      %add3A_351 = arith.addf %add3A_346, %mul3A_350 : vector<8x128xf32>
      %slice3A_352 = vector.extract_strided_slice %get3A_271 {offsets = [128, 0], sizes = [8, 128], strides = [1, 1]} : vector<200x128xf32> to vector<8x128xf32>
      %sub3A_353 = vector.broadcast %mul3A_147 : vector<1x128xf32> to vector<8x128xf32>
      %sub3A_354 = arith.subf %slice3A_352, %sub3A_353 : vector<8x128xf32>
      %mul3A_355 = arith.mulf %sub3A_354, %sub3A_354 : vector<8x128xf32>
      %add3A_356 = arith.addf %add3A_351, %mul3A_355 : vector<8x128xf32>
      %slice3A_357 = vector.extract_strided_slice %get3A_271 {offsets = [136, 0], sizes = [8, 128], strides = [1, 1]} : vector<200x128xf32> to vector<8x128xf32>
      %sub3A_358 = vector.broadcast %mul3A_147 : vector<1x128xf32> to vector<8x128xf32>
      %sub3A_359 = arith.subf %slice3A_357, %sub3A_358 : vector<8x128xf32>
      %mul3A_360 = arith.mulf %sub3A_359, %sub3A_359 : vector<8x128xf32>
      %add3A_361 = arith.addf %add3A_356, %mul3A_360 : vector<8x128xf32>
      %slice3A_362 = vector.extract_strided_slice %get3A_271 {offsets = [144, 0], sizes = [8, 128], strides = [1, 1]} : vector<200x128xf32> to vector<8x128xf32>
      %sub3A_363 = vector.broadcast %mul3A_147 : vector<1x128xf32> to vector<8x128xf32>
      %sub3A_364 = arith.subf %slice3A_362, %sub3A_363 : vector<8x128xf32>
      %mul3A_365 = arith.mulf %sub3A_364, %sub3A_364 : vector<8x128xf32>
      %add3A_366 = arith.addf %add3A_361, %mul3A_365 : vector<8x128xf32>
      %slice3A_367 = vector.extract_strided_slice %get3A_271 {offsets = [152, 0], sizes = [8, 128], strides = [1, 1]} : vector<200x128xf32> to vector<8x128xf32>
      %sub3A_368 = vector.broadcast %mul3A_147 : vector<1x128xf32> to vector<8x128xf32>
      %sub3A_369 = arith.subf %slice3A_367, %sub3A_368 : vector<8x128xf32>
      %mul3A_370 = arith.mulf %sub3A_369, %sub3A_369 : vector<8x128xf32>
      %add3A_371 = arith.addf %add3A_366, %mul3A_370 : vector<8x128xf32>
      %slice3A_372 = vector.extract_strided_slice %get3A_271 {offsets = [160, 0], sizes = [8, 128], strides = [1, 1]} : vector<200x128xf32> to vector<8x128xf32>
      %sub3A_373 = vector.broadcast %mul3A_147 : vector<1x128xf32> to vector<8x128xf32>
      %sub3A_374 = arith.subf %slice3A_372, %sub3A_373 : vector<8x128xf32>
      %mul3A_375 = arith.mulf %sub3A_374, %sub3A_374 : vector<8x128xf32>
      %add3A_376 = arith.addf %add3A_371, %mul3A_375 : vector<8x128xf32>
      %slice3A_377 = vector.extract_strided_slice %get3A_271 {offsets = [168, 0], sizes = [8, 128], strides = [1, 1]} : vector<200x128xf32> to vector<8x128xf32>
      %sub3A_378 = vector.broadcast %mul3A_147 : vector<1x128xf32> to vector<8x128xf32>
      %sub3A_379 = arith.subf %slice3A_377, %sub3A_378 : vector<8x128xf32>
      %mul3A_380 = arith.mulf %sub3A_379, %sub3A_379 : vector<8x128xf32>
      %add3A_381 = arith.addf %add3A_376, %mul3A_380 : vector<8x128xf32>
      %slice3A_382 = vector.extract_strided_slice %get3A_271 {offsets = [176, 0], sizes = [8, 128], strides = [1, 1]} : vector<200x128xf32> to vector<8x128xf32>
      %sub3A_383 = vector.broadcast %mul3A_147 : vector<1x128xf32> to vector<8x128xf32>
      %sub3A_384 = arith.subf %slice3A_382, %sub3A_383 : vector<8x128xf32>
      %mul3A_385 = arith.mulf %sub3A_384, %sub3A_384 : vector<8x128xf32>
      %add3A_386 = arith.addf %add3A_381, %mul3A_385 : vector<8x128xf32>
      %slice3A_387 = vector.extract_strided_slice %get3A_271 {offsets = [184, 0], sizes = [8, 128], strides = [1, 1]} : vector<200x128xf32> to vector<8x128xf32>
      %sub3A_388 = vector.broadcast %mul3A_147 : vector<1x128xf32> to vector<8x128xf32>
      %sub3A_389 = arith.subf %slice3A_387, %sub3A_388 : vector<8x128xf32>
      %mul3A_390 = arith.mulf %sub3A_389, %sub3A_389 : vector<8x128xf32>
      %add3A_391 = arith.addf %add3A_386, %mul3A_390 : vector<8x128xf32>
      %slice3A_392 = vector.extract_strided_slice %get3A_271 {offsets = [192, 0], sizes = [8, 128], strides = [1, 1]} : vector<200x128xf32> to vector<8x128xf32>
      %sub3A_393 = vector.broadcast %mul3A_147 : vector<1x128xf32> to vector<8x128xf32>
      %sub3A_394 = arith.subf %slice3A_392, %sub3A_393 : vector<8x128xf32>
      %mul3A_395 = arith.mulf %sub3A_394, %sub3A_394 : vector<8x128xf32>
      %add3A_396 = arith.addf %add3A_391, %mul3A_395 : vector<8x128xf32>
      scf.yield %add3A_396 : vector<8x128xf32>
    }
    %scan3A_155 = arith.constant 25 : i32
    %slice3A_156 = vector.extract_strided_slice %scan3A_154 {offsets = [0, 0], sizes = [4, 128], strides = [1, 1]} : vector<8x128xf32> to vector<4x128xf32>
    %slice3A_157 = vector.extract_strided_slice %scan3A_154 {offsets = [4, 0], sizes = [4, 128], strides = [1, 1]} : vector<8x128xf32> to vector<4x128xf32>
    %add3A_158 = arith.addf %slice3A_156, %slice3A_157 : vector<4x128xf32>
    %slice3A_159 = vector.extract_strided_slice %add3A_158 {offsets = [0, 0], sizes = [2, 128], strides = [1, 1]} : vector<4x128xf32> to vector<2x128xf32>
    %slice3A_160 = vector.extract_strided_slice %add3A_158 {offsets = [2, 0], sizes = [2, 128], strides = [1, 1]} : vector<4x128xf32> to vector<2x128xf32>
    %add3A_161 = arith.addf %slice3A_159, %slice3A_160 : vector<2x128xf32>
    %slice3A_162 = vector.extract_strided_slice %add3A_161 {offsets = [0, 0], sizes = [1, 128], strides = [1, 1]} : vector<2x128xf32> to vector<1x128xf32>
    %slice3A_163 = vector.extract_strided_slice %add3A_161 {offsets = [1, 0], sizes = [1, 128], strides = [1, 1]} : vector<2x128xf32> to vector<1x128xf32>
    %add3A_164 = arith.addf %slice3A_162, %slice3A_163 : vector<1x128xf32>
    %broadcast_in_dim3A_165 = arith.constant 0.000000e+00 : f32
    %broadcast_in_dim3A_166 = vector.broadcast %broadcast_in_dim3A_165 : f32 to vector<8x128xf32>
    %scan3A_167 = arith.constant 0 : i32
    %scan3A_168 = arith.constant 25 : i32
    %scan3A_169 = arith.addi %scan3A_167, %scan3A_168 : i32
    %scan3A_170 = arith.constant 1 : i32
    %scan3A_171 = scf.for %scan3A_263 = %scan3A_167 to %scan3A_169 step %scan3A_170 iter_args(%scan3A_264 = %broadcast_in_dim3A_166) -> (vector<8x128xf32>)  : i32 {
      %mul3A_265 = arith.constant 200 : i32
      %mul3A_266 = arith.muli %scan3A_263, %mul3A_265 : i32
      %add3A_267 = arith.constant 5000 : i32
      %add3A_268 = arith.addi %add3A_267, %mul3A_266 : i32
      %get3A_269 = arith.index_cast %add3A_268 : i32 to index
      %get3A_270 = arith.constant 0 : index
      %get3A_271 = vector.load %arg21[%get3A_269, %get3A_270] : memref<10000x128xf32, #tpu.memory_space<vmem>>, vector<200x128xf32>
      %slice3A_272 = vector.extract_strided_slice %get3A_271 {offsets = [0, 0], sizes = [8, 128], strides = [1, 1]} : vector<200x128xf32> to vector<8x128xf32>
      %sub3A_273 = vector.broadcast %mul3A_147 : vector<1x128xf32> to vector<8x128xf32>
      %sub3A_274 = arith.subf %slice3A_272, %sub3A_273 : vector<8x128xf32>
      %mul3A_275 = arith.mulf %sub3A_274, %sub3A_274 : vector<8x128xf32>
      %add3A_276 = arith.addf %scan3A_264, %mul3A_275 : vector<8x128xf32>
      %slice3A_277 = vector.extract_strided_slice %get3A_271 {offsets = [8, 0], sizes = [8, 128], strides = [1, 1]} : vector<200x128xf32> to vector<8x128xf32>
      %sub3A_278 = vector.broadcast %mul3A_147 : vector<1x128xf32> to vector<8x128xf32>
      %sub3A_279 = arith.subf %slice3A_277, %sub3A_278 : vector<8x128xf32>
      %mul3A_280 = arith.mulf %sub3A_279, %sub3A_279 : vector<8x128xf32>
      %add3A_281 = arith.addf %add3A_276, %mul3A_280 : vector<8x128xf32>
      %slice3A_282 = vector.extract_strided_slice %get3A_271 {offsets = [16, 0], sizes = [8, 128], strides = [1, 1]} : vector<200x128xf32> to vector<8x128xf32>
      %sub3A_283 = vector.broadcast %mul3A_147 : vector<1x128xf32> to vector<8x128xf32>
      %sub3A_284 = arith.subf %slice3A_282, %sub3A_283 : vector<8x128xf32>
      %mul3A_285 = arith.mulf %sub3A_284, %sub3A_284 : vector<8x128xf32>
      %add3A_286 = arith.addf %add3A_281, %mul3A_285 : vector<8x128xf32>
      %slice3A_287 = vector.extract_strided_slice %get3A_271 {offsets = [24, 0], sizes = [8, 128], strides = [1, 1]} : vector<200x128xf32> to vector<8x128xf32>
      %sub3A_288 = vector.broadcast %mul3A_147 : vector<1x128xf32> to vector<8x128xf32>
      %sub3A_289 = arith.subf %slice3A_287, %sub3A_288 : vector<8x128xf32>
      %mul3A_290 = arith.mulf %sub3A_289, %sub3A_289 : vector<8x128xf32>
      %add3A_291 = arith.addf %add3A_286, %mul3A_290 : vector<8x128xf32>
      %slice3A_292 = vector.extract_strided_slice %get3A_271 {offsets = [32, 0], sizes = [8, 128], strides = [1, 1]} : vector<200x128xf32> to vector<8x128xf32>
      %sub3A_293 = vector.broadcast %mul3A_147 : vector<1x128xf32> to vector<8x128xf32>
      %sub3A_294 = arith.subf %slice3A_292, %sub3A_293 : vector<8x128xf32>
      %mul3A_295 = arith.mulf %sub3A_294, %sub3A_294 : vector<8x128xf32>
      %add3A_296 = arith.addf %add3A_291, %mul3A_295 : vector<8x128xf32>
      %slice3A_297 = vector.extract_strided_slice %get3A_271 {offsets = [40, 0], sizes = [8, 128], strides = [1, 1]} : vector<200x128xf32> to vector<8x128xf32>
      %sub3A_298 = vector.broadcast %mul3A_147 : vector<1x128xf32> to vector<8x128xf32>
      %sub3A_299 = arith.subf %slice3A_297, %sub3A_298 : vector<8x128xf32>
      %mul3A_300 = arith.mulf %sub3A_299, %sub3A_299 : vector<8x128xf32>
      %add3A_301 = arith.addf %add3A_296, %mul3A_300 : vector<8x128xf32>
      %slice3A_302 = vector.extract_strided_slice %get3A_271 {offsets = [48, 0], sizes = [8, 128], strides = [1, 1]} : vector<200x128xf32> to vector<8x128xf32>
      %sub3A_303 = vector.broadcast %mul3A_147 : vector<1x128xf32> to vector<8x128xf32>
      %sub3A_304 = arith.subf %slice3A_302, %sub3A_303 : vector<8x128xf32>
      %mul3A_305 = arith.mulf %sub3A_304, %sub3A_304 : vector<8x128xf32>
      %add3A_306 = arith.addf %add3A_301, %mul3A_305 : vector<8x128xf32>
      %slice3A_307 = vector.extract_strided_slice %get3A_271 {offsets = [56, 0], sizes = [8, 128], strides = [1, 1]} : vector<200x128xf32> to vector<8x128xf32>
      %sub3A_308 = vector.broadcast %mul3A_147 : vector<1x128xf32> to vector<8x128xf32>
      %sub3A_309 = arith.subf %slice3A_307, %sub3A_308 : vector<8x128xf32>
      %mul3A_310 = arith.mulf %sub3A_309, %sub3A_309 : vector<8x128xf32>
      %add3A_311 = arith.addf %add3A_306, %mul3A_310 : vector<8x128xf32>
      %slice3A_312 = vector.extract_strided_slice %get3A_271 {offsets = [64, 0], sizes = [8, 128], strides = [1, 1]} : vector<200x128xf32> to vector<8x128xf32>
      %sub3A_313 = vector.broadcast %mul3A_147 : vector<1x128xf32> to vector<8x128xf32>
      %sub3A_314 = arith.subf %slice3A_312, %sub3A_313 : vector<8x128xf32>
      %mul3A_315 = arith.mulf %sub3A_314, %sub3A_314 : vector<8x128xf32>
      %add3A_316 = arith.addf %add3A_311, %mul3A_315 : vector<8x128xf32>
      %slice3A_317 = vector.extract_strided_slice %get3A_271 {offsets = [72, 0], sizes = [8, 128], strides = [1, 1]} : vector<200x128xf32> to vector<8x128xf32>
      %sub3A_318 = vector.broadcast %mul3A_147 : vector<1x128xf32> to vector<8x128xf32>
      %sub3A_319 = arith.subf %slice3A_317, %sub3A_318 : vector<8x128xf32>
      %mul3A_320 = arith.mulf %sub3A_319, %sub3A_319 : vector<8x128xf32>
      %add3A_321 = arith.addf %add3A_316, %mul3A_320 : vector<8x128xf32>
      %slice3A_322 = vector.extract_strided_slice %get3A_271 {offsets = [80, 0], sizes = [8, 128], strides = [1, 1]} : vector<200x128xf32> to vector<8x128xf32>
      %sub3A_323 = vector.broadcast %mul3A_147 : vector<1x128xf32> to vector<8x128xf32>
      %sub3A_324 = arith.subf %slice3A_322, %sub3A_323 : vector<8x128xf32>
      %mul3A_325 = arith.mulf %sub3A_324, %sub3A_324 : vector<8x128xf32>
      %add3A_326 = arith.addf %add3A_321, %mul3A_325 : vector<8x128xf32>
      %slice3A_327 = vector.extract_strided_slice %get3A_271 {offsets = [88, 0], sizes = [8, 128], strides = [1, 1]} : vector<200x128xf32> to vector<8x128xf32>
      %sub3A_328 = vector.broadcast %mul3A_147 : vector<1x128xf32> to vector<8x128xf32>
      %sub3A_329 = arith.subf %slice3A_327, %sub3A_328 : vector<8x128xf32>
      %mul3A_330 = arith.mulf %sub3A_329, %sub3A_329 : vector<8x128xf32>
      %add3A_331 = arith.addf %add3A_326, %mul3A_330 : vector<8x128xf32>
      %slice3A_332 = vector.extract_strided_slice %get3A_271 {offsets = [96, 0], sizes = [8, 128], strides = [1, 1]} : vector<200x128xf32> to vector<8x128xf32>
      %sub3A_333 = vector.broadcast %mul3A_147 : vector<1x128xf32> to vector<8x128xf32>
      %sub3A_334 = arith.subf %slice3A_332, %sub3A_333 : vector<8x128xf32>
      %mul3A_335 = arith.mulf %sub3A_334, %sub3A_334 : vector<8x128xf32>
      %add3A_336 = arith.addf %add3A_331, %mul3A_335 : vector<8x128xf32>
      %slice3A_337 = vector.extract_strided_slice %get3A_271 {offsets = [104, 0], sizes = [8, 128], strides = [1, 1]} : vector<200x128xf32> to vector<8x128xf32>
      %sub3A_338 = vector.broadcast %mul3A_147 : vector<1x128xf32> to vector<8x128xf32>
      %sub3A_339 = arith.subf %slice3A_337, %sub3A_338 : vector<8x128xf32>
      %mul3A_340 = arith.mulf %sub3A_339, %sub3A_339 : vector<8x128xf32>
      %add3A_341 = arith.addf %add3A_336, %mul3A_340 : vector<8x128xf32>
      %slice3A_342 = vector.extract_strided_slice %get3A_271 {offsets = [112, 0], sizes = [8, 128], strides = [1, 1]} : vector<200x128xf32> to vector<8x128xf32>
      %sub3A_343 = vector.broadcast %mul3A_147 : vector<1x128xf32> to vector<8x128xf32>
      %sub3A_344 = arith.subf %slice3A_342, %sub3A_343 : vector<8x128xf32>
      %mul3A_345 = arith.mulf %sub3A_344, %sub3A_344 : vector<8x128xf32>
      %add3A_346 = arith.addf %add3A_341, %mul3A_345 : vector<8x128xf32>
      %slice3A_347 = vector.extract_strided_slice %get3A_271 {offsets = [120, 0], sizes = [8, 128], strides = [1, 1]} : vector<200x128xf32> to vector<8x128xf32>
      %sub3A_348 = vector.broadcast %mul3A_147 : vector<1x128xf32> to vector<8x128xf32>
      %sub3A_349 = arith.subf %slice3A_347, %sub3A_348 : vector<8x128xf32>
      %mul3A_350 = arith.mulf %sub3A_349, %sub3A_349 : vector<8x128xf32>
      %add3A_351 = arith.addf %add3A_346, %mul3A_350 : vector<8x128xf32>
      %slice3A_352 = vector.extract_strided_slice %get3A_271 {offsets = [128, 0], sizes = [8, 128], strides = [1, 1]} : vector<200x128xf32> to vector<8x128xf32>
      %sub3A_353 = vector.broadcast %mul3A_147 : vector<1x128xf32> to vector<8x128xf32>
      %sub3A_354 = arith.subf %slice3A_352, %sub3A_353 : vector<8x128xf32>
      %mul3A_355 = arith.mulf %sub3A_354, %sub3A_354 : vector<8x128xf32>
      %add3A_356 = arith.addf %add3A_351, %mul3A_355 : vector<8x128xf32>
      %slice3A_357 = vector.extract_strided_slice %get3A_271 {offsets = [136, 0], sizes = [8, 128], strides = [1, 1]} : vector<200x128xf32> to vector<8x128xf32>
      %sub3A_358 = vector.broadcast %mul3A_147 : vector<1x128xf32> to vector<8x128xf32>
      %sub3A_359 = arith.subf %slice3A_357, %sub3A_358 : vector<8x128xf32>
      %mul3A_360 = arith.mulf %sub3A_359, %sub3A_359 : vector<8x128xf32>
      %add3A_361 = arith.addf %add3A_356, %mul3A_360 : vector<8x128xf32>
      %slice3A_362 = vector.extract_strided_slice %get3A_271 {offsets = [144, 0], sizes = [8, 128], strides = [1, 1]} : vector<200x128xf32> to vector<8x128xf32>
      %sub3A_363 = vector.broadcast %mul3A_147 : vector<1x128xf32> to vector<8x128xf32>
      %sub3A_364 = arith.subf %slice3A_362, %sub3A_363 : vector<8x128xf32>
      %mul3A_365 = arith.mulf %sub3A_364, %sub3A_364 : vector<8x128xf32>
      %add3A_366 = arith.addf %add3A_361, %mul3A_365 : vector<8x128xf32>
      %slice3A_367 = vector.extract_strided_slice %get3A_271 {offsets = [152, 0], sizes = [8, 128], strides = [1, 1]} : vector<200x128xf32> to vector<8x128xf32>
      %sub3A_368 = vector.broadcast %mul3A_147 : vector<1x128xf32> to vector<8x128xf32>
      %sub3A_369 = arith.subf %slice3A_367, %sub3A_368 : vector<8x128xf32>
      %mul3A_370 = arith.mulf %sub3A_369, %sub3A_369 : vector<8x128xf32>
      %add3A_371 = arith.addf %add3A_366, %mul3A_370 : vector<8x128xf32>
      %slice3A_372 = vector.extract_strided_slice %get3A_271 {offsets = [160, 0], sizes = [8, 128], strides = [1, 1]} : vector<200x128xf32> to vector<8x128xf32>
      %sub3A_373 = vector.broadcast %mul3A_147 : vector<1x128xf32> to vector<8x128xf32>
      %sub3A_374 = arith.subf %slice3A_372, %sub3A_373 : vector<8x128xf32>
      %mul3A_375 = arith.mulf %sub3A_374, %sub3A_374 : vector<8x128xf32>
      %add3A_376 = arith.addf %add3A_371, %mul3A_375 : vector<8x128xf32>
      %slice3A_377 = vector.extract_strided_slice %get3A_271 {offsets = [168, 0], sizes = [8, 128], strides = [1, 1]} : vector<200x128xf32> to vector<8x128xf32>
      %sub3A_378 = vector.broadcast %mul3A_147 : vector<1x128xf32> to vector<8x128xf32>
      %sub3A_379 = arith.subf %slice3A_377, %sub3A_378 : vector<8x128xf32>
      %mul3A_380 = arith.mulf %sub3A_379, %sub3A_379 : vector<8x128xf32>
      %add3A_381 = arith.addf %add3A_376, %mul3A_380 : vector<8x128xf32>
      %slice3A_382 = vector.extract_strided_slice %get3A_271 {offsets = [176, 0], sizes = [8, 128], strides = [1, 1]} : vector<200x128xf32> to vector<8x128xf32>
      %sub3A_383 = vector.broadcast %mul3A_147 : vector<1x128xf32> to vector<8x128xf32>
      %sub3A_384 = arith.subf %slice3A_382, %sub3A_383 : vector<8x128xf32>
      %mul3A_385 = arith.mulf %sub3A_384, %sub3A_384 : vector<8x128xf32>
      %add3A_386 = arith.addf %add3A_381, %mul3A_385 : vector<8x128xf32>
      %slice3A_387 = vector.extract_strided_slice %get3A_271 {offsets = [184, 0], sizes = [8, 128], strides = [1, 1]} : vector<200x128xf32> to vector<8x128xf32>
      %sub3A_388 = vector.broadcast %mul3A_147 : vector<1x128xf32> to vector<8x128xf32>
      %sub3A_389 = arith.subf %slice3A_387, %sub3A_388 : vector<8x128xf32>
      %mul3A_390 = arith.mulf %sub3A_389, %sub3A_389 : vector<8x128xf32>
      %add3A_391 = arith.addf %add3A_386, %mul3A_390 : vector<8x128xf32>
      %slice3A_392 = vector.extract_strided_slice %get3A_271 {offsets = [192, 0], sizes = [8, 128], strides = [1, 1]} : vector<200x128xf32> to vector<8x128xf32>
      %sub3A_393 = vector.broadcast %mul3A_147 : vector<1x128xf32> to vector<8x128xf32>
      %sub3A_394 = arith.subf %slice3A_392, %sub3A_393 : vector<8x128xf32>
      %mul3A_395 = arith.mulf %sub3A_394, %sub3A_394 : vector<8x128xf32>
      %add3A_396 = arith.addf %add3A_391, %mul3A_395 : vector<8x128xf32>
      scf.yield %add3A_396 : vector<8x128xf32>
    }
    %scan3A_172 = arith.constant 25 : i32
    %slice3A_173 = vector.extract_strided_slice %scan3A_171 {offsets = [0, 0], sizes = [4, 128], strides = [1, 1]} : vector<8x128xf32> to vector<4x128xf32>
    %slice3A_174 = vector.extract_strided_slice %scan3A_171 {offsets = [4, 0], sizes = [4, 128], strides = [1, 1]} : vector<8x128xf32> to vector<4x128xf32>
    %add3A_175 = arith.addf %slice3A_173, %slice3A_174 : vector<4x128xf32>
    %slice3A_176 = vector.extract_strided_slice %add3A_175 {offsets = [0, 0], sizes = [2, 128], strides = [1, 1]} : vector<4x128xf32> to vector<2x128xf32>
    %slice3A_177 = vector.extract_strided_slice %add3A_175 {offsets = [2, 0], sizes = [2, 128], strides = [1, 1]} : vector<4x128xf32> to vector<2x128xf32>
    %add3A_178 = arith.addf %slice3A_176, %slice3A_177 : vector<2x128xf32>
    %slice3A_179 = vector.extract_strided_slice %add3A_178 {offsets = [0, 0], sizes = [1, 128], strides = [1, 1]} : vector<2x128xf32> to vector<1x128xf32>
    %slice3A_180 = vector.extract_strided_slice %add3A_178 {offsets = [1, 0], sizes = [1, 128], strides = [1, 1]} : vector<2x128xf32> to vector<1x128xf32>
    %add3A_181 = arith.addf %slice3A_179, %slice3A_180 : vector<1x128xf32>
    %add3A_182 = arith.addf %add3A_164, %add3A_181 : vector<1x128xf32>
    %mul3A_183 = arith.constant 9.99999974E-5 : f32
    %mul3A_184 = vector.broadcast %mul3A_183 : f32 to vector<1x128xf32>
    %mul3A_185 = arith.mulf %add3A_182, %mul3A_184 : vector<1x128xf32>
    %get3A_186 = arith.constant 0 : index
    %get3A_187 = arith.constant 0 : index
    %get3A_188 = vector.load %arg21[%get3A_186, %get3A_187] : memref<10000x128xf32, #tpu.memory_space<vmem>>, vector<10000x128xf32>
    %sub3A_189 = vector.broadcast %mul3A_147 : vector<1x128xf32> to vector<10000x128xf32>
    %sub3A_190 = arith.subf %get3A_188, %sub3A_189 : vector<10000x128xf32>
    %add3A_191 = arith.constant 9.99999974E-6 : f32
    %add3A_192 = vector.broadcast %add3A_191 : f32 to vector<1x128xf32>
    %add3A_193 = arith.addf %mul3A_185, %add3A_192 : vector<1x128xf32>
    %sqrt3A_194 = math.sqrt %add3A_193 : vector<1x128xf32>
    %div3A_195 = vector.broadcast %sqrt3A_194 : vector<1x128xf32> to vector<10000x128xf32>
    %div3A_196 = arith.divf %sub3A_190, %div3A_195 : vector<10000x128xf32>
    %mul3A_197 = vector.broadcast %get3A_36 : vector<1x128xf32> to vector<10000x128xf32>
    %mul3A_198 = arith.mulf %div3A_196, %mul3A_197 : vector<10000x128xf32>
    %add3A_199 = vector.broadcast %get3A_39 : vector<1x128xf32> to vector<10000x128xf32>
    %add3A_200 = arith.addf %mul3A_198, %add3A_199 : vector<10000x128xf32>
    %max3A_201 = arith.constant 0.000000e+00 : f32
    %max3A_202 = vector.broadcast %max3A_201 : f32 to vector<10000x128xf32>
    %max3A_203 = arith.maximumf %add3A_200, %max3A_202 : vector<10000x128xf32>
    %get3A_204 = arith.constant 0 : index
    %get3A_205 = arith.constant 0 : index
    %get3A_206 = vector.load %arg11[%get3A_204, %get3A_205] : memref<10000x1xi32, #tpu.memory_space<vmem>>, vector<10000x1xi32>
    %iota3A = tpu.iota {dimensions = array<i32: 1>} : vector<10000x64xi32>
    %eq3A = vector.broadcast %get3A_206 : vector<10000x1xi32> to vector<10000x64xi32>
    %eq3A_207 = arith.cmpi eq, %eq3A, %iota3A : vector<10000x64xi32>
    %convert_element_type3A_208 = arith.extui %eq3A_207 : vector<10000x64xi1> to vector<10000x64xi32>
    %convert_element_type3A_209 = arith.sitofp %convert_element_type3A_208 : vector<10000x64xi32> to vector<10000x64xf32>
    %dot_general3A_210 = arith.constant dense<0.000000e+00> : vector<64x128xf32>
    %dot_general3A_211 = tpu.matmul %convert_element_type3A_209, %max3A_203, %dot_general3A_210 {dimension_numbers = #tpu.dot_dimension_numbers<[0], [0], [1], [1], [0, 1, 1, 1], [], []>, precision = #tpu.contract_precision<fp32>, transpose_lhs_hint = false} : vector<10000x64xf32>, vector<10000x128xf32>, vector<64x128xf32> -> vector<64x128xf32>
    %get3A_212 = arith.constant 0 : index
    %get3A_213 = arith.constant 0 : index
    %get3A_214 = vector.load %arg12[%get3A_212, %get3A_213] : memref<64x128xf32, #tpu.memory_space<vmem>>, vector<64x128xf32>
    %get3A_215 = arith.constant 0 : index
    %get3A_216 = arith.constant 0 : index
    %get3A_217 = vector.load %arg13[%get3A_215, %get3A_216] : memref<64x128xf32, #tpu.memory_space<vmem>>, vector<64x128xf32>
    %concatenate3A = tpu.concatenate %get3A_214, %get3A_217, %dot_general3A_211 in 1 : vector<64x128xf32>, vector<64x128xf32>, vector<64x128xf32> -> vector<64x384xf32>
    %get3A_218 = arith.constant 0 : index
    %get3A_219 = arith.constant 0 : index
    %get3A_220 = vector.load %arg14[%get3A_218, %get3A_219] : memref<384x128xf32, #tpu.memory_space<vmem>>, vector<384x128xf32>
    %convert_element_type3A_221 = arith.truncf %concatenate3A : vector<64x384xf32> to vector<64x384xbf16>
    %convert_element_type3A_222 = arith.truncf %get3A_220 : vector<384x128xf32> to vector<384x128xbf16>
    %dot_general3A_223 = arith.constant dense<0.000000e+00> : vector<64x128xf32>
    %dot_general3A_224 = tpu.matmul %convert_element_type3A_221, %convert_element_type3A_222, %dot_general3A_223 {dimension_numbers = #tpu.dot_dimension_numbers<[1], [0], [0], [1], [0, 0, 1, 1], [], []>, transpose_lhs_hint = false} : vector<64x384xbf16>, vector<384x128xbf16>, vector<64x128xf32> -> vector<64x128xf32>
    %get3A_225 = arith.constant 0 : index
    %get3A_226 = arith.constant 0 : index
    %get3A_227 = vector.load %arg15[%get3A_225, %get3A_226] : memref<1x128xf32, #tpu.memory_space<vmem>>, vector<1x128xf32>
    %add3A_228 = vector.broadcast %get3A_227 : vector<1x128xf32> to vector<64x128xf32>
    %add3A_229 = arith.addf %dot_general3A_224, %add3A_228 : vector<64x128xf32>
    %max3A_230 = arith.constant 0.000000e+00 : f32
    %max3A_231 = vector.broadcast %max3A_230 : f32 to vector<64x128xf32>
    %max3A_232 = arith.maximumf %add3A_229, %max3A_231 : vector<64x128xf32>
    %get3A_233 = arith.constant 0 : index
    %get3A_234 = arith.constant 0 : index
    %get3A_235 = vector.load %arg16[%get3A_233, %get3A_234] : memref<128x64xf32, #tpu.memory_space<vmem>>, vector<128x64xf32>
    %convert_element_type3A_236 = arith.truncf %max3A_232 : vector<64x128xf32> to vector<64x128xbf16>
    %convert_element_type3A_237 = arith.truncf %get3A_235 : vector<128x64xf32> to vector<128x64xbf16>
    %dot_general3A_238 = arith.constant dense<0.000000e+00> : vector<64x64xf32>
    %dot_general3A_239 = tpu.matmul %convert_element_type3A_236, %convert_element_type3A_237, %dot_general3A_238 {dimension_numbers = #tpu.dot_dimension_numbers<[1], [0], [0], [1], [0, 0, 1, 1], [], []>, transpose_lhs_hint = false} : vector<64x128xbf16>, vector<128x64xbf16>, vector<64x64xf32> -> vector<64x64xf32>
    %get3A_240 = arith.constant 0 : index
    %get3A_241 = arith.constant 0 : index
    %get3A_242 = vector.load %arg17[%get3A_240, %get3A_241] : memref<1x64xf32, #tpu.memory_space<vmem>>, vector<1x64xf32>
    %add3A_243 = vector.broadcast %get3A_242 : vector<1x64xf32> to vector<64x64xf32>
    %add3A_244 = arith.addf %dot_general3A_239, %add3A_243 : vector<64x64xf32>
    %max3A_245 = arith.constant 0.000000e+00 : f32
    %max3A_246 = vector.broadcast %max3A_245 : f32 to vector<64x64xf32>
    %max3A_247 = arith.maximumf %add3A_244, %max3A_246 : vector<64x64xf32>
    %get3A_248 = arith.constant 0 : index
    %get3A_249 = arith.constant 0 : index
    %get3A_250 = vector.load %arg18[%get3A_248, %get3A_249] : memref<64x1xf32, #tpu.memory_space<vmem>>, vector<64x1xf32>
    %convert_element_type3A_251 = arith.truncf %max3A_247 : vector<64x64xf32> to vector<64x64xbf16>
    %convert_element_type3A_252 = arith.truncf %get3A_250 : vector<64x1xf32> to vector<64x1xbf16>
    %dot_general3A_253 = arith.constant dense<0.000000e+00> : vector<64x1xf32>
    %dot_general3A_254 = tpu.matmul %convert_element_type3A_251, %convert_element_type3A_252, %dot_general3A_253 {dimension_numbers = #tpu.dot_dimension_numbers<[1], [0], [0], [1], [0, 0, 1, 1], [], []>, transpose_lhs_hint = false} : vector<64x64xbf16>, vector<64x1xbf16>, vector<64x1xf32> -> vector<64x1xf32>
    %get3A_255 = arith.constant 0 : index
    %get3A_256 = arith.constant 0 : index
    %get3A_257 = vector.load %arg19[%get3A_255, %get3A_256] : memref<1x1xf32, #tpu.memory_space<vmem>>, vector<1x1xf32>
    %add3A_258 = vector.broadcast %get3A_257 : vector<1x1xf32> to vector<64x1xf32>
    %add3A_259 = arith.addf %dot_general3A_254, %add3A_258 : vector<64x1xf32>
    %swap3A_260 = arith.constant 0 : index
    %swap3A_261 = arith.constant 0 : index
    %swap3A_262 = vector.load %arg20[%swap3A_260, %swap3A_261] : memref<64x1xf32, #tpu.memory_space<vmem>>, vector<64x1xf32>
    tpu.vector_store %arg20[%swap3A_260, %swap3A_261], %add3A_259 {strides = array<i32>} : memref<64x1xf32, #tpu.memory_space<vmem>>, vector<64x1xf32>,
    return
  }
}

</mosaic_0001>

<sc_bundles>
// kernel: kernel.11.cloned.1.call-start
scs
__scs_entry_jumppad:
0x0: {  	(pc) =	sbr.rel $0x88, $3  }
0x1: {  	(tag) =	ssettag $0x0;
	lr =	simm.s32 $0x1  }
0x2: {  	[smem:$0x3F7D] =	sst lr;
	_ =	strace $0xD0000000  }
0x3: {  	_ = 	snop  }
0x4: {  	_ = 	snop  }
0x5: {  	_ = 	snop  }
0x6: {  	_ = 	snop  }
0x7: {  	_ = 	snop  }
__scs_overlays_trampoline_lowered:
0x8: {  	[smem:$0x3F8C] =	sst s0  }
0x9: {  	[smem:$0x3F8D] =	sst s1  }
0xa: {  	[smem:$0x3F8E] =	sst s2  }
0xb: {  	[smem:$0x3F8F] =	sst s3  }
0xc: {  	[smem:$0x3F90] =	sst s4  }
0xd: {  	[smem:$0x3F91] =	sst s5  }
0xe: {  	[smem:$0x3F92] =	sst s6  }
0xf: {  	[smem:$0x3F93] =	sst s7  }
0x10: {  	[smem:$0x3F94] =	sst s8  }
0x11: {  	[smem:$0x3F95] =	sst s9;
	s0 =	simm.s32 @!p0 $0x0  }
0x12: {  	s1 =	sld [smem:$0x3F7B];
	s0 =	simm.s32 @p0 $0x1  }
0x13: {  	[smem:$0x3F96] =	sst s0;
	s0 =	simm.s32 @!p1 $0x0  }
0x14: {  	s2 =	sld [smem:$0x3F7A];
	s0 =	simm.s32 @p1 $0x1  }
0x15: {  	[smem:$0x3F97] =	sst s0;
	s0 =	simm.s32 @!p2 $0x0  }
0x16: {  	s3 =	sld [smem:$0x3FDB];
	s0 =	simm.s32 @p2 $0x1  }
0x17: {  	s4 =	simm.s32 $0x1BF5;
	[smem:$0x3F99] =	sst s0  }
0x18: {  	s0 =	sld [smem:$0x3F7C];
	_ =	swait.ge [sflag:s4], $0x0  }
0x19: {  	s7 =	sld [smem:$0x3F7D]  }
0x1a: {  	s8 =	sadd.s32 $0xFFFFE003, lr  }
0x1b: {  	s9 =	sadd.s32 $0xFFFFFEF7, lr;
	s5 =	simm.s32 $0xFFFFFFFF;
	p2 =	slt.u32 s8, $0xFFFFF086  }
0x1c: {  	p1 =	slt.u32 s9, $0xF7A;
	s5 =	simm.s32 @!p2 $0x0  }
0x1d: {  	s5 =	simm.s32 @p1 $0x1;
	p0 =	seq.s32 s7, s2  }
0x1e: {  	s7 =	smul.u32 @!p0 $0xF7A, s2;
	p2 =	seq.s32 @!p0 s5, $0x0  }
0x1f: {  	s9 =	smul.u32 $0xF7A, s1;
	s8 =	simm.s32 @!p0 $0x1BF5;
	p2 =	por !p2, p0  }
0x20: {  	[sflag:s8] =	ssyncset.s32 @!p0 $0xFFFFF086;
	s6 =	sadd.s32 @!p0 s3, s7;
	s7 =	simm.s32 @!p0 $0x108  }
0x21: {  	s3 =	sadd.s32 s3, s9;
	s6 =	sadd.s32 @!p0 $0x88, s6;
	s7 =	simm.s32 @p2 $0x1082  }
0x22: {  	[simem:s7], [sflag:s8] =	dma.local @!p0 [hbm:s6], $0xF7A  }
0x23: {  	s9 =	sor.u32 $0xD0000000, s2;
	s6 =	simm.s32 $0x108;
	_ =	swait.ge @!p0 [sflag:s8], $0x0  }
0x24: {  	s3 =	sadd.s32 $0x88, s3;
	s6 =	simm.s32 @!p1 $0x1082;
	[sflag:s4] =	ssyncset.s32 $0xFFFFF086  }
0x25: {  	[simem:s6], [sflag:s4] =	dma.local [hbm:s3], $0xF7A  }
0x26: {  	[smem:$0x3F7D] =	sst s1;
	(tag) =	ssettag s2;
	_ =	strace s9  }
0x27: {  	s1 =	sld [smem:$0x3F8D]  }
0x28: {  	s2 =	sld [smem:$0x3F8E]  }
0x29: {  	s4 =	sld [smem:$0x3F90]  }
0x2a: {  	p0 =	seq.s32 s5, $0x0;
	s5 =	sld [smem:$0x3F91]  }
0x2b: {  	s6 =	sld [smem:$0x3F92]  }
0x2c: {  	s7 =	sld [smem:$0x3F93]  }
0x2d: {  	s3 =	simm.s32 $0x108;
	s8 =	sld [smem:$0x3F94]  }
0x2e: {  	s3 =	simm.s32 @!p0 $0x1082;
	s9 =	sld [smem:$0x3F95]  }
0x2f: {  	lr =	sadd.s32 s0, s3;
	s0 =	sld [smem:$0x3F8C]  }
0x30: {  	s3 =	sld [smem:$0x3F8F]  }
0x31: {  	[smem:$0x3F98] =	sst s10  }
0x32: {  	s10 =	sld [smem:$0x3F96];
	_ =	sdelay $0x3  }
0x33: {  	p0 =	seq.s32 s10, $0x1;
	s10 =	sld [smem:$0x3F98];
	_ =	sdelay $0x3  }
0x34: {  	[smem:$0x3F98] =	sst s10  }
0x35: {  	s10 =	sld [smem:$0x3F97];
	_ =	sdelay $0x3  }
0x36: {  	p1 =	seq.s32 s10, $0x1;
	s10 =	sld [smem:$0x3F98];
	_ =	sdelay $0x3  }
0x37: {  	[smem:$0x3F98] =	sst s10  }
0x38: {  	s10 =	sld [smem:$0x3F99]  }
0x39: {  	_ = 	snop;
	(pc) =	sbr.ind lr, $3  }
0x3a: {  	_ = 	snop  }
0x3b: {  	_ = 	snop  }
0x3c: {  	p2 =	seq.s32 s10, $0x1;
	s10 =	sld [smem:$0x3F98]  }
0x3d: {  	_ =	shalt  }
0x3e: {  	_ =	shalt  }
0x3f: {  	_ =	shalt  }
0x40: {  	_ =	shalt  }
0x41: {  	_ =	shalt  }
0x42: {  	_ =	shalt  }
0x43: {  	_ =	shalt  }
0x44: {  	_ =	shalt  }
0x45: {  	_ =	shalt  }
0x46: {  	_ =	shalt  }
0x47: {  	_ =	shalt  }
0x48: {  	_ =	shalt  }
0x49: {  	_ =	shalt  }
0x4a: {  	_ =	shalt  }
0x4b: {  	_ =	shalt  }
0x4c: {  	_ =	shalt  }
0x4d: {  	_ =	shalt  }
0x4e: {  	_ =	shalt  }
0x4f: {  	_ =	shalt  }
0x50: {  	_ =	shalt  }
0x51: {  	_ =	shalt  }
0x52: {  	_ =	shalt  }
0x53: {  	_ =	shalt  }
0x54: {  	_ =	shalt  }
0x55: {  	_ =	shalt  }
0x56: {  	_ =	shalt  }
0x57: {  	_ =	shalt  }
0x58: {  	_ =	shalt  }
0x59: {  	_ =	shalt  }
0x5a: {  	_ =	shalt  }
0x5b: {  	_ =	shalt  }
0x5c: {  	_ =	shalt  }
0x5d: {  	_ =	shalt  }
0x5e: {  	_ =	shalt  }
0x5f: {  	_ =	shalt  }
0x60: {  	_ =	shalt  }
0x61: {  	_ =	shalt  }
0x62: {  	_ =	shalt  }
0x63: {  	_ =	shalt  }
0x64: {  	_ =	shalt  }
0x65: {  	_ =	shalt  }
0x66: {  	_ =	shalt  }
0x67: {  	_ =	shalt  }
0x68: {  	_ =	shalt  }
0x69: {  	_ =	shalt  }
0x6a: {  	_ =	shalt  }
0x6b: {  	_ =	shalt  }
0x6c: {  	_ =	shalt  }
0x6d: {  	_ =	shalt  }
0x6e: {  	_ =	shalt  }
0x6f: {  	_ =	shalt  }
0x70: {  	_ =	shalt  }
0x71: {  	_ =	shalt  }
0x72: {  	_ =	shalt  }
0x73: {  	_ =	shalt  }
0x74: {  	_ =	shalt  }
0x75: {  	_ =	shalt  }
0x76: {  	_ =	shalt  }
0x77: {  	_ =	shalt  }
0x78: {  	_ =	shalt  }
0x79: {  	_ =	shalt  }
0x7a: {  	_ =	shalt  }
0x7b: {  	_ =	shalt  }
0x7c: {  	_ =	shalt  }
0x7d: {  	_ =	shalt  }
0x7e: {  	_ =	shalt  }
0x7f: {  	_ =	shalt  }
0x80: {  	_ =	shalt  }
0x81: {  	_ =	shalt  }
0x82: {  	_ =	shalt  }
0x83: {  	_ =	shalt  }
0x84: {  	_ =	shalt  }
0x85: {  	_ =	shalt  }
0x86: {  	_ =	shalt  }
0x87: {  	_ =	shalt  }
.Lfunc_end0:
.L_simem_size_0:
called_computation.1_lowered:
.L_overlay_start_0:
0x88: {  	s2 =	sld [smem:$0x3FD9]  }
0x89: {  	s3 =	sld [smem:$0x3FFE];
	_ =	sdelay $0x1  }
0x8a: {  	s1 =	srdreg.scid  }
0x8b: {  	s0 =	sand.u32 $0x1, s1  }
0x8c: {  	s16 =	sshll.u32 s0, $0xA;
	s2 =	sadd.s32 s3, s2  }
0x8d: {  	s2 =	sadd.s32 s2, s16  }
0x8e: {  	[smem:$0x3FA4] =	sst s2  }
0x8f: {  	_ = 	snop  }
0x90: {  	(tm) =	ssettm $0x1  }
0x91: {  	s17 =	sld [smem:$0x3FFB];
	_ =	sdelay $0x3  }
0x92: {  	_ =	strace s17  }
0x93: {  	s2 =	sld [smem:$0x3FFC];
	_ =	sdelay $0x3  }
0x94: {  	_ =	strace s2  }
0x95: {  	s2 =	sld [smem:$0x3FFD];
	_ =	sdelay $0x3  }
0x96: {  	_ =	strace s2  }
0x97: {  	_ =	strace $0x8FFFFFFF  }
0x98: {  	s18 =	sld [smem:$0x3FDB];
	_ =	sdelay $0x1  }
0x99: {  	s19 =	simm.s32 $_scs_section_size  }
0x9a: {  	s4 =	simm.s32 $_size__tile_overlayer_lowered;
	s5 =	simm.s32 $_tile_overlayer_lowered  }
0x9b: {  	s22 =	simm.s32 $0x1BFF;
	s21 =	sshll.u32 s5, $0x1;
	s2 =	sadd.s32 s19, s18  }
0x9c: {  	s6 =	simm.s32 $0x0;
	s20 =	sshll.u32 s4, $0x1;
	s4 =	sadd.s32 s21, s2  }
0x9d: {  	[timem:s6], [sflag:s22] =	dma.local [hbm:s4], s20  }
0x9e: {  	_ =	swait.ge [sflag:s22], s20  }
0x9f: {  	s3 =	ssub.s32 $0x0, s20;
	[sflag:s22] =	ssyncset.done $0x0  }
0xa0: {  	[sflag:s22] =	ssyncadd.s32 s3;
	_ =	sdelay $0x1  }
0xa1: {  	s23 =	simm.s32 $0x1B8B  }
0xa2: {  	_ =	swait.ge [sflag:s23], $0x1  }
0xa3: {  	[sflag:s23] =	ssyncset.done $0x0  }
0xa4: {  	s25 =	simm.s32 $0x1B8E;
	s24 =	sld [smem:$0x3FFE];
	[sflag:s23] =	ssyncadd.s32 $0xFFFFFFFF  }
0xa5: {  	s26 =	simm.s32 $execute0_lowered;
	[smem:$0x3FD2] =	sst s25  }
0xa6: {  	s4 =	sshll.u32 s26, $0x1;
	_ =	strace $0x80000049;
	[dreg:$0x1] =	wrdreg $0xFFFFFFFF  }
0xa7: {  	s28 =	simm.s32 $_size_execute0_lowered;
	s2 =	sadd.s32 s2, s4;
	[dreg:$0x0] =	wrdreg $0x0  }
0xa8: {  	s4 =	sshll.u32 s28, $0x1;
	[dreg:$0x2] =	wrdreg s2  }
0xa9: {  	[dreg:$0x3] =	wrdreg s4  }
0xaa: {  	[dreg:$0x4] =	wrdreg $0xC0  }
0xab: {  	_ =	task [dreg:s6], $0x5FFFF  }
0xac: {  	[dreg:$0x1] =	wrdreg $0xFFFFFFFF  }
0xad: {  	[dreg:$0x0] =	wrdreg $0x60  }
0xae: {  	[dreg:$0x2] =	wrdreg s24  }
0xaf: {  	[dreg:$0x3] =	wrdreg $0x90000  }
0xb0: {  	[dreg:$0x4] =	wrdreg $0x9  }
0xb1: {  	_ =	task.clear_ibuf [dreg:s6], $0x5FFFF;
	_ =	strace $0x90000049  }
0xb2: {  	s29 =	simm.s32 $0x9;
	_ =	strace $0x8000004B  }
0xb3: {  	_ =	swait.ge [sflag:s29], $0x1  }
0xb4: {  	[sflag:s29] =	ssyncadd.s32 $0xFFFFFFFF  }
0xb5: {  	_ =	strace $0x9000004B  }
0xb6: {  	_ =	sfence  }
0xb7: {  	s30 =	sld [smem:$0x0];
	_ =	sdelay $0x2  }
0xb8: {  	s31 =	sshll.u32 s1, $0xD;
	s1 =	sshrl.u32 s1, $0x2  }
0xb9: {  	s3 =	sand.u32 $0x4000, s31;
	s1 =	sadd.s32 s1, s30  }
0xba: {  	s0 =	sor.u32 s3, s0;
	s1 =	sshll.u32 s1, $0x11  }
0xbb: {  	s0 =	sor.u32 s1, s0  }
0xbc: {  	s0 =	sadd.s32 $0x8F2B, s0  }
0xbd: {  	[sflag:s0] =	ssyncadd.remote.s32 $0x1  }
0xbe: {  	_ =	sfence.sel $0xFFFF  }
0xbf: {  	[dreg:$0x0] =	wrdreg $0xFFFFFFFF;
	(pc) =	sbr.abs _section_cstart, $3  }
0xc0: {  	[dreg:$0x1] =	wrdreg $0xFFFFFFFF  }
0xc1: {  	_ =	task.clear_ibuf [dreg:s6], $0x2FFFF;
	_ =	strace $0x9FFFFFFF  }
0xc2: {  	(tm) =	ssettm $0x7FFFFFFF  }
0xc3: {  	_ =	shalt  }
tec
execute0_lowered:
.L_overlay_start_1:
0x0: {  	(tag) =	ssettag $0x1  }
0x1: {  	s0 =	srdreg.scid;
	s5 =	rddreg [dreg:$0x0]  }
0x2: {  	s2 =	rddreg [dreg:$0x1];
	s3 =	simm.s32 $0x0;
	s18 =	simm.s32 $0x2  }
0x3: {  	s19 =	simm.s32 $0x2800;
	s20 =	simm.s32 $0x7D;
	s21 =	simm.s32 $0x1  }
0x4: {  	s7 =	sand.u32 $0x1, s0;
	s0 =	stileid.u32;
	[smem:$0x7FF] =	sst s3  }
0x5: {  	s14 =	sadd.s32 $0x40E00, s5;
	s11 =	sadd.s32 $0x138000, s2;
	s8 =	smul.u32 $0x4E000, s0  }
0x6: {  	s1 =	sshll.u32 s7, $0x4;
	s31 =	ssub.s32 $0x2, s7;
	s15 =	smul.u32 $0x138800, s7  }
0x7: {  	s17 =	smul.u32 $0x13800, s0;
	p0 =	sne.s32 s0, $0xF;
	s4 =	sor.u32 s0, s1  }
0x8: {  	s1 =	rddreg [dreg:$0x2];
	_ =	strace $0x8000004A;
	s9 =	sshrl.u32 s31, $0x1  }
0x9: {  	s6 =	smul.u32 $0x500, s4;
	s4 =	sadd.s32 $0x19C00, s5;
	s8 =	sshrl.u32 s8, $0x2  }
0xa: {  	s16 =	ssub.s32 s31, s9;
	s17 =	sadd.s32 s17, s15;
	s15 =	sshrl.u32 s15, $0x3  }
0xb: {  	s17 =	sshrl.u32 s17, $0x3;
	s15 =	sadd.s32 s14, s15;
	s16 =	smax.u32 s16, $0x1  }
0xc: {  	s13 =	sadd.s32 s6, s5;
	s5 =	sadd.s32 s8, s2;
	s14 =	sadd.s32 s14, s17  }
0xd: {  	s15 =	sadd.s32 $0x27000, s15;
	s17 =	simm.s32 $0x5000;
	s6 =	sadd.s32 $0x3400, s5  }
0xe: {  	s7 =	sadd.s32 $0x6800, s5;
	s8 =	sadd.s32 $0x9C00, s5;
	s9 =	sadd.s32 $0xD000, s5  }
0xf: {  	v0 =	vimm.f32 $0.0e+00;
	s10 =	sadd.s32 $0x10400, s5;
	s12 =	sadd.s32 $0x5C00, s13;
	s13 =	sadd.s32 $0xFC00, s13  }
.LBB2_1:
0x10: {  	s22 =	simm.s32 $0x0;
	s23 =	simm.s32 $0x200  }
.LBB2_2:
0x11: {  	p1 =	sne.s32 s23, $0xCE00;
	[tilespmem:s22+$0x5070] =	vst v0  }
0x12: {  	[tilespmem:s22+$0x5000] =	vst v0  }
0x13: {  	[tilespmem:s22+$0x5010] =	vst v0  }
.Ltmp0:
0x14: {  	[tilespmem:s22+$0x5020] =	vst v0;
	(pc) =	sbr.rel @p1 .LBB2_2-.Ltmp0, $4  }
0x15: {  	[tilespmem:s22+$0x5030] =	vst v0  }
0x16: {  	[tilespmem:s22+$0x5040] =	vst v0  }
0x17: {  	[tilespmem:s22+$0x5050] =	vst v0  }
0x18: {  	[tilespmem:s22+$0x5060] =	vst v0;
	s22 =	sshra.s32 s23, $0x2;
	s23 =	sadd.s32 $0x200, s23  }
0x19: {  	[tilespmem:s22+$0x5070] =	vst v0  }
0x1a: {  	[tilespmem:s22+$0x5000] =	vst v0  }
0x1b: {  	[tilespmem:s22+$0x5010] =	vst v0  }
0x1c: {  	[tilespmem:s22+$0x5020] =	vst v0  }
0x1d: {  	[tilespmem:s22+$0x5030] =	vst v0  }
0x1e: {  	[tilespmem:s22+$0x5040] =	vst v0  }
0x1f: {  	[tilespmem:s22+$0x5050] =	vst v0  }
0x20: {  	[tilespmem:s22+$0x5060] =	vst v0  }
0x21: {  	[spmem:s5] =	stream.linear.scatter [tilespmem:s17], [sflag:$0x2], $0x3400, $0x38;
	[tilespmem:$0x1C880] =	vst v63  }
0x22: {  	_ =	swait.ge [sflag:s18], $0x3400  }
0x23: {  	[sflag:s18] =	ssyncset.done $0x0  }
0x24: {  	[sflag:s18] =	ssyncadd.s32 $0xFFFFCC00  }
0x25: {  	[spmem:s6] =	stream.linear.scatter [tilespmem:s17], [sflag:$0x2], $0x3400, $0x38;
	[tilespmem:$0x1C880] =	vst v63  }
0x26: {  	_ =	swait.ge [sflag:s18], $0x3400  }
0x27: {  	[sflag:s18] =	ssyncset.done $0x0  }
0x28: {  	[sflag:s18] =	ssyncadd.s32 $0xFFFFCC00  }
0x29: {  	[spmem:s7] =	stream.linear.scatter [tilespmem:s17], [sflag:$0x2], $0x3400, $0x38;
	[tilespmem:$0x1C880] =	vst v63  }
0x2a: {  	_ =	swait.ge [sflag:s18], $0x3400  }
0x2b: {  	[sflag:s18] =	ssyncset.done $0x0  }
0x2c: {  	[sflag:s18] =	ssyncadd.s32 $0xFFFFCC00  }
0x2d: {  	[spmem:s8] =	stream.linear.scatter [tilespmem:s17], [sflag:$0x2], $0x3400, $0x38;
	[tilespmem:$0x1C880] =	vst v63  }
0x2e: {  	_ =	swait.ge [sflag:s18], $0x3400  }
0x2f: {  	[sflag:s18] =	ssyncset.done $0x0  }
0x30: {  	[sflag:s18] =	ssyncadd.s32 $0xFFFFCC00  }
0x31: {  	[spmem:s9] =	stream.linear.scatter [tilespmem:s17], [sflag:$0x2], $0x3400, $0x38;
	[tilespmem:$0x1C880] =	vst v63  }
0x32: {  	_ =	swait.ge [sflag:s18], $0x3400  }
0x33: {  	[sflag:s18] =	ssyncset.done $0x0  }
0x34: {  	[sflag:s18] =	ssyncadd.s32 $0xFFFFCC00  }
0x35: {  	[spmem:s10] =	stream.linear.scatter [tilespmem:s17], [sflag:$0x2], $0x3400, $0x38;
	[tilespmem:$0x1C880] =	vst v63  }
0x36: {  	_ =	swait.ge [sflag:s18], $0x3400  }
0x37: {  	[sflag:s18] =	ssyncset.done $0x0  }
0x38: {  	s22 =	simm.s32 @!p0 $0x5000;
	[sflag:s18] =	ssyncadd.s32 $0xFFFFCC00  }
0x39: {  	[spmem:s11] =	stream.linear.scatter @!p0 [tilespmem:s22], [sflag:$0x2], $0x800, $0x38;
	[tilespmem:$0x1C880] =	vst v63  }
0x3a: {  	s22 =	simm.s32 @!p0 $0x2  }
0x3b: {  	_ =	swait.ge @!p0 [sflag:s22], $0x800  }
0x3c: {  	[sflag:s22] =	ssyncset.done @!p0 $0x0  }
0x3d: {  	s29 =	simm.s32 $0x0;
	[sflag:s22] =	ssyncadd.s32 @!p0 $0xFFFFF800  }
0x3e: {  	[tilespmem:s29], [sflag:$0x2] =	stream.linear.gather [hbm4b:s12+s29], $0x2800, $0x38;
	[tilespmem:$0x1C880] =	vst v63  }
0x3f: {  	_ =	swait.ge [sflag:s18], $0x2800  }
0x40: {  	[sflag:s18] =	ssyncset.done $0x0  }
0x41: {  	[sflag:s18] =	ssyncadd.s32 $0xFFFFD800  }
0x42: {  	[tilespmem:s19], [sflag:$0x2] =	stream.linear.gather [hbm4b:s13+s29], $0x2800, $0x38;
	[tilespmem:$0x1C880] =	vst v63  }
0x43: {  	_ =	swait.ge [sflag:s18], $0x2800  }
0x44: {  	[sflag:s18] =	ssyncset.done $0x0  }
0x45: {  	[sflag:s18] =	ssyncadd.s32 $0xFFFFD800  }
0x46: {  	s30 =	simm.s32 $0x0;
	[bflag:$0x0] =	sbarrier.arrive $0xFFFF  }
0x47: {  	[tilespmem:s17], [sflag:$0x1] =	stream.indirect.gather [hbm4b:s4+s20], $0x80, s30, s20, $0xb8;
	[tilespmem:$0x1C880] =	vst v63  }
0x48: {  	_ =	swait.ge [sflag:s21], $0x3E80  }
0x49: {  	[sflag:s21] =	ssyncset.done $0x0  }
0x4a: {  	s31 =	simm.s32 $0x2800;
	[sflag:s21] =	ssyncadd.s32 $0xFFFFC180  }
0x4b: {  	[spmem:s2] =	stream.indirect.scatter.add.f32 [tilespmem:s17], [sflag:$0x2], $0x80, s31, s20, $0xb8;
	[tilespmem:$0x1C880] =	vst v63  }
0x4c: {  	_ =	swait.ge [sflag:s18], $0x3E80  }
0x4d: {  	s23 =	simm.s32 $0x400;
	s22 =	simm.s32 $0x200;
	[sflag:s18] =	ssyncset.done $0x0  }
.LBB2_4:
0x4e: {  	s24 =	sshra.s32 s22, $0x2  }
0x4f: {  	[sflag:s18] =	ssyncadd.s32 $0xFFFFC180;
	s22 =	smov.u32 s23;
	s25 =	sadd.s32 $0x200, s23  }
0x50: {  	[tilespmem:s17], [sflag:$0x1] =	stream.indirect.gather [hbm4b:s4+s20], $0x80, s24, s20, $0xb8;
	[tilespmem:$0x1C880] =	vst v63  }
0x51: {  	p1 =	sne.s32 s23, $0x9E00;
	_ =	swait.ge [sflag:s21], $0x3E80  }
.Ltmp1:
0x52: {  	[sflag:s21] =	ssyncset.done $0x0;
	(pc) =	sbr.rel @p1 .LBB2_4-.Ltmp1, $4  }
0x53: {  	s23 =	sadd.s32 $0x2800, s24;
	[sflag:s21] =	ssyncadd.s32 $0xFFFFC180  }
0x54: {  	[spmem:s2] =	stream.indirect.scatter.add.f32 [tilespmem:s17], [sflag:$0x2], $0x80, s23, s20, $0xb8;
	[tilespmem:$0x1C880] =	vst v63  }
0x55: {  	_ =	swait.ge [sflag:s18], $0x3E80  }
0x56: {  	s23 =	smov.u32 s25;
	[sflag:s18] =	ssyncset.done $0x0  }
0x57: {  	s22 =	sshra.s32 s22, $0x2;
	[sflag:s18] =	ssyncadd.s32 $0xFFFFC180  }
0x58: {  	[tilespmem:s17], [sflag:$0x1] =	stream.indirect.gather [hbm4b:s4+s20], $0x80, s22, s20, $0xb8;
	[tilespmem:$0x1C880] =	vst v63  }
0x59: {  	_ =	swait.ge [sflag:s21], $0x3E80  }
0x5a: {  	[sflag:s21] =	ssyncset.done $0x0  }
0x5b: {  	s22 =	sadd.s32 $0x2800, s22;
	[sflag:s21] =	ssyncadd.s32 $0xFFFFC180  }
0x5c: {  	[spmem:s2] =	stream.indirect.scatter.add.f32 [tilespmem:s17], [sflag:$0x2], $0x80, s22, s20, $0xb8;
	[tilespmem:$0x1C880] =	vst v63  }
0x5d: {  	_ =	swait.ge [sflag:s18], $0x3E80  }
0x5e: {  	[sflag:s18] =	ssyncset.done $0x0  }
0x5f: {  	s31 =	sshll.u32 s0, $0x6;
	[sflag:s18] =	ssyncadd.s32 $0xFFFFC180  }
0x60: {  	s23 =	sshrl.u32 s5, $0x3;
	s22 =	sor.u32 $0x1C02, s31;
	[bflag:$0x0] =	sbarrier.arrive $0xFFFF  }
0x61: {  	[hbm:s14], [sflag:s22] =	dma.local [spmem:s23], $0x2700  }
0x62: {  	_ =	swait.ge [sflag:s18], $0x2700  }
0x63: {  	s3 =	sadd.s32 $0x1, s3;
	[sflag:s18] =	ssyncset.done $0x0  }
0x64: {  	p1 =	sne.s32 s3, s16;
	s23 =	sshrl.u32 @!p0 s11, $0x3;
	[sflag:s18] =	ssyncadd.s32 $0xFFFFD900  }
0x65: {  	[hbm:s15], [sflag:s22] =	dma.local @!p0 [spmem:s23], $0x100  }
.Ltmp2:
0x66: {  	_ = 	snop;
	(pc) =	sbr.rel @p1 .LBB2_1-.Ltmp2, $4  }
0x67: {  	s22 =	simm.s32 @!p0 $0x2  }
0x68: {  	_ =	swait.ge @!p0 [sflag:s22], $0x100  }
0x69: {  	[sflag:s22] =	ssyncset.done @!p0 $0x0  }
0x6a: {  	[sflag:s22] =	ssyncadd.s32 @!p0 $0xFFFFFF00  }
0x6b: {  	_ =	sfence.sel $0x180000  }
0x6c: {  	[bflag:$0x0] =	sbarrier.arrive $0xFFFF  }
0x6d: {  	p0 =	sne.s32 s0, $0x0;
	_ =	strace $0x9000004A  }
0x6e: {  	s0 =	sadd.s32 @!p0 $0x100000, s1;
	[bflag:$0x2] =	sbarrier.arrive $0xFFFF  }
0x6f: {  	[sflag:s0] =	ssyncadd.tile.s32 @!p0 $0x1;
	_ =	shalt  }
.Lfunc_end2:
_tile_overlayer_lowered:
.L_overlay_start_2:
0x70: {  	(tag) =	ssettag $0x2  }
0x71: {  	s0 =	rddreg [dreg:$0x0];
	s2 =	stileid.u32  }
0x72: {  	s1 =	rddreg [dreg:$0x1];
	p0 =	sne.s32 s2, $0x0  }
0x73: {  	s3 =	rddreg [dreg:$0x2];
	[bflag:$0x3] =	sbarrier.arrive $0xFFFF;
	s2 =	simm.s32 @!p0 $0x1C02  }
0x74: {  	[timem:s3], [sflag:s2] =	dma.local @!p0 [hbm:s0], s1  }
0x75: {  	s0 =	simm.s32 @!p0 $0x2  }
0x76: {  	_ =	swait.ge @!p0 [sflag:s0], s1  }
0x77: {  	s1 =	ssub.s32 @!p0 $0x0, s1;
	[sflag:s0] =	ssyncset.done @!p0 $0x0  }
0x78: {  	[sflag:s0] =	ssyncadd.s32 @!p0 s1  }
0x79: {  	[bflag:$0x3] =	sbarrier.arrive $0xFFFF  }
0x7a: {  	_ =	shalt  }

// kernel: kernel.14.cloned.1.call-start
scs
__scs_entry_jumppad:
0x0: {  	(pc) =	sbr.rel $0x88, $3  }
0x1: {  	(tag) =	ssettag $0x0;
	lr =	simm.s32 $0x1  }
0x2: {  	[smem:$0x3F7D] =	sst lr;
	_ =	strace $0xD0000000  }
0x3: {  	_ = 	snop  }
0x4: {  	_ = 	snop  }
0x5: {  	_ = 	snop  }
0x6: {  	_ = 	snop  }
0x7: {  	_ = 	snop  }
__scs_overlays_trampoline_lowered:
0x8: {  	[smem:$0x3F8C] =	sst s0  }
0x9: {  	[smem:$0x3F8D] =	sst s1  }
0xa: {  	[smem:$0x3F8E] =	sst s2  }
0xb: {  	[smem:$0x3F8F] =	sst s3  }
0xc: {  	[smem:$0x3F90] =	sst s4  }
0xd: {  	[smem:$0x3F91] =	sst s5  }
0xe: {  	[smem:$0x3F92] =	sst s6  }
0xf: {  	[smem:$0x3F93] =	sst s7  }
0x10: {  	[smem:$0x3F94] =	sst s8  }
0x11: {  	[smem:$0x3F95] =	sst s9;
	s0 =	simm.s32 @!p0 $0x0  }
0x12: {  	s1 =	sld [smem:$0x3F7B];
	s0 =	simm.s32 @p0 $0x1  }
0x13: {  	[smem:$0x3F96] =	sst s0;
	s0 =	simm.s32 @!p1 $0x0  }
0x14: {  	s2 =	sld [smem:$0x3F7A];
	s0 =	simm.s32 @p1 $0x1  }
0x15: {  	[smem:$0x3F97] =	sst s0;
	s0 =	simm.s32 @!p2 $0x0  }
0x16: {  	s3 =	sld [smem:$0x3FDB];
	s0 =	simm.s32 @p2 $0x1  }
0x17: {  	s4 =	simm.s32 $0x1BF5;
	[smem:$0x3F99] =	sst s0  }
0x18: {  	s0 =	sld [smem:$0x3F7C];
	_ =	swait.ge [sflag:s4], $0x0  }
0x19: {  	s7 =	sld [smem:$0x3F7D]  }
0x1a: {  	s8 =	sadd.s32 $0xFFFFE003, lr  }
0x1b: {  	s9 =	sadd.s32 $0xFFFFFEF7, lr;
	s5 =	simm.s32 $0xFFFFFFFF;
	p2 =	slt.u32 s8, $0xFFFFF086  }
0x1c: {  	p1 =	slt.u32 s9, $0xF7A;
	s5 =	simm.s32 @!p2 $0x0  }
0x1d: {  	s5 =	simm.s32 @p1 $0x1;
	p0 =	seq.s32 s7, s2  }
0x1e: {  	s7 =	smul.u32 @!p0 $0xF7A, s2;
	p2 =	seq.s32 @!p0 s5, $0x0  }
0x1f: {  	s9 =	smul.u32 $0xF7A, s1;
	s8 =	simm.s32 @!p0 $0x1BF5;
	p2 =	por !p2, p0  }
0x20: {  	[sflag:s8] =	ssyncset.s32 @!p0 $0xFFFFF086;
	s6 =	sadd.s32 @!p0 s3, s7;
	s7 =	simm.s32 @!p0 $0x108  }
0x21: {  	s3 =	sadd.s32 s3, s9;
	s6 =	sadd.s32 @!p0 $0x88, s6;
	s7 =	simm.s32 @p2 $0x1082  }
0x22: {  	[simem:s7], [sflag:s8] =	dma.local @!p0 [hbm:s6], $0xF7A  }
0x23: {  	s9 =	sor.u32 $0xD0000000, s2;
	s6 =	simm.s32 $0x108;
	_ =	swait.ge @!p0 [sflag:s8], $0x0  }
0x24: {  	s3 =	sadd.s32 $0x88, s3;
	s6 =	simm.s32 @!p1 $0x1082;
	[sflag:s4] =	ssyncset.s32 $0xFFFFF086  }
0x25: {  	[simem:s6], [sflag:s4] =	dma.local [hbm:s3], $0xF7A  }
0x26: {  	[smem:$0x3F7D] =	sst s1;
	(tag) =	ssettag s2;
	_ =	strace s9  }
0x27: {  	s1 =	sld [smem:$0x3F8D]  }
0x28: {  	s2 =	sld [smem:$0x3F8E]  }
0x29: {  	s4 =	sld [smem:$0x3F90]  }
0x2a: {  	p0 =	seq.s32 s5, $0x0;
	s5 =	sld [smem:$0x3F91]  }
0x2b: {  	s6 =	sld [smem:$0x3F92]  }
0x2c: {  	s7 =	sld [smem:$0x3F93]  }
0x2d: {  	s3 =	simm.s32 $0x108;
	s8 =	sld [smem:$0x3F94]  }
0x2e: {  	s3 =	simm.s32 @!p0 $0x1082;
	s9 =	sld [smem:$0x3F95]  }
0x2f: {  	lr =	sadd.s32 s0, s3;
	s0 =	sld [smem:$0x3F8C]  }
0x30: {  	s3 =	sld [smem:$0x3F8F]  }
0x31: {  	[smem:$0x3F98] =	sst s10  }
0x32: {  	s10 =	sld [smem:$0x3F96];
	_ =	sdelay $0x3  }
0x33: {  	p0 =	seq.s32 s10, $0x1;
	s10 =	sld [smem:$0x3F98];
	_ =	sdelay $0x3  }
0x34: {  	[smem:$0x3F98] =	sst s10  }
0x35: {  	s10 =	sld [smem:$0x3F97];
	_ =	sdelay $0x3  }
0x36: {  	p1 =	seq.s32 s10, $0x1;
	s10 =	sld [smem:$0x3F98];
	_ =	sdelay $0x3  }
0x37: {  	[smem:$0x3F98] =	sst s10  }
0x38: {  	s10 =	sld [smem:$0x3F99]  }
0x39: {  	_ = 	snop;
	(pc) =	sbr.ind lr, $3  }
0x3a: {  	_ = 	snop  }
0x3b: {  	_ = 	snop  }
0x3c: {  	p2 =	seq.s32 s10, $0x1;
	s10 =	sld [smem:$0x3F98]  }
0x3d: {  	_ =	shalt  }
0x3e: {  	_ =	shalt  }
0x3f: {  	_ =	shalt  }
0x40: {  	_ =	shalt  }
0x41: {  	_ =	shalt  }
0x42: {  	_ =	shalt  }
0x43: {  	_ =	shalt  }
0x44: {  	_ =	shalt  }
0x45: {  	_ =	shalt  }
0x46: {  	_ =	shalt  }
0x47: {  	_ =	shalt  }
0x48: {  	_ =	shalt  }
0x49: {  	_ =	shalt  }
0x4a: {  	_ =	shalt  }
0x4b: {  	_ =	shalt  }
0x4c: {  	_ =	shalt  }
0x4d: {  	_ =	shalt  }
0x4e: {  	_ =	shalt  }
0x4f: {  	_ =	shalt  }
0x50: {  	_ =	shalt  }
0x51: {  	_ =	shalt  }
0x52: {  	_ =	shalt  }
0x53: {  	_ =	shalt  }
0x54: {  	_ =	shalt  }
0x55: {  	_ =	shalt  }
0x56: {  	_ =	shalt  }
0x57: {  	_ =	shalt  }
0x58: {  	_ =	shalt  }
0x59: {  	_ =	shalt  }
0x5a: {  	_ =	shalt  }
0x5b: {  	_ =	shalt  }
0x5c: {  	_ =	shalt  }
0x5d: {  	_ =	shalt  }
0x5e: {  	_ =	shalt  }
0x5f: {  	_ =	shalt  }
0x60: {  	_ =	shalt  }
0x61: {  	_ =	shalt  }
0x62: {  	_ =	shalt  }
0x63: {  	_ =	shalt  }
0x64: {  	_ =	shalt  }
0x65: {  	_ =	shalt  }
0x66: {  	_ =	shalt  }
0x67: {  	_ =	shalt  }
0x68: {  	_ =	shalt  }
0x69: {  	_ =	shalt  }
0x6a: {  	_ =	shalt  }
0x6b: {  	_ =	shalt  }
0x6c: {  	_ =	shalt  }
0x6d: {  	_ =	shalt  }
0x6e: {  	_ =	shalt  }
0x6f: {  	_ =	shalt  }
0x70: {  	_ =	shalt  }
0x71: {  	_ =	shalt  }
0x72: {  	_ =	shalt  }
0x73: {  	_ =	shalt  }
0x74: {  	_ =	shalt  }
0x75: {  	_ =	shalt  }
0x76: {  	_ =	shalt  }
0x77: {  	_ =	shalt  }
0x78: {  	_ =	shalt  }
0x79: {  	_ =	shalt  }
0x7a: {  	_ =	shalt  }
0x7b: {  	_ =	shalt  }
0x7c: {  	_ =	shalt  }
0x7d: {  	_ =	shalt  }
0x7e: {  	_ =	shalt  }
0x7f: {  	_ =	shalt  }
0x80: {  	_ =	shalt  }
0x81: {  	_ =	shalt  }
0x82: {  	_ =	shalt  }
0x83: {  	_ =	shalt  }
0x84: {  	_ =	shalt  }
0x85: {  	_ =	shalt  }
0x86: {  	_ =	shalt  }
0x87: {  	_ =	shalt  }
.Lfunc_end0:
.L_simem_size_0:
called_computation.2_lowered:
.L_overlay_start_0:
0x88: {  	s2 =	sld [smem:$0x3FD9]  }
0x89: {  	s3 =	sld [smem:$0x3FFE];
	_ =	sdelay $0x1  }
0x8a: {  	s1 =	srdreg.scid  }
0x8b: {  	s0 =	sand.u32 $0x1, s1  }
0x8c: {  	s16 =	sshll.u32 s0, $0xA;
	s2 =	sadd.s32 s3, s2  }
0x8d: {  	s2 =	sadd.s32 s2, s16  }
0x8e: {  	[smem:$0x3FA4] =	sst s2  }
0x8f: {  	_ = 	snop  }
0x90: {  	(tm) =	ssettm $0x1  }
0x91: {  	s17 =	sld [smem:$0x3FFB];
	_ =	sdelay $0x3  }
0x92: {  	_ =	strace s17  }
0x93: {  	s2 =	sld [smem:$0x3FFC];
	_ =	sdelay $0x3  }
0x94: {  	_ =	strace s2  }
0x95: {  	s2 =	sld [smem:$0x3FFD];
	_ =	sdelay $0x3  }
0x96: {  	_ =	strace s2  }
0x97: {  	_ =	strace $0x8FFFFFFF  }
0x98: {  	s18 =	sld [smem:$0x3FDB];
	_ =	sdelay $0x1  }
0x99: {  	s19 =	simm.s32 $_scs_section_size  }
0x9a: {  	s4 =	simm.s32 $_size__tile_overlayer_lowered;
	s5 =	simm.s32 $_tile_overlayer_lowered  }
0x9b: {  	s22 =	simm.s32 $0x1BFF;
	s21 =	sshll.u32 s5, $0x1;
	s2 =	sadd.s32 s19, s18  }
0x9c: {  	s6 =	simm.s32 $0x0;
	s20 =	sshll.u32 s4, $0x1;
	s4 =	sadd.s32 s21, s2  }
0x9d: {  	[timem:s6], [sflag:s22] =	dma.local [hbm:s4], s20  }
0x9e: {  	_ =	swait.ge [sflag:s22], s20  }
0x9f: {  	s3 =	ssub.s32 $0x0, s20;
	[sflag:s22] =	ssyncset.done $0x0  }
0xa0: {  	[sflag:s22] =	ssyncadd.s32 s3;
	_ =	sdelay $0x1  }
0xa1: {  	s23 =	simm.s32 $0x1B8B  }
0xa2: {  	_ =	swait.ge [sflag:s23], $0x1  }
0xa3: {  	[sflag:s23] =	ssyncset.done $0x0  }
0xa4: {  	s25 =	simm.s32 $0x1B8E;
	s24 =	sld [smem:$0x3FFE];
	[sflag:s23] =	ssyncadd.s32 $0xFFFFFFFF  }
0xa5: {  	s26 =	simm.s32 $execute0_lowered;
	[smem:$0x3FD2] =	sst s25  }
0xa6: {  	s4 =	sshll.u32 s26, $0x1;
	_ =	strace $0x8000004C;
	[dreg:$0x1] =	wrdreg $0xFFFFFFFF  }
0xa7: {  	s28 =	simm.s32 $_size_execute0_lowered;
	s2 =	sadd.s32 s2, s4;
	[dreg:$0x0] =	wrdreg $0x0  }
0xa8: {  	s4 =	sshll.u32 s28, $0x1;
	[dreg:$0x2] =	wrdreg s2  }
0xa9: {  	[dreg:$0x3] =	wrdreg s4  }
0xaa: {  	[dreg:$0x4] =	wrdreg $0xC0  }
0xab: {  	_ =	task [dreg:s6], $0x5FFFF  }
0xac: {  	[dreg:$0x1] =	wrdreg $0xFFFFFFFF  }
0xad: {  	[dreg:$0x0] =	wrdreg $0x60  }
0xae: {  	[dreg:$0x2] =	wrdreg s24  }
0xaf: {  	[dreg:$0x3] =	wrdreg $0x90000  }
0xb0: {  	[dreg:$0x4] =	wrdreg $0x9  }
0xb1: {  	_ =	task.clear_ibuf [dreg:s6], $0x5FFFF;
	_ =	strace $0x9000004C  }
0xb2: {  	s29 =	simm.s32 $0x9;
	_ =	strace $0x8000004E  }
0xb3: {  	_ =	swait.ge [sflag:s29], $0x1  }
0xb4: {  	[sflag:s29] =	ssyncadd.s32 $0xFFFFFFFF  }
0xb5: {  	_ =	strace $0x9000004E  }
0xb6: {  	_ =	sfence  }
0xb7: {  	s30 =	sld [smem:$0x0];
	_ =	sdelay $0x2  }
0xb8: {  	s31 =	sshll.u32 s1, $0xD;
	s1 =	sshrl.u32 s1, $0x2  }
0xb9: {  	s3 =	sand.u32 $0x4000, s31;
	s1 =	sadd.s32 s1, s30  }
0xba: {  	s0 =	sor.u32 s3, s0;
	s1 =	sshll.u32 s1, $0x11  }
0xbb: {  	s0 =	sor.u32 s1, s0  }
0xbc: {  	s0 =	sadd.s32 $0x8F2B, s0  }
0xbd: {  	[sflag:s0] =	ssyncadd.remote.s32 $0x1  }
0xbe: {  	_ =	sfence.sel $0xFFFF  }
0xbf: {  	[dreg:$0x0] =	wrdreg $0xFFFFFFFF;
	(pc) =	sbr.abs _section_cstart, $3  }
0xc0: {  	[dreg:$0x1] =	wrdreg $0xFFFFFFFF  }
0xc1: {  	_ =	task.clear_ibuf [dreg:s6], $0x2FFFF;
	_ =	strace $0x9FFFFFFF  }
0xc2: {  	(tm) =	ssettm $0x7FFFFFFF  }
0xc3: {  	_ =	shalt  }
tec
execute0_lowered:
.L_overlay_start_1:
0x0: {  	(tag) =	ssettag $0x1  }
0x1: {  	s0 =	srdreg.scid;
	s5 =	rddreg [dreg:$0x0]  }
0x2: {  	s2 =	rddreg [dreg:$0x1];
	s3 =	simm.s32 $0x0;
	s18 =	simm.s32 $0x2  }
0x3: {  	s19 =	simm.s32 $0x2800;
	s20 =	simm.s32 $0x7D;
	s21 =	simm.s32 $0x1  }
0x4: {  	s7 =	sand.u32 $0x1, s0;
	s0 =	stileid.u32;
	[smem:$0x7FF] =	sst s3  }
0x5: {  	s14 =	sadd.s32 $0x40E00, s5;
	s11 =	sadd.s32 $0x138000, s2;
	s8 =	smul.u32 $0x4E000, s0  }
0x6: {  	s1 =	sshll.u32 s7, $0x4;
	s31 =	ssub.s32 $0x2, s7;
	s15 =	smul.u32 $0x138800, s7  }
0x7: {  	s17 =	smul.u32 $0x13800, s0;
	p0 =	sne.s32 s0, $0xF;
	s4 =	sor.u32 s0, s1  }
0x8: {  	s1 =	rddreg [dreg:$0x2];
	_ =	strace $0x8000004D;
	s9 =	sshrl.u32 s31, $0x1  }
0x9: {  	s6 =	smul.u32 $0x500, s4;
	s4 =	sadd.s32 $0x19C00, s5;
	s8 =	sshrl.u32 s8, $0x2  }
0xa: {  	s16 =	ssub.s32 s31, s9;
	s17 =	sadd.s32 s17, s15;
	s15 =	sshrl.u32 s15, $0x3  }
0xb: {  	s17 =	sshrl.u32 s17, $0x3;
	s15 =	sadd.s32 s14, s15;
	s16 =	smax.u32 s16, $0x1  }
0xc: {  	s13 =	sadd.s32 s6, s5;
	s5 =	sadd.s32 s8, s2;
	s14 =	sadd.s32 s14, s17  }
0xd: {  	s15 =	sadd.s32 $0x27000, s15;
	s17 =	simm.s32 $0x5000;
	s6 =	sadd.s32 $0x3400, s5  }
0xe: {  	s7 =	sadd.s32 $0x6800, s5;
	s8 =	sadd.s32 $0x9C00, s5;
	s9 =	sadd.s32 $0xD000, s5  }
0xf: {  	v0 =	vimm.f32 $0.0e+00;
	s10 =	sadd.s32 $0x10400, s5;
	s12 =	sadd.s32 $0x5C00, s13;
	s13 =	sadd.s32 $0xFC00, s13  }
.LBB2_1:
0x10: {  	s22 =	simm.s32 $0x0;
	s23 =	simm.s32 $0x200  }
.LBB2_2:
0x11: {  	p1 =	sne.s32 s23, $0xCE00;
	[tilespmem:s22+$0x5070] =	vst v0  }
0x12: {  	[tilespmem:s22+$0x5000] =	vst v0  }
0x13: {  	[tilespmem:s22+$0x5010] =	vst v0  }
.Ltmp0:
0x14: {  	[tilespmem:s22+$0x5020] =	vst v0;
	(pc) =	sbr.rel @p1 .LBB2_2-.Ltmp0, $4  }
0x15: {  	[tilespmem:s22+$0x5030] =	vst v0  }
0x16: {  	[tilespmem:s22+$0x5040] =	vst v0  }
0x17: {  	[tilespmem:s22+$0x5050] =	vst v0  }
0x18: {  	[tilespmem:s22+$0x5060] =	vst v0;
	s22 =	sshra.s32 s23, $0x2;
	s23 =	sadd.s32 $0x200, s23  }
0x19: {  	[tilespmem:s22+$0x5070] =	vst v0  }
0x1a: {  	[tilespmem:s22+$0x5000] =	vst v0  }
0x1b: {  	[tilespmem:s22+$0x5010] =	vst v0  }
0x1c: {  	[tilespmem:s22+$0x5020] =	vst v0  }
0x1d: {  	[tilespmem:s22+$0x5030] =	vst v0  }
0x1e: {  	[tilespmem:s22+$0x5040] =	vst v0  }
0x1f: {  	[tilespmem:s22+$0x5050] =	vst v0  }
0x20: {  	[tilespmem:s22+$0x5060] =	vst v0  }
0x21: {  	[spmem:s5] =	stream.linear.scatter [tilespmem:s17], [sflag:$0x2], $0x3400, $0x38;
	[tilespmem:$0x1C880] =	vst v63  }
0x22: {  	_ =	swait.ge [sflag:s18], $0x3400  }
0x23: {  	[sflag:s18] =	ssyncset.done $0x0  }
0x24: {  	[sflag:s18] =	ssyncadd.s32 $0xFFFFCC00  }
0x25: {  	[spmem:s6] =	stream.linear.scatter [tilespmem:s17], [sflag:$0x2], $0x3400, $0x38;
	[tilespmem:$0x1C880] =	vst v63  }
0x26: {  	_ =	swait.ge [sflag:s18], $0x3400  }
0x27: {  	[sflag:s18] =	ssyncset.done $0x0  }
0x28: {  	[sflag:s18] =	ssyncadd.s32 $0xFFFFCC00  }
0x29: {  	[spmem:s7] =	stream.linear.scatter [tilespmem:s17], [sflag:$0x2], $0x3400, $0x38;
	[tilespmem:$0x1C880] =	vst v63  }
0x2a: {  	_ =	swait.ge [sflag:s18], $0x3400  }
0x2b: {  	[sflag:s18] =	ssyncset.done $0x0  }
0x2c: {  	[sflag:s18] =	ssyncadd.s32 $0xFFFFCC00  }
0x2d: {  	[spmem:s8] =	stream.linear.scatter [tilespmem:s17], [sflag:$0x2], $0x3400, $0x38;
	[tilespmem:$0x1C880] =	vst v63  }
0x2e: {  	_ =	swait.ge [sflag:s18], $0x3400  }
0x2f: {  	[sflag:s18] =	ssyncset.done $0x0  }
0x30: {  	[sflag:s18] =	ssyncadd.s32 $0xFFFFCC00  }
0x31: {  	[spmem:s9] =	stream.linear.scatter [tilespmem:s17], [sflag:$0x2], $0x3400, $0x38;
	[tilespmem:$0x1C880] =	vst v63  }
0x32: {  	_ =	swait.ge [sflag:s18], $0x3400  }
0x33: {  	[sflag:s18] =	ssyncset.done $0x0  }
0x34: {  	[sflag:s18] =	ssyncadd.s32 $0xFFFFCC00  }
0x35: {  	[spmem:s10] =	stream.linear.scatter [tilespmem:s17], [sflag:$0x2], $0x3400, $0x38;
	[tilespmem:$0x1C880] =	vst v63  }
0x36: {  	_ =	swait.ge [sflag:s18], $0x3400  }
0x37: {  	[sflag:s18] =	ssyncset.done $0x0  }
0x38: {  	s22 =	simm.s32 @!p0 $0x5000;
	[sflag:s18] =	ssyncadd.s32 $0xFFFFCC00  }
0x39: {  	[spmem:s11] =	stream.linear.scatter @!p0 [tilespmem:s22], [sflag:$0x2], $0x800, $0x38;
	[tilespmem:$0x1C880] =	vst v63  }
0x3a: {  	s22 =	simm.s32 @!p0 $0x2  }
0x3b: {  	_ =	swait.ge @!p0 [sflag:s22], $0x800  }
0x3c: {  	[sflag:s22] =	ssyncset.done @!p0 $0x0  }
0x3d: {  	s29 =	simm.s32 $0x0;
	[sflag:s22] =	ssyncadd.s32 @!p0 $0xFFFFF800  }
0x3e: {  	[tilespmem:s29], [sflag:$0x2] =	stream.linear.gather [hbm4b:s12+s29], $0x2800, $0x38;
	[tilespmem:$0x1C880] =	vst v63  }
0x3f: {  	_ =	swait.ge [sflag:s18], $0x2800  }
0x40: {  	[sflag:s18] =	ssyncset.done $0x0  }
0x41: {  	[sflag:s18] =	ssyncadd.s32 $0xFFFFD800  }
0x42: {  	[tilespmem:s19], [sflag:$0x2] =	stream.linear.gather [hbm4b:s13+s29], $0x2800, $0x38;
	[tilespmem:$0x1C880] =	vst v63  }
0x43: {  	_ =	swait.ge [sflag:s18], $0x2800  }
0x44: {  	[sflag:s18] =	ssyncset.done $0x0  }
0x45: {  	[sflag:s18] =	ssyncadd.s32 $0xFFFFD800  }
0x46: {  	s30 =	simm.s32 $0x0;
	[bflag:$0x0] =	sbarrier.arrive $0xFFFF  }
0x47: {  	[tilespmem:s17], [sflag:$0x1] =	stream.indirect.gather [hbm4b:s4+s20], $0x80, s30, s20, $0xb8;
	[tilespmem:$0x1C880] =	vst v63  }
0x48: {  	_ =	swait.ge [sflag:s21], $0x3E80  }
0x49: {  	[sflag:s21] =	ssyncset.done $0x0  }
0x4a: {  	s31 =	simm.s32 $0x2800;
	[sflag:s21] =	ssyncadd.s32 $0xFFFFC180  }
0x4b: {  	[spmem:s2] =	stream.indirect.scatter.add.f32 [tilespmem:s17], [sflag:$0x2], $0x80, s31, s20, $0xb8;
	[tilespmem:$0x1C880] =	vst v63  }
0x4c: {  	_ =	swait.ge [sflag:s18], $0x3E80  }
0x4d: {  	s23 =	simm.s32 $0x400;
	s22 =	simm.s32 $0x200;
	[sflag:s18] =	ssyncset.done $0x0  }
.LBB2_4:
0x4e: {  	s24 =	sshra.s32 s22, $0x2  }
0x4f: {  	[sflag:s18] =	ssyncadd.s32 $0xFFFFC180;
	s22 =	smov.u32 s23;
	s25 =	sadd.s32 $0x200, s23  }
0x50: {  	[tilespmem:s17], [sflag:$0x1] =	stream.indirect.gather [hbm4b:s4+s20], $0x80, s24, s20, $0xb8;
	[tilespmem:$0x1C880] =	vst v63  }
0x51: {  	p1 =	sne.s32 s23, $0x9E00;
	_ =	swait.ge [sflag:s21], $0x3E80  }
.Ltmp1:
0x52: {  	[sflag:s21] =	ssyncset.done $0x0;
	(pc) =	sbr.rel @p1 .LBB2_4-.Ltmp1, $4  }
0x53: {  	s23 =	sadd.s32 $0x2800, s24;
	[sflag:s21] =	ssyncadd.s32 $0xFFFFC180  }
0x54: {  	[spmem:s2] =	stream.indirect.scatter.add.f32 [tilespmem:s17], [sflag:$0x2], $0x80, s23, s20, $0xb8;
	[tilespmem:$0x1C880] =	vst v63  }
0x55: {  	_ =	swait.ge [sflag:s18], $0x3E80  }
0x56: {  	s23 =	smov.u32 s25;
	[sflag:s18] =	ssyncset.done $0x0  }
0x57: {  	s22 =	sshra.s32 s22, $0x2;
	[sflag:s18] =	ssyncadd.s32 $0xFFFFC180  }
0x58: {  	[tilespmem:s17], [sflag:$0x1] =	stream.indirect.gather [hbm4b:s4+s20], $0x80, s22, s20, $0xb8;
	[tilespmem:$0x1C880] =	vst v63  }
0x59: {  	_ =	swait.ge [sflag:s21], $0x3E80  }
0x5a: {  	[sflag:s21] =	ssyncset.done $0x0  }
0x5b: {  	s22 =	sadd.s32 $0x2800, s22;
	[sflag:s21] =	ssyncadd.s32 $0xFFFFC180  }
0x5c: {  	[spmem:s2] =	stream.indirect.scatter.add.f32 [tilespmem:s17], [sflag:$0x2], $0x80, s22, s20, $0xb8;
	[tilespmem:$0x1C880] =	vst v63  }
0x5d: {  	_ =	swait.ge [sflag:s18], $0x3E80  }
0x5e: {  	[sflag:s18] =	ssyncset.done $0x0  }
0x5f: {  	s31 =	sshll.u32 s0, $0x6;
	[sflag:s18] =	ssyncadd.s32 $0xFFFFC180  }
0x60: {  	s23 =	sshrl.u32 s5, $0x3;
	s22 =	sor.u32 $0x1C02, s31;
	[bflag:$0x0] =	sbarrier.arrive $0xFFFF  }
0x61: {  	[hbm:s14], [sflag:s22] =	dma.local [spmem:s23], $0x2700  }
0x62: {  	_ =	swait.ge [sflag:s18], $0x2700  }
0x63: {  	s3 =	sadd.s32 $0x1, s3;
	[sflag:s18] =	ssyncset.done $0x0  }
0x64: {  	p1 =	sne.s32 s3, s16;
	s23 =	sshrl.u32 @!p0 s11, $0x3;
	[sflag:s18] =	ssyncadd.s32 $0xFFFFD900  }
0x65: {  	[hbm:s15], [sflag:s22] =	dma.local @!p0 [spmem:s23], $0x100  }
.Ltmp2:
0x66: {  	_ = 	snop;
	(pc) =	sbr.rel @p1 .LBB2_1-.Ltmp2, $4  }
0x67: {  	s22 =	simm.s32 @!p0 $0x2  }
0x68: {  	_ =	swait.ge @!p0 [sflag:s22], $0x100  }
0x69: {  	[sflag:s22] =	ssyncset.done @!p0 $0x0  }
0x6a: {  	[sflag:s22] =	ssyncadd.s32 @!p0 $0xFFFFFF00  }
0x6b: {  	_ =	sfence.sel $0x180000  }
0x6c: {  	[bflag:$0x0] =	sbarrier.arrive $0xFFFF  }
0x6d: {  	p0 =	sne.s32 s0, $0x0;
	_ =	strace $0x9000004D  }
0x6e: {  	s0 =	sadd.s32 @!p0 $0x100000, s1;
	[bflag:$0x2] =	sbarrier.arrive $0xFFFF  }
0x6f: {  	[sflag:s0] =	ssyncadd.tile.s32 @!p0 $0x1;
	_ =	shalt  }
.Lfunc_end2:
_tile_overlayer_lowered:
.L_overlay_start_2:
0x70: {  	(tag) =	ssettag $0x2  }
0x71: {  	s0 =	rddreg [dreg:$0x0];
	s2 =	stileid.u32  }
0x72: {  	s1 =	rddreg [dreg:$0x1];
	p0 =	sne.s32 s2, $0x0  }
0x73: {  	s3 =	rddreg [dreg:$0x2];
	[bflag:$0x3] =	sbarrier.arrive $0xFFFF;
	s2 =	simm.s32 @!p0 $0x1C02  }
0x74: {  	[timem:s3], [sflag:s2] =	dma.local @!p0 [hbm:s0], s1  }
0x75: {  	s0 =	simm.s32 @!p0 $0x2  }
0x76: {  	_ =	swait.ge @!p0 [sflag:s0], s1  }
0x77: {  	s1 =	ssub.s32 @!p0 $0x0, s1;
	[sflag:s0] =	ssyncset.done @!p0 $0x0  }
0x78: {  	[sflag:s0] =	ssyncadd.s32 @!p0 s1  }
0x79: {  	[bflag:$0x3] =	sbarrier.arrive $0xFFFF  }
0x7a: {  	_ =	shalt  }

// kernel: kernel.8.cloned.1.call-start
scs
__scs_entry_jumppad:
0x0: {  	(pc) =	sbr.rel $0x88, $3  }
0x1: {  	(tag) =	ssettag $0x0;
	lr =	simm.s32 $0x1  }
0x2: {  	[smem:$0x3F7D] =	sst lr;
	_ =	strace $0xD0000000  }
0x3: {  	_ = 	snop  }
0x4: {  	_ = 	snop  }
0x5: {  	_ = 	snop  }
0x6: {  	_ = 	snop  }
0x7: {  	_ = 	snop  }
__scs_overlays_trampoline_lowered:
0x8: {  	[smem:$0x3F8C] =	sst s0  }
0x9: {  	[smem:$0x3F8D] =	sst s1  }
0xa: {  	[smem:$0x3F8E] =	sst s2  }
0xb: {  	[smem:$0x3F8F] =	sst s3  }
0xc: {  	[smem:$0x3F90] =	sst s4  }
0xd: {  	[smem:$0x3F91] =	sst s5  }
0xe: {  	[smem:$0x3F92] =	sst s6  }
0xf: {  	[smem:$0x3F93] =	sst s7  }
0x10: {  	[smem:$0x3F94] =	sst s8  }
0x11: {  	[smem:$0x3F95] =	sst s9;
	s0 =	simm.s32 @!p0 $0x0  }
0x12: {  	s1 =	sld [smem:$0x3F7B];
	s0 =	simm.s32 @p0 $0x1  }
0x13: {  	[smem:$0x3F96] =	sst s0;
	s0 =	simm.s32 @!p1 $0x0  }
0x14: {  	s2 =	sld [smem:$0x3F7A];
	s0 =	simm.s32 @p1 $0x1  }
0x15: {  	[smem:$0x3F97] =	sst s0;
	s0 =	simm.s32 @!p2 $0x0  }
0x16: {  	s3 =	sld [smem:$0x3FDB];
	s0 =	simm.s32 @p2 $0x1  }
0x17: {  	s4 =	simm.s32 $0x1BF5;
	[smem:$0x3F99] =	sst s0  }
0x18: {  	s0 =	sld [smem:$0x3F7C];
	_ =	swait.ge [sflag:s4], $0x0  }
0x19: {  	s7 =	sld [smem:$0x3F7D]  }
0x1a: {  	s8 =	sadd.s32 $0xFFFFE003, lr  }
0x1b: {  	s9 =	sadd.s32 $0xFFFFFEF7, lr;
	s5 =	simm.s32 $0xFFFFFFFF;
	p2 =	slt.u32 s8, $0xFFFFF086  }
0x1c: {  	p1 =	slt.u32 s9, $0xF7A;
	s5 =	simm.s32 @!p2 $0x0  }
0x1d: {  	s5 =	simm.s32 @p1 $0x1;
	p0 =	seq.s32 s7, s2  }
0x1e: {  	s7 =	smul.u32 @!p0 $0xF7A, s2;
	p2 =	seq.s32 @!p0 s5, $0x0  }
0x1f: {  	s9 =	smul.u32 $0xF7A, s1;
	s8 =	simm.s32 @!p0 $0x1BF5;
	p2 =	por !p2, p0  }
0x20: {  	[sflag:s8] =	ssyncset.s32 @!p0 $0xFFFFF086;
	s6 =	sadd.s32 @!p0 s3, s7;
	s7 =	simm.s32 @!p0 $0x108  }
0x21: {  	s3 =	sadd.s32 s3, s9;
	s6 =	sadd.s32 @!p0 $0x88, s6;
	s7 =	simm.s32 @p2 $0x1082  }
0x22: {  	[simem:s7], [sflag:s8] =	dma.local @!p0 [hbm:s6], $0xF7A  }
0x23: {  	s9 =	sor.u32 $0xD0000000, s2;
	s6 =	simm.s32 $0x108;
	_ =	swait.ge @!p0 [sflag:s8], $0x0  }
0x24: {  	s3 =	sadd.s32 $0x88, s3;
	s6 =	simm.s32 @!p1 $0x1082;
	[sflag:s4] =	ssyncset.s32 $0xFFFFF086  }
0x25: {  	[simem:s6], [sflag:s4] =	dma.local [hbm:s3], $0xF7A  }
0x26: {  	[smem:$0x3F7D] =	sst s1;
	(tag) =	ssettag s2;
	_ =	strace s9  }
0x27: {  	s1 =	sld [smem:$0x3F8D]  }
0x28: {  	s2 =	sld [smem:$0x3F8E]  }
0x29: {  	s4 =	sld [smem:$0x3F90]  }
0x2a: {  	p0 =	seq.s32 s5, $0x0;
	s5 =	sld [smem:$0x3F91]  }
0x2b: {  	s6 =	sld [smem:$0x3F92]  }
0x2c: {  	s7 =	sld [smem:$0x3F93]  }
0x2d: {  	s3 =	simm.s32 $0x108;
	s8 =	sld [smem:$0x3F94]  }
0x2e: {  	s3 =	simm.s32 @!p0 $0x1082;
	s9 =	sld [smem:$0x3F95]  }
0x2f: {  	lr =	sadd.s32 s0, s3;
	s0 =	sld [smem:$0x3F8C]  }
0x30: {  	s3 =	sld [smem:$0x3F8F]  }
0x31: {  	[smem:$0x3F98] =	sst s10  }
0x32: {  	s10 =	sld [smem:$0x3F96];
	_ =	sdelay $0x3  }
0x33: {  	p0 =	seq.s32 s10, $0x1;
	s10 =	sld [smem:$0x3F98];
	_ =	sdelay $0x3  }
0x34: {  	[smem:$0x3F98] =	sst s10  }
0x35: {  	s10 =	sld [smem:$0x3F97];
	_ =	sdelay $0x3  }
0x36: {  	p1 =	seq.s32 s10, $0x1;
	s10 =	sld [smem:$0x3F98];
	_ =	sdelay $0x3  }
0x37: {  	[smem:$0x3F98] =	sst s10  }
0x38: {  	s10 =	sld [smem:$0x3F99]  }
0x39: {  	_ = 	snop;
	(pc) =	sbr.ind lr, $3  }
0x3a: {  	_ = 	snop  }
0x3b: {  	_ = 	snop  }
0x3c: {  	p2 =	seq.s32 s10, $0x1;
	s10 =	sld [smem:$0x3F98]  }
0x3d: {  	_ =	shalt  }
0x3e: {  	_ =	shalt  }
0x3f: {  	_ =	shalt  }
0x40: {  	_ =	shalt  }
0x41: {  	_ =	shalt  }
0x42: {  	_ =	shalt  }
0x43: {  	_ =	shalt  }
0x44: {  	_ =	shalt  }
0x45: {  	_ =	shalt  }
0x46: {  	_ =	shalt  }
0x47: {  	_ =	shalt  }
0x48: {  	_ =	shalt  }
0x49: {  	_ =	shalt  }
0x4a: {  	_ =	shalt  }
0x4b: {  	_ =	shalt  }
0x4c: {  	_ =	shalt  }
0x4d: {  	_ =	shalt  }
0x4e: {  	_ =	shalt  }
0x4f: {  	_ =	shalt  }
0x50: {  	_ =	shalt  }
0x51: {  	_ =	shalt  }
0x52: {  	_ =	shalt  }
0x53: {  	_ =	shalt  }
0x54: {  	_ =	shalt  }
0x55: {  	_ =	shalt  }
0x56: {  	_ =	shalt  }
0x57: {  	_ =	shalt  }
0x58: {  	_ =	shalt  }
0x59: {  	_ =	shalt  }
0x5a: {  	_ =	shalt  }
0x5b: {  	_ =	shalt  }
0x5c: {  	_ =	shalt  }
0x5d: {  	_ =	shalt  }
0x5e: {  	_ =	shalt  }
0x5f: {  	_ =	shalt  }
0x60: {  	_ =	shalt  }
0x61: {  	_ =	shalt  }
0x62: {  	_ =	shalt  }
0x63: {  	_ =	shalt  }
0x64: {  	_ =	shalt  }
0x65: {  	_ =	shalt  }
0x66: {  	_ =	shalt  }
0x67: {  	_ =	shalt  }
0x68: {  	_ =	shalt  }
0x69: {  	_ =	shalt  }
0x6a: {  	_ =	shalt  }
0x6b: {  	_ =	shalt  }
0x6c: {  	_ =	shalt  }
0x6d: {  	_ =	shalt  }
0x6e: {  	_ =	shalt  }
0x6f: {  	_ =	shalt  }
0x70: {  	_ =	shalt  }
0x71: {  	_ =	shalt  }
0x72: {  	_ =	shalt  }
0x73: {  	_ =	shalt  }
0x74: {  	_ =	shalt  }
0x75: {  	_ =	shalt  }
0x76: {  	_ =	shalt  }
0x77: {  	_ =	shalt  }
0x78: {  	_ =	shalt  }
0x79: {  	_ =	shalt  }
0x7a: {  	_ =	shalt  }
0x7b: {  	_ =	shalt  }
0x7c: {  	_ =	shalt  }
0x7d: {  	_ =	shalt  }
0x7e: {  	_ =	shalt  }
0x7f: {  	_ =	shalt  }
0x80: {  	_ =	shalt  }
0x81: {  	_ =	shalt  }
0x82: {  	_ =	shalt  }
0x83: {  	_ =	shalt  }
0x84: {  	_ =	shalt  }
0x85: {  	_ =	shalt  }
0x86: {  	_ =	shalt  }
0x87: {  	_ =	shalt  }
.Lfunc_end0:
.L_simem_size_0:
called_computation_lowered:
.L_overlay_start_0:
0x88: {  	s2 =	sld [smem:$0x3FD9]  }
0x89: {  	s3 =	sld [smem:$0x3FFE];
	_ =	sdelay $0x1  }
0x8a: {  	s1 =	srdreg.scid  }
0x8b: {  	s0 =	sand.u32 $0x1, s1  }
0x8c: {  	s17 =	sshll.u32 s0, $0xA;
	s2 =	sadd.s32 s3, s2  }
0x8d: {  	s2 =	sadd.s32 s2, s17  }
0x8e: {  	[smem:$0x3FA4] =	sst s2  }
0x8f: {  	_ = 	snop  }
0x90: {  	s2 =	sld [smem:$0x3FC9];
	(tm) =	ssettm $0x1  }
0x91: {  	s18 =	sld [smem:$0x3FFB];
	_ =	sdelay $0x3  }
0x92: {  	_ =	strace s18  }
0x93: {  	s3 =	sld [smem:$0x3FFC];
	_ =	sdelay $0x3  }
0x94: {  	_ =	strace s3  }
0x95: {  	s3 =	sld [smem:$0x3FFD];
	_ =	sdelay $0x3  }
0x96: {  	_ =	strace s3  }
0x97: {  	_ =	strace $0x8FFFFFFF  }
0x98: {  	s19 =	sld [smem:$0x3FDB];
	_ =	sdelay $0x1  }
0x99: {  	s4 =	simm.s32 $_scs_section_size  }
0x9a: {  	s5 =	simm.s32 $_size__tile_overlayer_lowered;
	s6 =	simm.s32 $_tile_overlayer_lowered  }
0x9b: {  	s22 =	simm.s32 $0x1BFF;
	s21 =	sshll.u32 s6, $0x1;
	s3 =	sadd.s32 s4, s19  }
0x9c: {  	s7 =	simm.s32 $0x0;
	s20 =	sshll.u32 s5, $0x1;
	s5 =	sadd.s32 s21, s3  }
0x9d: {  	[timem:s7], [sflag:s22] =	dma.local [hbm:s5], s20  }
0x9e: {  	_ =	swait.ge [sflag:s22], s20  }
0x9f: {  	s4 =	ssub.s32 $0x0, s20;
	[sflag:s22] =	ssyncset.done $0x0  }
0xa0: {  	[sflag:s22] =	ssyncadd.s32 s4;
	_ =	sdelay $0x1  }
0xa1: {  	s23 =	simm.s32 $0x1B8B  }
0xa2: {  	_ =	swait.ge [sflag:s23], $0x1  }
0xa3: {  	[sflag:s23] =	ssyncset.done $0x0  }
0xa4: {  	s25 =	simm.s32 $0x1B8E;
	s24 =	sld [smem:$0x3FFE];
	[sflag:s23] =	ssyncadd.s32 $0xFFFFFFFF  }
0xa5: {  	s26 =	simm.s32 $execute0_lowered;
	[smem:$0x3FD2] =	sst s25  }
0xa6: {  	s5 =	sshll.u32 s26, $0x1;
	_ =	strace $0x80000046;
	[dreg:$0x1] =	wrdreg $0xFFFFFFFF  }
0xa7: {  	s28 =	simm.s32 $_size_execute0_lowered;
	s3 =	sadd.s32 s3, s5;
	[dreg:$0x0] =	wrdreg $0x0  }
0xa8: {  	s5 =	sshll.u32 s28, $0x1;
	[dreg:$0x2] =	wrdreg s3  }
0xa9: {  	[dreg:$0x3] =	wrdreg s5  }
0xaa: {  	[dreg:$0x4] =	wrdreg $0xC0  }
0xab: {  	_ =	task [dreg:s7], $0x5FFFF  }
0xac: {  	[dreg:$0x1] =	wrdreg $0xFFFFFFFF  }
0xad: {  	[dreg:$0x0] =	wrdreg $0x60  }
0xae: {  	[dreg:$0x2] =	wrdreg s2  }
0xaf: {  	[dreg:$0x3] =	wrdreg s24  }
0xb0: {  	[dreg:$0x4] =	wrdreg $0x90000  }
0xb1: {  	[dreg:$0x5] =	wrdreg $0x9  }
0xb2: {  	_ =	task.clear_ibuf [dreg:s7], $0x6FFFF;
	_ =	strace $0x90000046  }
0xb3: {  	s29 =	simm.s32 $0x9;
	_ =	strace $0x80000048  }
0xb4: {  	_ =	swait.ge [sflag:s29], $0x1  }
0xb5: {  	[sflag:s29] =	ssyncadd.s32 $0xFFFFFFFF  }
0xb6: {  	_ =	strace $0x90000048  }
0xb7: {  	_ =	sfence  }
0xb8: {  	s30 =	sld [smem:$0x0];
	_ =	sdelay $0x2  }
0xb9: {  	s31 =	sshll.u32 s1, $0xD;
	s1 =	sshrl.u32 s1, $0x2  }
0xba: {  	s3 =	sand.u32 $0x4000, s31;
	s1 =	sadd.s32 s1, s30  }
0xbb: {  	s0 =	sor.u32 s3, s0;
	s1 =	sshll.u32 s1, $0x11  }
0xbc: {  	s0 =	sor.u32 s1, s0  }
0xbd: {  	s0 =	sadd.s32 $0x8F2B, s0  }
0xbe: {  	[sflag:s0] =	ssyncadd.remote.s32 $0x1  }
0xbf: {  	_ =	sfence.sel $0xFFFF  }
0xc0: {  	[dreg:$0x0] =	wrdreg $0xFFFFFFFF;
	(pc) =	sbr.abs _section_cstart, $3  }
0xc1: {  	[dreg:$0x1] =	wrdreg $0xFFFFFFFF  }
0xc2: {  	_ =	task.clear_ibuf [dreg:s7], $0x2FFFF;
	_ =	strace $0x9FFFFFFF  }
0xc3: {  	(tm) =	ssettm $0x7FFFFFFF  }
tec
execute0_lowered:
.L_overlay_start_1:
0x0: {  	(tag) =	ssettag $0x1  }
0x1: {  	s1 =	rddreg [dreg:$0x0]  }
0x2: {  	s5 =	rddreg [dreg:$0x1]  }
0x3: {  	s0 =	srdreg.scid;
	s3 =	rddreg [dreg:$0x2];
	s4 =	simm.s32 $0x0  }
0x4: {  	s18 =	simm.s32 $0x2;
	s19 =	simm.s32 $0x2800;
	s20 =	simm.s32 $0x7D  }
0x5: {  	s21 =	simm.s32 $0x1;
	s7 =	sand.u32 $0x1, s0;
	s0 =	stileid.u32  }
0x6: {  	[smem:$0x7FF] =	sst s4;
	s14 =	sadd.s32 $0x19C00, s5;
	s8 =	smul.u32 $0x4E000, s0  }
0x7: {  	s11 =	sadd.s32 $0x138000, s3;
	s2 =	sshll.u32 s7, $0x4;
	s15 =	smul.u32 $0x138800, s7  }
0x8: {  	s31 =	ssub.s32 $0x2, s7;
	s17 =	smul.u32 $0x13800, s0;
	p0 =	sne.s32 s0, $0xF  }
0x9: {  	s6 =	sor.u32 s0, s2;
	s2 =	rddreg [dreg:$0x3];
	_ =	strace $0x80000047  }
0xa: {  	s9 =	sshrl.u32 s31, $0x1;
	s6 =	smul.u32 $0x500, s6;
	s8 =	sshrl.u32 s8, $0x2  }
0xb: {  	s16 =	ssub.s32 s31, s9;
	s17 =	sadd.s32 s17, s15;
	s15 =	sshrl.u32 s15, $0x3  }
0xc: {  	s17 =	sshrl.u32 s17, $0x3;
	s15 =	sadd.s32 s14, s15;
	s16 =	smax.u32 s16, $0x1  }
0xd: {  	s13 =	sadd.s32 s6, s5;
	s5 =	sadd.s32 s8, s3;
	s14 =	sadd.s32 s14, s17  }
0xe: {  	s15 =	sadd.s32 $0x27000, s15;
	s17 =	simm.s32 $0x5000;
	s6 =	sadd.s32 $0x3400, s5  }
0xf: {  	s7 =	sadd.s32 $0x6800, s5;
	s8 =	sadd.s32 $0x9C00, s5;
	s9 =	sadd.s32 $0xD000, s5  }
0x10: {  	v0 =	vimm.f32 $0.0e+00;
	s10 =	sadd.s32 $0x10400, s5;
	s12 =	sadd.s32 $0x5C00, s13;
	s13 =	sadd.s32 $0xFC00, s13  }
.LBB2_1:
0x11: {  	s22 =	simm.s32 $0x0;
	s23 =	simm.s32 $0x200  }
.LBB2_2:
0x12: {  	p1 =	sne.s32 s23, $0xCE00;
	[tilespmem:s22+$0x5070] =	vst v0  }
0x13: {  	[tilespmem:s22+$0x5000] =	vst v0  }
0x14: {  	[tilespmem:s22+$0x5010] =	vst v0  }
.Ltmp0:
0x15: {  	[tilespmem:s22+$0x5020] =	vst v0;
	(pc) =	sbr.rel @p1 .LBB2_2-.Ltmp0, $4  }
0x16: {  	[tilespmem:s22+$0x5030] =	vst v0  }
0x17: {  	[tilespmem:s22+$0x5040] =	vst v0  }
0x18: {  	[tilespmem:s22+$0x5050] =	vst v0  }
0x19: {  	[tilespmem:s22+$0x5060] =	vst v0;
	s22 =	sshra.s32 s23, $0x2;
	s23 =	sadd.s32 $0x200, s23  }
0x1a: {  	[tilespmem:s22+$0x5070] =	vst v0  }
0x1b: {  	[tilespmem:s22+$0x5000] =	vst v0  }
0x1c: {  	[tilespmem:s22+$0x5010] =	vst v0  }
0x1d: {  	[tilespmem:s22+$0x5020] =	vst v0  }
0x1e: {  	[tilespmem:s22+$0x5030] =	vst v0  }
0x1f: {  	[tilespmem:s22+$0x5040] =	vst v0  }
0x20: {  	[tilespmem:s22+$0x5050] =	vst v0  }
0x21: {  	[tilespmem:s22+$0x5060] =	vst v0  }
0x22: {  	[spmem:s5] =	stream.linear.scatter [tilespmem:s17], [sflag:$0x2], $0x3400, $0x38;
	[tilespmem:$0x1C880] =	vst v63  }
0x23: {  	_ =	swait.ge [sflag:s18], $0x3400  }
0x24: {  	[sflag:s18] =	ssyncset.done $0x0  }
0x25: {  	[sflag:s18] =	ssyncadd.s32 $0xFFFFCC00  }
0x26: {  	[spmem:s6] =	stream.linear.scatter [tilespmem:s17], [sflag:$0x2], $0x3400, $0x38;
	[tilespmem:$0x1C880] =	vst v63  }
0x27: {  	_ =	swait.ge [sflag:s18], $0x3400  }
0x28: {  	[sflag:s18] =	ssyncset.done $0x0  }
0x29: {  	[sflag:s18] =	ssyncadd.s32 $0xFFFFCC00  }
0x2a: {  	[spmem:s7] =	stream.linear.scatter [tilespmem:s17], [sflag:$0x2], $0x3400, $0x38;
	[tilespmem:$0x1C880] =	vst v63  }
0x2b: {  	_ =	swait.ge [sflag:s18], $0x3400  }
0x2c: {  	[sflag:s18] =	ssyncset.done $0x0  }
0x2d: {  	[sflag:s18] =	ssyncadd.s32 $0xFFFFCC00  }
0x2e: {  	[spmem:s8] =	stream.linear.scatter [tilespmem:s17], [sflag:$0x2], $0x3400, $0x38;
	[tilespmem:$0x1C880] =	vst v63  }
0x2f: {  	_ =	swait.ge [sflag:s18], $0x3400  }
0x30: {  	[sflag:s18] =	ssyncset.done $0x0  }
0x31: {  	[sflag:s18] =	ssyncadd.s32 $0xFFFFCC00  }
0x32: {  	[spmem:s9] =	stream.linear.scatter [tilespmem:s17], [sflag:$0x2], $0x3400, $0x38;
	[tilespmem:$0x1C880] =	vst v63  }
0x33: {  	_ =	swait.ge [sflag:s18], $0x3400  }
0x34: {  	[sflag:s18] =	ssyncset.done $0x0  }
0x35: {  	[sflag:s18] =	ssyncadd.s32 $0xFFFFCC00  }
0x36: {  	[spmem:s10] =	stream.linear.scatter [tilespmem:s17], [sflag:$0x2], $0x3400, $0x38;
	[tilespmem:$0x1C880] =	vst v63  }
0x37: {  	_ =	swait.ge [sflag:s18], $0x3400  }
0x38: {  	[sflag:s18] =	ssyncset.done $0x0  }
0x39: {  	s22 =	simm.s32 @!p0 $0x5000;
	[sflag:s18] =	ssyncadd.s32 $0xFFFFCC00  }
0x3a: {  	[spmem:s11] =	stream.linear.scatter @!p0 [tilespmem:s22], [sflag:$0x2], $0x800, $0x38;
	[tilespmem:$0x1C880] =	vst v63  }
0x3b: {  	s22 =	simm.s32 @!p0 $0x2  }
0x3c: {  	_ =	swait.ge @!p0 [sflag:s22], $0x800  }
0x3d: {  	[sflag:s22] =	ssyncset.done @!p0 $0x0  }
0x3e: {  	s29 =	simm.s32 $0x0;
	[sflag:s22] =	ssyncadd.s32 @!p0 $0xFFFFF800  }
0x3f: {  	[tilespmem:s29], [sflag:$0x2] =	stream.linear.gather [hbm4b:s12+s29], $0x2800, $0x38;
	[tilespmem:$0x1C880] =	vst v63  }
0x40: {  	_ =	swait.ge [sflag:s18], $0x2800  }
0x41: {  	[sflag:s18] =	ssyncset.done $0x0  }
0x42: {  	[sflag:s18] =	ssyncadd.s32 $0xFFFFD800  }
0x43: {  	[tilespmem:s19], [sflag:$0x2] =	stream.linear.gather [hbm4b:s13+s29], $0x2800, $0x38;
	[tilespmem:$0x1C880] =	vst v63  }
0x44: {  	_ =	swait.ge [sflag:s18], $0x2800  }
0x45: {  	[sflag:s18] =	ssyncset.done $0x0  }
0x46: {  	[sflag:s18] =	ssyncadd.s32 $0xFFFFD800  }
0x47: {  	s30 =	simm.s32 $0x0;
	[bflag:$0x0] =	sbarrier.arrive $0xFFFF  }
0x48: {  	[tilespmem:s17], [sflag:$0x1] =	stream.indirect.gather [hbm4b:s1+s20], $0x80, s30, s20, $0xb8;
	[tilespmem:$0x1C880] =	vst v63  }
0x49: {  	_ =	swait.ge [sflag:s21], $0x3E80  }
0x4a: {  	[sflag:s21] =	ssyncset.done $0x0  }
0x4b: {  	s31 =	simm.s32 $0x2800;
	[sflag:s21] =	ssyncadd.s32 $0xFFFFC180  }
0x4c: {  	[spmem:s3] =	stream.indirect.scatter.add.f32 [tilespmem:s17], [sflag:$0x2], $0x80, s31, s20, $0xb8;
	[tilespmem:$0x1C880] =	vst v63  }
0x4d: {  	_ =	swait.ge [sflag:s18], $0x3E80  }
0x4e: {  	s23 =	simm.s32 $0x400;
	s22 =	simm.s32 $0x200;
	[sflag:s18] =	ssyncset.done $0x0  }
.LBB2_4:
0x4f: {  	s24 =	sshra.s32 s22, $0x2  }
0x50: {  	[sflag:s18] =	ssyncadd.s32 $0xFFFFC180;
	s22 =	smov.u32 s23;
	s25 =	sadd.s32 $0x200, s23  }
0x51: {  	[tilespmem:s17], [sflag:$0x1] =	stream.indirect.gather [hbm4b:s1+s20], $0x80, s24, s20, $0xb8;
	[tilespmem:$0x1C880] =	vst v63  }
0x52: {  	p1 =	sne.s32 s23, $0x9E00;
	_ =	swait.ge [sflag:s21], $0x3E80  }
.Ltmp1:
0x53: {  	[sflag:s21] =	ssyncset.done $0x0;
	(pc) =	sbr.rel @p1 .LBB2_4-.Ltmp1, $4  }
0x54: {  	s23 =	sadd.s32 $0x2800, s24;
	[sflag:s21] =	ssyncadd.s32 $0xFFFFC180  }
0x55: {  	[spmem:s3] =	stream.indirect.scatter.add.f32 [tilespmem:s17], [sflag:$0x2], $0x80, s23, s20, $0xb8;
	[tilespmem:$0x1C880] =	vst v63  }
0x56: {  	_ =	swait.ge [sflag:s18], $0x3E80  }
0x57: {  	s23 =	smov.u32 s25;
	[sflag:s18] =	ssyncset.done $0x0  }
0x58: {  	s22 =	sshra.s32 s22, $0x2;
	[sflag:s18] =	ssyncadd.s32 $0xFFFFC180  }
0x59: {  	[tilespmem:s17], [sflag:$0x1] =	stream.indirect.gather [hbm4b:s1+s20], $0x80, s22, s20, $0xb8;
	[tilespmem:$0x1C880] =	vst v63  }
0x5a: {  	_ =	swait.ge [sflag:s21], $0x3E80  }
0x5b: {  	[sflag:s21] =	ssyncset.done $0x0  }
0x5c: {  	s22 =	sadd.s32 $0x2800, s22;
	[sflag:s21] =	ssyncadd.s32 $0xFFFFC180  }
0x5d: {  	[spmem:s3] =	stream.indirect.scatter.add.f32 [tilespmem:s17], [sflag:$0x2], $0x80, s22, s20, $0xb8;
	[tilespmem:$0x1C880] =	vst v63  }
0x5e: {  	_ =	swait.ge [sflag:s18], $0x3E80  }
0x5f: {  	[sflag:s18] =	ssyncset.done $0x0  }
0x60: {  	s31 =	sshll.u32 s0, $0x6;
	[sflag:s18] =	ssyncadd.s32 $0xFFFFC180  }
0x61: {  	s23 =	sshrl.u32 s5, $0x3;
	s22 =	sor.u32 $0x1C02, s31;
	[bflag:$0x0] =	sbarrier.arrive $0xFFFF  }
0x62: {  	[hbm:s14], [sflag:s22] =	dma.local [spmem:s23], $0x2700  }
0x63: {  	_ =	swait.ge [sflag:s18], $0x2700  }
0x64: {  	s4 =	sadd.s32 $0x1, s4;
	[sflag:s18] =	ssyncset.done $0x0  }
0x65: {  	p1 =	sne.s32 s4, s16;
	s23 =	sshrl.u32 @!p0 s11, $0x3;
	[sflag:s18] =	ssyncadd.s32 $0xFFFFD900  }
0x66: {  	[hbm:s15], [sflag:s22] =	dma.local @!p0 [spmem:s23], $0x100  }
.Ltmp2:
0x67: {  	_ = 	snop;
	(pc) =	sbr.rel @p1 .LBB2_1-.Ltmp2, $4  }
0x68: {  	s22 =	simm.s32 @!p0 $0x2  }
0x69: {  	_ =	swait.ge @!p0 [sflag:s22], $0x100  }
0x6a: {  	[sflag:s22] =	ssyncset.done @!p0 $0x0  }
0x6b: {  	[sflag:s22] =	ssyncadd.s32 @!p0 $0xFFFFFF00  }
0x6c: {  	_ =	sfence.sel $0x180000  }
0x6d: {  	[bflag:$0x0] =	sbarrier.arrive $0xFFFF  }
0x6e: {  	p0 =	sne.s32 s0, $0x0;
	_ =	strace $0x90000047  }
0x6f: {  	s0 =	sadd.s32 @!p0 $0x100000, s2;
	[bflag:$0x2] =	sbarrier.arrive $0xFFFF  }
0x70: {  	[sflag:s0] =	ssyncadd.tile.s32 @!p0 $0x1;
	_ =	shalt  }
.Lfunc_end2:
_tile_overlayer_lowered:
.L_overlay_start_2:
0x71: {  	(tag) =	ssettag $0x2  }
0x72: {  	s0 =	rddreg [dreg:$0x0];
	s2 =	stileid.u32  }
0x73: {  	s1 =	rddreg [dreg:$0x1];
	p0 =	sne.s32 s2, $0x0  }
0x74: {  	s3 =	rddreg [dreg:$0x2];
	[bflag:$0x3] =	sbarrier.arrive $0xFFFF;
	s2 =	simm.s32 @!p0 $0x1C02  }
0x75: {  	[timem:s3], [sflag:s2] =	dma.local @!p0 [hbm:s0], s1  }
0x76: {  	s0 =	simm.s32 @!p0 $0x2  }
0x77: {  	_ =	swait.ge @!p0 [sflag:s0], s1  }
0x78: {  	s1 =	ssub.s32 @!p0 $0x0, s1;
	[sflag:s0] =	ssyncset.done @!p0 $0x0  }
0x79: {  	[sflag:s0] =	ssyncadd.s32 @!p0 s1  }
0x7a: {  	[bflag:$0x3] =	sbarrier.arrive $0xFFFF  }
0x7b: {  	_ =	shalt  }

</sc_bundles>
